<compile_context>
chip_gen: v7x
topology: tpu7x:2x2x1
jax: 0.10.2.dev20260603
libtpu: 0.0.44.dev20260713+nightly
codegen_flags: <defaults>
</compile_context>

<pallas_src>
import functools

import numpy as np
import jax
import jax.numpy as jnp
from jax import lax
from jax.experimental import pallas as pl
from jax.experimental.pallas import tpu as pltpu
from jax.experimental.pallas import tpu_sc as plsc

_LANES = 16
_GCH = 40
_NBUF = 4
_AHEAD = 2
_PAD = 128


def _pe_table(seq: int, dim: int) -> jnp.ndarray:
    pos = np.arange(seq, dtype=np.float32)[:, None]
    i = np.arange(0, dim, 2, dtype=np.float32)
    div = np.exp(-np.log(10000.0) * i / dim)
    pe = np.zeros((seq, dim), dtype=np.float32)
    pe[:, 0::2] = np.sin(pos * div)
    pe[:, 1::2] = np.cos(pos * div)
    return jnp.asarray(pe.reshape(-1))


@functools.cache
def _build(batch: int, seq: int, dim: int):
    try:
        info = plsc.get_sparse_core_info()
        nc, ns = info.num_cores, info.num_subcores
    except Exception:
        nc, ns = 2, 16
    nw = nc * ns
    spw = batch // nw
    nbuf = _NBUF
    ahead = _AHEAD
    gch = _GCH
    ng = seq // gch
    assert batch % nw == 0 and spw % nbuf == 0 and seq % gch == 0
    assert gch % 8 == 0 and gch <= 128 and ahead < nbuf

    mesh = plsc.VectorSubcoreMesh(core_axis_name="c", subcore_axis_name="s")

    @functools.partial(
        pl.kernel,
        out_type=jax.ShapeDtypeStruct((batch, seq, _PAD), jnp.float32),
        mesh=mesh,
        compiler_params=pltpu.CompilerParams(use_tc_tiling_on_sc=True),
        scratch_types=[
            pltpu.VMEM((spw * seq,), jnp.int32),
            pltpu.VMEM((seq * dim,), jnp.float32),
            [pltpu.VMEM((seq, _PAD), jnp.float32) for _ in range(nbuf)],
            [pltpu.SemaphoreType.DMA for _ in range(nbuf)],
            [pltpu.SemaphoreType.DMA for _ in range(nbuf)],
        ],
    )
    def emb(idx_hbm, pe_hbm, table_hbm, out_hbm, idx_v, pe_v, bufs, gsems, wsems):
        wid = lax.axis_index("s") * nc + lax.axis_index("c")
        base = wid * spw
        pltpu.sync_copy(idx_hbm.at[pl.ds(base * seq, spw * seq)], idx_v)
        pltpu.sync_copy(pe_hbm, pe_v)

        def fire_gathers(s, b):
            for k in range(ng):
                pltpu.async_copy(
                    table_hbm.at[idx_v.at[pl.ds(s * seq + k * gch, gch)]],
                    bufs[b].at[pl.ds(k * gch, gch)],
                    gsems[b])

        def wait_gathers(b):
            pltpu.make_async_copy(
                table_hbm.at[pl.ds(0, seq)], bufs[b], gsems[b]).wait()

        def w_copy(s, b):
            return pltpu.make_async_copy(
                bufs[b], out_hbm.at[base + s], wsems[b])

        for k in range(ahead):
            fire_gathers(k, k)

        @pl.loop(0, spw, step=nbuf)
        def _seqs(g):
            for b in range(nbuf):
                s = g + b
                sa = (b + ahead) % nbuf

                @pl.when(s + ahead < spw)
                def _():
                    @pl.when(s + ahead >= nbuf)
                    def _():
                        w_copy(s + ahead - nbuf, sa).wait()
                    fire_gathers(s + ahead, sa)

                wait_gathers(b)

                @pl.loop(0, seq, unroll=8)
                def _rows(r):
                    for j in range(dim // _LANES):
                        sl = pl.ds(j * _LANES, _LANES)
                        bufs[b][r, sl] = bufs[b][r, sl] + pe_v[pl.ds(r * dim + j * _LANES, _LANES)]

                w_copy(s, b).start()

        for b in range(nbuf):
            w_copy(spw - nbuf + b, b).wait()

    return emb


def kernel(tokens, table):
    batch, seq = tokens.shape
    _, dim = table.shape
    idx = tokens.reshape(-1).astype(jnp.int32)
    pe = _pe_table(seq, dim)
    table_p = jnp.pad(table, ((0, 0), (0, _PAD - dim)))
    out = _build(batch, seq, dim)(idx, pe, table_p)
    return out[:, :, :dim]

# --- scband reference (transcript-rebuilt; emitter-appended) ---
"""Pipeline reference for scband-embedding-17918603559543 (READ-ONLY COPY).

The authoritative reference and input builder live on the scoring server;
editing this copy changes nothing except your own understanding.
"""

import jax, jax.numpy as jnp
import numpy as np

VOCAB = 1000000
DIM = 64
MAX_LEN = 5000
BATCH = 1024
SEQ = 200


def _sinusoidal_pe(max_len, dim):
    pos = np.arange(max_len, dtype=np.float32)[:, None]
    i = np.arange(0, dim, 2, dtype=np.float32)
    div = np.exp(-np.log(10000.0) * i / dim)
    pe = np.zeros((max_len, dim), dtype=np.float32)
    pe[:, 0::2] = np.sin(pos * div)
    pe[:, 1::2] = np.cos(pos * div)
    return jnp.asarray(pe)


def setup_inputs(seed: int = 0) -> dict:
    key = jax.random.key(seed)
    k_tok, k_tab = jax.random.split(key)
    tokens = jax.random.randint(k_tok, (BATCH, SEQ), 0, VOCAB, dtype=jnp.int32).astype(jnp.int64)
    table = jax.random.normal(k_tab, (VOCAB, DIM), dtype=jnp.float32)
    return {"tokens": tokens, "table": table}


def reference(tokens, table):
    # WordEmbedding: plain table lookup (gather)
    token_emb = jnp.take(table, tokens, axis=0)  # [B, S, D]
    # SinusoidalPositionalEncoding: fixed PE sliced to seq_len, broadcast over batch
    pe = _sinusoidal_pe(MAX_LEN, DIM)
    seq_len = token_emb.shape[1]
    pos_emb = pe[:seq_len][None, :, :]  # [1, S, D]
    return token_emb + pos_emb

if __name__ == "__main__":
    import jax
    _d = setup_inputs()
    print(jax.jit(kernel)(*tuple(_d.values())))

</pallas_src>

<mosaic_0001>
#map = affine_map<(d0, d1) -> (0)>
#map1 = affine_map<(d0, d1) -> (0, 0)>
#map2 = affine_map<(d0, d1) -> (0, 0, 0)>
module attributes {stable_mosaic.version = 14 : i64} {
  func.func @emb(%arg0: i32, %arg1: i32, %arg2: memref<204800xi32, #tpu.memory_space<hbm>>, %arg3: memref<12800xf32, #tpu.memory_space<hbm>>, %arg4: memref<1000000x128xf32, #tpu.memory_space<hbm>>, %arg5: memref<1024x200x128xf32, #tpu.memory_space<hbm>>, %arg6: memref<6400xi32, #tpu.memory_space<vmem>>, %arg7: memref<12800xf32, #tpu.memory_space<vmem>>, %arg8: memref<200x128xf32, #tpu.memory_space<vmem>>, %arg9: memref<200x128xf32, #tpu.memory_space<vmem>>, %arg10: memref<200x128xf32, #tpu.memory_space<vmem>>, %arg11: memref<200x128xf32, #tpu.memory_space<vmem>>, %arg12: memref<!tpu.dma_semaphore, #tpu.memory_space<semaphore_mem>>, %arg13: memref<!tpu.dma_semaphore, #tpu.memory_space<semaphore_mem>>, %arg14: memref<!tpu.dma_semaphore, #tpu.memory_space<semaphore_mem>>, %arg15: memref<!tpu.dma_semaphore, #tpu.memory_space<semaphore_mem>>, %arg16: memref<!tpu.dma_semaphore, #tpu.memory_space<semaphore_mem>>, %arg17: memref<!tpu.dma_semaphore, #tpu.memory_space<semaphore_mem>>, %arg18: memref<!tpu.dma_semaphore, #tpu.memory_space<semaphore_mem>>, %arg19: memref<!tpu.dma_semaphore, #tpu.memory_space<semaphore_mem>>) attributes {dimension_semantics = [#tpu.dimension_semantics<core_parallel>, #tpu.dimension_semantics<subcore_parallel>], iteration_bounds = array<i64: 2, 16>, scalar_prefetch = 0 : i64, scratch_operands = 14 : i64, tpu.core_type = #tpu.core_type<sc_vector_subcore>, window_params = [{transform_indices = #map}, {transform_indices = #map}, {transform_indices = #map1}, {transform_indices = #map2}]} {
    %mul3A = arith.constant 2 : i32
    %mul3A_0 = arith.muli %arg1, %mul3A : i32
    %add3A = arith.addi %mul3A_0, %arg0 : i32
    %mul3A_1 = arith.constant 32 : i32
    %mul3A_2 = arith.muli %add3A, %mul3A_1 : i32
    %mul3A_3 = arith.constant 200 : i32
    %mul3A_4 = arith.muli %mul3A_2, %mul3A_3 : i32
    "tpu.region"() ({
      %run_scoped3A = tpu.sem_alloc : memref<!tpu.dma_semaphore, #tpu.memory_space<semaphore_mem>>
      %dma_start3A_127 = tpu.memref_slice %arg2[%mul3A_4] : memref<204800xi32, #tpu.memory_space<hbm>> -> memref<6400xi32, #tpu.memory_space<hbm>>
      %dma_start3A_128 = tpu.memref_slice %arg2[%mul3A_4] : memref<204800xi32, #tpu.memory_space<hbm>> -> memref<6400xi32, #tpu.memory_space<hbm>>
      tpu.enqueue_dma source(%dma_start3A_128 : memref<6400xi32, #tpu.memory_space<hbm>>) target(%arg6 : memref<6400xi32, #tpu.memory_space<vmem>>) target_semaphore(%run_scoped3A : memref<!tpu.dma_semaphore, #tpu.memory_space<semaphore_mem>>)
      %dma_wait3A_129 = tpu.memref_slice %arg2[%mul3A_4] : memref<204800xi32, #tpu.memory_space<hbm>> -> memref<6400xi32, #tpu.memory_space<hbm>>
      %dma_wait3A_130 = tpu.memref_slice %arg2[%mul3A_4] : memref<204800xi32, #tpu.memory_space<hbm>> -> memref<6400xi32, #tpu.memory_space<hbm>>
      tpu.wait_dma2 semaphore(%run_scoped3A : memref<!tpu.dma_semaphore, #tpu.memory_space<semaphore_mem>>) src(%dma_wait3A_130 : memref<6400xi32, #tpu.memory_space<hbm>>) dst(%arg6 : memref<6400xi32, #tpu.memory_space<vmem>>)
      tpu.yield
    }) : () -> ()
    "tpu.region"() ({
      %run_scoped3A = tpu.sem_alloc : memref<!tpu.dma_semaphore, #tpu.memory_space<semaphore_mem>>
      tpu.enqueue_dma source(%arg3 : memref<12800xf32, #tpu.memory_space<hbm>>) target(%arg7 : memref<12800xf32, #tpu.memory_space<vmem>>) target_semaphore(%run_scoped3A : memref<!tpu.dma_semaphore, #tpu.memory_space<semaphore_mem>>)
      tpu.wait_dma2 semaphore(%run_scoped3A : memref<!tpu.dma_semaphore, #tpu.memory_space<semaphore_mem>>) src(%arg3 : memref<12800xf32, #tpu.memory_space<hbm>>) dst(%arg7 : memref<12800xf32, #tpu.memory_space<vmem>>)
      tpu.yield
    }) : () -> ()
    %dma_start3A = arith.constant 0 : i32
    %dma_start3A_5 = arith.constant 0 : i32
    %dma_start3A_6 = tpu.memref_slice %arg8[%dma_start3A, %dma_start3A_5] : memref<200x128xf32, #tpu.memory_space<vmem>> -> memref<40x128xf32, #tpu.memory_space<vmem>>
    %dma_start3A_7 = arith.constant 0 : i32
    %dma_start3A_8 = tpu.memref_slice %arg6[%dma_start3A_7] : memref<6400xi32, #tpu.memory_space<vmem>> -> memref<40xi32, #tpu.memory_space<vmem>>
    %dma_start3A_9 = arith.constant 0 : i32
    %dma_start3A_10 = arith.constant 0 : i32
    %dma_start3A_11 = tpu.memref_slice %arg4[%dma_start3A_9, %dma_start3A_10] : memref<1000000x128xf32, #tpu.memory_space<hbm>> -> memref<1000000x128xf32, #tpu.memory_space<hbm>>
    tpu.enqueue_indirect_dma source(%dma_start3A_11 : memref<1000000x128xf32, #tpu.memory_space<hbm>>) target(%dma_start3A_6 : memref<40x128xf32, #tpu.memory_space<vmem>>) offsets(%dma_start3A_8 : memref<40xi32, #tpu.memory_space<vmem>>) semaphore(%arg12 : memref<!tpu.dma_semaphore, #tpu.memory_space<semaphore_mem>>)
    %dma_start3A_12 = arith.constant 40 : i32
    %dma_start3A_13 = arith.constant 0 : i32
    %dma_start3A_14 = tpu.memref_slice %arg8[%dma_start3A_12, %dma_start3A_13] : memref<200x128xf32, #tpu.memory_space<vmem>> -> memref<40x128xf32, #tpu.memory_space<vmem>>
    %dma_start3A_15 = arith.constant 40 : i32
    %dma_start3A_16 = tpu.memref_slice %arg6[%dma_start3A_15] : memref<6400xi32, #tpu.memory_space<vmem>> -> memref<40xi32, #tpu.memory_space<vmem>>
    %dma_start3A_17 = arith.constant 0 : i32
    %dma_start3A_18 = arith.constant 0 : i32
    %dma_start3A_19 = tpu.memref_slice %arg4[%dma_start3A_17, %dma_start3A_18] : memref<1000000x128xf32, #tpu.memory_space<hbm>> -> memref<1000000x128xf32, #tpu.memory_space<hbm>>
    tpu.enqueue_indirect_dma source(%dma_start3A_19 : memref<1000000x128xf32, #tpu.memory_space<hbm>>) target(%dma_start3A_14 : memref<40x128xf32, #tpu.memory_space<vmem>>) offsets(%dma_start3A_16 : memref<40xi32, #tpu.memory_space<vmem>>) semaphore(%arg12 : memref<!tpu.dma_semaphore, #tpu.memory_space<semaphore_mem>>)
    %dma_start3A_20 = arith.constant 80 : i32
    %dma_start3A_21 = arith.constant 0 : i32
    %dma_start3A_22 = tpu.memref_slice %arg8[%dma_start3A_20, %dma_start3A_21] : memref<200x128xf32, #tpu.memory_space<vmem>> -> memref<40x128xf32, #tpu.memory_space<vmem>>
    %dma_start3A_23 = arith.constant 80 : i32
    %dma_start3A_24 = tpu.memref_slice %arg6[%dma_start3A_23] : memref<6400xi32, #tpu.memory_space<vmem>> -> memref<40xi32, #tpu.memory_space<vmem>>
    %dma_start3A_25 = arith.constant 0 : i32
    %dma_start3A_26 = arith.constant 0 : i32
    %dma_start3A_27 = tpu.memref_slice %arg4[%dma_start3A_25, %dma_start3A_26] : memref<1000000x128xf32, #tpu.memory_space<hbm>> -> memref<1000000x128xf32, #tpu.memory_space<hbm>>
    tpu.enqueue_indirect_dma source(%dma_start3A_27 : memref<1000000x128xf32, #tpu.memory_space<hbm>>) target(%dma_start3A_22 : memref<40x128xf32, #tpu.memory_space<vmem>>) offsets(%dma_start3A_24 : memref<40xi32, #tpu.memory_space<vmem>>) semaphore(%arg12 : memref<!tpu.dma_semaphore, #tpu.memory_space<semaphore_mem>>)
    %dma_start3A_28 = arith.constant 120 : i32
    %dma_start3A_29 = arith.constant 0 : i32
    %dma_start3A_30 = tpu.memref_slice %arg8[%dma_start3A_28, %dma_start3A_29] : memref<200x128xf32, #tpu.memory_space<vmem>> -> memref<40x128xf32, #tpu.memory_space<vmem>>
    %dma_start3A_31 = arith.constant 120 : i32
    %dma_start3A_32 = tpu.memref_slice %arg6[%dma_start3A_31] : memref<6400xi32, #tpu.memory_space<vmem>> -> memref<40xi32, #tpu.memory_space<vmem>>
    %dma_start3A_33 = arith.constant 0 : i32
    %dma_start3A_34 = arith.constant 0 : i32
    %dma_start3A_35 = tpu.memref_slice %arg4[%dma_start3A_33, %dma_start3A_34] : memref<1000000x128xf32, #tpu.memory_space<hbm>> -> memref<1000000x128xf32, #tpu.memory_space<hbm>>
    tpu.enqueue_indirect_dma source(%dma_start3A_35 : memref<1000000x128xf32, #tpu.memory_space<hbm>>) target(%dma_start3A_30 : memref<40x128xf32, #tpu.memory_space<vmem>>) offsets(%dma_start3A_32 : memref<40xi32, #tpu.memory_space<vmem>>) semaphore(%arg12 : memref<!tpu.dma_semaphore, #tpu.memory_space<semaphore_mem>>)
    %dma_start3A_36 = arith.constant 160 : i32
    %dma_start3A_37 = arith.constant 0 : i32
    %dma_start3A_38 = tpu.memref_slice %arg8[%dma_start3A_36, %dma_start3A_37] : memref<200x128xf32, #tpu.memory_space<vmem>> -> memref<40x128xf32, #tpu.memory_space<vmem>>
    %dma_start3A_39 = arith.constant 160 : i32
    %dma_start3A_40 = tpu.memref_slice %arg6[%dma_start3A_39] : memref<6400xi32, #tpu.memory_space<vmem>> -> memref<40xi32, #tpu.memory_space<vmem>>
    %dma_start3A_41 = arith.constant 0 : i32
    %dma_start3A_42 = arith.constant 0 : i32
    %dma_start3A_43 = tpu.memref_slice %arg4[%dma_start3A_41, %dma_start3A_42] : memref<1000000x128xf32, #tpu.memory_space<hbm>> -> memref<1000000x128xf32, #tpu.memory_space<hbm>>
    tpu.enqueue_indirect_dma source(%dma_start3A_43 : memref<1000000x128xf32, #tpu.memory_space<hbm>>) target(%dma_start3A_38 : memref<40x128xf32, #tpu.memory_space<vmem>>) offsets(%dma_start3A_40 : memref<40xi32, #tpu.memory_space<vmem>>) semaphore(%arg12 : memref<!tpu.dma_semaphore, #tpu.memory_space<semaphore_mem>>)
    %dma_start3A_44 = arith.constant 0 : i32
    %dma_start3A_45 = arith.constant 0 : i32
    %dma_start3A_46 = tpu.memref_slice %arg9[%dma_start3A_44, %dma_start3A_45] : memref<200x128xf32, #tpu.memory_space<vmem>> -> memref<40x128xf32, #tpu.memory_space<vmem>>
    %dma_start3A_47 = arith.constant 200 : i32
    %dma_start3A_48 = tpu.memref_slice %arg6[%dma_start3A_47] : memref<6400xi32, #tpu.memory_space<vmem>> -> memref<40xi32, #tpu.memory_space<vmem>>
    %dma_start3A_49 = arith.constant 0 : i32
    %dma_start3A_50 = arith.constant 0 : i32
    %dma_start3A_51 = tpu.memref_slice %arg4[%dma_start3A_49, %dma_start3A_50] : memref<1000000x128xf32, #tpu.memory_space<hbm>> -> memref<1000000x128xf32, #tpu.memory_space<hbm>>
    tpu.enqueue_indirect_dma source(%dma_start3A_51 : memref<1000000x128xf32, #tpu.memory_space<hbm>>) target(%dma_start3A_46 : memref<40x128xf32, #tpu.memory_space<vmem>>) offsets(%dma_start3A_48 : memref<40xi32, #tpu.memory_space<vmem>>) semaphore(%arg13 : memref<!tpu.dma_semaphore, #tpu.memory_space<semaphore_mem>>)
    %dma_start3A_52 = arith.constant 40 : i32
    %dma_start3A_53 = arith.constant 0 : i32
    %dma_start3A_54 = tpu.memref_slice %arg9[%dma_start3A_52, %dma_start3A_53] : memref<200x128xf32, #tpu.memory_space<vmem>> -> memref<40x128xf32, #tpu.memory_space<vmem>>
    %dma_start3A_55 = arith.constant 240 : i32
    %dma_start3A_56 = tpu.memref_slice %arg6[%dma_start3A_55] : memref<6400xi32, #tpu.memory_space<vmem>> -> memref<40xi32, #tpu.memory_space<vmem>>
    %dma_start3A_57 = arith.constant 0 : i32
    %dma_start3A_58 = arith.constant 0 : i32
    %dma_start3A_59 = tpu.memref_slice %arg4[%dma_start3A_57, %dma_start3A_58] : memref<1000000x128xf32, #tpu.memory_space<hbm>> -> memref<1000000x128xf32, #tpu.memory_space<hbm>>
    tpu.enqueue_indirect_dma source(%dma_start3A_59 : memref<1000000x128xf32, #tpu.memory_space<hbm>>) target(%dma_start3A_54 : memref<40x128xf32, #tpu.memory_space<vmem>>) offsets(%dma_start3A_56 : memref<40xi32, #tpu.memory_space<vmem>>) semaphore(%arg13 : memref<!tpu.dma_semaphore, #tpu.memory_space<semaphore_mem>>)
    %dma_start3A_60 = arith.constant 80 : i32
    %dma_start3A_61 = arith.constant 0 : i32
    %dma_start3A_62 = tpu.memref_slice %arg9[%dma_start3A_60, %dma_start3A_61] : memref<200x128xf32, #tpu.memory_space<vmem>> -> memref<40x128xf32, #tpu.memory_space<vmem>>
    %dma_start3A_63 = arith.constant 280 : i32
    %dma_start3A_64 = tpu.memref_slice %arg6[%dma_start3A_63] : memref<6400xi32, #tpu.memory_space<vmem>> -> memref<40xi32, #tpu.memory_space<vmem>>
    %dma_start3A_65 = arith.constant 0 : i32
    %dma_start3A_66 = arith.constant 0 : i32
    %dma_start3A_67 = tpu.memref_slice %arg4[%dma_start3A_65, %dma_start3A_66] : memref<1000000x128xf32, #tpu.memory_space<hbm>> -> memref<1000000x128xf32, #tpu.memory_space<hbm>>
    tpu.enqueue_indirect_dma source(%dma_start3A_67 : memref<1000000x128xf32, #tpu.memory_space<hbm>>) target(%dma_start3A_62 : memref<40x128xf32, #tpu.memory_space<vmem>>) offsets(%dma_start3A_64 : memref<40xi32, #tpu.memory_space<vmem>>) semaphore(%arg13 : memref<!tpu.dma_semaphore, #tpu.memory_space<semaphore_mem>>)
    %dma_start3A_68 = arith.constant 120 : i32
    %dma_start3A_69 = arith.constant 0 : i32
    %dma_start3A_70 = tpu.memref_slice %arg9[%dma_start3A_68, %dma_start3A_69] : memref<200x128xf32, #tpu.memory_space<vmem>> -> memref<40x128xf32, #tpu.memory_space<vmem>>
    %dma_start3A_71 = arith.constant 320 : i32
    %dma_start3A_72 = tpu.memref_slice %arg6[%dma_start3A_71] : memref<6400xi32, #tpu.memory_space<vmem>> -> memref<40xi32, #tpu.memory_space<vmem>>
    %dma_start3A_73 = arith.constant 0 : i32
    %dma_start3A_74 = arith.constant 0 : i32
    %dma_start3A_75 = tpu.memref_slice %arg4[%dma_start3A_73, %dma_start3A_74] : memref<1000000x128xf32, #tpu.memory_space<hbm>> -> memref<1000000x128xf32, #tpu.memory_space<hbm>>
    tpu.enqueue_indirect_dma source(%dma_start3A_75 : memref<1000000x128xf32, #tpu.memory_space<hbm>>) target(%dma_start3A_70 : memref<40x128xf32, #tpu.memory_space<vmem>>) offsets(%dma_start3A_72 : memref<40xi32, #tpu.memory_space<vmem>>) semaphore(%arg13 : memref<!tpu.dma_semaphore, #tpu.memory_space<semaphore_mem>>)
    %dma_start3A_76 = arith.constant 160 : i32
    %dma_start3A_77 = arith.constant 0 : i32
    %dma_start3A_78 = tpu.memref_slice %arg9[%dma_start3A_76, %dma_start3A_77] : memref<200x128xf32, #tpu.memory_space<vmem>> -> memref<40x128xf32, #tpu.memory_space<vmem>>
    %dma_start3A_79 = arith.constant 360 : i32
    %dma_start3A_80 = tpu.memref_slice %arg6[%dma_start3A_79] : memref<6400xi32, #tpu.memory_space<vmem>> -> memref<40xi32, #tpu.memory_space<vmem>>
    %dma_start3A_81 = arith.constant 0 : i32
    %dma_start3A_82 = arith.constant 0 : i32
    %dma_start3A_83 = tpu.memref_slice %arg4[%dma_start3A_81, %dma_start3A_82] : memref<1000000x128xf32, #tpu.memory_space<hbm>> -> memref<1000000x128xf32, #tpu.memory_space<hbm>>
    tpu.enqueue_indirect_dma source(%dma_start3A_83 : memref<1000000x128xf32, #tpu.memory_space<hbm>>) target(%dma_start3A_78 : memref<40x128xf32, #tpu.memory_space<vmem>>) offsets(%dma_start3A_80 : memref<40xi32, #tpu.memory_space<vmem>>) semaphore(%arg13 : memref<!tpu.dma_semaphore, #tpu.memory_space<semaphore_mem>>)
    %scan3A = arith.constant 0 : i32
    %scan3A_84 = arith.constant 8 : i32
    %scan3A_85 = arith.addi %scan3A, %scan3A_84 : i32
    %scan3A_86 = arith.constant 1 : i32
    scf.for %scan3A_127 = %scan3A to %scan3A_85 step %scan3A_86  : i32 {
      %mul3A_128 = arith.constant 4 : i32
      %mul3A_129 = arith.muli %scan3A_127, %mul3A_128 : i32
      %add3A_130 = arith.constant 0 : i32
      %add3A_131 = arith.addi %add3A_130, %mul3A_129 : i32
      %add3A_132 = arith.constant 0 : i32
      %add3A_133 = arith.addi %add3A_131, %add3A_132 : i32
      %add3A_134 = arith.constant 2 : i32
      %add3A_135 = arith.addi %add3A_133, %add3A_134 : i32
      %lt3A = arith.constant 32 : i32
      %lt3A_136 = arith.cmpi slt, %add3A_135, %lt3A : i32
      %convert_element_type3A = arith.extui %lt3A_136 : i1 to i32
      %cond3A = arith.constant 0 : i32
      %cond3A_137 = arith.cmpi ne, %convert_element_type3A, %cond3A : i32
      scf.if %cond3A_137 {
        %add3A_245 = arith.constant 2 : i32
        %add3A_246 = arith.addi %add3A_133, %add3A_245 : i32
        %ge3A = arith.constant 4 : i32
        %ge3A_247 = arith.cmpi sge, %add3A_246, %ge3A : i32
        %convert_element_type3A_248 = arith.extui %ge3A_247 : i1 to i32
        %cond3A_249 = arith.constant 0 : i32
        %cond3A_250 = arith.cmpi ne, %convert_element_type3A_248, %cond3A_249 : i32
        scf.if %cond3A_250 {
          %add3A_308 = arith.constant 2 : i32
          %add3A_309 = arith.addi %add3A_133, %add3A_308 : i32
          %sub3A = arith.constant 4 : i32
          %sub3A_310 = arith.subi %add3A_309, %sub3A : i32
          %add3A_311 = arith.addi %mul3A_2, %sub3A_310 : i32
          %dma_wait3A_312 = arith.constant 0 : i32
          %dma_wait3A_313 = arith.constant 0 : i32
          %dma_wait3A_314 = tpu.memref_slice %arg5[%add3A_311, %dma_wait3A_312, %dma_wait3A_313] : memref<1024x200x128xf32, #tpu.memory_space<hbm>> -> memref<1x200x128xf32, #tpu.memory_space<hbm>>
          %dma_wait3A_315 = tpu.memref_squeeze %dma_wait3A_314 : memref<1x200x128xf32, #tpu.memory_space<hbm>> -> memref<200x128xf32, #tpu.memory_space<hbm>>
          %dma_wait3A_316 = arith.constant 0 : i32
          %dma_wait3A_317 = arith.constant 0 : i32
          %dma_wait3A_318 = tpu.memref_slice %arg5[%add3A_311, %dma_wait3A_316, %dma_wait3A_317] : memref<1024x200x128xf32, #tpu.memory_space<hbm>> -> memref<1x200x128xf32, #tpu.memory_space<hbm>>
          %dma_wait3A_319 = tpu.memref_squeeze %dma_wait3A_318 : memref<1x200x128xf32, #tpu.memory_space<hbm>> -> memref<200x128xf32, #tpu.memory_space<hbm>>
          tpu.wait_dma2 semaphore(%arg18 : memref<!tpu.dma_semaphore, #tpu.memory_space<semaphore_mem>>) src(%arg10 : memref<200x128xf32, #tpu.memory_space<vmem>>) dst(%dma_wait3A_319 : memref<200x128xf32, #tpu.memory_space<hbm>>)
        } else {
        }
        %add3A_251 = arith.constant 2 : i32
        %add3A_252 = arith.addi %add3A_133, %add3A_251 : i32
        %mul3A_253 = arith.constant 200 : i32
        %mul3A_254 = arith.muli %add3A_252, %mul3A_253 : i32
        %add3A_255 = arith.constant 0 : i32
        %add3A_256 = arith.addi %mul3A_254, %add3A_255 : i32
        %dma_start3A_257 = arith.constant 0 : i32
        %dma_start3A_258 = arith.constant 0 : i32
        %dma_start3A_259 = tpu.memref_slice %arg10[%dma_start3A_257, %dma_start3A_258] : memref<200x128xf32, #tpu.memory_space<vmem>> -> memref<40x128xf32, #tpu.memory_space<vmem>>
        %dma_start3A_260 = tpu.memref_slice %arg6[%add3A_256] : memref<6400xi32, #tpu.memory_space<vmem>> -> memref<40xi32, #tpu.memory_space<vmem>>
        %dma_start3A_261 = arith.constant 0 : i32
        %dma_start3A_262 = arith.constant 0 : i32
        %dma_start3A_263 = tpu.memref_slice %arg4[%dma_start3A_261, %dma_start3A_262] : memref<1000000x128xf32, #tpu.memory_space<hbm>> -> memref<1000000x128xf32, #tpu.memory_space<hbm>>
        tpu.enqueue_indirect_dma source(%dma_start3A_263 : memref<1000000x128xf32, #tpu.memory_space<hbm>>) target(%dma_start3A_259 : memref<40x128xf32, #tpu.memory_space<vmem>>) offsets(%dma_start3A_260 : memref<40xi32, #tpu.memory_space<vmem>>) semaphore(%arg14 : memref<!tpu.dma_semaphore, #tpu.memory_space<semaphore_mem>>)
        %mul3A_264 = arith.constant 200 : i32
        %mul3A_265 = arith.muli %add3A_252, %mul3A_264 : i32
        %add3A_266 = arith.constant 40 : i32
        %add3A_267 = arith.addi %mul3A_265, %add3A_266 : i32
        %dma_start3A_268 = arith.constant 40 : i32
        %dma_start3A_269 = arith.constant 0 : i32
        %dma_start3A_270 = tpu.memref_slice %arg10[%dma_start3A_268, %dma_start3A_269] : memref<200x128xf32, #tpu.memory_space<vmem>> -> memref<40x128xf32, #tpu.memory_space<vmem>>
        %dma_start3A_271 = tpu.memref_slice %arg6[%add3A_267] : memref<6400xi32, #tpu.memory_space<vmem>> -> memref<40xi32, #tpu.memory_space<vmem>>
        %dma_start3A_272 = arith.constant 0 : i32
        %dma_start3A_273 = arith.constant 0 : i32
        %dma_start3A_274 = tpu.memref_slice %arg4[%dma_start3A_272, %dma_start3A_273] : memref<1000000x128xf32, #tpu.memory_space<hbm>> -> memref<1000000x128xf32, #tpu.memory_space<hbm>>
        tpu.enqueue_indirect_dma source(%dma_start3A_274 : memref<1000000x128xf32, #tpu.memory_space<hbm>>) target(%dma_start3A_270 : memref<40x128xf32, #tpu.memory_space<vmem>>) offsets(%dma_start3A_271 : memref<40xi32, #tpu.memory_space<vmem>>) semaphore(%arg14 : memref<!tpu.dma_semaphore, #tpu.memory_space<semaphore_mem>>)
        %mul3A_275 = arith.constant 200 : i32
        %mul3A_276 = arith.muli %add3A_252, %mul3A_275 : i32
        %add3A_277 = arith.constant 80 : i32
        %add3A_278 = arith.addi %mul3A_276, %add3A_277 : i32
        %dma_start3A_279 = arith.constant 80 : i32
        %dma_start3A_280 = arith.constant 0 : i32
        %dma_start3A_281 = tpu.memref_slice %arg10[%dma_start3A_279, %dma_start3A_280] : memref<200x128xf32, #tpu.memory_space<vmem>> -> memref<40x128xf32, #tpu.memory_space<vmem>>
        %dma_start3A_282 = tpu.memref_slice %arg6[%add3A_278] : memref<6400xi32, #tpu.memory_space<vmem>> -> memref<40xi32, #tpu.memory_space<vmem>>
        %dma_start3A_283 = arith.constant 0 : i32
        %dma_start3A_284 = arith.constant 0 : i32
        %dma_start3A_285 = tpu.memref_slice %arg4[%dma_start3A_283, %dma_start3A_284] : memref<1000000x128xf32, #tpu.memory_space<hbm>> -> memref<1000000x128xf32, #tpu.memory_space<hbm>>
        tpu.enqueue_indirect_dma source(%dma_start3A_285 : memref<1000000x128xf32, #tpu.memory_space<hbm>>) target(%dma_start3A_281 : memref<40x128xf32, #tpu.memory_space<vmem>>) offsets(%dma_start3A_282 : memref<40xi32, #tpu.memory_space<vmem>>) semaphore(%arg14 : memref<!tpu.dma_semaphore, #tpu.memory_space<semaphore_mem>>)
        %mul3A_286 = arith.constant 200 : i32
        %mul3A_287 = arith.muli %add3A_252, %mul3A_286 : i32
        %add3A_288 = arith.constant 120 : i32
        %add3A_289 = arith.addi %mul3A_287, %add3A_288 : i32
        %dma_start3A_290 = arith.constant 120 : i32
        %dma_start3A_291 = arith.constant 0 : i32
        %dma_start3A_292 = tpu.memref_slice %arg10[%dma_start3A_290, %dma_start3A_291] : memref<200x128xf32, #tpu.memory_space<vmem>> -> memref<40x128xf32, #tpu.memory_space<vmem>>
        %dma_start3A_293 = tpu.memref_slice %arg6[%add3A_289] : memref<6400xi32, #tpu.memory_space<vmem>> -> memref<40xi32, #tpu.memory_space<vmem>>
        %dma_start3A_294 = arith.constant 0 : i32
        %dma_start3A_295 = arith.constant 0 : i32
        %dma_start3A_296 = tpu.memref_slice %arg4[%dma_start3A_294, %dma_start3A_295] : memref<1000000x128xf32, #tpu.memory_space<hbm>> -> memref<1000000x128xf32, #tpu.memory_space<hbm>>
        tpu.enqueue_indirect_dma source(%dma_start3A_296 : memref<1000000x128xf32, #tpu.memory_space<hbm>>) target(%dma_start3A_292 : memref<40x128xf32, #tpu.memory_space<vmem>>) offsets(%dma_start3A_293 : memref<40xi32, #tpu.memory_space<vmem>>) semaphore(%arg14 : memref<!tpu.dma_semaphore, #tpu.memory_space<semaphore_mem>>)
        %mul3A_297 = arith.constant 200 : i32
        %mul3A_298 = arith.muli %add3A_252, %mul3A_297 : i32
        %add3A_299 = arith.constant 160 : i32
        %add3A_300 = arith.addi %mul3A_298, %add3A_299 : i32
        %dma_start3A_301 = arith.constant 160 : i32
        %dma_start3A_302 = arith.constant 0 : i32
        %dma_start3A_303 = tpu.memref_slice %arg10[%dma_start3A_301, %dma_start3A_302] : memref<200x128xf32, #tpu.memory_space<vmem>> -> memref<40x128xf32, #tpu.memory_space<vmem>>
        %dma_start3A_304 = tpu.memref_slice %arg6[%add3A_300] : memref<6400xi32, #tpu.memory_space<vmem>> -> memref<40xi32, #tpu.memory_space<vmem>>
        %dma_start3A_305 = arith.constant 0 : i32
        %dma_start3A_306 = arith.constant 0 : i32
        %dma_start3A_307 = tpu.memref_slice %arg4[%dma_start3A_305, %dma_start3A_306] : memref<1000000x128xf32, #tpu.memory_space<hbm>> -> memref<1000000x128xf32, #tpu.memory_space<hbm>>
        tpu.enqueue_indirect_dma source(%dma_start3A_307 : memref<1000000x128xf32, #tpu.memory_space<hbm>>) target(%dma_start3A_303 : memref<40x128xf32, #tpu.memory_space<vmem>>) offsets(%dma_start3A_304 : memref<40xi32, #tpu.memory_space<vmem>>) semaphore(%arg14 : memref<!tpu.dma_semaphore, #tpu.memory_space<semaphore_mem>>)
      } else {
      }
      %dma_wait3A_138 = arith.constant 0 : i32
      %dma_wait3A_139 = arith.constant 0 : i32
      %dma_wait3A_140 = tpu.memref_slice %arg4[%dma_wait3A_138, %dma_wait3A_139] : memref<1000000x128xf32, #tpu.memory_space<hbm>> -> memref<200x128xf32, #tpu.memory_space<hbm>>
      %dma_wait3A_141 = arith.constant 0 : i32
      %dma_wait3A_142 = arith.constant 0 : i32
      %dma_wait3A_143 = tpu.memref_slice %arg4[%dma_wait3A_141, %dma_wait3A_142] : memref<1000000x128xf32, #tpu.memory_space<hbm>> -> memref<200x128xf32, #tpu.memory_space<hbm>>
      tpu.wait_dma2 semaphore(%arg12 : memref<!tpu.dma_semaphore, #tpu.memory_space<semaphore_mem>>) src(%dma_wait3A_143 : memref<200x128xf32, #tpu.memory_space<hbm>>) dst(%arg8 : memref<200x128xf32, #tpu.memory_space<vmem>>)
      %scan3A_144 = arith.constant 0 : i32
      %scan3A_145 = arith.constant 200 : i32
      %scan3A_146 = arith.addi %scan3A_144, %scan3A_145 : i32
      %scan3A_147 = arith.constant 8 : i32
      scf.for %scan3A_245 = %scan3A_144 to %scan3A_146 step %scan3A_147  : i32 {
        %mul3A_246 = arith.constant 1 : i32
        %mul3A_247 = arith.muli %scan3A_245, %mul3A_246 : i32
        %add3A_248 = arith.constant 0 : i32
        %add3A_249 = arith.addi %add3A_248, %mul3A_247 : i32
        %get3A = arith.index_cast %add3A_249 : i32 to index
        %get3A_250 = arith.constant 0 : index
        %get3A_251 = tpu.vector_load %arg8[%get3A, %get3A_250] {strides = array<i32>} : memref<200x128xf32, #tpu.memory_space<vmem>>, vector<1x16xf32>,
        %get3A_252 = vector.shape_cast %get3A_251 : vector<1x16xf32> to vector<16xf32>
        %mul3A_253 = arith.constant 64 : i32
        %mul3A_254 = arith.muli %add3A_249, %mul3A_253 : i32
        %add3A_255 = arith.constant 0 : i32
        %add3A_256 = arith.addi %mul3A_254, %add3A_255 : i32
        %get3A_257 = arith.index_cast %add3A_256 : i32 to index
        %get3A_258 = tpu.vector_load %arg7[%get3A_257] {strides = array<i32>} : memref<12800xf32, #tpu.memory_space<vmem>>, vector<16xf32>,
        %get3A_259 = vector.shape_cast %get3A_258 : vector<16xf32> to vector<16xf32>
        %add3A_260 = arith.addf %get3A_252, %get3A_259 : vector<16xf32>
        %swap3A = arith.index_cast %add3A_249 : i32 to index
        %swap3A_261 = arith.constant 0 : index
        %swap3A_262 = tpu.vector_load %arg8[%swap3A, %swap3A_261] {strides = array<i32>} : memref<200x128xf32, #tpu.memory_space<vmem>>, vector<1x16xf32>,
        %swap3A_263 = vector.shape_cast %swap3A_262 : vector<1x16xf32> to vector<16xf32>
        %swap3A_264 = vector.shape_cast %add3A_260 : vector<16xf32> to vector<1x16xf32>
        tpu.vector_store %arg8[%swap3A, %swap3A_261], %swap3A_264 {strides = array<i32>} : memref<200x128xf32, #tpu.memory_space<vmem>>, vector<1x16xf32>,
        %get3A_265 = arith.index_cast %add3A_249 : i32 to index
        %get3A_266 = arith.constant 16 : index
        %get3A_267 = tpu.vector_load %arg8[%get3A_265, %get3A_266] {strides = array<i32>} : memref<200x128xf32, #tpu.memory_space<vmem>>, vector<1x16xf32>,
        %get3A_268 = vector.shape_cast %get3A_267 : vector<1x16xf32> to vector<16xf32>
        %mul3A_269 = arith.constant 64 : i32
        %mul3A_270 = arith.muli %add3A_249, %mul3A_269 : i32
        %add3A_271 = arith.constant 16 : i32
        %add3A_272 = arith.addi %mul3A_270, %add3A_271 : i32
        %get3A_273 = arith.index_cast %add3A_272 : i32 to index
        %get3A_274 = tpu.vector_load %arg7[%get3A_273] {strides = array<i32>} : memref<12800xf32, #tpu.memory_space<vmem>>, vector<16xf32>,
        %get3A_275 = vector.shape_cast %get3A_274 : vector<16xf32> to vector<16xf32>
        %add3A_276 = arith.addf %get3A_268, %get3A_275 : vector<16xf32>
        %swap3A_277 = arith.index_cast %add3A_249 : i32 to index
        %swap3A_278 = arith.constant 16 : index
        %swap3A_279 = tpu.vector_load %arg8[%swap3A_277, %swap3A_278] {strides = array<i32>} : memref<200x128xf32, #tpu.memory_space<vmem>>, vector<1x16xf32>,
        %swap3A_280 = vector.shape_cast %swap3A_279 : vector<1x16xf32> to vector<16xf32>
        %swap3A_281 = vector.shape_cast %add3A_276 : vector<16xf32> to vector<1x16xf32>
        tpu.vector_store %arg8[%swap3A_277, %swap3A_278], %swap3A_281 {strides = array<i32>} : memref<200x128xf32, #tpu.memory_space<vmem>>, vector<1x16xf32>,
        %get3A_282 = arith.index_cast %add3A_249 : i32 to index
        %get3A_283 = arith.constant 32 : index
        %get3A_284 = tpu.vector_load %arg8[%get3A_282, %get3A_283] {strides = array<i32>} : memref<200x128xf32, #tpu.memory_space<vmem>>, vector<1x16xf32>,
        %get3A_285 = vector.shape_cast %get3A_284 : vector<1x16xf32> to vector<16xf32>
        %mul3A_286 = arith.constant 64 : i32
        %mul3A_287 = arith.muli %add3A_249, %mul3A_286 : i32
        %add3A_288 = arith.constant 32 : i32
        %add3A_289 = arith.addi %mul3A_287, %add3A_288 : i32
        %get3A_290 = arith.index_cast %add3A_289 : i32 to index
        %get3A_291 = tpu.vector_load %arg7[%get3A_290] {strides = array<i32>} : memref<12800xf32, #tpu.memory_space<vmem>>, vector<16xf32>,
        %get3A_292 = vector.shape_cast %get3A_291 : vector<16xf32> to vector<16xf32>
        %add3A_293 = arith.addf %get3A_285, %get3A_292 : vector<16xf32>
        %swap3A_294 = arith.index_cast %add3A_249 : i32 to index
        %swap3A_295 = arith.constant 32 : index
        %swap3A_296 = tpu.vector_load %arg8[%swap3A_294, %swap3A_295] {strides = array<i32>} : memref<200x128xf32, #tpu.memory_space<vmem>>, vector<1x16xf32>,
        %swap3A_297 = vector.shape_cast %swap3A_296 : vector<1x16xf32> to vector<16xf32>
        %swap3A_298 = vector.shape_cast %add3A_293 : vector<16xf32> to vector<1x16xf32>
        tpu.vector_store %arg8[%swap3A_294, %swap3A_295], %swap3A_298 {strides = array<i32>} : memref<200x128xf32, #tpu.memory_space<vmem>>, vector<1x16xf32>,
        %get3A_299 = arith.index_cast %add3A_249 : i32 to index
        %get3A_300 = arith.constant 48 : index
        %get3A_301 = tpu.vector_load %arg8[%get3A_299, %get3A_300] {strides = array<i32>} : memref<200x128xf32, #tpu.memory_space<vmem>>, vector<1x16xf32>,
        %get3A_302 = vector.shape_cast %get3A_301 : vector<1x16xf32> to vector<16xf32>
        %mul3A_303 = arith.constant 64 : i32
        %mul3A_304 = arith.muli %add3A_249, %mul3A_303 : i32
        %add3A_305 = arith.constant 48 : i32
        %add3A_306 = arith.addi %mul3A_304, %add3A_305 : i32
        %get3A_307 = arith.index_cast %add3A_306 : i32 to index
        %get3A_308 = tpu.vector_load %arg7[%get3A_307] {strides = array<i32>} : memref<12800xf32, #tpu.memory_space<vmem>>, vector<16xf32>,
        %get3A_309 = vector.shape_cast %get3A_308 : vector<16xf32> to vector<16xf32>
        %add3A_310 = arith.addf %get3A_302, %get3A_309 : vector<16xf32>
        %swap3A_311 = arith.index_cast %add3A_249 : i32 to index
        %swap3A_312 = arith.constant 48 : index
        %swap3A_313 = tpu.vector_load %arg8[%swap3A_311, %swap3A_312] {strides = array<i32>} : memref<200x128xf32, #tpu.memory_space<vmem>>, vector<1x16xf32>,
        %swap3A_314 = vector.shape_cast %swap3A_313 : vector<1x16xf32> to vector<16xf32>
        %swap3A_315 = vector.shape_cast %add3A_310 : vector<16xf32> to vector<1x16xf32>
        tpu.vector_store %arg8[%swap3A_311, %swap3A_312], %swap3A_315 {strides = array<i32>} : memref<200x128xf32, #tpu.memory_space<vmem>>, vector<1x16xf32>,
        %scan3A_316 = arith.constant 1 : i32
        %scan3A_317 = arith.addi %scan3A_245, %scan3A_316 : i32
        %mul3A_318 = arith.constant 1 : i32
        %mul3A_319 = arith.muli %scan3A_317, %mul3A_318 : i32
        %add3A_320 = arith.constant 0 : i32
        %add3A_321 = arith.addi %add3A_320, %mul3A_319 : i32
        %get3A_322 = arith.index_cast %add3A_321 : i32 to index
        %get3A_323 = arith.constant 0 : index
        %get3A_324 = tpu.vector_load %arg8[%get3A_322, %get3A_323] {strides = array<i32>} : memref<200x128xf32, #tpu.memory_space<vmem>>, vector<1x16xf32>,
        %get3A_325 = vector.shape_cast %get3A_324 : vector<1x16xf32> to vector<16xf32>
        %mul3A_326 = arith.constant 64 : i32
        %mul3A_327 = arith.muli %add3A_321, %mul3A_326 : i32
        %add3A_328 = arith.constant 0 : i32
        %add3A_329 = arith.addi %mul3A_327, %add3A_328 : i32
        %get3A_330 = arith.index_cast %add3A_329 : i32 to index
        %get3A_331 = tpu.vector_load %arg7[%get3A_330] {strides = array<i32>} : memref<12800xf32, #tpu.memory_space<vmem>>, vector<16xf32>,
        %get3A_332 = vector.shape_cast %get3A_331 : vector<16xf32> to vector<16xf32>
        %add3A_333 = arith.addf %get3A_325, %get3A_332 : vector<16xf32>
        %swap3A_334 = arith.index_cast %add3A_321 : i32 to index
        %swap3A_335 = arith.constant 0 : index
        %swap3A_336 = tpu.vector_load %arg8[%swap3A_334, %swap3A_335] {strides = array<i32>} : memref<200x128xf32, #tpu.memory_space<vmem>>, vector<1x16xf32>,
        %swap3A_337 = vector.shape_cast %swap3A_336 : vector<1x16xf32> to vector<16xf32>
        %swap3A_338 = vector.shape_cast %add3A_333 : vector<16xf32> to vector<1x16xf32>
        tpu.vector_store %arg8[%swap3A_334, %swap3A_335], %swap3A_338 {strides = array<i32>} : memref<200x128xf32, #tpu.memory_space<vmem>>, vector<1x16xf32>,
        %get3A_339 = arith.index_cast %add3A_321 : i32 to index
        %get3A_340 = arith.constant 16 : index
        %get3A_341 = tpu.vector_load %arg8[%get3A_339, %get3A_340] {strides = array<i32>} : memref<200x128xf32, #tpu.memory_space<vmem>>, vector<1x16xf32>,
        %get3A_342 = vector.shape_cast %get3A_341 : vector<1x16xf32> to vector<16xf32>
        %mul3A_343 = arith.constant 64 : i32
        %mul3A_344 = arith.muli %add3A_321, %mul3A_343 : i32
        %add3A_345 = arith.constant 16 : i32
        %add3A_346 = arith.addi %mul3A_344, %add3A_345 : i32
        %get3A_347 = arith.index_cast %add3A_346 : i32 to index
        %get3A_348 = tpu.vector_load %arg7[%get3A_347] {strides = array<i32>} : memref<12800xf32, #tpu.memory_space<vmem>>, vector<16xf32>,
        %get3A_349 = vector.shape_cast %get3A_348 : vector<16xf32> to vector<16xf32>
        %add3A_350 = arith.addf %get3A_342, %get3A_349 : vector<16xf32>
        %swap3A_351 = arith.index_cast %add3A_321 : i32 to index
        %swap3A_352 = arith.constant 16 : index
        %swap3A_353 = tpu.vector_load %arg8[%swap3A_351, %swap3A_352] {strides = array<i32>} : memref<200x128xf32, #tpu.memory_space<vmem>>, vector<1x16xf32>,
        %swap3A_354 = vector.shape_cast %swap3A_353 : vector<1x16xf32> to vector<16xf32>
        %swap3A_355 = vector.shape_cast %add3A_350 : vector<16xf32> to vector<1x16xf32>
        tpu.vector_store %arg8[%swap3A_351, %swap3A_352], %swap3A_355 {strides = array<i32>} : memref<200x128xf32, #tpu.memory_space<vmem>>, vector<1x16xf32>,
        %get3A_356 = arith.index_cast %add3A_321 : i32 to index
        %get3A_357 = arith.constant 32 : index
        %get3A_358 = tpu.vector_load %arg8[%get3A_356, %get3A_357] {strides = array<i32>} : memref<200x128xf32, #tpu.memory_space<vmem>>, vector<1x16xf32>,
        %get3A_359 = vector.shape_cast %get3A_358 : vector<1x16xf32> to vector<16xf32>
        %mul3A_360 = arith.constant 64 : i32
        %mul3A_361 = arith.muli %add3A_321, %mul3A_360 : i32
        %add3A_362 = arith.constant 32 : i32
        %add3A_363 = arith.addi %mul3A_361, %add3A_362 : i32
        %get3A_364 = arith.index_cast %add3A_363 : i32 to index
        %get3A_365 = tpu.vector_load %arg7[%get3A_364] {strides = array<i32>} : memref<12800xf32, #tpu.memory_space<vmem>>, vector<16xf32>,
        %get3A_366 = vector.shape_cast %get3A_365 : vector<16xf32> to vector<16xf32>
        %add3A_367 = arith.addf %get3A_359, %get3A_366 : vector<16xf32>
        %swap3A_368 = arith.index_cast %add3A_321 : i32 to index
        %swap3A_369 = arith.constant 32 : index
        %swap3A_370 = tpu.vector_load %arg8[%swap3A_368, %swap3A_369] {strides = array<i32>} : memref<200x128xf32, #tpu.memory_space<vmem>>, vector<1x16xf32>,
        %swap3A_371 = vector.shape_cast %swap3A_370 : vector<1x16xf32> to vector<16xf32>
        %swap3A_372 = vector.shape_cast %add3A_367 : vector<16xf32> to vector<1x16xf32>
        tpu.vector_store %arg8[%swap3A_368, %swap3A_369], %swap3A_372 {strides = array<i32>} : memref<200x128xf32, #tpu.memory_space<vmem>>, vector<1x16xf32>,
        %get3A_373 = arith.index_cast %add3A_321 : i32 to index
        %get3A_374 = arith.constant 48 : index
        %get3A_375 = tpu.vector_load %arg8[%get3A_373, %get3A_374] {strides = array<i32>} : memref<200x128xf32, #tpu.memory_space<vmem>>, vector<1x16xf32>,
        %get3A_376 = vector.shape_cast %get3A_375 : vector<1x16xf32> to vector<16xf32>
        %mul3A_377 = arith.constant 64 : i32
        %mul3A_378 = arith.muli %add3A_321, %mul3A_377 : i32
        %add3A_379 = arith.constant 48 : i32
        %add3A_380 = arith.addi %mul3A_378, %add3A_379 : i32
        %get3A_381 = arith.index_cast %add3A_380 : i32 to index
        %get3A_382 = tpu.vector_load %arg7[%get3A_381] {strides = array<i32>} : memref<12800xf32, #tpu.memory_space<vmem>>, vector<16xf32>,
        %get3A_383 = vector.shape_cast %get3A_382 : vector<16xf32> to vector<16xf32>
        %add3A_384 = arith.addf %get3A_376, %get3A_383 : vector<16xf32>
        %swap3A_385 = arith.index_cast %add3A_321 : i32 to index
        %swap3A_386 = arith.constant 48 : index
        %swap3A_387 = tpu.vector_load %arg8[%swap3A_385, %swap3A_386] {strides = array<i32>} : memref<200x128xf32, #tpu.memory_space<vmem>>, vector<1x16xf32>,
        %swap3A_388 = vector.shape_cast %swap3A_387 : vector<1x16xf32> to vector<16xf32>
        %swap3A_389 = vector.shape_cast %add3A_384 : vector<16xf32> to vector<1x16xf32>
        tpu.vector_store %arg8[%swap3A_385, %swap3A_386], %swap3A_389 {strides = array<i32>} : memref<200x128xf32, #tpu.memory_space<vmem>>, vector<1x16xf32>,
        %scan3A_390 = arith.constant 2 : i32
        %scan3A_391 = arith.addi %scan3A_245, %scan3A_390 : i32
        %mul3A_392 = arith.constant 1 : i32
        %mul3A_393 = arith.muli %scan3A_391, %mul3A_392 : i32
        %add3A_394 = arith.constant 0 : i32
        %add3A_395 = arith.addi %add3A_394, %mul3A_393 : i32
        %get3A_396 = arith.index_cast %add3A_395 : i32 to index
        %get3A_397 = arith.constant 0 : index
        %get3A_398 = tpu.vector_load %arg8[%get3A_396, %get3A_397] {strides = array<i32>} : memref<200x128xf32, #tpu.memory_space<vmem>>, vector<1x16xf32>,
        %get3A_399 = vector.shape_cast %get3A_398 : vector<1x16xf32> to vector<16xf32>
        %mul3A_400 = arith.constant 64 : i32
        %mul3A_401 = arith.muli %add3A_395, %mul3A_400 : i32
        %add3A_402 = arith.constant 0 : i32
        %add3A_403 = arith.addi %mul3A_401, %add3A_402 : i32
        %get3A_404 = arith.index_cast %add3A_403 : i32 to index
        %get3A_405 = tpu.vector_load %arg7[%get3A_404] {strides = array<i32>} : memref<12800xf32, #tpu.memory_space<vmem>>, vector<16xf32>,
        %get3A_406 = vector.shape_cast %get3A_405 : vector<16xf32> to vector<16xf32>
        %add3A_407 = arith.addf %get3A_399, %get3A_406 : vector<16xf32>
        %swap3A_408 = arith.index_cast %add3A_395 : i32 to index
        %swap3A_409 = arith.constant 0 : index
        %swap3A_410 = tpu.vector_load %arg8[%swap3A_408, %swap3A_409] {strides = array<i32>} : memref<200x128xf32, #tpu.memory_space<vmem>>, vector<1x16xf32>,
        %swap3A_411 = vector.shape_cast %swap3A_410 : vector<1x16xf32> to vector<16xf32>
        %swap3A_412 = vector.shape_cast %add3A_407 : vector<16xf32> to vector<1x16xf32>
        tpu.vector_store %arg8[%swap3A_408, %swap3A_409], %swap3A_412 {strides = array<i32>} : memref<200x128xf32, #tpu.memory_space<vmem>>, vector<1x16xf32>,
        %get3A_413 = arith.index_cast %add3A_395 : i32 to index
        %get3A_414 = arith.constant 16 : index
        %get3A_415 = tpu.vector_load %arg8[%get3A_413, %get3A_414] {strides = array<i32>} : memref<200x128xf32, #tpu.memory_space<vmem>>, vector<1x16xf32>,
        %get3A_416 = vector.shape_cast %get3A_415 : vector<1x16xf32> to vector<16xf32>
        %mul3A_417 = arith.constant 64 : i32
        %mul3A_418 = arith.muli %add3A_395, %mul3A_417 : i32
        %add3A_419 = arith.constant 16 : i32
        %add3A_420 = arith.addi %mul3A_418, %add3A_419 : i32
        %get3A_421 = arith.index_cast %add3A_420 : i32 to index
        %get3A_422 = tpu.vector_load %arg7[%get3A_421] {strides = array<i32>} : memref<12800xf32, #tpu.memory_space<vmem>>, vector<16xf32>,
        %get3A_423 = vector.shape_cast %get3A_422 : vector<16xf32> to vector<16xf32>
        %add3A_424 = arith.addf %get3A_416, %get3A_423 : vector<16xf32>
        %swap3A_425 = arith.index_cast %add3A_395 : i32 to index
        %swap3A_426 = arith.constant 16 : index
        %swap3A_427 = tpu.vector_load %arg8[%swap3A_425, %swap3A_426] {strides = array<i32>} : memref<200x128xf32, #tpu.memory_space<vmem>>, vector<1x16xf32>,
        %swap3A_428 = vector.shape_cast %swap3A_427 : vector<1x16xf32> to vector<16xf32>
        %swap3A_429 = vector.shape_cast %add3A_424 : vector<16xf32> to vector<1x16xf32>
        tpu.vector_store %arg8[%swap3A_425, %swap3A_426], %swap3A_429 {strides = array<i32>} : memref<200x128xf32, #tpu.memory_space<vmem>>, vector<1x16xf32>,
        %get3A_430 = arith.index_cast %add3A_395 : i32 to index
        %get3A_431 = arith.constant 32 : index
        %get3A_432 = tpu.vector_load %arg8[%get3A_430, %get3A_431] {strides = array<i32>} : memref<200x128xf32, #tpu.memory_space<vmem>>, vector<1x16xf32>,
        %get3A_433 = vector.shape_cast %get3A_432 : vector<1x16xf32> to vector<16xf32>
        %mul3A_434 = arith.constant 64 : i32
        %mul3A_435 = arith.muli %add3A_395, %mul3A_434 : i32
        %add3A_436 = arith.constant 32 : i32
        %add3A_437 = arith.addi %mul3A_435, %add3A_436 : i32
        %get3A_438 = arith.index_cast %add3A_437 : i32 to index
        %get3A_439 = tpu.vector_load %arg7[%get3A_438] {strides = array<i32>} : memref<12800xf32, #tpu.memory_space<vmem>>, vector<16xf32>,
        %get3A_440 = vector.shape_cast %get3A_439 : vector<16xf32> to vector<16xf32>
        %add3A_441 = arith.addf %get3A_433, %get3A_440 : vector<16xf32>
        %swap3A_442 = arith.index_cast %add3A_395 : i32 to index
        %swap3A_443 = arith.constant 32 : index
        %swap3A_444 = tpu.vector_load %arg8[%swap3A_442, %swap3A_443] {strides = array<i32>} : memref<200x128xf32, #tpu.memory_space<vmem>>, vector<1x16xf32>,
        %swap3A_445 = vector.shape_cast %swap3A_444 : vector<1x16xf32> to vector<16xf32>
        %swap3A_446 = vector.shape_cast %add3A_441 : vector<16xf32> to vector<1x16xf32>
        tpu.vector_store %arg8[%swap3A_442, %swap3A_443], %swap3A_446 {strides = array<i32>} : memref<200x128xf32, #tpu.memory_space<vmem>>, vector<1x16xf32>,
        %get3A_447 = arith.index_cast %add3A_395 : i32 to index
        %get3A_448 = arith.constant 48 : index
        %get3A_449 = tpu.vector_load %arg8[%get3A_447, %get3A_448] {strides = array<i32>} : memref<200x128xf32, #tpu.memory_space<vmem>>, vector<1x16xf32>,
        %get3A_450 = vector.shape_cast %get3A_449 : vector<1x16xf32> to vector<16xf32>
        %mul3A_451 = arith.constant 64 : i32
        %mul3A_452 = arith.muli %add3A_395, %mul3A_451 : i32
        %add3A_453 = arith.constant 48 : i32
        %add3A_454 = arith.addi %mul3A_452, %add3A_453 : i32
        %get3A_455 = arith.index_cast %add3A_454 : i32 to index
        %get3A_456 = tpu.vector_load %arg7[%get3A_455] {strides = array<i32>} : memref<12800xf32, #tpu.memory_space<vmem>>, vector<16xf32>,
        %get3A_457 = vector.shape_cast %get3A_456 : vector<16xf32> to vector<16xf32>
        %add3A_458 = arith.addf %get3A_450, %get3A_457 : vector<16xf32>
        %swap3A_459 = arith.index_cast %add3A_395 : i32 to index
        %swap3A_460 = arith.constant 48 : index
        %swap3A_461 = tpu.vector_load %arg8[%swap3A_459, %swap3A_460] {strides = array<i32>} : memref<200x128xf32, #tpu.memory_space<vmem>>, vector<1x16xf32>,
        %swap3A_462 = vector.shape_cast %swap3A_461 : vector<1x16xf32> to vector<16xf32>
        %swap3A_463 = vector.shape_cast %add3A_458 : vector<16xf32> to vector<1x16xf32>
        tpu.vector_store %arg8[%swap3A_459, %swap3A_460], %swap3A_463 {strides = array<i32>} : memref<200x128xf32, #tpu.memory_space<vmem>>, vector<1x16xf32>,
        %scan3A_464 = arith.constant 3 : i32
        %scan3A_465 = arith.addi %scan3A_245, %scan3A_464 : i32
        %mul3A_466 = arith.constant 1 : i32
        %mul3A_467 = arith.muli %scan3A_465, %mul3A_466 : i32
        %add3A_468 = arith.constant 0 : i32
        %add3A_469 = arith.addi %add3A_468, %mul3A_467 : i32
        %get3A_470 = arith.index_cast %add3A_469 : i32 to index
        %get3A_471 = arith.constant 0 : index
        %get3A_472 = tpu.vector_load %arg8[%get3A_470, %get3A_471] {strides = array<i32>} : memref<200x128xf32, #tpu.memory_space<vmem>>, vector<1x16xf32>,
        %get3A_473 = vector.shape_cast %get3A_472 : vector<1x16xf32> to vector<16xf32>
        %mul3A_474 = arith.constant 64 : i32
        %mul3A_475 = arith.muli %add3A_469, %mul3A_474 : i32
        %add3A_476 = arith.constant 0 : i32
        %add3A_477 = arith.addi %mul3A_475, %add3A_476 : i32
        %get3A_478 = arith.index_cast %add3A_477 : i32 to index
        %get3A_479 = tpu.vector_load %arg7[%get3A_478] {strides = array<i32>} : memref<12800xf32, #tpu.memory_space<vmem>>, vector<16xf32>,
        %get3A_480 = vector.shape_cast %get3A_479 : vector<16xf32> to vector<16xf32>
        %add3A_481 = arith.addf %get3A_473, %get3A_480 : vector<16xf32>
        %swap3A_482 = arith.index_cast %add3A_469 : i32 to index
        %swap3A_483 = arith.constant 0 : index
        %swap3A_484 = tpu.vector_load %arg8[%swap3A_482, %swap3A_483] {strides = array<i32>} : memref<200x128xf32, #tpu.memory_space<vmem>>, vector<1x16xf32>,
        %swap3A_485 = vector.shape_cast %swap3A_484 : vector<1x16xf32> to vector<16xf32>
        %swap3A_486 = vector.shape_cast %add3A_481 : vector<16xf32> to vector<1x16xf32>
        tpu.vector_store %arg8[%swap3A_482, %swap3A_483], %swap3A_486 {strides = array<i32>} : memref<200x128xf32, #tpu.memory_space<vmem>>, vector<1x16xf32>,
        %get3A_487 = arith.index_cast %add3A_469 : i32 to index
        %get3A_488 = arith.constant 16 : index
        %get3A_489 = tpu.vector_load %arg8[%get3A_487, %get3A_488] {strides = array<i32>} : memref<200x128xf32, #tpu.memory_space<vmem>>, vector<1x16xf32>,
        %get3A_490 = vector.shape_cast %get3A_489 : vector<1x16xf32> to vector<16xf32>
        %mul3A_491 = arith.constant 64 : i32
        %mul3A_492 = arith.muli %add3A_469, %mul3A_491 : i32
        %add3A_493 = arith.constant 16 : i32
        %add3A_494 = arith.addi %mul3A_492, %add3A_493 : i32
        %get3A_495 = arith.index_cast %add3A_494 : i32 to index
        %get3A_496 = tpu.vector_load %arg7[%get3A_495] {strides = array<i32>} : memref<12800xf32, #tpu.memory_space<vmem>>, vector<16xf32>,
        %get3A_497 = vector.shape_cast %get3A_496 : vector<16xf32> to vector<16xf32>
        %add3A_498 = arith.addf %get3A_490, %get3A_497 : vector<16xf32>
        %swap3A_499 = arith.index_cast %add3A_469 : i32 to index
        %swap3A_500 = arith.constant 16 : index
        %swap3A_501 = tpu.vector_load %arg8[%swap3A_499, %swap3A_500] {strides = array<i32>} : memref<200x128xf32, #tpu.memory_space<vmem>>, vector<1x16xf32>,
        %swap3A_502 = vector.shape_cast %swap3A_501 : vector<1x16xf32> to vector<16xf32>
        %swap3A_503 = vector.shape_cast %add3A_498 : vector<16xf32> to vector<1x16xf32>
        tpu.vector_store %arg8[%swap3A_499, %swap3A_500], %swap3A_503 {strides = array<i32>} : memref<200x128xf32, #tpu.memory_space<vmem>>, vector<1x16xf32>,
        %get3A_504 = arith.index_cast %add3A_469 : i32 to index
        %get3A_505 = arith.constant 32 : index
        %get3A_506 = tpu.vector_load %arg8[%get3A_504, %get3A_505] {strides = array<i32>} : memref<200x128xf32, #tpu.memory_space<vmem>>, vector<1x16xf32>,
        %get3A_507 = vector.shape_cast %get3A_506 : vector<1x16xf32> to vector<16xf32>
        %mul3A_508 = arith.constant 64 : i32
        %mul3A_509 = arith.muli %add3A_469, %mul3A_508 : i32
        %add3A_510 = arith.constant 32 : i32
        %add3A_511 = arith.addi %mul3A_509, %add3A_510 : i32
        %get3A_512 = arith.index_cast %add3A_511 : i32 to index
        %get3A_513 = tpu.vector_load %arg7[%get3A_512] {strides = array<i32>} : memref<12800xf32, #tpu.memory_space<vmem>>, vector<16xf32>,
        %get3A_514 = vector.shape_cast %get3A_513 : vector<16xf32> to vector<16xf32>
        %add3A_515 = arith.addf %get3A_507, %get3A_514 : vector<16xf32>
        %swap3A_516 = arith.index_cast %add3A_469 : i32 to index
        %swap3A_517 = arith.constant 32 : index
        %swap3A_518 = tpu.vector_load %arg8[%swap3A_516, %swap3A_517] {strides = array<i32>} : memref<200x128xf32, #tpu.memory_space<vmem>>, vector<1x16xf32>,
        %swap3A_519 = vector.shape_cast %swap3A_518 : vector<1x16xf32> to vector<16xf32>
        %swap3A_520 = vector.shape_cast %add3A_515 : vector<16xf32> to vector<1x16xf32>
        tpu.vector_store %arg8[%swap3A_516, %swap3A_517], %swap3A_520 {strides = array<i32>} : memref<200x128xf32, #tpu.memory_space<vmem>>, vector<1x16xf32>,
        %get3A_521 = arith.index_cast %add3A_469 : i32 to index
        %get3A_522 = arith.constant 48 : index
        %get3A_523 = tpu.vector_load %arg8[%get3A_521, %get3A_522] {strides = array<i32>} : memref<200x128xf32, #tpu.memory_space<vmem>>, vector<1x16xf32>,
        %get3A_524 = vector.shape_cast %get3A_523 : vector<1x16xf32> to vector<16xf32>
        %mul3A_525 = arith.constant 64 : i32
        %mul3A_526 = arith.muli %add3A_469, %mul3A_525 : i32
        %add3A_527 = arith.constant 48 : i32
        %add3A_528 = arith.addi %mul3A_526, %add3A_527 : i32
        %get3A_529 = arith.index_cast %add3A_528 : i32 to index
        %get3A_530 = tpu.vector_load %arg7[%get3A_529] {strides = array<i32>} : memref<12800xf32, #tpu.memory_space<vmem>>, vector<16xf32>,
        %get3A_531 = vector.shape_cast %get3A_530 : vector<16xf32> to vector<16xf32>
        %add3A_532 = arith.addf %get3A_524, %get3A_531 : vector<16xf32>
        %swap3A_533 = arith.index_cast %add3A_469 : i32 to index
        %swap3A_534 = arith.constant 48 : index
        %swap3A_535 = tpu.vector_load %arg8[%swap3A_533, %swap3A_534] {strides = array<i32>} : memref<200x128xf32, #tpu.memory_space<vmem>>, vector<1x16xf32>,
        %swap3A_536 = vector.shape_cast %swap3A_535 : vector<1x16xf32> to vector<16xf32>
        %swap3A_537 = vector.shape_cast %add3A_532 : vector<16xf32> to vector<1x16xf32>
        tpu.vector_store %arg8[%swap3A_533, %swap3A_534], %swap3A_537 {strides = array<i32>} : memref<200x128xf32, #tpu.memory_space<vmem>>, vector<1x16xf32>,
        %scan3A_538 = arith.constant 4 : i32
        %scan3A_539 = arith.addi %scan3A_245, %scan3A_538 : i32
        %mul3A_540 = arith.constant 1 : i32
        %mul3A_541 = arith.muli %scan3A_539, %mul3A_540 : i32
        %add3A_542 = arith.constant 0 : i32
        %add3A_543 = arith.addi %add3A_542, %mul3A_541 : i32
        %get3A_544 = arith.index_cast %add3A_543 : i32 to index
        %get3A_545 = arith.constant 0 : index
        %get3A_546 = tpu.vector_load %arg8[%get3A_544, %get3A_545] {strides = array<i32>} : memref<200x128xf32, #tpu.memory_space<vmem>>, vector<1x16xf32>,
        %get3A_547 = vector.shape_cast %get3A_546 : vector<1x16xf32> to vector<16xf32>
        %mul3A_548 = arith.constant 64 : i32
        %mul3A_549 = arith.muli %add3A_543, %mul3A_548 : i32
        %add3A_550 = arith.constant 0 : i32
        %add3A_551 = arith.addi %mul3A_549, %add3A_550 : i32
        %get3A_552 = arith.index_cast %add3A_551 : i32 to index
        %get3A_553 = tpu.vector_load %arg7[%get3A_552] {strides = array<i32>} : memref<12800xf32, #tpu.memory_space<vmem>>, vector<16xf32>,
        %get3A_554 = vector.shape_cast %get3A_553 : vector<16xf32> to vector<16xf32>
        %add3A_555 = arith.addf %get3A_547, %get3A_554 : vector<16xf32>
        %swap3A_556 = arith.index_cast %add3A_543 : i32 to index
        %swap3A_557 = arith.constant 0 : index
        %swap3A_558 = tpu.vector_load %arg8[%swap3A_556, %swap3A_557] {strides = array<i32>} : memref<200x128xf32, #tpu.memory_space<vmem>>, vector<1x16xf32>,
        %swap3A_559 = vector.shape_cast %swap3A_558 : vector<1x16xf32> to vector<16xf32>
        %swap3A_560 = vector.shape_cast %add3A_555 : vector<16xf32> to vector<1x16xf32>
        tpu.vector_store %arg8[%swap3A_556, %swap3A_557], %swap3A_560 {strides = array<i32>} : memref<200x128xf32, #tpu.memory_space<vmem>>, vector<1x16xf32>,
        %get3A_561 = arith.index_cast %add3A_543 : i32 to index
        %get3A_562 = arith.constant 16 : index
        %get3A_563 = tpu.vector_load %arg8[%get3A_561, %get3A_562] {strides = array<i32>} : memref<200x128xf32, #tpu.memory_space<vmem>>, vector<1x16xf32>,
        %get3A_564 = vector.shape_cast %get3A_563 : vector<1x16xf32> to vector<16xf32>
        %mul3A_565 = arith.constant 64 : i32
        %mul3A_566 = arith.muli %add3A_543, %mul3A_565 : i32
        %add3A_567 = arith.constant 16 : i32
        %add3A_568 = arith.addi %mul3A_566, %add3A_567 : i32
        %get3A_569 = arith.index_cast %add3A_568 : i32 to index
        %get3A_570 = tpu.vector_load %arg7[%get3A_569] {strides = array<i32>} : memref<12800xf32, #tpu.memory_space<vmem>>, vector<16xf32>,
        %get3A_571 = vector.shape_cast %get3A_570 : vector<16xf32> to vector<16xf32>
        %add3A_572 = arith.addf %get3A_564, %get3A_571 : vector<16xf32>
        %swap3A_573 = arith.index_cast %add3A_543 : i32 to index
        %swap3A_574 = arith.constant 16 : index
        %swap3A_575 = tpu.vector_load %arg8[%swap3A_573, %swap3A_574] {strides = array<i32>} : memref<200x128xf32, #tpu.memory_space<vmem>>, vector<1x16xf32>,
        %swap3A_576 = vector.shape_cast %swap3A_575 : vector<1x16xf32> to vector<16xf32>
        %swap3A_577 = vector.shape_cast %add3A_572 : vector<16xf32> to vector<1x16xf32>
        tpu.vector_store %arg8[%swap3A_573, %swap3A_574], %swap3A_577 {strides = array<i32>} : memref<200x128xf32, #tpu.memory_space<vmem>>, vector<1x16xf32>,
        %get3A_578 = arith.index_cast %add3A_543 : i32 to index
        %get3A_579 = arith.constant 32 : index
        %get3A_580 = tpu.vector_load %arg8[%get3A_578, %get3A_579] {strides = array<i32>} : memref<200x128xf32, #tpu.memory_space<vmem>>, vector<1x16xf32>,
        %get3A_581 = vector.shape_cast %get3A_580 : vector<1x16xf32> to vector<16xf32>
        %mul3A_582 = arith.constant 64 : i32
        %mul3A_583 = arith.muli %add3A_543, %mul3A_582 : i32
        %add3A_584 = arith.constant 32 : i32
        %add3A_585 = arith.addi %mul3A_583, %add3A_584 : i32
        %get3A_586 = arith.index_cast %add3A_585 : i32 to index
        %get3A_587 = tpu.vector_load %arg7[%get3A_586] {strides = array<i32>} : memref<12800xf32, #tpu.memory_space<vmem>>, vector<16xf32>,
        %get3A_588 = vector.shape_cast %get3A_587 : vector<16xf32> to vector<16xf32>
        %add3A_589 = arith.addf %get3A_581, %get3A_588 : vector<16xf32>
        %swap3A_590 = arith.index_cast %add3A_543 : i32 to index
        %swap3A_591 = arith.constant 32 : index
        %swap3A_592 = tpu.vector_load %arg8[%swap3A_590, %swap3A_591] {strides = array<i32>} : memref<200x128xf32, #tpu.memory_space<vmem>>, vector<1x16xf32>,
        %swap3A_593 = vector.shape_cast %swap3A_592 : vector<1x16xf32> to vector<16xf32>
        %swap3A_594 = vector.shape_cast %add3A_589 : vector<16xf32> to vector<1x16xf32>
        tpu.vector_store %arg8[%swap3A_590, %swap3A_591], %swap3A_594 {strides = array<i32>} : memref<200x128xf32, #tpu.memory_space<vmem>>, vector<1x16xf32>,
        %get3A_595 = arith.index_cast %add3A_543 : i32 to index
        %get3A_596 = arith.constant 48 : index
        %get3A_597 = tpu.vector_load %arg8[%get3A_595, %get3A_596] {strides = array<i32>} : memref<200x128xf32, #tpu.memory_space<vmem>>, vector<1x16xf32>,
        %get3A_598 = vector.shape_cast %get3A_597 : vector<1x16xf32> to vector<16xf32>
        %mul3A_599 = arith.constant 64 : i32
        %mul3A_600 = arith.muli %add3A_543, %mul3A_599 : i32
        %add3A_601 = arith.constant 48 : i32
        %add3A_602 = arith.addi %mul3A_600, %add3A_601 : i32
        %get3A_603 = arith.index_cast %add3A_602 : i32 to index
        %get3A_604 = tpu.vector_load %arg7[%get3A_603] {strides = array<i32>} : memref<12800xf32, #tpu.memory_space<vmem>>, vector<16xf32>,
        %get3A_605 = vector.shape_cast %get3A_604 : vector<16xf32> to vector<16xf32>
        %add3A_606 = arith.addf %get3A_598, %get3A_605 : vector<16xf32>
        %swap3A_607 = arith.index_cast %add3A_543 : i32 to index
        %swap3A_608 = arith.constant 48 : index
        %swap3A_609 = tpu.vector_load %arg8[%swap3A_607, %swap3A_608] {strides = array<i32>} : memref<200x128xf32, #tpu.memory_space<vmem>>, vector<1x16xf32>,
        %swap3A_610 = vector.shape_cast %swap3A_609 : vector<1x16xf32> to vector<16xf32>
        %swap3A_611 = vector.shape_cast %add3A_606 : vector<16xf32> to vector<1x16xf32>
        tpu.vector_store %arg8[%swap3A_607, %swap3A_608], %swap3A_611 {strides = array<i32>} : memref<200x128xf32, #tpu.memory_space<vmem>>, vector<1x16xf32>,
        %scan3A_612 = arith.constant 5 : i32
        %scan3A_613 = arith.addi %scan3A_245, %scan3A_612 : i32
        %mul3A_614 = arith.constant 1 : i32
        %mul3A_615 = arith.muli %scan3A_613, %mul3A_614 : i32
        %add3A_616 = arith.constant 0 : i32
        %add3A_617 = arith.addi %add3A_616, %mul3A_615 : i32
        %get3A_618 = arith.index_cast %add3A_617 : i32 to index
        %get3A_619 = arith.constant 0 : index
        %get3A_620 = tpu.vector_load %arg8[%get3A_618, %get3A_619] {strides = array<i32>} : memref<200x128xf32, #tpu.memory_space<vmem>>, vector<1x16xf32>,
        %get3A_621 = vector.shape_cast %get3A_620 : vector<1x16xf32> to vector<16xf32>
        %mul3A_622 = arith.constant 64 : i32
        %mul3A_623 = arith.muli %add3A_617, %mul3A_622 : i32
        %add3A_624 = arith.constant 0 : i32
        %add3A_625 = arith.addi %mul3A_623, %add3A_624 : i32
        %get3A_626 = arith.index_cast %add3A_625 : i32 to index
        %get3A_627 = tpu.vector_load %arg7[%get3A_626] {strides = array<i32>} : memref<12800xf32, #tpu.memory_space<vmem>>, vector<16xf32>,
        %get3A_628 = vector.shape_cast %get3A_627 : vector<16xf32> to vector<16xf32>
        %add3A_629 = arith.addf %get3A_621, %get3A_628 : vector<16xf32>
        %swap3A_630 = arith.index_cast %add3A_617 : i32 to index
        %swap3A_631 = arith.constant 0 : index
        %swap3A_632 = tpu.vector_load %arg8[%swap3A_630, %swap3A_631] {strides = array<i32>} : memref<200x128xf32, #tpu.memory_space<vmem>>, vector<1x16xf32>,
        %swap3A_633 = vector.shape_cast %swap3A_632 : vector<1x16xf32> to vector<16xf32>
        %swap3A_634 = vector.shape_cast %add3A_629 : vector<16xf32> to vector<1x16xf32>
        tpu.vector_store %arg8[%swap3A_630, %swap3A_631], %swap3A_634 {strides = array<i32>} : memref<200x128xf32, #tpu.memory_space<vmem>>, vector<1x16xf32>,
        %get3A_635 = arith.index_cast %add3A_617 : i32 to index
        %get3A_636 = arith.constant 16 : index
        %get3A_637 = tpu.vector_load %arg8[%get3A_635, %get3A_636] {strides = array<i32>} : memref<200x128xf32, #tpu.memory_space<vmem>>, vector<1x16xf32>,
        %get3A_638 = vector.shape_cast %get3A_637 : vector<1x16xf32> to vector<16xf32>
        %mul3A_639 = arith.constant 64 : i32
        %mul3A_640 = arith.muli %add3A_617, %mul3A_639 : i32
        %add3A_641 = arith.constant 16 : i32
        %add3A_642 = arith.addi %mul3A_640, %add3A_641 : i32
        %get3A_643 = arith.index_cast %add3A_642 : i32 to index
        %get3A_644 = tpu.vector_load %arg7[%get3A_643] {strides = array<i32>} : memref<12800xf32, #tpu.memory_space<vmem>>, vector<16xf32>,
        %get3A_645 = vector.shape_cast %get3A_644 : vector<16xf32> to vector<16xf32>
        %add3A_646 = arith.addf %get3A_638, %get3A_645 : vector<16xf32>
        %swap3A_647 = arith.index_cast %add3A_617 : i32 to index
        %swap3A_648 = arith.constant 16 : index
        %swap3A_649 = tpu.vector_load %arg8[%swap3A_647, %swap3A_648] {strides = array<i32>} : memref<200x128xf32, #tpu.memory_space<vmem>>, vector<1x16xf32>,
        %swap3A_650 = vector.shape_cast %swap3A_649 : vector<1x16xf32> to vector<16xf32>
        %swap3A_651 = vector.shape_cast %add3A_646 : vector<16xf32> to vector<1x16xf32>
        tpu.vector_store %arg8[%swap3A_647, %swap3A_648], %swap3A_651 {strides = array<i32>} : memref<200x128xf32, #tpu.memory_space<vmem>>, vector<1x16xf32>,
        %get3A_652 = arith.index_cast %add3A_617 : i32 to index
        %get3A_653 = arith.constant 32 : index
        %get3A_654 = tpu.vector_load %arg8[%get3A_652, %get3A_653] {strides = array<i32>} : memref<200x128xf32, #tpu.memory_space<vmem>>, vector<1x16xf32>,
        %get3A_655 = vector.shape_cast %get3A_654 : vector<1x16xf32> to vector<16xf32>
        %mul3A_656 = arith.constant 64 : i32
        %mul3A_657 = arith.muli %add3A_617, %mul3A_656 : i32
        %add3A_658 = arith.constant 32 : i32
        %add3A_659 = arith.addi %mul3A_657, %add3A_658 : i32
        %get3A_660 = arith.index_cast %add3A_659 : i32 to index
        %get3A_661 = tpu.vector_load %arg7[%get3A_660] {strides = array<i32>} : memref<12800xf32, #tpu.memory_space<vmem>>, vector<16xf32>,
        %get3A_662 = vector.shape_cast %get3A_661 : vector<16xf32> to vector<16xf32>
        %add3A_663 = arith.addf %get3A_655, %get3A_662 : vector<16xf32>
        %swap3A_664 = arith.index_cast %add3A_617 : i32 to index
        %swap3A_665 = arith.constant 32 : index
        %swap3A_666 = tpu.vector_load %arg8[%swap3A_664, %swap3A_665] {strides = array<i32>} : memref<200x128xf32, #tpu.memory_space<vmem>>, vector<1x16xf32>,
        %swap3A_667 = vector.shape_cast %swap3A_666 : vector<1x16xf32> to vector<16xf32>
        %swap3A_668 = vector.shape_cast %add3A_663 : vector<16xf32> to vector<1x16xf32>
        tpu.vector_store %arg8[%swap3A_664, %swap3A_665], %swap3A_668 {strides = array<i32>} : memref<200x128xf32, #tpu.memory_space<vmem>>, vector<1x16xf32>,
        %get3A_669 = arith.index_cast %add3A_617 : i32 to index
        %get3A_670 = arith.constant 48 : index
        %get3A_671 = tpu.vector_load %arg8[%get3A_669, %get3A_670] {strides = array<i32>} : memref<200x128xf32, #tpu.memory_space<vmem>>, vector<1x16xf32>,
        %get3A_672 = vector.shape_cast %get3A_671 : vector<1x16xf32> to vector<16xf32>
        %mul3A_673 = arith.constant 64 : i32
        %mul3A_674 = arith.muli %add3A_617, %mul3A_673 : i32
        %add3A_675 = arith.constant 48 : i32
        %add3A_676 = arith.addi %mul3A_674, %add3A_675 : i32
        %get3A_677 = arith.index_cast %add3A_676 : i32 to index
        %get3A_678 = tpu.vector_load %arg7[%get3A_677] {strides = array<i32>} : memref<12800xf32, #tpu.memory_space<vmem>>, vector<16xf32>,
        %get3A_679 = vector.shape_cast %get3A_678 : vector<16xf32> to vector<16xf32>
        %add3A_680 = arith.addf %get3A_672, %get3A_679 : vector<16xf32>
        %swap3A_681 = arith.index_cast %add3A_617 : i32 to index
        %swap3A_682 = arith.constant 48 : index
        %swap3A_683 = tpu.vector_load %arg8[%swap3A_681, %swap3A_682] {strides = array<i32>} : memref<200x128xf32, #tpu.memory_space<vmem>>, vector<1x16xf32>,
        %swap3A_684 = vector.shape_cast %swap3A_683 : vector<1x16xf32> to vector<16xf32>
        %swap3A_685 = vector.shape_cast %add3A_680 : vector<16xf32> to vector<1x16xf32>
        tpu.vector_store %arg8[%swap3A_681, %swap3A_682], %swap3A_685 {strides = array<i32>} : memref<200x128xf32, #tpu.memory_space<vmem>>, vector<1x16xf32>,
        %scan3A_686 = arith.constant 6 : i32
        %scan3A_687 = arith.addi %scan3A_245, %scan3A_686 : i32
        %mul3A_688 = arith.constant 1 : i32
        %mul3A_689 = arith.muli %scan3A_687, %mul3A_688 : i32
        %add3A_690 = arith.constant 0 : i32
        %add3A_691 = arith.addi %add3A_690, %mul3A_689 : i32
        %get3A_692 = arith.index_cast %add3A_691 : i32 to index
        %get3A_693 = arith.constant 0 : index
        %get3A_694 = tpu.vector_load %arg8[%get3A_692, %get3A_693] {strides = array<i32>} : memref<200x128xf32, #tpu.memory_space<vmem>>, vector<1x16xf32>,
        %get3A_695 = vector.shape_cast %get3A_694 : vector<1x16xf32> to vector<16xf32>
        %mul3A_696 = arith.constant 64 : i32
        %mul3A_697 = arith.muli %add3A_691, %mul3A_696 : i32
        %add3A_698 = arith.constant 0 : i32
        %add3A_699 = arith.addi %mul3A_697, %add3A_698 : i32
        %get3A_700 = arith.index_cast %add3A_699 : i32 to index
        %get3A_701 = tpu.vector_load %arg7[%get3A_700] {strides = array<i32>} : memref<12800xf32, #tpu.memory_space<vmem>>, vector<16xf32>,
        %get3A_702 = vector.shape_cast %get3A_701 : vector<16xf32> to vector<16xf32>
        %add3A_703 = arith.addf %get3A_695, %get3A_702 : vector<16xf32>
        %swap3A_704 = arith.index_cast %add3A_691 : i32 to index
        %swap3A_705 = arith.constant 0 : index
        %swap3A_706 = tpu.vector_load %arg8[%swap3A_704, %swap3A_705] {strides = array<i32>} : memref<200x128xf32, #tpu.memory_space<vmem>>, vector<1x16xf32>,
        %swap3A_707 = vector.shape_cast %swap3A_706 : vector<1x16xf32> to vector<16xf32>
        %swap3A_708 = vector.shape_cast %add3A_703 : vector<16xf32> to vector<1x16xf32>
        tpu.vector_store %arg8[%swap3A_704, %swap3A_705], %swap3A_708 {strides = array<i32>} : memref<200x128xf32, #tpu.memory_space<vmem>>, vector<1x16xf32>,
        %get3A_709 = arith.index_cast %add3A_691 : i32 to index
        %get3A_710 = arith.constant 16 : index
        %get3A_711 = tpu.vector_load %arg8[%get3A_709, %get3A_710] {strides = array<i32>} : memref<200x128xf32, #tpu.memory_space<vmem>>, vector<1x16xf32>,
        %get3A_712 = vector.shape_cast %get3A_711 : vector<1x16xf32> to vector<16xf32>
        %mul3A_713 = arith.constant 64 : i32
        %mul3A_714 = arith.muli %add3A_691, %mul3A_713 : i32
        %add3A_715 = arith.constant 16 : i32
        %add3A_716 = arith.addi %mul3A_714, %add3A_715 : i32
        %get3A_717 = arith.index_cast %add3A_716 : i32 to index
        %get3A_718 = tpu.vector_load %arg7[%get3A_717] {strides = array<i32>} : memref<12800xf32, #tpu.memory_space<vmem>>, vector<16xf32>,
        %get3A_719 = vector.shape_cast %get3A_718 : vector<16xf32> to vector<16xf32>
        %add3A_720 = arith.addf %get3A_712, %get3A_719 : vector<16xf32>
        %swap3A_721 = arith.index_cast %add3A_691 : i32 to index
        %swap3A_722 = arith.constant 16 : index
        %swap3A_723 = tpu.vector_load %arg8[%swap3A_721, %swap3A_722] {strides = array<i32>} : memref<200x128xf32, #tpu.memory_space<vmem>>, vector<1x16xf32>,
        %swap3A_724 = vector.shape_cast %swap3A_723 : vector<1x16xf32> to vector<16xf32>
        %swap3A_725 = vector.shape_cast %add3A_720 : vector<16xf32> to vector<1x16xf32>
        tpu.vector_store %arg8[%swap3A_721, %swap3A_722], %swap3A_725 {strides = array<i32>} : memref<200x128xf32, #tpu.memory_space<vmem>>, vector<1x16xf32>,
        %get3A_726 = arith.index_cast %add3A_691 : i32 to index
        %get3A_727 = arith.constant 32 : index
        %get3A_728 = tpu.vector_load %arg8[%get3A_726, %get3A_727] {strides = array<i32>} : memref<200x128xf32, #tpu.memory_space<vmem>>, vector<1x16xf32>,
        %get3A_729 = vector.shape_cast %get3A_728 : vector<1x16xf32> to vector<16xf32>
        %mul3A_730 = arith.constant 64 : i32
        %mul3A_731 = arith.muli %add3A_691, %mul3A_730 : i32
        %add3A_732 = arith.constant 32 : i32
        %add3A_733 = arith.addi %mul3A_731, %add3A_732 : i32
        %get3A_734 = arith.index_cast %add3A_733 : i32 to index
        %get3A_735 = tpu.vector_load %arg7[%get3A_734] {strides = array<i32>} : memref<12800xf32, #tpu.memory_space<vmem>>, vector<16xf32>,
        %get3A_736 = vector.shape_cast %get3A_735 : vector<16xf32> to vector<16xf32>
        %add3A_737 = arith.addf %get3A_729, %get3A_736 : vector<16xf32>
        %swap3A_738 = arith.index_cast %add3A_691 : i32 to index
        %swap3A_739 = arith.constant 32 : index
        %swap3A_740 = tpu.vector_load %arg8[%swap3A_738, %swap3A_739] {strides = array<i32>} : memref<200x128xf32, #tpu.memory_space<vmem>>, vector<1x16xf32>,
        %swap3A_741 = vector.shape_cast %swap3A_740 : vector<1x16xf32> to vector<16xf32>
        %swap3A_742 = vector.shape_cast %add3A_737 : vector<16xf32> to vector<1x16xf32>
        tpu.vector_store %arg8[%swap3A_738, %swap3A_739], %swap3A_742 {strides = array<i32>} : memref<200x128xf32, #tpu.memory_space<vmem>>, vector<1x16xf32>,
        %get3A_743 = arith.index_cast %add3A_691 : i32 to index
        %get3A_744 = arith.constant 48 : index
        %get3A_745 = tpu.vector_load %arg8[%get3A_743, %get3A_744] {strides = array<i32>} : memref<200x128xf32, #tpu.memory_space<vmem>>, vector<1x16xf32>,
        %get3A_746 = vector.shape_cast %get3A_745 : vector<1x16xf32> to vector<16xf32>
        %mul3A_747 = arith.constant 64 : i32
        %mul3A_748 = arith.muli %add3A_691, %mul3A_747 : i32
        %add3A_749 = arith.constant 48 : i32
        %add3A_750 = arith.addi %mul3A_748, %add3A_749 : i32
        %get3A_751 = arith.index_cast %add3A_750 : i32 to index
        %get3A_752 = tpu.vector_load %arg7[%get3A_751] {strides = array<i32>} : memref<12800xf32, #tpu.memory_space<vmem>>, vector<16xf32>,
        %get3A_753 = vector.shape_cast %get3A_752 : vector<16xf32> to vector<16xf32>
        %add3A_754 = arith.addf %get3A_746, %get3A_753 : vector<16xf32>
        %swap3A_755 = arith.index_cast %add3A_691 : i32 to index
        %swap3A_756 = arith.constant 48 : index
        %swap3A_757 = tpu.vector_load %arg8[%swap3A_755, %swap3A_756] {strides = array<i32>} : memref<200x128xf32, #tpu.memory_space<vmem>>, vector<1x16xf32>,
        %swap3A_758 = vector.shape_cast %swap3A_757 : vector<1x16xf32> to vector<16xf32>
        %swap3A_759 = vector.shape_cast %add3A_754 : vector<16xf32> to vector<1x16xf32>
        tpu.vector_store %arg8[%swap3A_755, %swap3A_756], %swap3A_759 {strides = array<i32>} : memref<200x128xf32, #tpu.memory_space<vmem>>, vector<1x16xf32>,
        %scan3A_760 = arith.constant 7 : i32
        %scan3A_761 = arith.addi %scan3A_245, %scan3A_760 : i32
        %mul3A_762 = arith.constant 1 : i32
        %mul3A_763 = arith.muli %scan3A_761, %mul3A_762 : i32
        %add3A_764 = arith.constant 0 : i32
        %add3A_765 = arith.addi %add3A_764, %mul3A_763 : i32
        %get3A_766 = arith.index_cast %add3A_765 : i32 to index
        %get3A_767 = arith.constant 0 : index
        %get3A_768 = tpu.vector_load %arg8[%get3A_766, %get3A_767] {strides = array<i32>} : memref<200x128xf32, #tpu.memory_space<vmem>>, vector<1x16xf32>,
        %get3A_769 = vector.shape_cast %get3A_768 : vector<1x16xf32> to vector<16xf32>
        %mul3A_770 = arith.constant 64 : i32
        %mul3A_771 = arith.muli %add3A_765, %mul3A_770 : i32
        %add3A_772 = arith.constant 0 : i32
        %add3A_773 = arith.addi %mul3A_771, %add3A_772 : i32
        %get3A_774 = arith.index_cast %add3A_773 : i32 to index
        %get3A_775 = tpu.vector_load %arg7[%get3A_774] {strides = array<i32>} : memref<12800xf32, #tpu.memory_space<vmem>>, vector<16xf32>,
        %get3A_776 = vector.shape_cast %get3A_775 : vector<16xf32> to vector<16xf32>
        %add3A_777 = arith.addf %get3A_769, %get3A_776 : vector<16xf32>
        %swap3A_778 = arith.index_cast %add3A_765 : i32 to index
        %swap3A_779 = arith.constant 0 : index
        %swap3A_780 = tpu.vector_load %arg8[%swap3A_778, %swap3A_779] {strides = array<i32>} : memref<200x128xf32, #tpu.memory_space<vmem>>, vector<1x16xf32>,
        %swap3A_781 = vector.shape_cast %swap3A_780 : vector<1x16xf32> to vector<16xf32>
        %swap3A_782 = vector.shape_cast %add3A_777 : vector<16xf32> to vector<1x16xf32>
        tpu.vector_store %arg8[%swap3A_778, %swap3A_779], %swap3A_782 {strides = array<i32>} : memref<200x128xf32, #tpu.memory_space<vmem>>, vector<1x16xf32>,
        %get3A_783 = arith.index_cast %add3A_765 : i32 to index
        %get3A_784 = arith.constant 16 : index
        %get3A_785 = tpu.vector_load %arg8[%get3A_783, %get3A_784] {strides = array<i32>} : memref<200x128xf32, #tpu.memory_space<vmem>>, vector<1x16xf32>,
        %get3A_786 = vector.shape_cast %get3A_785 : vector<1x16xf32> to vector<16xf32>
        %mul3A_787 = arith.constant 64 : i32
        %mul3A_788 = arith.muli %add3A_765, %mul3A_787 : i32
        %add3A_789 = arith.constant 16 : i32
        %add3A_790 = arith.addi %mul3A_788, %add3A_789 : i32
        %get3A_791 = arith.index_cast %add3A_790 : i32 to index
        %get3A_792 = tpu.vector_load %arg7[%get3A_791] {strides = array<i32>} : memref<12800xf32, #tpu.memory_space<vmem>>, vector<16xf32>,
        %get3A_793 = vector.shape_cast %get3A_792 : vector<16xf32> to vector<16xf32>
        %add3A_794 = arith.addf %get3A_786, %get3A_793 : vector<16xf32>
        %swap3A_795 = arith.index_cast %add3A_765 : i32 to index
        %swap3A_796 = arith.constant 16 : index
        %swap3A_797 = tpu.vector_load %arg8[%swap3A_795, %swap3A_796] {strides = array<i32>} : memref<200x128xf32, #tpu.memory_space<vmem>>, vector<1x16xf32>,
        %swap3A_798 = vector.shape_cast %swap3A_797 : vector<1x16xf32> to vector<16xf32>
        %swap3A_799 = vector.shape_cast %add3A_794 : vector<16xf32> to vector<1x16xf32>
        tpu.vector_store %arg8[%swap3A_795, %swap3A_796], %swap3A_799 {strides = array<i32>} : memref<200x128xf32, #tpu.memory_space<vmem>>, vector<1x16xf32>,
        %get3A_800 = arith.index_cast %add3A_765 : i32 to index
        %get3A_801 = arith.constant 32 : index
        %get3A_802 = tpu.vector_load %arg8[%get3A_800, %get3A_801] {strides = array<i32>} : memref<200x128xf32, #tpu.memory_space<vmem>>, vector<1x16xf32>,
        %get3A_803 = vector.shape_cast %get3A_802 : vector<1x16xf32> to vector<16xf32>
        %mul3A_804 = arith.constant 64 : i32
        %mul3A_805 = arith.muli %add3A_765, %mul3A_804 : i32
        %add3A_806 = arith.constant 32 : i32
        %add3A_807 = arith.addi %mul3A_805, %add3A_806 : i32
        %get3A_808 = arith.index_cast %add3A_807 : i32 to index
        %get3A_809 = tpu.vector_load %arg7[%get3A_808] {strides = array<i32>} : memref<12800xf32, #tpu.memory_space<vmem>>, vector<16xf32>,
        %get3A_810 = vector.shape_cast %get3A_809 : vector<16xf32> to vector<16xf32>
        %add3A_811 = arith.addf %get3A_803, %get3A_810 : vector<16xf32>
        %swap3A_812 = arith.index_cast %add3A_765 : i32 to index
        %swap3A_813 = arith.constant 32 : index
        %swap3A_814 = tpu.vector_load %arg8[%swap3A_812, %swap3A_813] {strides = array<i32>} : memref<200x128xf32, #tpu.memory_space<vmem>>, vector<1x16xf32>,
        %swap3A_815 = vector.shape_cast %swap3A_814 : vector<1x16xf32> to vector<16xf32>
        %swap3A_816 = vector.shape_cast %add3A_811 : vector<16xf32> to vector<1x16xf32>
        tpu.vector_store %arg8[%swap3A_812, %swap3A_813], %swap3A_816 {strides = array<i32>} : memref<200x128xf32, #tpu.memory_space<vmem>>, vector<1x16xf32>,
        %get3A_817 = arith.index_cast %add3A_765 : i32 to index
        %get3A_818 = arith.constant 48 : index
        %get3A_819 = tpu.vector_load %arg8[%get3A_817, %get3A_818] {strides = array<i32>} : memref<200x128xf32, #tpu.memory_space<vmem>>, vector<1x16xf32>,
        %get3A_820 = vector.shape_cast %get3A_819 : vector<1x16xf32> to vector<16xf32>
        %mul3A_821 = arith.constant 64 : i32
        %mul3A_822 = arith.muli %add3A_765, %mul3A_821 : i32
        %add3A_823 = arith.constant 48 : i32
        %add3A_824 = arith.addi %mul3A_822, %add3A_823 : i32
        %get3A_825 = arith.index_cast %add3A_824 : i32 to index
        %get3A_826 = tpu.vector_load %arg7[%get3A_825] {strides = array<i32>} : memref<12800xf32, #tpu.memory_space<vmem>>, vector<16xf32>,
        %get3A_827 = vector.shape_cast %get3A_826 : vector<16xf32> to vector<16xf32>
        %add3A_828 = arith.addf %get3A_820, %get3A_827 : vector<16xf32>
        %swap3A_829 = arith.index_cast %add3A_765 : i32 to index
        %swap3A_830 = arith.constant 48 : index
        %swap3A_831 = tpu.vector_load %arg8[%swap3A_829, %swap3A_830] {strides = array<i32>} : memref<200x128xf32, #tpu.memory_space<vmem>>, vector<1x16xf32>,
        %swap3A_832 = vector.shape_cast %swap3A_831 : vector<1x16xf32> to vector<16xf32>
        %swap3A_833 = vector.shape_cast %add3A_828 : vector<16xf32> to vector<1x16xf32>
        tpu.vector_store %arg8[%swap3A_829, %swap3A_830], %swap3A_833 {strides = array<i32>} : memref<200x128xf32, #tpu.memory_space<vmem>>, vector<1x16xf32>,
      }
      %scan3A_148 = arith.constant 200 : i32
      %add3A_149 = arith.addi %mul3A_2, %add3A_133 : i32
      %dma_start3A_150 = arith.constant 0 : i32
      %dma_start3A_151 = arith.constant 0 : i32
      %dma_start3A_152 = tpu.memref_slice %arg5[%add3A_149, %dma_start3A_150, %dma_start3A_151] : memref<1024x200x128xf32, #tpu.memory_space<hbm>> -> memref<1x200x128xf32, #tpu.memory_space<hbm>>
      %dma_start3A_153 = tpu.memref_squeeze %dma_start3A_152 : memref<1x200x128xf32, #tpu.memory_space<hbm>> -> memref<200x128xf32, #tpu.memory_space<hbm>>
      %dma_start3A_154 = arith.constant 0 : i32
      %dma_start3A_155 = arith.constant 0 : i32
      %dma_start3A_156 = tpu.memref_slice %arg5[%add3A_149, %dma_start3A_154, %dma_start3A_155] : memref<1024x200x128xf32, #tpu.memory_space<hbm>> -> memref<1x200x128xf32, #tpu.memory_space<hbm>>
      %dma_start3A_157 = tpu.memref_squeeze %dma_start3A_156 : memref<1x200x128xf32, #tpu.memory_space<hbm>> -> memref<200x128xf32, #tpu.memory_space<hbm>>
      tpu.enqueue_dma source(%arg8 : memref<200x128xf32, #tpu.memory_space<vmem>>) target(%dma_start3A_157 : memref<200x128xf32, #tpu.memory_space<hbm>>) target_semaphore(%arg16 : memref<!tpu.dma_semaphore, #tpu.memory_space<semaphore_mem>>)
      %add3A_158 = arith.constant 1 : i32
      %add3A_159 = arith.addi %add3A_131, %add3A_158 : i32
      %add3A_160 = arith.constant 2 : i32
      %add3A_161 = arith.addi %add3A_159, %add3A_160 : i32
      %lt3A_162 = arith.constant 32 : i32
      %lt3A_163 = arith.cmpi slt, %add3A_161, %lt3A_162 : i32
      %convert_element_type3A_164 = arith.extui %lt3A_163 : i1 to i32
      %cond3A_165 = arith.constant 0 : i32
      %cond3A_166 = arith.cmpi ne, %convert_element_type3A_164, %cond3A_165 : i32
      scf.if %cond3A_166 {
        %add3A_245 = arith.constant 2 : i32
        %add3A_246 = arith.addi %add3A_159, %add3A_245 : i32
        %ge3A = arith.constant 4 : i32
        %ge3A_247 = arith.cmpi sge, %add3A_246, %ge3A : i32
        %convert_element_type3A_248 = arith.extui %ge3A_247 : i1 to i32
        %cond3A_249 = arith.constant 0 : i32
        %cond3A_250 = arith.cmpi ne, %convert_element_type3A_248, %cond3A_249 : i32
        scf.if %cond3A_250 {
          %add3A_308 = arith.constant 2 : i32
          %add3A_309 = arith.addi %add3A_159, %add3A_308 : i32
          %sub3A = arith.constant 4 : i32
          %sub3A_310 = arith.subi %add3A_309, %sub3A : i32
          %add3A_311 = arith.addi %mul3A_2, %sub3A_310 : i32
          %dma_wait3A_312 = arith.constant 0 : i32
          %dma_wait3A_313 = arith.constant 0 : i32
          %dma_wait3A_314 = tpu.memref_slice %arg5[%add3A_311, %dma_wait3A_312, %dma_wait3A_313] : memref<1024x200x128xf32, #tpu.memory_space<hbm>> -> memref<1x200x128xf32, #tpu.memory_space<hbm>>
          %dma_wait3A_315 = tpu.memref_squeeze %dma_wait3A_314 : memref<1x200x128xf32, #tpu.memory_space<hbm>> -> memref<200x128xf32, #tpu.memory_space<hbm>>
          %dma_wait3A_316 = arith.constant 0 : i32
          %dma_wait3A_317 = arith.constant 0 : i32
          %dma_wait3A_318 = tpu.memref_slice %arg5[%add3A_311, %dma_wait3A_316, %dma_wait3A_317] : memref<1024x200x128xf32, #tpu.memory_space<hbm>> -> memref<1x200x128xf32, #tpu.memory_space<hbm>>
          %dma_wait3A_319 = tpu.memref_squeeze %dma_wait3A_318 : memref<1x200x128xf32, #tpu.memory_space<hbm>> -> memref<200x128xf32, #tpu.memory_space<hbm>>
          tpu.wait_dma2 semaphore(%arg19 : memref<!tpu.dma_semaphore, #tpu.memory_space<semaphore_mem>>) src(%arg11 : memref<200x128xf32, #tpu.memory_space<vmem>>) dst(%dma_wait3A_319 : memref<200x128xf32, #tpu.memory_space<hbm>>)
        } else {
        }
        %add3A_251 = arith.constant 2 : i32
        %add3A_252 = arith.addi %add3A_159, %add3A_251 : i32
        %mul3A_253 = arith.constant 200 : i32
        %mul3A_254 = arith.muli %add3A_252, %mul3A_253 : i32
        %add3A_255 = arith.constant 0 : i32
        %add3A_256 = arith.addi %mul3A_254, %add3A_255 : i32
        %dma_start3A_257 = arith.constant 0 : i32
        %dma_start3A_258 = arith.constant 0 : i32
        %dma_start3A_259 = tpu.memref_slice %arg11[%dma_start3A_257, %dma_start3A_258] : memref<200x128xf32, #tpu.memory_space<vmem>> -> memref<40x128xf32, #tpu.memory_space<vmem>>
        %dma_start3A_260 = tpu.memref_slice %arg6[%add3A_256] : memref<6400xi32, #tpu.memory_space<vmem>> -> memref<40xi32, #tpu.memory_space<vmem>>
        %dma_start3A_261 = arith.constant 0 : i32
        %dma_start3A_262 = arith.constant 0 : i32
        %dma_start3A_263 = tpu.memref_slice %arg4[%dma_start3A_261, %dma_start3A_262] : memref<1000000x128xf32, #tpu.memory_space<hbm>> -> memref<1000000x128xf32, #tpu.memory_space<hbm>>
        tpu.enqueue_indirect_dma source(%dma_start3A_263 : memref<1000000x128xf32, #tpu.memory_space<hbm>>) target(%dma_start3A_259 : memref<40x128xf32, #tpu.memory_space<vmem>>) offsets(%dma_start3A_260 : memref<40xi32, #tpu.memory_space<vmem>>) semaphore(%arg15 : memref<!tpu.dma_semaphore, #tpu.memory_space<semaphore_mem>>)
        %mul3A_264 = arith.constant 200 : i32
        %mul3A_265 = arith.muli %add3A_252, %mul3A_264 : i32
        %add3A_266 = arith.constant 40 : i32
        %add3A_267 = arith.addi %mul3A_265, %add3A_266 : i32
        %dma_start3A_268 = arith.constant 40 : i32
        %dma_start3A_269 = arith.constant 0 : i32
        %dma_start3A_270 = tpu.memref_slice %arg11[%dma_start3A_268, %dma_start3A_269] : memref<200x128xf32, #tpu.memory_space<vmem>> -> memref<40x128xf32, #tpu.memory_space<vmem>>
        %dma_start3A_271 = tpu.memref_slice %arg6[%add3A_267] : memref<6400xi32, #tpu.memory_space<vmem>> -> memref<40xi32, #tpu.memory_space<vmem>>
        %dma_start3A_272 = arith.constant 0 : i32
        %dma_start3A_273 = arith.constant 0 : i32
        %dma_start3A_274 = tpu.memref_slice %arg4[%dma_start3A_272, %dma_start3A_273] : memref<1000000x128xf32, #tpu.memory_space<hbm>> -> memref<1000000x128xf32, #tpu.memory_space<hbm>>
        tpu.enqueue_indirect_dma source(%dma_start3A_274 : memref<1000000x128xf32, #tpu.memory_space<hbm>>) target(%dma_start3A_270 : memref<40x128xf32, #tpu.memory_space<vmem>>) offsets(%dma_start3A_271 : memref<40xi32, #tpu.memory_space<vmem>>) semaphore(%arg15 : memref<!tpu.dma_semaphore, #tpu.memory_space<semaphore_mem>>)
        %mul3A_275 = arith.constant 200 : i32
        %mul3A_276 = arith.muli %add3A_252, %mul3A_275 : i32
        %add3A_277 = arith.constant 80 : i32
        %add3A_278 = arith.addi %mul3A_276, %add3A_277 : i32
        %dma_start3A_279 = arith.constant 80 : i32
        %dma_start3A_280 = arith.constant 0 : i32
        %dma_start3A_281 = tpu.memref_slice %arg11[%dma_start3A_279, %dma_start3A_280] : memref<200x128xf32, #tpu.memory_space<vmem>> -> memref<40x128xf32, #tpu.memory_space<vmem>>
        %dma_start3A_282 = tpu.memref_slice %arg6[%add3A_278] : memref<6400xi32, #tpu.memory_space<vmem>> -> memref<40xi32, #tpu.memory_space<vmem>>
        %dma_start3A_283 = arith.constant 0 : i32
        %dma_start3A_284 = arith.constant 0 : i32
        %dma_start3A_285 = tpu.memref_slice %arg4[%dma_start3A_283, %dma_start3A_284] : memref<1000000x128xf32, #tpu.memory_space<hbm>> -> memref<1000000x128xf32, #tpu.memory_space<hbm>>
        tpu.enqueue_indirect_dma source(%dma_start3A_285 : memref<1000000x128xf32, #tpu.memory_space<hbm>>) target(%dma_start3A_281 : memref<40x128xf32, #tpu.memory_space<vmem>>) offsets(%dma_start3A_282 : memref<40xi32, #tpu.memory_space<vmem>>) semaphore(%arg15 : memref<!tpu.dma_semaphore, #tpu.memory_space<semaphore_mem>>)
        %mul3A_286 = arith.constant 200 : i32
        %mul3A_287 = arith.muli %add3A_252, %mul3A_286 : i32
        %add3A_288 = arith.constant 120 : i32
        %add3A_289 = arith.addi %mul3A_287, %add3A_288 : i32
        %dma_start3A_290 = arith.constant 120 : i32
        %dma_start3A_291 = arith.constant 0 : i32
        %dma_start3A_292 = tpu.memref_slice %arg11[%dma_start3A_290, %dma_start3A_291] : memref<200x128xf32, #tpu.memory_space<vmem>> -> memref<40x128xf32, #tpu.memory_space<vmem>>
        %dma_start3A_293 = tpu.memref_slice %arg6[%add3A_289] : memref<6400xi32, #tpu.memory_space<vmem>> -> memref<40xi32, #tpu.memory_space<vmem>>
        %dma_start3A_294 = arith.constant 0 : i32
        %dma_start3A_295 = arith.constant 0 : i32
        %dma_start3A_296 = tpu.memref_slice %arg4[%dma_start3A_294, %dma_start3A_295] : memref<1000000x128xf32, #tpu.memory_space<hbm>> -> memref<1000000x128xf32, #tpu.memory_space<hbm>>
        tpu.enqueue_indirect_dma source(%dma_start3A_296 : memref<1000000x128xf32, #tpu.memory_space<hbm>>) target(%dma_start3A_292 : memref<40x128xf32, #tpu.memory_space<vmem>>) offsets(%dma_start3A_293 : memref<40xi32, #tpu.memory_space<vmem>>) semaphore(%arg15 : memref<!tpu.dma_semaphore, #tpu.memory_space<semaphore_mem>>)
        %mul3A_297 = arith.constant 200 : i32
        %mul3A_298 = arith.muli %add3A_252, %mul3A_297 : i32
        %add3A_299 = arith.constant 160 : i32
        %add3A_300 = arith.addi %mul3A_298, %add3A_299 : i32
        %dma_start3A_301 = arith.constant 160 : i32
        %dma_start3A_302 = arith.constant 0 : i32
        %dma_start3A_303 = tpu.memref_slice %arg11[%dma_start3A_301, %dma_start3A_302] : memref<200x128xf32, #tpu.memory_space<vmem>> -> memref<40x128xf32, #tpu.memory_space<vmem>>
        %dma_start3A_304 = tpu.memref_slice %arg6[%add3A_300] : memref<6400xi32, #tpu.memory_space<vmem>> -> memref<40xi32, #tpu.memory_space<vmem>>
        %dma_start3A_305 = arith.constant 0 : i32
        %dma_start3A_306 = arith.constant 0 : i32
        %dma_start3A_307 = tpu.memref_slice %arg4[%dma_start3A_305, %dma_start3A_306] : memref<1000000x128xf32, #tpu.memory_space<hbm>> -> memref<1000000x128xf32, #tpu.memory_space<hbm>>
        tpu.enqueue_indirect_dma source(%dma_start3A_307 : memref<1000000x128xf32, #tpu.memory_space<hbm>>) target(%dma_start3A_303 : memref<40x128xf32, #tpu.memory_space<vmem>>) offsets(%dma_start3A_304 : memref<40xi32, #tpu.memory_space<vmem>>) semaphore(%arg15 : memref<!tpu.dma_semaphore, #tpu.memory_space<semaphore_mem>>)
      } else {
      }
      %dma_wait3A_167 = arith.constant 0 : i32
      %dma_wait3A_168 = arith.constant 0 : i32
      %dma_wait3A_169 = tpu.memref_slice %arg4[%dma_wait3A_167, %dma_wait3A_168] : memref<1000000x128xf32, #tpu.memory_space<hbm>> -> memref<200x128xf32, #tpu.memory_space<hbm>>
      %dma_wait3A_170 = arith.constant 0 : i32
      %dma_wait3A_171 = arith.constant 0 : i32
      %dma_wait3A_172 = tpu.memref_slice %arg4[%dma_wait3A_170, %dma_wait3A_171] : memref<1000000x128xf32, #tpu.memory_space<hbm>> -> memref<200x128xf32, #tpu.memory_space<hbm>>
      tpu.wait_dma2 semaphore(%arg13 : memref<!tpu.dma_semaphore, #tpu.memory_space<semaphore_mem>>) src(%dma_wait3A_172 : memref<200x128xf32, #tpu.memory_space<hbm>>) dst(%arg9 : memref<200x128xf32, #tpu.memory_space<vmem>>)
      %scan3A_173 = arith.constant 0 : i32
      %scan3A_174 = arith.constant 200 : i32
      %scan3A_175 = arith.addi %scan3A_173, %scan3A_174 : i32
      %scan3A_176 = arith.constant 8 : i32
      scf.for %scan3A_245 = %scan3A_173 to %scan3A_175 step %scan3A_176  : i32 {
        %mul3A_246 = arith.constant 1 : i32
        %mul3A_247 = arith.muli %scan3A_245, %mul3A_246 : i32
        %add3A_248 = arith.constant 0 : i32
        %add3A_249 = arith.addi %add3A_248, %mul3A_247 : i32
        %get3A = arith.index_cast %add3A_249 : i32 to index
        %get3A_250 = arith.constant 0 : index
        %get3A_251 = tpu.vector_load %arg9[%get3A, %get3A_250] {strides = array<i32>} : memref<200x128xf32, #tpu.memory_space<vmem>>, vector<1x16xf32>,
        %get3A_252 = vector.shape_cast %get3A_251 : vector<1x16xf32> to vector<16xf32>
        %mul3A_253 = arith.constant 64 : i32
        %mul3A_254 = arith.muli %add3A_249, %mul3A_253 : i32
        %add3A_255 = arith.constant 0 : i32
        %add3A_256 = arith.addi %mul3A_254, %add3A_255 : i32
        %get3A_257 = arith.index_cast %add3A_256 : i32 to index
        %get3A_258 = tpu.vector_load %arg7[%get3A_257] {strides = array<i32>} : memref<12800xf32, #tpu.memory_space<vmem>>, vector<16xf32>,
        %get3A_259 = vector.shape_cast %get3A_258 : vector<16xf32> to vector<16xf32>
        %add3A_260 = arith.addf %get3A_252, %get3A_259 : vector<16xf32>
        %swap3A = arith.index_cast %add3A_249 : i32 to index
        %swap3A_261 = arith.constant 0 : index
        %swap3A_262 = tpu.vector_load %arg9[%swap3A, %swap3A_261] {strides = array<i32>} : memref<200x128xf32, #tpu.memory_space<vmem>>, vector<1x16xf32>,
        %swap3A_263 = vector.shape_cast %swap3A_262 : vector<1x16xf32> to vector<16xf32>
        %swap3A_264 = vector.shape_cast %add3A_260 : vector<16xf32> to vector<1x16xf32>
        tpu.vector_store %arg9[%swap3A, %swap3A_261], %swap3A_264 {strides = array<i32>} : memref<200x128xf32, #tpu.memory_space<vmem>>, vector<1x16xf32>,
        %get3A_265 = arith.index_cast %add3A_249 : i32 to index
        %get3A_266 = arith.constant 16 : index
        %get3A_267 = tpu.vector_load %arg9[%get3A_265, %get3A_266] {strides = array<i32>} : memref<200x128xf32, #tpu.memory_space<vmem>>, vector<1x16xf32>,
        %get3A_268 = vector.shape_cast %get3A_267 : vector<1x16xf32> to vector<16xf32>
        %mul3A_269 = arith.constant 64 : i32
        %mul3A_270 = arith.muli %add3A_249, %mul3A_269 : i32
        %add3A_271 = arith.constant 16 : i32
        %add3A_272 = arith.addi %mul3A_270, %add3A_271 : i32
        %get3A_273 = arith.index_cast %add3A_272 : i32 to index
        %get3A_274 = tpu.vector_load %arg7[%get3A_273] {strides = array<i32>} : memref<12800xf32, #tpu.memory_space<vmem>>, vector<16xf32>,
        %get3A_275 = vector.shape_cast %get3A_274 : vector<16xf32> to vector<16xf32>
        %add3A_276 = arith.addf %get3A_268, %get3A_275 : vector<16xf32>
        %swap3A_277 = arith.index_cast %add3A_249 : i32 to index
        %swap3A_278 = arith.constant 16 : index
        %swap3A_279 = tpu.vector_load %arg9[%swap3A_277, %swap3A_278] {strides = array<i32>} : memref<200x128xf32, #tpu.memory_space<vmem>>, vector<1x16xf32>,
        %swap3A_280 = vector.shape_cast %swap3A_279 : vector<1x16xf32> to vector<16xf32>
        %swap3A_281 = vector.shape_cast %add3A_276 : vector<16xf32> to vector<1x16xf32>
        tpu.vector_store %arg9[%swap3A_277, %swap3A_278], %swap3A_281 {strides = array<i32>} : memref<200x128xf32, #tpu.memory_space<vmem>>, vector<1x16xf32>,
        %get3A_282 = arith.index_cast %add3A_249 : i32 to index
        %get3A_283 = arith.constant 32 : index
        %get3A_284 = tpu.vector_load %arg9[%get3A_282, %get3A_283] {strides = array<i32>} : memref<200x128xf32, #tpu.memory_space<vmem>>, vector<1x16xf32>,
        %get3A_285 = vector.shape_cast %get3A_284 : vector<1x16xf32> to vector<16xf32>
        %mul3A_286 = arith.constant 64 : i32
        %mul3A_287 = arith.muli %add3A_249, %mul3A_286 : i32
        %add3A_288 = arith.constant 32 : i32
        %add3A_289 = arith.addi %mul3A_287, %add3A_288 : i32
        %get3A_290 = arith.index_cast %add3A_289 : i32 to index
        %get3A_291 = tpu.vector_load %arg7[%get3A_290] {strides = array<i32>} : memref<12800xf32, #tpu.memory_space<vmem>>, vector<16xf32>,
        %get3A_292 = vector.shape_cast %get3A_291 : vector<16xf32> to vector<16xf32>
        %add3A_293 = arith.addf %get3A_285, %get3A_292 : vector<16xf32>
        %swap3A_294 = arith.index_cast %add3A_249 : i32 to index
        %swap3A_295 = arith.constant 32 : index
        %swap3A_296 = tpu.vector_load %arg9[%swap3A_294, %swap3A_295] {strides = array<i32>} : memref<200x128xf32, #tpu.memory_space<vmem>>, vector<1x16xf32>,
        %swap3A_297 = vector.shape_cast %swap3A_296 : vector<1x16xf32> to vector<16xf32>
        %swap3A_298 = vector.shape_cast %add3A_293 : vector<16xf32> to vector<1x16xf32>
        tpu.vector_store %arg9[%swap3A_294, %swap3A_295], %swap3A_298 {strides = array<i32>} : memref<200x128xf32, #tpu.memory_space<vmem>>, vector<1x16xf32>,
        %get3A_299 = arith.index_cast %add3A_249 : i32 to index
        %get3A_300 = arith.constant 48 : index
        %get3A_301 = tpu.vector_load %arg9[%get3A_299, %get3A_300] {strides = array<i32>} : memref<200x128xf32, #tpu.memory_space<vmem>>, vector<1x16xf32>,
        %get3A_302 = vector.shape_cast %get3A_301 : vector<1x16xf32> to vector<16xf32>
        %mul3A_303 = arith.constant 64 : i32
        %mul3A_304 = arith.muli %add3A_249, %mul3A_303 : i32
        %add3A_305 = arith.constant 48 : i32
        %add3A_306 = arith.addi %mul3A_304, %add3A_305 : i32
        %get3A_307 = arith.index_cast %add3A_306 : i32 to index
        %get3A_308 = tpu.vector_load %arg7[%get3A_307] {strides = array<i32>} : memref<12800xf32, #tpu.memory_space<vmem>>, vector<16xf32>,
        %get3A_309 = vector.shape_cast %get3A_308 : vector<16xf32> to vector<16xf32>
        %add3A_310 = arith.addf %get3A_302, %get3A_309 : vector<16xf32>
        %swap3A_311 = arith.index_cast %add3A_249 : i32 to index
        %swap3A_312 = arith.constant 48 : index
        %swap3A_313 = tpu.vector_load %arg9[%swap3A_311, %swap3A_312] {strides = array<i32>} : memref<200x128xf32, #tpu.memory_space<vmem>>, vector<1x16xf32>,
        %swap3A_314 = vector.shape_cast %swap3A_313 : vector<1x16xf32> to vector<16xf32>
        %swap3A_315 = vector.shape_cast %add3A_310 : vector<16xf32> to vector<1x16xf32>
        tpu.vector_store %arg9[%swap3A_311, %swap3A_312], %swap3A_315 {strides = array<i32>} : memref<200x128xf32, #tpu.memory_space<vmem>>, vector<1x16xf32>,
        %scan3A_316 = arith.constant 1 : i32
        %scan3A_317 = arith.addi %scan3A_245, %scan3A_316 : i32
        %mul3A_318 = arith.constant 1 : i32
        %mul3A_319 = arith.muli %scan3A_317, %mul3A_318 : i32
        %add3A_320 = arith.constant 0 : i32
        %add3A_321 = arith.addi %add3A_320, %mul3A_319 : i32
        %get3A_322 = arith.index_cast %add3A_321 : i32 to index
        %get3A_323 = arith.constant 0 : index
        %get3A_324 = tpu.vector_load %arg9[%get3A_322, %get3A_323] {strides = array<i32>} : memref<200x128xf32, #tpu.memory_space<vmem>>, vector<1x16xf32>,
        %get3A_325 = vector.shape_cast %get3A_324 : vector<1x16xf32> to vector<16xf32>
        %mul3A_326 = arith.constant 64 : i32
        %mul3A_327 = arith.muli %add3A_321, %mul3A_326 : i32
        %add3A_328 = arith.constant 0 : i32
        %add3A_329 = arith.addi %mul3A_327, %add3A_328 : i32
        %get3A_330 = arith.index_cast %add3A_329 : i32 to index
        %get3A_331 = tpu.vector_load %arg7[%get3A_330] {strides = array<i32>} : memref<12800xf32, #tpu.memory_space<vmem>>, vector<16xf32>,
        %get3A_332 = vector.shape_cast %get3A_331 : vector<16xf32> to vector<16xf32>
        %add3A_333 = arith.addf %get3A_325, %get3A_332 : vector<16xf32>
        %swap3A_334 = arith.index_cast %add3A_321 : i32 to index
        %swap3A_335 = arith.constant 0 : index
        %swap3A_336 = tpu.vector_load %arg9[%swap3A_334, %swap3A_335] {strides = array<i32>} : memref<200x128xf32, #tpu.memory_space<vmem>>, vector<1x16xf32>,
        %swap3A_337 = vector.shape_cast %swap3A_336 : vector<1x16xf32> to vector<16xf32>
        %swap3A_338 = vector.shape_cast %add3A_333 : vector<16xf32> to vector<1x16xf32>
        tpu.vector_store %arg9[%swap3A_334, %swap3A_335], %swap3A_338 {strides = array<i32>} : memref<200x128xf32, #tpu.memory_space<vmem>>, vector<1x16xf32>,
        %get3A_339 = arith.index_cast %add3A_321 : i32 to index
        %get3A_340 = arith.constant 16 : index
        %get3A_341 = tpu.vector_load %arg9[%get3A_339, %get3A_340] {strides = array<i32>} : memref<200x128xf32, #tpu.memory_space<vmem>>, vector<1x16xf32>,
        %get3A_342 = vector.shape_cast %get3A_341 : vector<1x16xf32> to vector<16xf32>
        %mul3A_343 = arith.constant 64 : i32
        %mul3A_344 = arith.muli %add3A_321, %mul3A_343 : i32
        %add3A_345 = arith.constant 16 : i32
        %add3A_346 = arith.addi %mul3A_344, %add3A_345 : i32
        %get3A_347 = arith.index_cast %add3A_346 : i32 to index
        %get3A_348 = tpu.vector_load %arg7[%get3A_347] {strides = array<i32>} : memref<12800xf32, #tpu.memory_space<vmem>>, vector<16xf32>,
        %get3A_349 = vector.shape_cast %get3A_348 : vector<16xf32> to vector<16xf32>
        %add3A_350 = arith.addf %get3A_342, %get3A_349 : vector<16xf32>
        %swap3A_351 = arith.index_cast %add3A_321 : i32 to index
        %swap3A_352 = arith.constant 16 : index
        %swap3A_353 = tpu.vector_load %arg9[%swap3A_351, %swap3A_352] {strides = array<i32>} : memref<200x128xf32, #tpu.memory_space<vmem>>, vector<1x16xf32>,
        %swap3A_354 = vector.shape_cast %swap3A_353 : vector<1x16xf32> to vector<16xf32>
        %swap3A_355 = vector.shape_cast %add3A_350 : vector<16xf32> to vector<1x16xf32>
        tpu.vector_store %arg9[%swap3A_351, %swap3A_352], %swap3A_355 {strides = array<i32>} : memref<200x128xf32, #tpu.memory_space<vmem>>, vector<1x16xf32>,
        %get3A_356 = arith.index_cast %add3A_321 : i32 to index
        %get3A_357 = arith.constant 32 : index
        %get3A_358 = tpu.vector_load %arg9[%get3A_356, %get3A_357] {strides = array<i32>} : memref<200x128xf32, #tpu.memory_space<vmem>>, vector<1x16xf32>,
        %get3A_359 = vector.shape_cast %get3A_358 : vector<1x16xf32> to vector<16xf32>
        %mul3A_360 = arith.constant 64 : i32
        %mul3A_361 = arith.muli %add3A_321, %mul3A_360 : i32
        %add3A_362 = arith.constant 32 : i32
        %add3A_363 = arith.addi %mul3A_361, %add3A_362 : i32
        %get3A_364 = arith.index_cast %add3A_363 : i32 to index
        %get3A_365 = tpu.vector_load %arg7[%get3A_364] {strides = array<i32>} : memref<12800xf32, #tpu.memory_space<vmem>>, vector<16xf32>,
        %get3A_366 = vector.shape_cast %get3A_365 : vector<16xf32> to vector<16xf32>
        %add3A_367 = arith.addf %get3A_359, %get3A_366 : vector<16xf32>
        %swap3A_368 = arith.index_cast %add3A_321 : i32 to index
        %swap3A_369 = arith.constant 32 : index
        %swap3A_370 = tpu.vector_load %arg9[%swap3A_368, %swap3A_369] {strides = array<i32>} : memref<200x128xf32, #tpu.memory_space<vmem>>, vector<1x16xf32>,
        %swap3A_371 = vector.shape_cast %swap3A_370 : vector<1x16xf32> to vector<16xf32>
        %swap3A_372 = vector.shape_cast %add3A_367 : vector<16xf32> to vector<1x16xf32>
        tpu.vector_store %arg9[%swap3A_368, %swap3A_369], %swap3A_372 {strides = array<i32>} : memref<200x128xf32, #tpu.memory_space<vmem>>, vector<1x16xf32>,
        %get3A_373 = arith.index_cast %add3A_321 : i32 to index
        %get3A_374 = arith.constant 48 : index
        %get3A_375 = tpu.vector_load %arg9[%get3A_373, %get3A_374] {strides = array<i32>} : memref<200x128xf32, #tpu.memory_space<vmem>>, vector<1x16xf32>,
        %get3A_376 = vector.shape_cast %get3A_375 : vector<1x16xf32> to vector<16xf32>
        %mul3A_377 = arith.constant 64 : i32
        %mul3A_378 = arith.muli %add3A_321, %mul3A_377 : i32
        %add3A_379 = arith.constant 48 : i32
        %add3A_380 = arith.addi %mul3A_378, %add3A_379 : i32
        %get3A_381 = arith.index_cast %add3A_380 : i32 to index
        %get3A_382 = tpu.vector_load %arg7[%get3A_381] {strides = array<i32>} : memref<12800xf32, #tpu.memory_space<vmem>>, vector<16xf32>,
        %get3A_383 = vector.shape_cast %get3A_382 : vector<16xf32> to vector<16xf32>
        %add3A_384 = arith.addf %get3A_376, %get3A_383 : vector<16xf32>
        %swap3A_385 = arith.index_cast %add3A_321 : i32 to index
        %swap3A_386 = arith.constant 48 : index
        %swap3A_387 = tpu.vector_load %arg9[%swap3A_385, %swap3A_386] {strides = array<i32>} : memref<200x128xf32, #tpu.memory_space<vmem>>, vector<1x16xf32>,
        %swap3A_388 = vector.shape_cast %swap3A_387 : vector<1x16xf32> to vector<16xf32>
        %swap3A_389 = vector.shape_cast %add3A_384 : vector<16xf32> to vector<1x16xf32>
        tpu.vector_store %arg9[%swap3A_385, %swap3A_386], %swap3A_389 {strides = array<i32>} : memref<200x128xf32, #tpu.memory_space<vmem>>, vector<1x16xf32>,
        %scan3A_390 = arith.constant 2 : i32
        %scan3A_391 = arith.addi %scan3A_245, %scan3A_390 : i32
        %mul3A_392 = arith.constant 1 : i32
        %mul3A_393 = arith.muli %scan3A_391, %mul3A_392 : i32
        %add3A_394 = arith.constant 0 : i32
        %add3A_395 = arith.addi %add3A_394, %mul3A_393 : i32
        %get3A_396 = arith.index_cast %add3A_395 : i32 to index
        %get3A_397 = arith.constant 0 : index
        %get3A_398 = tpu.vector_load %arg9[%get3A_396, %get3A_397] {strides = array<i32>} : memref<200x128xf32, #tpu.memory_space<vmem>>, vector<1x16xf32>,
        %get3A_399 = vector.shape_cast %get3A_398 : vector<1x16xf32> to vector<16xf32>
        %mul3A_400 = arith.constant 64 : i32
        %mul3A_401 = arith.muli %add3A_395, %mul3A_400 : i32
        %add3A_402 = arith.constant 0 : i32
        %add3A_403 = arith.addi %mul3A_401, %add3A_402 : i32
        %get3A_404 = arith.index_cast %add3A_403 : i32 to index
        %get3A_405 = tpu.vector_load %arg7[%get3A_404] {strides = array<i32>} : memref<12800xf32, #tpu.memory_space<vmem>>, vector<16xf32>,
        %get3A_406 = vector.shape_cast %get3A_405 : vector<16xf32> to vector<16xf32>
        %add3A_407 = arith.addf %get3A_399, %get3A_406 : vector<16xf32>
        %swap3A_408 = arith.index_cast %add3A_395 : i32 to index
        %swap3A_409 = arith.constant 0 : index
        %swap3A_410 = tpu.vector_load %arg9[%swap3A_408, %swap3A_409] {strides = array<i32>} : memref<200x128xf32, #tpu.memory_space<vmem>>, vector<1x16xf32>,
        %swap3A_411 = vector.shape_cast %swap3A_410 : vector<1x16xf32> to vector<16xf32>
        %swap3A_412 = vector.shape_cast %add3A_407 : vector<16xf32> to vector<1x16xf32>
        tpu.vector_store %arg9[%swap3A_408, %swap3A_409], %swap3A_412 {strides = array<i32>} : memref<200x128xf32, #tpu.memory_space<vmem>>, vector<1x16xf32>,
        %get3A_413 = arith.index_cast %add3A_395 : i32 to index
        %get3A_414 = arith.constant 16 : index
        %get3A_415 = tpu.vector_load %arg9[%get3A_413, %get3A_414] {strides = array<i32>} : memref<200x128xf32, #tpu.memory_space<vmem>>, vector<1x16xf32>,
        %get3A_416 = vector.shape_cast %get3A_415 : vector<1x16xf32> to vector<16xf32>
        %mul3A_417 = arith.constant 64 : i32
        %mul3A_418 = arith.muli %add3A_395, %mul3A_417 : i32
        %add3A_419 = arith.constant 16 : i32
        %add3A_420 = arith.addi %mul3A_418, %add3A_419 : i32
        %get3A_421 = arith.index_cast %add3A_420 : i32 to index
        %get3A_422 = tpu.vector_load %arg7[%get3A_421] {strides = array<i32>} : memref<12800xf32, #tpu.memory_space<vmem>>, vector<16xf32>,
        %get3A_423 = vector.shape_cast %get3A_422 : vector<16xf32> to vector<16xf32>
        %add3A_424 = arith.addf %get3A_416, %get3A_423 : vector<16xf32>
        %swap3A_425 = arith.index_cast %add3A_395 : i32 to index
        %swap3A_426 = arith.constant 16 : index
        %swap3A_427 = tpu.vector_load %arg9[%swap3A_425, %swap3A_426] {strides = array<i32>} : memref<200x128xf32, #tpu.memory_space<vmem>>, vector<1x16xf32>,
        %swap3A_428 = vector.shape_cast %swap3A_427 : vector<1x16xf32> to vector<16xf32>
        %swap3A_429 = vector.shape_cast %add3A_424 : vector<16xf32> to vector<1x16xf32>
        tpu.vector_store %arg9[%swap3A_425, %swap3A_426], %swap3A_429 {strides = array<i32>} : memref<200x128xf32, #tpu.memory_space<vmem>>, vector<1x16xf32>,
        %get3A_430 = arith.index_cast %add3A_395 : i32 to index
        %get3A_431 = arith.constant 32 : index
        %get3A_432 = tpu.vector_load %arg9[%get3A_430, %get3A_431] {strides = array<i32>} : memref<200x128xf32, #tpu.memory_space<vmem>>, vector<1x16xf32>,
        %get3A_433 = vector.shape_cast %get3A_432 : vector<1x16xf32> to vector<16xf32>
        %mul3A_434 = arith.constant 64 : i32
        %mul3A_435 = arith.muli %add3A_395, %mul3A_434 : i32
        %add3A_436 = arith.constant 32 : i32
        %add3A_437 = arith.addi %mul3A_435, %add3A_436 : i32
        %get3A_438 = arith.index_cast %add3A_437 : i32 to index
        %get3A_439 = tpu.vector_load %arg7[%get3A_438] {strides = array<i32>} : memref<12800xf32, #tpu.memory_space<vmem>>, vector<16xf32>,
        %get3A_440 = vector.shape_cast %get3A_439 : vector<16xf32> to vector<16xf32>
        %add3A_441 = arith.addf %get3A_433, %get3A_440 : vector<16xf32>
        %swap3A_442 = arith.index_cast %add3A_395 : i32 to index
        %swap3A_443 = arith.constant 32 : index
        %swap3A_444 = tpu.vector_load %arg9[%swap3A_442, %swap3A_443] {strides = array<i32>} : memref<200x128xf32, #tpu.memory_space<vmem>>, vector<1x16xf32>,
        %swap3A_445 = vector.shape_cast %swap3A_444 : vector<1x16xf32> to vector<16xf32>
        %swap3A_446 = vector.shape_cast %add3A_441 : vector<16xf32> to vector<1x16xf32>
        tpu.vector_store %arg9[%swap3A_442, %swap3A_443], %swap3A_446 {strides = array<i32>} : memref<200x128xf32, #tpu.memory_space<vmem>>, vector<1x16xf32>,
        %get3A_447 = arith.index_cast %add3A_395 : i32 to index
        %get3A_448 = arith.constant 48 : index
        %get3A_449 = tpu.vector_load %arg9[%get3A_447, %get3A_448] {strides = array<i32>} : memref<200x128xf32, #tpu.memory_space<vmem>>, vector<1x16xf32>,
        %get3A_450 = vector.shape_cast %get3A_449 : vector<1x16xf32> to vector<16xf32>
        %mul3A_451 = arith.constant 64 : i32
        %mul3A_452 = arith.muli %add3A_395, %mul3A_451 : i32
        %add3A_453 = arith.constant 48 : i32
        %add3A_454 = arith.addi %mul3A_452, %add3A_453 : i32
        %get3A_455 = arith.index_cast %add3A_454 : i32 to index
        %get3A_456 = tpu.vector_load %arg7[%get3A_455] {strides = array<i32>} : memref<12800xf32, #tpu.memory_space<vmem>>, vector<16xf32>,
        %get3A_457 = vector.shape_cast %get3A_456 : vector<16xf32> to vector<16xf32>
        %add3A_458 = arith.addf %get3A_450, %get3A_457 : vector<16xf32>
        %swap3A_459 = arith.index_cast %add3A_395 : i32 to index
        %swap3A_460 = arith.constant 48 : index
        %swap3A_461 = tpu.vector_load %arg9[%swap3A_459, %swap3A_460] {strides = array<i32>} : memref<200x128xf32, #tpu.memory_space<vmem>>, vector<1x16xf32>,
        %swap3A_462 = vector.shape_cast %swap3A_461 : vector<1x16xf32> to vector<16xf32>
        %swap3A_463 = vector.shape_cast %add3A_458 : vector<16xf32> to vector<1x16xf32>
        tpu.vector_store %arg9[%swap3A_459, %swap3A_460], %swap3A_463 {strides = array<i32>} : memref<200x128xf32, #tpu.memory_space<vmem>>, vector<1x16xf32>,
        %scan3A_464 = arith.constant 3 : i32
        %scan3A_465 = arith.addi %scan3A_245, %scan3A_464 : i32
        %mul3A_466 = arith.constant 1 : i32
        %mul3A_467 = arith.muli %scan3A_465, %mul3A_466 : i32
        %add3A_468 = arith.constant 0 : i32
        %add3A_469 = arith.addi %add3A_468, %mul3A_467 : i32
        %get3A_470 = arith.index_cast %add3A_469 : i32 to index
        %get3A_471 = arith.constant 0 : index
        %get3A_472 = tpu.vector_load %arg9[%get3A_470, %get3A_471] {strides = array<i32>} : memref<200x128xf32, #tpu.memory_space<vmem>>, vector<1x16xf32>,
        %get3A_473 = vector.shape_cast %get3A_472 : vector<1x16xf32> to vector<16xf32>
        %mul3A_474 = arith.constant 64 : i32
        %mul3A_475 = arith.muli %add3A_469, %mul3A_474 : i32
        %add3A_476 = arith.constant 0 : i32
        %add3A_477 = arith.addi %mul3A_475, %add3A_476 : i32
        %get3A_478 = arith.index_cast %add3A_477 : i32 to index
        %get3A_479 = tpu.vector_load %arg7[%get3A_478] {strides = array<i32>} : memref<12800xf32, #tpu.memory_space<vmem>>, vector<16xf32>,
        %get3A_480 = vector.shape_cast %get3A_479 : vector<16xf32> to vector<16xf32>
        %add3A_481 = arith.addf %get3A_473, %get3A_480 : vector<16xf32>
        %swap3A_482 = arith.index_cast %add3A_469 : i32 to index
        %swap3A_483 = arith.constant 0 : index
        %swap3A_484 = tpu.vector_load %arg9[%swap3A_482, %swap3A_483] {strides = array<i32>} : memref<200x128xf32, #tpu.memory_space<vmem>>, vector<1x16xf32>,
        %swap3A_485 = vector.shape_cast %swap3A_484 : vector<1x16xf32> to vector<16xf32>
        %swap3A_486 = vector.shape_cast %add3A_481 : vector<16xf32> to vector<1x16xf32>
        tpu.vector_store %arg9[%swap3A_482, %swap3A_483], %swap3A_486 {strides = array<i32>} : memref<200x128xf32, #tpu.memory_space<vmem>>, vector<1x16xf32>,
        %get3A_487 = arith.index_cast %add3A_469 : i32 to index
        %get3A_488 = arith.constant 16 : index
        %get3A_489 = tpu.vector_load %arg9[%get3A_487, %get3A_488] {strides = array<i32>} : memref<200x128xf32, #tpu.memory_space<vmem>>, vector<1x16xf32>,
        %get3A_490 = vector.shape_cast %get3A_489 : vector<1x16xf32> to vector<16xf32>
        %mul3A_491 = arith.constant 64 : i32
        %mul3A_492 = arith.muli %add3A_469, %mul3A_491 : i32
        %add3A_493 = arith.constant 16 : i32
        %add3A_494 = arith.addi %mul3A_492, %add3A_493 : i32
        %get3A_495 = arith.index_cast %add3A_494 : i32 to index
        %get3A_496 = tpu.vector_load %arg7[%get3A_495] {strides = array<i32>} : memref<12800xf32, #tpu.memory_space<vmem>>, vector<16xf32>,
        %get3A_497 = vector.shape_cast %get3A_496 : vector<16xf32> to vector<16xf32>
        %add3A_498 = arith.addf %get3A_490, %get3A_497 : vector<16xf32>
        %swap3A_499 = arith.index_cast %add3A_469 : i32 to index
        %swap3A_500 = arith.constant 16 : index
        %swap3A_501 = tpu.vector_load %arg9[%swap3A_499, %swap3A_500] {strides = array<i32>} : memref<200x128xf32, #tpu.memory_space<vmem>>, vector<1x16xf32>,
        %swap3A_502 = vector.shape_cast %swap3A_501 : vector<1x16xf32> to vector<16xf32>
        %swap3A_503 = vector.shape_cast %add3A_498 : vector<16xf32> to vector<1x16xf32>
        tpu.vector_store %arg9[%swap3A_499, %swap3A_500], %swap3A_503 {strides = array<i32>} : memref<200x128xf32, #tpu.memory_space<vmem>>, vector<1x16xf32>,
        %get3A_504 = arith.index_cast %add3A_469 : i32 to index
        %get3A_505 = arith.constant 32 : index
        %get3A_506 = tpu.vector_load %arg9[%get3A_504, %get3A_505] {strides = array<i32>} : memref<200x128xf32, #tpu.memory_space<vmem>>, vector<1x16xf32>,
        %get3A_507 = vector.shape_cast %get3A_506 : vector<1x16xf32> to vector<16xf32>
        %mul3A_508 = arith.constant 64 : i32
        %mul3A_509 = arith.muli %add3A_469, %mul3A_508 : i32
        %add3A_510 = arith.constant 32 : i32
        %add3A_511 = arith.addi %mul3A_509, %add3A_510 : i32
        %get3A_512 = arith.index_cast %add3A_511 : i32 to index
        %get3A_513 = tpu.vector_load %arg7[%get3A_512] {strides = array<i32>} : memref<12800xf32, #tpu.memory_space<vmem>>, vector<16xf32>,
        %get3A_514 = vector.shape_cast %get3A_513 : vector<16xf32> to vector<16xf32>
        %add3A_515 = arith.addf %get3A_507, %get3A_514 : vector<16xf32>
        %swap3A_516 = arith.index_cast %add3A_469 : i32 to index
        %swap3A_517 = arith.constant 32 : index
        %swap3A_518 = tpu.vector_load %arg9[%swap3A_516, %swap3A_517] {strides = array<i32>} : memref<200x128xf32, #tpu.memory_space<vmem>>, vector<1x16xf32>,
        %swap3A_519 = vector.shape_cast %swap3A_518 : vector<1x16xf32> to vector<16xf32>
        %swap3A_520 = vector.shape_cast %add3A_515 : vector<16xf32> to vector<1x16xf32>
        tpu.vector_store %arg9[%swap3A_516, %swap3A_517], %swap3A_520 {strides = array<i32>} : memref<200x128xf32, #tpu.memory_space<vmem>>, vector<1x16xf32>,
        %get3A_521 = arith.index_cast %add3A_469 : i32 to index
        %get3A_522 = arith.constant 48 : index
        %get3A_523 = tpu.vector_load %arg9[%get3A_521, %get3A_522] {strides = array<i32>} : memref<200x128xf32, #tpu.memory_space<vmem>>, vector<1x16xf32>,
        %get3A_524 = vector.shape_cast %get3A_523 : vector<1x16xf32> to vector<16xf32>
        %mul3A_525 = arith.constant 64 : i32
        %mul3A_526 = arith.muli %add3A_469, %mul3A_525 : i32
        %add3A_527 = arith.constant 48 : i32
        %add3A_528 = arith.addi %mul3A_526, %add3A_527 : i32
        %get3A_529 = arith.index_cast %add3A_528 : i32 to index
        %get3A_530 = tpu.vector_load %arg7[%get3A_529] {strides = array<i32>} : memref<12800xf32, #tpu.memory_space<vmem>>, vector<16xf32>,
        %get3A_531 = vector.shape_cast %get3A_530 : vector<16xf32> to vector<16xf32>
        %add3A_532 = arith.addf %get3A_524, %get3A_531 : vector<16xf32>
        %swap3A_533 = arith.index_cast %add3A_469 : i32 to index
        %swap3A_534 = arith.constant 48 : index
        %swap3A_535 = tpu.vector_load %arg9[%swap3A_533, %swap3A_534] {strides = array<i32>} : memref<200x128xf32, #tpu.memory_space<vmem>>, vector<1x16xf32>,
        %swap3A_536 = vector.shape_cast %swap3A_535 : vector<1x16xf32> to vector<16xf32>
        %swap3A_537 = vector.shape_cast %add3A_532 : vector<16xf32> to vector<1x16xf32>
        tpu.vector_store %arg9[%swap3A_533, %swap3A_534], %swap3A_537 {strides = array<i32>} : memref<200x128xf32, #tpu.memory_space<vmem>>, vector<1x16xf32>,
        %scan3A_538 = arith.constant 4 : i32
        %scan3A_539 = arith.addi %scan3A_245, %scan3A_538 : i32
        %mul3A_540 = arith.constant 1 : i32
        %mul3A_541 = arith.muli %scan3A_539, %mul3A_540 : i32
        %add3A_542 = arith.constant 0 : i32
        %add3A_543 = arith.addi %add3A_542, %mul3A_541 : i32
        %get3A_544 = arith.index_cast %add3A_543 : i32 to index
        %get3A_545 = arith.constant 0 : index
        %get3A_546 = tpu.vector_load %arg9[%get3A_544, %get3A_545] {strides = array<i32>} : memref<200x128xf32, #tpu.memory_space<vmem>>, vector<1x16xf32>,
        %get3A_547 = vector.shape_cast %get3A_546 : vector<1x16xf32> to vector<16xf32>
        %mul3A_548 = arith.constant 64 : i32
        %mul3A_549 = arith.muli %add3A_543, %mul3A_548 : i32
        %add3A_550 = arith.constant 0 : i32
        %add3A_551 = arith.addi %mul3A_549, %add3A_550 : i32
        %get3A_552 = arith.index_cast %add3A_551 : i32 to index
        %get3A_553 = tpu.vector_load %arg7[%get3A_552] {strides = array<i32>} : memref<12800xf32, #tpu.memory_space<vmem>>, vector<16xf32>,
        %get3A_554 = vector.shape_cast %get3A_553 : vector<16xf32> to vector<16xf32>
        %add3A_555 = arith.addf %get3A_547, %get3A_554 : vector<16xf32>
        %swap3A_556 = arith.index_cast %add3A_543 : i32 to index
        %swap3A_557 = arith.constant 0 : index
        %swap3A_558 = tpu.vector_load %arg9[%swap3A_556, %swap3A_557] {strides = array<i32>} : memref<200x128xf32, #tpu.memory_space<vmem>>, vector<1x16xf32>,
        %swap3A_559 = vector.shape_cast %swap3A_558 : vector<1x16xf32> to vector<16xf32>
        %swap3A_560 = vector.shape_cast %add3A_555 : vector<16xf32> to vector<1x16xf32>
        tpu.vector_store %arg9[%swap3A_556, %swap3A_557], %swap3A_560 {strides = array<i32>} : memref<200x128xf32, #tpu.memory_space<vmem>>, vector<1x16xf32>,
        %get3A_561 = arith.index_cast %add3A_543 : i32 to index
        %get3A_562 = arith.constant 16 : index
        %get3A_563 = tpu.vector_load %arg9[%get3A_561, %get3A_562] {strides = array<i32>} : memref<200x128xf32, #tpu.memory_space<vmem>>, vector<1x16xf32>,
        %get3A_564 = vector.shape_cast %get3A_563 : vector<1x16xf32> to vector<16xf32>
        %mul3A_565 = arith.constant 64 : i32
        %mul3A_566 = arith.muli %add3A_543, %mul3A_565 : i32
        %add3A_567 = arith.constant 16 : i32
        %add3A_568 = arith.addi %mul3A_566, %add3A_567 : i32
        %get3A_569 = arith.index_cast %add3A_568 : i32 to index
        %get3A_570 = tpu.vector_load %arg7[%get3A_569] {strides = array<i32>} : memref<12800xf32, #tpu.memory_space<vmem>>, vector<16xf32>,
        %get3A_571 = vector.shape_cast %get3A_570 : vector<16xf32> to vector<16xf32>
        %add3A_572 = arith.addf %get3A_564, %get3A_571 : vector<16xf32>
        %swap3A_573 = arith.index_cast %add3A_543 : i32 to index
        %swap3A_574 = arith.constant 16 : index
        %swap3A_575 = tpu.vector_load %arg9[%swap3A_573, %swap3A_574] {strides = array<i32>} : memref<200x128xf32, #tpu.memory_space<vmem>>, vector<1x16xf32>,
        %swap3A_576 = vector.shape_cast %swap3A_575 : vector<1x16xf32> to vector<16xf32>
        %swap3A_577 = vector.shape_cast %add3A_572 : vector<16xf32> to vector<1x16xf32>
        tpu.vector_store %arg9[%swap3A_573, %swap3A_574], %swap3A_577 {strides = array<i32>} : memref<200x128xf32, #tpu.memory_space<vmem>>, vector<1x16xf32>,
        %get3A_578 = arith.index_cast %add3A_543 : i32 to index
        %get3A_579 = arith.constant 32 : index
        %get3A_580 = tpu.vector_load %arg9[%get3A_578, %get3A_579] {strides = array<i32>} : memref<200x128xf32, #tpu.memory_space<vmem>>, vector<1x16xf32>,
        %get3A_581 = vector.shape_cast %get3A_580 : vector<1x16xf32> to vector<16xf32>
        %mul3A_582 = arith.constant 64 : i32
        %mul3A_583 = arith.muli %add3A_543, %mul3A_582 : i32
        %add3A_584 = arith.constant 32 : i32
        %add3A_585 = arith.addi %mul3A_583, %add3A_584 : i32
        %get3A_586 = arith.index_cast %add3A_585 : i32 to index
        %get3A_587 = tpu.vector_load %arg7[%get3A_586] {strides = array<i32>} : memref<12800xf32, #tpu.memory_space<vmem>>, vector<16xf32>,
        %get3A_588 = vector.shape_cast %get3A_587 : vector<16xf32> to vector<16xf32>
        %add3A_589 = arith.addf %get3A_581, %get3A_588 : vector<16xf32>
        %swap3A_590 = arith.index_cast %add3A_543 : i32 to index
        %swap3A_591 = arith.constant 32 : index
        %swap3A_592 = tpu.vector_load %arg9[%swap3A_590, %swap3A_591] {strides = array<i32>} : memref<200x128xf32, #tpu.memory_space<vmem>>, vector<1x16xf32>,
        %swap3A_593 = vector.shape_cast %swap3A_592 : vector<1x16xf32> to vector<16xf32>
        %swap3A_594 = vector.shape_cast %add3A_589 : vector<16xf32> to vector<1x16xf32>
        tpu.vector_store %arg9[%swap3A_590, %swap3A_591], %swap3A_594 {strides = array<i32>} : memref<200x128xf32, #tpu.memory_space<vmem>>, vector<1x16xf32>,
        %get3A_595 = arith.index_cast %add3A_543 : i32 to index
        %get3A_596 = arith.constant 48 : index
        %get3A_597 = tpu.vector_load %arg9[%get3A_595, %get3A_596] {strides = array<i32>} : memref<200x128xf32, #tpu.memory_space<vmem>>, vector<1x16xf32>,
        %get3A_598 = vector.shape_cast %get3A_597 : vector<1x16xf32> to vector<16xf32>
        %mul3A_599 = arith.constant 64 : i32
        %mul3A_600 = arith.muli %add3A_543, %mul3A_599 : i32
        %add3A_601 = arith.constant 48 : i32
        %add3A_602 = arith.addi %mul3A_600, %add3A_601 : i32
        %get3A_603 = arith.index_cast %add3A_602 : i32 to index
        %get3A_604 = tpu.vector_load %arg7[%get3A_603] {strides = array<i32>} : memref<12800xf32, #tpu.memory_space<vmem>>, vector<16xf32>,
        %get3A_605 = vector.shape_cast %get3A_604 : vector<16xf32> to vector<16xf32>
        %add3A_606 = arith.addf %get3A_598, %get3A_605 : vector<16xf32>
        %swap3A_607 = arith.index_cast %add3A_543 : i32 to index
        %swap3A_608 = arith.constant 48 : index
        %swap3A_609 = tpu.vector_load %arg9[%swap3A_607, %swap3A_608] {strides = array<i32>} : memref<200x128xf32, #tpu.memory_space<vmem>>, vector<1x16xf32>,
        %swap3A_610 = vector.shape_cast %swap3A_609 : vector<1x16xf32> to vector<16xf32>
        %swap3A_611 = vector.shape_cast %add3A_606 : vector<16xf32> to vector<1x16xf32>
        tpu.vector_store %arg9[%swap3A_607, %swap3A_608], %swap3A_611 {strides = array<i32>} : memref<200x128xf32, #tpu.memory_space<vmem>>, vector<1x16xf32>,
        %scan3A_612 = arith.constant 5 : i32
        %scan3A_613 = arith.addi %scan3A_245, %scan3A_612 : i32
        %mul3A_614 = arith.constant 1 : i32
        %mul3A_615 = arith.muli %scan3A_613, %mul3A_614 : i32
        %add3A_616 = arith.constant 0 : i32
        %add3A_617 = arith.addi %add3A_616, %mul3A_615 : i32
        %get3A_618 = arith.index_cast %add3A_617 : i32 to index
        %get3A_619 = arith.constant 0 : index
        %get3A_620 = tpu.vector_load %arg9[%get3A_618, %get3A_619] {strides = array<i32>} : memref<200x128xf32, #tpu.memory_space<vmem>>, vector<1x16xf32>,
        %get3A_621 = vector.shape_cast %get3A_620 : vector<1x16xf32> to vector<16xf32>
        %mul3A_622 = arith.constant 64 : i32
        %mul3A_623 = arith.muli %add3A_617, %mul3A_622 : i32
        %add3A_624 = arith.constant 0 : i32
        %add3A_625 = arith.addi %mul3A_623, %add3A_624 : i32
        %get3A_626 = arith.index_cast %add3A_625 : i32 to index
        %get3A_627 = tpu.vector_load %arg7[%get3A_626] {strides = array<i32>} : memref<12800xf32, #tpu.memory_space<vmem>>, vector<16xf32>,
        %get3A_628 = vector.shape_cast %get3A_627 : vector<16xf32> to vector<16xf32>
        %add3A_629 = arith.addf %get3A_621, %get3A_628 : vector<16xf32>
        %swap3A_630 = arith.index_cast %add3A_617 : i32 to index
        %swap3A_631 = arith.constant 0 : index
        %swap3A_632 = tpu.vector_load %arg9[%swap3A_630, %swap3A_631] {strides = array<i32>} : memref<200x128xf32, #tpu.memory_space<vmem>>, vector<1x16xf32>,
        %swap3A_633 = vector.shape_cast %swap3A_632 : vector<1x16xf32> to vector<16xf32>
        %swap3A_634 = vector.shape_cast %add3A_629 : vector<16xf32> to vector<1x16xf32>
        tpu.vector_store %arg9[%swap3A_630, %swap3A_631], %swap3A_634 {strides = array<i32>} : memref<200x128xf32, #tpu.memory_space<vmem>>, vector<1x16xf32>,
        %get3A_635 = arith.index_cast %add3A_617 : i32 to index
        %get3A_636 = arith.constant 16 : index
        %get3A_637 = tpu.vector_load %arg9[%get3A_635, %get3A_636] {strides = array<i32>} : memref<200x128xf32, #tpu.memory_space<vmem>>, vector<1x16xf32>,
        %get3A_638 = vector.shape_cast %get3A_637 : vector<1x16xf32> to vector<16xf32>
        %mul3A_639 = arith.constant 64 : i32
        %mul3A_640 = arith.muli %add3A_617, %mul3A_639 : i32
        %add3A_641 = arith.constant 16 : i32
        %add3A_642 = arith.addi %mul3A_640, %add3A_641 : i32
        %get3A_643 = arith.index_cast %add3A_642 : i32 to index
        %get3A_644 = tpu.vector_load %arg7[%get3A_643] {strides = array<i32>} : memref<12800xf32, #tpu.memory_space<vmem>>, vector<16xf32>,
        %get3A_645 = vector.shape_cast %get3A_644 : vector<16xf32> to vector<16xf32>
        %add3A_646 = arith.addf %get3A_638, %get3A_645 : vector<16xf32>
        %swap3A_647 = arith.index_cast %add3A_617 : i32 to index
        %swap3A_648 = arith.constant 16 : index
        %swap3A_649 = tpu.vector_load %arg9[%swap3A_647, %swap3A_648] {strides = array<i32>} : memref<200x128xf32, #tpu.memory_space<vmem>>, vector<1x16xf32>,
        %swap3A_650 = vector.shape_cast %swap3A_649 : vector<1x16xf32> to vector<16xf32>
        %swap3A_651 = vector.shape_cast %add3A_646 : vector<16xf32> to vector<1x16xf32>
        tpu.vector_store %arg9[%swap3A_647, %swap3A_648], %swap3A_651 {strides = array<i32>} : memref<200x128xf32, #tpu.memory_space<vmem>>, vector<1x16xf32>,
        %get3A_652 = arith.index_cast %add3A_617 : i32 to index
        %get3A_653 = arith.constant 32 : index
        %get3A_654 = tpu.vector_load %arg9[%get3A_652, %get3A_653] {strides = array<i32>} : memref<200x128xf32, #tpu.memory_space<vmem>>, vector<1x16xf32>,
        %get3A_655 = vector.shape_cast %get3A_654 : vector<1x16xf32> to vector<16xf32>
        %mul3A_656 = arith.constant 64 : i32
        %mul3A_657 = arith.muli %add3A_617, %mul3A_656 : i32
        %add3A_658 = arith.constant 32 : i32
        %add3A_659 = arith.addi %mul3A_657, %add3A_658 : i32
        %get3A_660 = arith.index_cast %add3A_659 : i32 to index
        %get3A_661 = tpu.vector_load %arg7[%get3A_660] {strides = array<i32>} : memref<12800xf32, #tpu.memory_space<vmem>>, vector<16xf32>,
        %get3A_662 = vector.shape_cast %get3A_661 : vector<16xf32> to vector<16xf32>
        %add3A_663 = arith.addf %get3A_655, %get3A_662 : vector<16xf32>
        %swap3A_664 = arith.index_cast %add3A_617 : i32 to index
        %swap3A_665 = arith.constant 32 : index
        %swap3A_666 = tpu.vector_load %arg9[%swap3A_664, %swap3A_665] {strides = array<i32>} : memref<200x128xf32, #tpu.memory_space<vmem>>, vector<1x16xf32>,
        %swap3A_667 = vector.shape_cast %swap3A_666 : vector<1x16xf32> to vector<16xf32>
        %swap3A_668 = vector.shape_cast %add3A_663 : vector<16xf32> to vector<1x16xf32>
        tpu.vector_store %arg9[%swap3A_664, %swap3A_665], %swap3A_668 {strides = array<i32>} : memref<200x128xf32, #tpu.memory_space<vmem>>, vector<1x16xf32>,
        %get3A_669 = arith.index_cast %add3A_617 : i32 to index
        %get3A_670 = arith.constant 48 : index
        %get3A_671 = tpu.vector_load %arg9[%get3A_669, %get3A_670] {strides = array<i32>} : memref<200x128xf32, #tpu.memory_space<vmem>>, vector<1x16xf32>,
        %get3A_672 = vector.shape_cast %get3A_671 : vector<1x16xf32> to vector<16xf32>
        %mul3A_673 = arith.constant 64 : i32
        %mul3A_674 = arith.muli %add3A_617, %mul3A_673 : i32
        %add3A_675 = arith.constant 48 : i32
        %add3A_676 = arith.addi %mul3A_674, %add3A_675 : i32
        %get3A_677 = arith.index_cast %add3A_676 : i32 to index
        %get3A_678 = tpu.vector_load %arg7[%get3A_677] {strides = array<i32>} : memref<12800xf32, #tpu.memory_space<vmem>>, vector<16xf32>,
        %get3A_679 = vector.shape_cast %get3A_678 : vector<16xf32> to vector<16xf32>
        %add3A_680 = arith.addf %get3A_672, %get3A_679 : vector<16xf32>
        %swap3A_681 = arith.index_cast %add3A_617 : i32 to index
        %swap3A_682 = arith.constant 48 : index
        %swap3A_683 = tpu.vector_load %arg9[%swap3A_681, %swap3A_682] {strides = array<i32>} : memref<200x128xf32, #tpu.memory_space<vmem>>, vector<1x16xf32>,
        %swap3A_684 = vector.shape_cast %swap3A_683 : vector<1x16xf32> to vector<16xf32>
        %swap3A_685 = vector.shape_cast %add3A_680 : vector<16xf32> to vector<1x16xf32>
        tpu.vector_store %arg9[%swap3A_681, %swap3A_682], %swap3A_685 {strides = array<i32>} : memref<200x128xf32, #tpu.memory_space<vmem>>, vector<1x16xf32>,
        %scan3A_686 = arith.constant 6 : i32
        %scan3A_687 = arith.addi %scan3A_245, %scan3A_686 : i32
        %mul3A_688 = arith.constant 1 : i32
        %mul3A_689 = arith.muli %scan3A_687, %mul3A_688 : i32
        %add3A_690 = arith.constant 0 : i32
        %add3A_691 = arith.addi %add3A_690, %mul3A_689 : i32
        %get3A_692 = arith.index_cast %add3A_691 : i32 to index
        %get3A_693 = arith.constant 0 : index
        %get3A_694 = tpu.vector_load %arg9[%get3A_692, %get3A_693] {strides = array<i32>} : memref<200x128xf32, #tpu.memory_space<vmem>>, vector<1x16xf32>,
        %get3A_695 = vector.shape_cast %get3A_694 : vector<1x16xf32> to vector<16xf32>
        %mul3A_696 = arith.constant 64 : i32
        %mul3A_697 = arith.muli %add3A_691, %mul3A_696 : i32
        %add3A_698 = arith.constant 0 : i32
        %add3A_699 = arith.addi %mul3A_697, %add3A_698 : i32
        %get3A_700 = arith.index_cast %add3A_699 : i32 to index
        %get3A_701 = tpu.vector_load %arg7[%get3A_700] {strides = array<i32>} : memref<12800xf32, #tpu.memory_space<vmem>>, vector<16xf32>,
        %get3A_702 = vector.shape_cast %get3A_701 : vector<16xf32> to vector<16xf32>
        %add3A_703 = arith.addf %get3A_695, %get3A_702 : vector<16xf32>
        %swap3A_704 = arith.index_cast %add3A_691 : i32 to index
        %swap3A_705 = arith.constant 0 : index
        %swap3A_706 = tpu.vector_load %arg9[%swap3A_704, %swap3A_705] {strides = array<i32>} : memref<200x128xf32, #tpu.memory_space<vmem>>, vector<1x16xf32>,
        %swap3A_707 = vector.shape_cast %swap3A_706 : vector<1x16xf32> to vector<16xf32>
        %swap3A_708 = vector.shape_cast %add3A_703 : vector<16xf32> to vector<1x16xf32>
        tpu.vector_store %arg9[%swap3A_704, %swap3A_705], %swap3A_708 {strides = array<i32>} : memref<200x128xf32, #tpu.memory_space<vmem>>, vector<1x16xf32>,
        %get3A_709 = arith.index_cast %add3A_691 : i32 to index
        %get3A_710 = arith.constant 16 : index
        %get3A_711 = tpu.vector_load %arg9[%get3A_709, %get3A_710] {strides = array<i32>} : memref<200x128xf32, #tpu.memory_space<vmem>>, vector<1x16xf32>,
        %get3A_712 = vector.shape_cast %get3A_711 : vector<1x16xf32> to vector<16xf32>
        %mul3A_713 = arith.constant 64 : i32
        %mul3A_714 = arith.muli %add3A_691, %mul3A_713 : i32
        %add3A_715 = arith.constant 16 : i32
        %add3A_716 = arith.addi %mul3A_714, %add3A_715 : i32
        %get3A_717 = arith.index_cast %add3A_716 : i32 to index
        %get3A_718 = tpu.vector_load %arg7[%get3A_717] {strides = array<i32>} : memref<12800xf32, #tpu.memory_space<vmem>>, vector<16xf32>,
        %get3A_719 = vector.shape_cast %get3A_718 : vector<16xf32> to vector<16xf32>
        %add3A_720 = arith.addf %get3A_712, %get3A_719 : vector<16xf32>
        %swap3A_721 = arith.index_cast %add3A_691 : i32 to index
        %swap3A_722 = arith.constant 16 : index
        %swap3A_723 = tpu.vector_load %arg9[%swap3A_721, %swap3A_722] {strides = array<i32>} : memref<200x128xf32, #tpu.memory_space<vmem>>, vector<1x16xf32>,
        %swap3A_724 = vector.shape_cast %swap3A_723 : vector<1x16xf32> to vector<16xf32>
        %swap3A_725 = vector.shape_cast %add3A_720 : vector<16xf32> to vector<1x16xf32>
        tpu.vector_store %arg9[%swap3A_721, %swap3A_722], %swap3A_725 {strides = array<i32>} : memref<200x128xf32, #tpu.memory_space<vmem>>, vector<1x16xf32>,
        %get3A_726 = arith.index_cast %add3A_691 : i32 to index
        %get3A_727 = arith.constant 32 : index
        %get3A_728 = tpu.vector_load %arg9[%get3A_726, %get3A_727] {strides = array<i32>} : memref<200x128xf32, #tpu.memory_space<vmem>>, vector<1x16xf32>,
        %get3A_729 = vector.shape_cast %get3A_728 : vector<1x16xf32> to vector<16xf32>
        %mul3A_730 = arith.constant 64 : i32
        %mul3A_731 = arith.muli %add3A_691, %mul3A_730 : i32
        %add3A_732 = arith.constant 32 : i32
        %add3A_733 = arith.addi %mul3A_731, %add3A_732 : i32
        %get3A_734 = arith.index_cast %add3A_733 : i32 to index
        %get3A_735 = tpu.vector_load %arg7[%get3A_734] {strides = array<i32>} : memref<12800xf32, #tpu.memory_space<vmem>>, vector<16xf32>,
        %get3A_736 = vector.shape_cast %get3A_735 : vector<16xf32> to vector<16xf32>
        %add3A_737 = arith.addf %get3A_729, %get3A_736 : vector<16xf32>
        %swap3A_738 = arith.index_cast %add3A_691 : i32 to index
        %swap3A_739 = arith.constant 32 : index
        %swap3A_740 = tpu.vector_load %arg9[%swap3A_738, %swap3A_739] {strides = array<i32>} : memref<200x128xf32, #tpu.memory_space<vmem>>, vector<1x16xf32>,
        %swap3A_741 = vector.shape_cast %swap3A_740 : vector<1x16xf32> to vector<16xf32>
        %swap3A_742 = vector.shape_cast %add3A_737 : vector<16xf32> to vector<1x16xf32>
        tpu.vector_store %arg9[%swap3A_738, %swap3A_739], %swap3A_742 {strides = array<i32>} : memref<200x128xf32, #tpu.memory_space<vmem>>, vector<1x16xf32>,
        %get3A_743 = arith.index_cast %add3A_691 : i32 to index
        %get3A_744 = arith.constant 48 : index
        %get3A_745 = tpu.vector_load %arg9[%get3A_743, %get3A_744] {strides = array<i32>} : memref<200x128xf32, #tpu.memory_space<vmem>>, vector<1x16xf32>,
        %get3A_746 = vector.shape_cast %get3A_745 : vector<1x16xf32> to vector<16xf32>
        %mul3A_747 = arith.constant 64 : i32
        %mul3A_748 = arith.muli %add3A_691, %mul3A_747 : i32
        %add3A_749 = arith.constant 48 : i32
        %add3A_750 = arith.addi %mul3A_748, %add3A_749 : i32
        %get3A_751 = arith.index_cast %add3A_750 : i32 to index
        %get3A_752 = tpu.vector_load %arg7[%get3A_751] {strides = array<i32>} : memref<12800xf32, #tpu.memory_space<vmem>>, vector<16xf32>,
        %get3A_753 = vector.shape_cast %get3A_752 : vector<16xf32> to vector<16xf32>
        %add3A_754 = arith.addf %get3A_746, %get3A_753 : vector<16xf32>
        %swap3A_755 = arith.index_cast %add3A_691 : i32 to index
        %swap3A_756 = arith.constant 48 : index
        %swap3A_757 = tpu.vector_load %arg9[%swap3A_755, %swap3A_756] {strides = array<i32>} : memref<200x128xf32, #tpu.memory_space<vmem>>, vector<1x16xf32>,
        %swap3A_758 = vector.shape_cast %swap3A_757 : vector<1x16xf32> to vector<16xf32>
        %swap3A_759 = vector.shape_cast %add3A_754 : vector<16xf32> to vector<1x16xf32>
        tpu.vector_store %arg9[%swap3A_755, %swap3A_756], %swap3A_759 {strides = array<i32>} : memref<200x128xf32, #tpu.memory_space<vmem>>, vector<1x16xf32>,
        %scan3A_760 = arith.constant 7 : i32
        %scan3A_761 = arith.addi %scan3A_245, %scan3A_760 : i32
        %mul3A_762 = arith.constant 1 : i32
        %mul3A_763 = arith.muli %scan3A_761, %mul3A_762 : i32
        %add3A_764 = arith.constant 0 : i32
        %add3A_765 = arith.addi %add3A_764, %mul3A_763 : i32
        %get3A_766 = arith.index_cast %add3A_765 : i32 to index
        %get3A_767 = arith.constant 0 : index
        %get3A_768 = tpu.vector_load %arg9[%get3A_766, %get3A_767] {strides = array<i32>} : memref<200x128xf32, #tpu.memory_space<vmem>>, vector<1x16xf32>,
        %get3A_769 = vector.shape_cast %get3A_768 : vector<1x16xf32> to vector<16xf32>
        %mul3A_770 = arith.constant 64 : i32
        %mul3A_771 = arith.muli %add3A_765, %mul3A_770 : i32
        %add3A_772 = arith.constant 0 : i32
        %add3A_773 = arith.addi %mul3A_771, %add3A_772 : i32
        %get3A_774 = arith.index_cast %add3A_773 : i32 to index
        %get3A_775 = tpu.vector_load %arg7[%get3A_774] {strides = array<i32>} : memref<12800xf32, #tpu.memory_space<vmem>>, vector<16xf32>,
        %get3A_776 = vector.shape_cast %get3A_775 : vector<16xf32> to vector<16xf32>
        %add3A_777 = arith.addf %get3A_769, %get3A_776 : vector<16xf32>
        %swap3A_778 = arith.index_cast %add3A_765 : i32 to index
        %swap3A_779 = arith.constant 0 : index
        %swap3A_780 = tpu.vector_load %arg9[%swap3A_778, %swap3A_779] {strides = array<i32>} : memref<200x128xf32, #tpu.memory_space<vmem>>, vector<1x16xf32>,
        %swap3A_781 = vector.shape_cast %swap3A_780 : vector<1x16xf32> to vector<16xf32>
        %swap3A_782 = vector.shape_cast %add3A_777 : vector<16xf32> to vector<1x16xf32>
        tpu.vector_store %arg9[%swap3A_778, %swap3A_779], %swap3A_782 {strides = array<i32>} : memref<200x128xf32, #tpu.memory_space<vmem>>, vector<1x16xf32>,
        %get3A_783 = arith.index_cast %add3A_765 : i32 to index
        %get3A_784 = arith.constant 16 : index
        %get3A_785 = tpu.vector_load %arg9[%get3A_783, %get3A_784] {strides = array<i32>} : memref<200x128xf32, #tpu.memory_space<vmem>>, vector<1x16xf32>,
        %get3A_786 = vector.shape_cast %get3A_785 : vector<1x16xf32> to vector<16xf32>
        %mul3A_787 = arith.constant 64 : i32
        %mul3A_788 = arith.muli %add3A_765, %mul3A_787 : i32
        %add3A_789 = arith.constant 16 : i32
        %add3A_790 = arith.addi %mul3A_788, %add3A_789 : i32
        %get3A_791 = arith.index_cast %add3A_790 : i32 to index
        %get3A_792 = tpu.vector_load %arg7[%get3A_791] {strides = array<i32>} : memref<12800xf32, #tpu.memory_space<vmem>>, vector<16xf32>,
        %get3A_793 = vector.shape_cast %get3A_792 : vector<16xf32> to vector<16xf32>
        %add3A_794 = arith.addf %get3A_786, %get3A_793 : vector<16xf32>
        %swap3A_795 = arith.index_cast %add3A_765 : i32 to index
        %swap3A_796 = arith.constant 16 : index
        %swap3A_797 = tpu.vector_load %arg9[%swap3A_795, %swap3A_796] {strides = array<i32>} : memref<200x128xf32, #tpu.memory_space<vmem>>, vector<1x16xf32>,
        %swap3A_798 = vector.shape_cast %swap3A_797 : vector<1x16xf32> to vector<16xf32>
        %swap3A_799 = vector.shape_cast %add3A_794 : vector<16xf32> to vector<1x16xf32>
        tpu.vector_store %arg9[%swap3A_795, %swap3A_796], %swap3A_799 {strides = array<i32>} : memref<200x128xf32, #tpu.memory_space<vmem>>, vector<1x16xf32>,
        %get3A_800 = arith.index_cast %add3A_765 : i32 to index
        %get3A_801 = arith.constant 32 : index
        %get3A_802 = tpu.vector_load %arg9[%get3A_800, %get3A_801] {strides = array<i32>} : memref<200x128xf32, #tpu.memory_space<vmem>>, vector<1x16xf32>,
        %get3A_803 = vector.shape_cast %get3A_802 : vector<1x16xf32> to vector<16xf32>
        %mul3A_804 = arith.constant 64 : i32
        %mul3A_805 = arith.muli %add3A_765, %mul3A_804 : i32
        %add3A_806 = arith.constant 32 : i32
        %add3A_807 = arith.addi %mul3A_805, %add3A_806 : i32
        %get3A_808 = arith.index_cast %add3A_807 : i32 to index
        %get3A_809 = tpu.vector_load %arg7[%get3A_808] {strides = array<i32>} : memref<12800xf32, #tpu.memory_space<vmem>>, vector<16xf32>,
        %get3A_810 = vector.shape_cast %get3A_809 : vector<16xf32> to vector<16xf32>
        %add3A_811 = arith.addf %get3A_803, %get3A_810 : vector<16xf32>
        %swap3A_812 = arith.index_cast %add3A_765 : i32 to index
        %swap3A_813 = arith.constant 32 : index
        %swap3A_814 = tpu.vector_load %arg9[%swap3A_812, %swap3A_813] {strides = array<i32>} : memref<200x128xf32, #tpu.memory_space<vmem>>, vector<1x16xf32>,
        %swap3A_815 = vector.shape_cast %swap3A_814 : vector<1x16xf32> to vector<16xf32>
        %swap3A_816 = vector.shape_cast %add3A_811 : vector<16xf32> to vector<1x16xf32>
        tpu.vector_store %arg9[%swap3A_812, %swap3A_813], %swap3A_816 {strides = array<i32>} : memref<200x128xf32, #tpu.memory_space<vmem>>, vector<1x16xf32>,
        %get3A_817 = arith.index_cast %add3A_765 : i32 to index
        %get3A_818 = arith.constant 48 : index
        %get3A_819 = tpu.vector_load %arg9[%get3A_817, %get3A_818] {strides = array<i32>} : memref<200x128xf32, #tpu.memory_space<vmem>>, vector<1x16xf32>,
        %get3A_820 = vector.shape_cast %get3A_819 : vector<1x16xf32> to vector<16xf32>
        %mul3A_821 = arith.constant 64 : i32
        %mul3A_822 = arith.muli %add3A_765, %mul3A_821 : i32
        %add3A_823 = arith.constant 48 : i32
        %add3A_824 = arith.addi %mul3A_822, %add3A_823 : i32
        %get3A_825 = arith.index_cast %add3A_824 : i32 to index
        %get3A_826 = tpu.vector_load %arg7[%get3A_825] {strides = array<i32>} : memref<12800xf32, #tpu.memory_space<vmem>>, vector<16xf32>,
        %get3A_827 = vector.shape_cast %get3A_826 : vector<16xf32> to vector<16xf32>
        %add3A_828 = arith.addf %get3A_820, %get3A_827 : vector<16xf32>
        %swap3A_829 = arith.index_cast %add3A_765 : i32 to index
        %swap3A_830 = arith.constant 48 : index
        %swap3A_831 = tpu.vector_load %arg9[%swap3A_829, %swap3A_830] {strides = array<i32>} : memref<200x128xf32, #tpu.memory_space<vmem>>, vector<1x16xf32>,
        %swap3A_832 = vector.shape_cast %swap3A_831 : vector<1x16xf32> to vector<16xf32>
        %swap3A_833 = vector.shape_cast %add3A_828 : vector<16xf32> to vector<1x16xf32>
        tpu.vector_store %arg9[%swap3A_829, %swap3A_830], %swap3A_833 {strides = array<i32>} : memref<200x128xf32, #tpu.memory_space<vmem>>, vector<1x16xf32>,
      }
      %scan3A_177 = arith.constant 200 : i32
      %add3A_178 = arith.addi %mul3A_2, %add3A_159 : i32
      %dma_start3A_179 = arith.constant 0 : i32
      %dma_start3A_180 = arith.constant 0 : i32
      %dma_start3A_181 = tpu.memref_slice %arg5[%add3A_178, %dma_start3A_179, %dma_start3A_180] : memref<1024x200x128xf32, #tpu.memory_space<hbm>> -> memref<1x200x128xf32, #tpu.memory_space<hbm>>
      %dma_start3A_182 = tpu.memref_squeeze %dma_start3A_181 : memref<1x200x128xf32, #tpu.memory_space<hbm>> -> memref<200x128xf32, #tpu.memory_space<hbm>>
      %dma_start3A_183 = arith.constant 0 : i32
      %dma_start3A_184 = arith.constant 0 : i32
      %dma_start3A_185 = tpu.memref_slice %arg5[%add3A_178, %dma_start3A_183, %dma_start3A_184] : memref<1024x200x128xf32, #tpu.memory_space<hbm>> -> memref<1x200x128xf32, #tpu.memory_space<hbm>>
      %dma_start3A_186 = tpu.memref_squeeze %dma_start3A_185 : memref<1x200x128xf32, #tpu.memory_space<hbm>> -> memref<200x128xf32, #tpu.memory_space<hbm>>
      tpu.enqueue_dma source(%arg9 : memref<200x128xf32, #tpu.memory_space<vmem>>) target(%dma_start3A_186 : memref<200x128xf32, #tpu.memory_space<hbm>>) target_semaphore(%arg17 : memref<!tpu.dma_semaphore, #tpu.memory_space<semaphore_mem>>)
      %add3A_187 = arith.constant 2 : i32
      %add3A_188 = arith.addi %add3A_131, %add3A_187 : i32
      %add3A_189 = arith.constant 2 : i32
      %add3A_190 = arith.addi %add3A_188, %add3A_189 : i32
      %lt3A_191 = arith.constant 32 : i32
      %lt3A_192 = arith.cmpi slt, %add3A_190, %lt3A_191 : i32
      %convert_element_type3A_193 = arith.extui %lt3A_192 : i1 to i32
      %cond3A_194 = arith.constant 0 : i32
      %cond3A_195 = arith.cmpi ne, %convert_element_type3A_193, %cond3A_194 : i32
      scf.if %cond3A_195 {
        %add3A_245 = arith.constant 2 : i32
        %add3A_246 = arith.addi %add3A_188, %add3A_245 : i32
        %ge3A = arith.constant 4 : i32
        %ge3A_247 = arith.cmpi sge, %add3A_246, %ge3A : i32
        %convert_element_type3A_248 = arith.extui %ge3A_247 : i1 to i32
        %cond3A_249 = arith.constant 0 : i32
        %cond3A_250 = arith.cmpi ne, %convert_element_type3A_248, %cond3A_249 : i32
        scf.if %cond3A_250 {
          %add3A_308 = arith.constant 2 : i32
          %add3A_309 = arith.addi %add3A_188, %add3A_308 : i32
          %sub3A = arith.constant 4 : i32
          %sub3A_310 = arith.subi %add3A_309, %sub3A : i32
          %add3A_311 = arith.addi %mul3A_2, %sub3A_310 : i32
          %dma_wait3A_312 = arith.constant 0 : i32
          %dma_wait3A_313 = arith.constant 0 : i32
          %dma_wait3A_314 = tpu.memref_slice %arg5[%add3A_311, %dma_wait3A_312, %dma_wait3A_313] : memref<1024x200x128xf32, #tpu.memory_space<hbm>> -> memref<1x200x128xf32, #tpu.memory_space<hbm>>
          %dma_wait3A_315 = tpu.memref_squeeze %dma_wait3A_314 : memref<1x200x128xf32, #tpu.memory_space<hbm>> -> memref<200x128xf32, #tpu.memory_space<hbm>>
          %dma_wait3A_316 = arith.constant 0 : i32
          %dma_wait3A_317 = arith.constant 0 : i32
          %dma_wait3A_318 = tpu.memref_slice %arg5[%add3A_311, %dma_wait3A_316, %dma_wait3A_317] : memref<1024x200x128xf32, #tpu.memory_space<hbm>> -> memref<1x200x128xf32, #tpu.memory_space<hbm>>
          %dma_wait3A_319 = tpu.memref_squeeze %dma_wait3A_318 : memref<1x200x128xf32, #tpu.memory_space<hbm>> -> memref<200x128xf32, #tpu.memory_space<hbm>>
          tpu.wait_dma2 semaphore(%arg16 : memref<!tpu.dma_semaphore, #tpu.memory_space<semaphore_mem>>) src(%arg8 : memref<200x128xf32, #tpu.memory_space<vmem>>) dst(%dma_wait3A_319 : memref<200x128xf32, #tpu.memory_space<hbm>>)
        } else {
        }
        %add3A_251 = arith.constant 2 : i32
        %add3A_252 = arith.addi %add3A_188, %add3A_251 : i32
        %mul3A_253 = arith.constant 200 : i32
        %mul3A_254 = arith.muli %add3A_252, %mul3A_253 : i32
        %add3A_255 = arith.constant 0 : i32
        %add3A_256 = arith.addi %mul3A_254, %add3A_255 : i32
        %dma_start3A_257 = arith.constant 0 : i32
        %dma_start3A_258 = arith.constant 0 : i32
        %dma_start3A_259 = tpu.memref_slice %arg8[%dma_start3A_257, %dma_start3A_258] : memref<200x128xf32, #tpu.memory_space<vmem>> -> memref<40x128xf32, #tpu.memory_space<vmem>>
        %dma_start3A_260 = tpu.memref_slice %arg6[%add3A_256] : memref<6400xi32, #tpu.memory_space<vmem>> -> memref<40xi32, #tpu.memory_space<vmem>>
        %dma_start3A_261 = arith.constant 0 : i32
        %dma_start3A_262 = arith.constant 0 : i32
        %dma_start3A_263 = tpu.memref_slice %arg4[%dma_start3A_261, %dma_start3A_262] : memref<1000000x128xf32, #tpu.memory_space<hbm>> -> memref<1000000x128xf32, #tpu.memory_space<hbm>>
        tpu.enqueue_indirect_dma source(%dma_start3A_263 : memref<1000000x128xf32, #tpu.memory_space<hbm>>) target(%dma_start3A_259 : memref<40x128xf32, #tpu.memory_space<vmem>>) offsets(%dma_start3A_260 : memref<40xi32, #tpu.memory_space<vmem>>) semaphore(%arg12 : memref<!tpu.dma_semaphore, #tpu.memory_space<semaphore_mem>>)
        %mul3A_264 = arith.constant 200 : i32
        %mul3A_265 = arith.muli %add3A_252, %mul3A_264 : i32
        %add3A_266 = arith.constant 40 : i32
        %add3A_267 = arith.addi %mul3A_265, %add3A_266 : i32
        %dma_start3A_268 = arith.constant 40 : i32
        %dma_start3A_269 = arith.constant 0 : i32
        %dma_start3A_270 = tpu.memref_slice %arg8[%dma_start3A_268, %dma_start3A_269] : memref<200x128xf32, #tpu.memory_space<vmem>> -> memref<40x128xf32, #tpu.memory_space<vmem>>
        %dma_start3A_271 = tpu.memref_slice %arg6[%add3A_267] : memref<6400xi32, #tpu.memory_space<vmem>> -> memref<40xi32, #tpu.memory_space<vmem>>
        %dma_start3A_272 = arith.constant 0 : i32
        %dma_start3A_273 = arith.constant 0 : i32
        %dma_start3A_274 = tpu.memref_slice %arg4[%dma_start3A_272, %dma_start3A_273] : memref<1000000x128xf32, #tpu.memory_space<hbm>> -> memref<1000000x128xf32, #tpu.memory_space<hbm>>
        tpu.enqueue_indirect_dma source(%dma_start3A_274 : memref<1000000x128xf32, #tpu.memory_space<hbm>>) target(%dma_start3A_270 : memref<40x128xf32, #tpu.memory_space<vmem>>) offsets(%dma_start3A_271 : memref<40xi32, #tpu.memory_space<vmem>>) semaphore(%arg12 : memref<!tpu.dma_semaphore, #tpu.memory_space<semaphore_mem>>)
        %mul3A_275 = arith.constant 200 : i32
        %mul3A_276 = arith.muli %add3A_252, %mul3A_275 : i32
        %add3A_277 = arith.constant 80 : i32
        %add3A_278 = arith.addi %mul3A_276, %add3A_277 : i32
        %dma_start3A_279 = arith.constant 80 : i32
        %dma_start3A_280 = arith.constant 0 : i32
        %dma_start3A_281 = tpu.memref_slice %arg8[%dma_start3A_279, %dma_start3A_280] : memref<200x128xf32, #tpu.memory_space<vmem>> -> memref<40x128xf32, #tpu.memory_space<vmem>>
        %dma_start3A_282 = tpu.memref_slice %arg6[%add3A_278] : memref<6400xi32, #tpu.memory_space<vmem>> -> memref<40xi32, #tpu.memory_space<vmem>>
        %dma_start3A_283 = arith.constant 0 : i32
        %dma_start3A_284 = arith.constant 0 : i32
        %dma_start3A_285 = tpu.memref_slice %arg4[%dma_start3A_283, %dma_start3A_284] : memref<1000000x128xf32, #tpu.memory_space<hbm>> -> memref<1000000x128xf32, #tpu.memory_space<hbm>>
        tpu.enqueue_indirect_dma source(%dma_start3A_285 : memref<1000000x128xf32, #tpu.memory_space<hbm>>) target(%dma_start3A_281 : memref<40x128xf32, #tpu.memory_space<vmem>>) offsets(%dma_start3A_282 : memref<40xi32, #tpu.memory_space<vmem>>) semaphore(%arg12 : memref<!tpu.dma_semaphore, #tpu.memory_space<semaphore_mem>>)
        %mul3A_286 = arith.constant 200 : i32
        %mul3A_287 = arith.muli %add3A_252, %mul3A_286 : i32
        %add3A_288 = arith.constant 120 : i32
        %add3A_289 = arith.addi %mul3A_287, %add3A_288 : i32
        %dma_start3A_290 = arith.constant 120 : i32
        %dma_start3A_291 = arith.constant 0 : i32
        %dma_start3A_292 = tpu.memref_slice %arg8[%dma_start3A_290, %dma_start3A_291] : memref<200x128xf32, #tpu.memory_space<vmem>> -> memref<40x128xf32, #tpu.memory_space<vmem>>
        %dma_start3A_293 = tpu.memref_slice %arg6[%add3A_289] : memref<6400xi32, #tpu.memory_space<vmem>> -> memref<40xi32, #tpu.memory_space<vmem>>
        %dma_start3A_294 = arith.constant 0 : i32
        %dma_start3A_295 = arith.constant 0 : i32
        %dma_start3A_296 = tpu.memref_slice %arg4[%dma_start3A_294, %dma_start3A_295] : memref<1000000x128xf32, #tpu.memory_space<hbm>> -> memref<1000000x128xf32, #tpu.memory_space<hbm>>
        tpu.enqueue_indirect_dma source(%dma_start3A_296 : memref<1000000x128xf32, #tpu.memory_space<hbm>>) target(%dma_start3A_292 : memref<40x128xf32, #tpu.memory_space<vmem>>) offsets(%dma_start3A_293 : memref<40xi32, #tpu.memory_space<vmem>>) semaphore(%arg12 : memref<!tpu.dma_semaphore, #tpu.memory_space<semaphore_mem>>)
        %mul3A_297 = arith.constant 200 : i32
        %mul3A_298 = arith.muli %add3A_252, %mul3A_297 : i32
        %add3A_299 = arith.constant 160 : i32
        %add3A_300 = arith.addi %mul3A_298, %add3A_299 : i32
        %dma_start3A_301 = arith.constant 160 : i32
        %dma_start3A_302 = arith.constant 0 : i32
        %dma_start3A_303 = tpu.memref_slice %arg8[%dma_start3A_301, %dma_start3A_302] : memref<200x128xf32, #tpu.memory_space<vmem>> -> memref<40x128xf32, #tpu.memory_space<vmem>>
        %dma_start3A_304 = tpu.memref_slice %arg6[%add3A_300] : memref<6400xi32, #tpu.memory_space<vmem>> -> memref<40xi32, #tpu.memory_space<vmem>>
        %dma_start3A_305 = arith.constant 0 : i32
        %dma_start3A_306 = arith.constant 0 : i32
        %dma_start3A_307 = tpu.memref_slice %arg4[%dma_start3A_305, %dma_start3A_306] : memref<1000000x128xf32, #tpu.memory_space<hbm>> -> memref<1000000x128xf32, #tpu.memory_space<hbm>>
        tpu.enqueue_indirect_dma source(%dma_start3A_307 : memref<1000000x128xf32, #tpu.memory_space<hbm>>) target(%dma_start3A_303 : memref<40x128xf32, #tpu.memory_space<vmem>>) offsets(%dma_start3A_304 : memref<40xi32, #tpu.memory_space<vmem>>) semaphore(%arg12 : memref<!tpu.dma_semaphore, #tpu.memory_space<semaphore_mem>>)
      } else {
      }
      %dma_wait3A_196 = arith.constant 0 : i32
      %dma_wait3A_197 = arith.constant 0 : i32
      %dma_wait3A_198 = tpu.memref_slice %arg4[%dma_wait3A_196, %dma_wait3A_197] : memref<1000000x128xf32, #tpu.memory_space<hbm>> -> memref<200x128xf32, #tpu.memory_space<hbm>>
      %dma_wait3A_199 = arith.constant 0 : i32
      %dma_wait3A_200 = arith.constant 0 : i32
      %dma_wait3A_201 = tpu.memref_slice %arg4[%dma_wait3A_199, %dma_wait3A_200] : memref<1000000x128xf32, #tpu.memory_space<hbm>> -> memref<200x128xf32, #tpu.memory_space<hbm>>
      tpu.wait_dma2 semaphore(%arg14 : memref<!tpu.dma_semaphore, #tpu.memory_space<semaphore_mem>>) src(%dma_wait3A_201 : memref<200x128xf32, #tpu.memory_space<hbm>>) dst(%arg10 : memref<200x128xf32, #tpu.memory_space<vmem>>)
      %scan3A_202 = arith.constant 0 : i32
      %scan3A_203 = arith.constant 200 : i32
      %scan3A_204 = arith.addi %scan3A_202, %scan3A_203 : i32
      %scan3A_205 = arith.constant 8 : i32
      scf.for %scan3A_245 = %scan3A_202 to %scan3A_204 step %scan3A_205  : i32 {
        %mul3A_246 = arith.constant 1 : i32
        %mul3A_247 = arith.muli %scan3A_245, %mul3A_246 : i32
        %add3A_248 = arith.constant 0 : i32
        %add3A_249 = arith.addi %add3A_248, %mul3A_247 : i32
        %get3A = arith.index_cast %add3A_249 : i32 to index
        %get3A_250 = arith.constant 0 : index
        %get3A_251 = tpu.vector_load %arg10[%get3A, %get3A_250] {strides = array<i32>} : memref<200x128xf32, #tpu.memory_space<vmem>>, vector<1x16xf32>,
        %get3A_252 = vector.shape_cast %get3A_251 : vector<1x16xf32> to vector<16xf32>
        %mul3A_253 = arith.constant 64 : i32
        %mul3A_254 = arith.muli %add3A_249, %mul3A_253 : i32
        %add3A_255 = arith.constant 0 : i32
        %add3A_256 = arith.addi %mul3A_254, %add3A_255 : i32
        %get3A_257 = arith.index_cast %add3A_256 : i32 to index
        %get3A_258 = tpu.vector_load %arg7[%get3A_257] {strides = array<i32>} : memref<12800xf32, #tpu.memory_space<vmem>>, vector<16xf32>,
        %get3A_259 = vector.shape_cast %get3A_258 : vector<16xf32> to vector<16xf32>
        %add3A_260 = arith.addf %get3A_252, %get3A_259 : vector<16xf32>
        %swap3A = arith.index_cast %add3A_249 : i32 to index
        %swap3A_261 = arith.constant 0 : index
        %swap3A_262 = tpu.vector_load %arg10[%swap3A, %swap3A_261] {strides = array<i32>} : memref<200x128xf32, #tpu.memory_space<vmem>>, vector<1x16xf32>,
        %swap3A_263 = vector.shape_cast %swap3A_262 : vector<1x16xf32> to vector<16xf32>
        %swap3A_264 = vector.shape_cast %add3A_260 : vector<16xf32> to vector<1x16xf32>
        tpu.vector_store %arg10[%swap3A, %swap3A_261], %swap3A_264 {strides = array<i32>} : memref<200x128xf32, #tpu.memory_space<vmem>>, vector<1x16xf32>,
        %get3A_265 = arith.index_cast %add3A_249 : i32 to index
        %get3A_266 = arith.constant 16 : index
        %get3A_267 = tpu.vector_load %arg10[%get3A_265, %get3A_266] {strides = array<i32>} : memref<200x128xf32, #tpu.memory_space<vmem>>, vector<1x16xf32>,
        %get3A_268 = vector.shape_cast %get3A_267 : vector<1x16xf32> to vector<16xf32>
        %mul3A_269 = arith.constant 64 : i32
        %mul3A_270 = arith.muli %add3A_249, %mul3A_269 : i32
        %add3A_271 = arith.constant 16 : i32
        %add3A_272 = arith.addi %mul3A_270, %add3A_271 : i32
        %get3A_273 = arith.index_cast %add3A_272 : i32 to index
        %get3A_274 = tpu.vector_load %arg7[%get3A_273] {strides = array<i32>} : memref<12800xf32, #tpu.memory_space<vmem>>, vector<16xf32>,
        %get3A_275 = vector.shape_cast %get3A_274 : vector<16xf32> to vector<16xf32>
        %add3A_276 = arith.addf %get3A_268, %get3A_275 : vector<16xf32>
        %swap3A_277 = arith.index_cast %add3A_249 : i32 to index
        %swap3A_278 = arith.constant 16 : index
        %swap3A_279 = tpu.vector_load %arg10[%swap3A_277, %swap3A_278] {strides = array<i32>} : memref<200x128xf32, #tpu.memory_space<vmem>>, vector<1x16xf32>,
        %swap3A_280 = vector.shape_cast %swap3A_279 : vector<1x16xf32> to vector<16xf32>
        %swap3A_281 = vector.shape_cast %add3A_276 : vector<16xf32> to vector<1x16xf32>
        tpu.vector_store %arg10[%swap3A_277, %swap3A_278], %swap3A_281 {strides = array<i32>} : memref<200x128xf32, #tpu.memory_space<vmem>>, vector<1x16xf32>,
        %get3A_282 = arith.index_cast %add3A_249 : i32 to index
        %get3A_283 = arith.constant 32 : index
        %get3A_284 = tpu.vector_load %arg10[%get3A_282, %get3A_283] {strides = array<i32>} : memref<200x128xf32, #tpu.memory_space<vmem>>, vector<1x16xf32>,
        %get3A_285 = vector.shape_cast %get3A_284 : vector<1x16xf32> to vector<16xf32>
        %mul3A_286 = arith.constant 64 : i32
        %mul3A_287 = arith.muli %add3A_249, %mul3A_286 : i32
        %add3A_288 = arith.constant 32 : i32
        %add3A_289 = arith.addi %mul3A_287, %add3A_288 : i32
        %get3A_290 = arith.index_cast %add3A_289 : i32 to index
        %get3A_291 = tpu.vector_load %arg7[%get3A_290] {strides = array<i32>} : memref<12800xf32, #tpu.memory_space<vmem>>, vector<16xf32>,
        %get3A_292 = vector.shape_cast %get3A_291 : vector<16xf32> to vector<16xf32>
        %add3A_293 = arith.addf %get3A_285, %get3A_292 : vector<16xf32>
        %swap3A_294 = arith.index_cast %add3A_249 : i32 to index
        %swap3A_295 = arith.constant 32 : index
        %swap3A_296 = tpu.vector_load %arg10[%swap3A_294, %swap3A_295] {strides = array<i32>} : memref<200x128xf32, #tpu.memory_space<vmem>>, vector<1x16xf32>,
        %swap3A_297 = vector.shape_cast %swap3A_296 : vector<1x16xf32> to vector<16xf32>
        %swap3A_298 = vector.shape_cast %add3A_293 : vector<16xf32> to vector<1x16xf32>
        tpu.vector_store %arg10[%swap3A_294, %swap3A_295], %swap3A_298 {strides = array<i32>} : memref<200x128xf32, #tpu.memory_space<vmem>>, vector<1x16xf32>,
        %get3A_299 = arith.index_cast %add3A_249 : i32 to index
        %get3A_300 = arith.constant 48 : index
        %get3A_301 = tpu.vector_load %arg10[%get3A_299, %get3A_300] {strides = array<i32>} : memref<200x128xf32, #tpu.memory_space<vmem>>, vector<1x16xf32>,
        %get3A_302 = vector.shape_cast %get3A_301 : vector<1x16xf32> to vector<16xf32>
        %mul3A_303 = arith.constant 64 : i32
        %mul3A_304 = arith.muli %add3A_249, %mul3A_303 : i32
        %add3A_305 = arith.constant 48 : i32
        %add3A_306 = arith.addi %mul3A_304, %add3A_305 : i32
        %get3A_307 = arith.index_cast %add3A_306 : i32 to index
        %get3A_308 = tpu.vector_load %arg7[%get3A_307] {strides = array<i32>} : memref<12800xf32, #tpu.memory_space<vmem>>, vector<16xf32>,
        %get3A_309 = vector.shape_cast %get3A_308 : vector<16xf32> to vector<16xf32>
        %add3A_310 = arith.addf %get3A_302, %get3A_309 : vector<16xf32>
        %swap3A_311 = arith.index_cast %add3A_249 : i32 to index
        %swap3A_312 = arith.constant 48 : index
        %swap3A_313 = tpu.vector_load %arg10[%swap3A_311, %swap3A_312] {strides = array<i32>} : memref<200x128xf32, #tpu.memory_space<vmem>>, vector<1x16xf32>,
        %swap3A_314 = vector.shape_cast %swap3A_313 : vector<1x16xf32> to vector<16xf32>
        %swap3A_315 = vector.shape_cast %add3A_310 : vector<16xf32> to vector<1x16xf32>
        tpu.vector_store %arg10[%swap3A_311, %swap3A_312], %swap3A_315 {strides = array<i32>} : memref<200x128xf32, #tpu.memory_space<vmem>>, vector<1x16xf32>,
        %scan3A_316 = arith.constant 1 : i32
        %scan3A_317 = arith.addi %scan3A_245, %scan3A_316 : i32
        %mul3A_318 = arith.constant 1 : i32
        %mul3A_319 = arith.muli %scan3A_317, %mul3A_318 : i32
        %add3A_320 = arith.constant 0 : i32
        %add3A_321 = arith.addi %add3A_320, %mul3A_319 : i32
        %get3A_322 = arith.index_cast %add3A_321 : i32 to index
        %get3A_323 = arith.constant 0 : index
        %get3A_324 = tpu.vector_load %arg10[%get3A_322, %get3A_323] {strides = array<i32>} : memref<200x128xf32, #tpu.memory_space<vmem>>, vector<1x16xf32>,
        %get3A_325 = vector.shape_cast %get3A_324 : vector<1x16xf32> to vector<16xf32>
        %mul3A_326 = arith.constant 64 : i32
        %mul3A_327 = arith.muli %add3A_321, %mul3A_326 : i32
        %add3A_328 = arith.constant 0 : i32
        %add3A_329 = arith.addi %mul3A_327, %add3A_328 : i32
        %get3A_330 = arith.index_cast %add3A_329 : i32 to index
        %get3A_331 = tpu.vector_load %arg7[%get3A_330] {strides = array<i32>} : memref<12800xf32, #tpu.memory_space<vmem>>, vector<16xf32>,
        %get3A_332 = vector.shape_cast %get3A_331 : vector<16xf32> to vector<16xf32>
        %add3A_333 = arith.addf %get3A_325, %get3A_332 : vector<16xf32>
        %swap3A_334 = arith.index_cast %add3A_321 : i32 to index
        %swap3A_335 = arith.constant 0 : index
        %swap3A_336 = tpu.vector_load %arg10[%swap3A_334, %swap3A_335] {strides = array<i32>} : memref<200x128xf32, #tpu.memory_space<vmem>>, vector<1x16xf32>,
        %swap3A_337 = vector.shape_cast %swap3A_336 : vector<1x16xf32> to vector<16xf32>
        %swap3A_338 = vector.shape_cast %add3A_333 : vector<16xf32> to vector<1x16xf32>
        tpu.vector_store %arg10[%swap3A_334, %swap3A_335], %swap3A_338 {strides = array<i32>} : memref<200x128xf32, #tpu.memory_space<vmem>>, vector<1x16xf32>,
        %get3A_339 = arith.index_cast %add3A_321 : i32 to index
        %get3A_340 = arith.constant 16 : index
        %get3A_341 = tpu.vector_load %arg10[%get3A_339, %get3A_340] {strides = array<i32>} : memref<200x128xf32, #tpu.memory_space<vmem>>, vector<1x16xf32>,
        %get3A_342 = vector.shape_cast %get3A_341 : vector<1x16xf32> to vector<16xf32>
        %mul3A_343 = arith.constant 64 : i32
        %mul3A_344 = arith.muli %add3A_321, %mul3A_343 : i32
        %add3A_345 = arith.constant 16 : i32
        %add3A_346 = arith.addi %mul3A_344, %add3A_345 : i32
        %get3A_347 = arith.index_cast %add3A_346 : i32 to index
        %get3A_348 = tpu.vector_load %arg7[%get3A_347] {strides = array<i32>} : memref<12800xf32, #tpu.memory_space<vmem>>, vector<16xf32>,
        %get3A_349 = vector.shape_cast %get3A_348 : vector<16xf32> to vector<16xf32>
        %add3A_350 = arith.addf %get3A_342, %get3A_349 : vector<16xf32>
        %swap3A_351 = arith.index_cast %add3A_321 : i32 to index
        %swap3A_352 = arith.constant 16 : index
        %swap3A_353 = tpu.vector_load %arg10[%swap3A_351, %swap3A_352] {strides = array<i32>} : memref<200x128xf32, #tpu.memory_space<vmem>>, vector<1x16xf32>,
        %swap3A_354 = vector.shape_cast %swap3A_353 : vector<1x16xf32> to vector<16xf32>
        %swap3A_355 = vector.shape_cast %add3A_350 : vector<16xf32> to vector<1x16xf32>
        tpu.vector_store %arg10[%swap3A_351, %swap3A_352], %swap3A_355 {strides = array<i32>} : memref<200x128xf32, #tpu.memory_space<vmem>>, vector<1x16xf32>,
        %get3A_356 = arith.index_cast %add3A_321 : i32 to index
        %get3A_357 = arith.constant 32 : index
        %get3A_358 = tpu.vector_load %arg10[%get3A_356, %get3A_357] {strides = array<i32>} : memref<200x128xf32, #tpu.memory_space<vmem>>, vector<1x16xf32>,
        %get3A_359 = vector.shape_cast %get3A_358 : vector<1x16xf32> to vector<16xf32>
        %mul3A_360 = arith.constant 64 : i32
        %mul3A_361 = arith.muli %add3A_321, %mul3A_360 : i32
        %add3A_362 = arith.constant 32 : i32
        %add3A_363 = arith.addi %mul3A_361, %add3A_362 : i32
        %get3A_364 = arith.index_cast %add3A_363 : i32 to index
        %get3A_365 = tpu.vector_load %arg7[%get3A_364] {strides = array<i32>} : memref<12800xf32, #tpu.memory_space<vmem>>, vector<16xf32>,
        %get3A_366 = vector.shape_cast %get3A_365 : vector<16xf32> to vector<16xf32>
        %add3A_367 = arith.addf %get3A_359, %get3A_366 : vector<16xf32>
        %swap3A_368 = arith.index_cast %add3A_321 : i32 to index
        %swap3A_369 = arith.constant 32 : index
        %swap3A_370 = tpu.vector_load %arg10[%swap3A_368, %swap3A_369] {strides = array<i32>} : memref<200x128xf32, #tpu.memory_space<vmem>>, vector<1x16xf32>,
        %swap3A_371 = vector.shape_cast %swap3A_370 : vector<1x16xf32> to vector<16xf32>
        %swap3A_372 = vector.shape_cast %add3A_367 : vector<16xf32> to vector<1x16xf32>
        tpu.vector_store %arg10[%swap3A_368, %swap3A_369], %swap3A_372 {strides = array<i32>} : memref<200x128xf32, #tpu.memory_space<vmem>>, vector<1x16xf32>,
        %get3A_373 = arith.index_cast %add3A_321 : i32 to index
        %get3A_374 = arith.constant 48 : index
        %get3A_375 = tpu.vector_load %arg10[%get3A_373, %get3A_374] {strides = array<i32>} : memref<200x128xf32, #tpu.memory_space<vmem>>, vector<1x16xf32>,
        %get3A_376 = vector.shape_cast %get3A_375 : vector<1x16xf32> to vector<16xf32>
        %mul3A_377 = arith.constant 64 : i32
        %mul3A_378 = arith.muli %add3A_321, %mul3A_377 : i32
        %add3A_379 = arith.constant 48 : i32
        %add3A_380 = arith.addi %mul3A_378, %add3A_379 : i32
        %get3A_381 = arith.index_cast %add3A_380 : i32 to index
        %get3A_382 = tpu.vector_load %arg7[%get3A_381] {strides = array<i32>} : memref<12800xf32, #tpu.memory_space<vmem>>, vector<16xf32>,
        %get3A_383 = vector.shape_cast %get3A_382 : vector<16xf32> to vector<16xf32>
        %add3A_384 = arith.addf %get3A_376, %get3A_383 : vector<16xf32>
        %swap3A_385 = arith.index_cast %add3A_321 : i32 to index
        %swap3A_386 = arith.constant 48 : index
        %swap3A_387 = tpu.vector_load %arg10[%swap3A_385, %swap3A_386] {strides = array<i32>} : memref<200x128xf32, #tpu.memory_space<vmem>>, vector<1x16xf32>,
        %swap3A_388 = vector.shape_cast %swap3A_387 : vector<1x16xf32> to vector<16xf32>
        %swap3A_389 = vector.shape_cast %add3A_384 : vector<16xf32> to vector<1x16xf32>
        tpu.vector_store %arg10[%swap3A_385, %swap3A_386], %swap3A_389 {strides = array<i32>} : memref<200x128xf32, #tpu.memory_space<vmem>>, vector<1x16xf32>,
        %scan3A_390 = arith.constant 2 : i32
        %scan3A_391 = arith.addi %scan3A_245, %scan3A_390 : i32
        %mul3A_392 = arith.constant 1 : i32
        %mul3A_393 = arith.muli %scan3A_391, %mul3A_392 : i32
        %add3A_394 = arith.constant 0 : i32
        %add3A_395 = arith.addi %add3A_394, %mul3A_393 : i32
        %get3A_396 = arith.index_cast %add3A_395 : i32 to index
        %get3A_397 = arith.constant 0 : index
        %get3A_398 = tpu.vector_load %arg10[%get3A_396, %get3A_397] {strides = array<i32>} : memref<200x128xf32, #tpu.memory_space<vmem>>, vector<1x16xf32>,
        %get3A_399 = vector.shape_cast %get3A_398 : vector<1x16xf32> to vector<16xf32>
        %mul3A_400 = arith.constant 64 : i32
        %mul3A_401 = arith.muli %add3A_395, %mul3A_400 : i32
        %add3A_402 = arith.constant 0 : i32
        %add3A_403 = arith.addi %mul3A_401, %add3A_402 : i32
        %get3A_404 = arith.index_cast %add3A_403 : i32 to index
        %get3A_405 = tpu.vector_load %arg7[%get3A_404] {strides = array<i32>} : memref<12800xf32, #tpu.memory_space<vmem>>, vector<16xf32>,
        %get3A_406 = vector.shape_cast %get3A_405 : vector<16xf32> to vector<16xf32>
        %add3A_407 = arith.addf %get3A_399, %get3A_406 : vector<16xf32>
        %swap3A_408 = arith.index_cast %add3A_395 : i32 to index
        %swap3A_409 = arith.constant 0 : index
        %swap3A_410 = tpu.vector_load %arg10[%swap3A_408, %swap3A_409] {strides = array<i32>} : memref<200x128xf32, #tpu.memory_space<vmem>>, vector<1x16xf32>,
        %swap3A_411 = vector.shape_cast %swap3A_410 : vector<1x16xf32> to vector<16xf32>
        %swap3A_412 = vector.shape_cast %add3A_407 : vector<16xf32> to vector<1x16xf32>
        tpu.vector_store %arg10[%swap3A_408, %swap3A_409], %swap3A_412 {strides = array<i32>} : memref<200x128xf32, #tpu.memory_space<vmem>>, vector<1x16xf32>,
        %get3A_413 = arith.index_cast %add3A_395 : i32 to index
        %get3A_414 = arith.constant 16 : index
        %get3A_415 = tpu.vector_load %arg10[%get3A_413, %get3A_414] {strides = array<i32>} : memref<200x128xf32, #tpu.memory_space<vmem>>, vector<1x16xf32>,
        %get3A_416 = vector.shape_cast %get3A_415 : vector<1x16xf32> to vector<16xf32>
        %mul3A_417 = arith.constant 64 : i32
        %mul3A_418 = arith.muli %add3A_395, %mul3A_417 : i32
        %add3A_419 = arith.constant 16 : i32
        %add3A_420 = arith.addi %mul3A_418, %add3A_419 : i32
        %get3A_421 = arith.index_cast %add3A_420 : i32 to index
        %get3A_422 = tpu.vector_load %arg7[%get3A_421] {strides = array<i32>} : memref<12800xf32, #tpu.memory_space<vmem>>, vector<16xf32>,
        %get3A_423 = vector.shape_cast %get3A_422 : vector<16xf32> to vector<16xf32>
        %add3A_424 = arith.addf %get3A_416, %get3A_423 : vector<16xf32>
        %swap3A_425 = arith.index_cast %add3A_395 : i32 to index
        %swap3A_426 = arith.constant 16 : index
        %swap3A_427 = tpu.vector_load %arg10[%swap3A_425, %swap3A_426] {strides = array<i32>} : memref<200x128xf32, #tpu.memory_space<vmem>>, vector<1x16xf32>,
        %swap3A_428 = vector.shape_cast %swap3A_427 : vector<1x16xf32> to vector<16xf32>
        %swap3A_429 = vector.shape_cast %add3A_424 : vector<16xf32> to vector<1x16xf32>
        tpu.vector_store %arg10[%swap3A_425, %swap3A_426], %swap3A_429 {strides = array<i32>} : memref<200x128xf32, #tpu.memory_space<vmem>>, vector<1x16xf32>,
        %get3A_430 = arith.index_cast %add3A_395 : i32 to index
        %get3A_431 = arith.constant 32 : index
        %get3A_432 = tpu.vector_load %arg10[%get3A_430, %get3A_431] {strides = array<i32>} : memref<200x128xf32, #tpu.memory_space<vmem>>, vector<1x16xf32>,
        %get3A_433 = vector.shape_cast %get3A_432 : vector<1x16xf32> to vector<16xf32>
        %mul3A_434 = arith.constant 64 : i32
        %mul3A_435 = arith.muli %add3A_395, %mul3A_434 : i32
        %add3A_436 = arith.constant 32 : i32
        %add3A_437 = arith.addi %mul3A_435, %add3A_436 : i32
        %get3A_438 = arith.index_cast %add3A_437 : i32 to index
        %get3A_439 = tpu.vector_load %arg7[%get3A_438] {strides = array<i32>} : memref<12800xf32, #tpu.memory_space<vmem>>, vector<16xf32>,
        %get3A_440 = vector.shape_cast %get3A_439 : vector<16xf32> to vector<16xf32>
        %add3A_441 = arith.addf %get3A_433, %get3A_440 : vector<16xf32>
        %swap3A_442 = arith.index_cast %add3A_395 : i32 to index
        %swap3A_443 = arith.constant 32 : index
        %swap3A_444 = tpu.vector_load %arg10[%swap3A_442, %swap3A_443] {strides = array<i32>} : memref<200x128xf32, #tpu.memory_space<vmem>>, vector<1x16xf32>,
        %swap3A_445 = vector.shape_cast %swap3A_444 : vector<1x16xf32> to vector<16xf32>
        %swap3A_446 = vector.shape_cast %add3A_441 : vector<16xf32> to vector<1x16xf32>
        tpu.vector_store %arg10[%swap3A_442, %swap3A_443], %swap3A_446 {strides = array<i32>} : memref<200x128xf32, #tpu.memory_space<vmem>>, vector<1x16xf32>,
        %get3A_447 = arith.index_cast %add3A_395 : i32 to index
        %get3A_448 = arith.constant 48 : index
        %get3A_449 = tpu.vector_load %arg10[%get3A_447, %get3A_448] {strides = array<i32>} : memref<200x128xf32, #tpu.memory_space<vmem>>, vector<1x16xf32>,
        %get3A_450 = vector.shape_cast %get3A_449 : vector<1x16xf32> to vector<16xf32>
        %mul3A_451 = arith.constant 64 : i32
        %mul3A_452 = arith.muli %add3A_395, %mul3A_451 : i32
        %add3A_453 = arith.constant 48 : i32
        %add3A_454 = arith.addi %mul3A_452, %add3A_453 : i32
        %get3A_455 = arith.index_cast %add3A_454 : i32 to index
        %get3A_456 = tpu.vector_load %arg7[%get3A_455] {strides = array<i32>} : memref<12800xf32, #tpu.memory_space<vmem>>, vector<16xf32>,
        %get3A_457 = vector.shape_cast %get3A_456 : vector<16xf32> to vector<16xf32>
        %add3A_458 = arith.addf %get3A_450, %get3A_457 : vector<16xf32>
        %swap3A_459 = arith.index_cast %add3A_395 : i32 to index
        %swap3A_460 = arith.constant 48 : index
        %swap3A_461 = tpu.vector_load %arg10[%swap3A_459, %swap3A_460] {strides = array<i32>} : memref<200x128xf32, #tpu.memory_space<vmem>>, vector<1x16xf32>,
        %swap3A_462 = vector.shape_cast %swap3A_461 : vector<1x16xf32> to vector<16xf32>
        %swap3A_463 = vector.shape_cast %add3A_458 : vector<16xf32> to vector<1x16xf32>
        tpu.vector_store %arg10[%swap3A_459, %swap3A_460], %swap3A_463 {strides = array<i32>} : memref<200x128xf32, #tpu.memory_space<vmem>>, vector<1x16xf32>,
        %scan3A_464 = arith.constant 3 : i32
        %scan3A_465 = arith.addi %scan3A_245, %scan3A_464 : i32
        %mul3A_466 = arith.constant 1 : i32
        %mul3A_467 = arith.muli %scan3A_465, %mul3A_466 : i32
        %add3A_468 = arith.constant 0 : i32
        %add3A_469 = arith.addi %add3A_468, %mul3A_467 : i32
        %get3A_470 = arith.index_cast %add3A_469 : i32 to index
        %get3A_471 = arith.constant 0 : index
        %get3A_472 = tpu.vector_load %arg10[%get3A_470, %get3A_471] {strides = array<i32>} : memref<200x128xf32, #tpu.memory_space<vmem>>, vector<1x16xf32>,
        %get3A_473 = vector.shape_cast %get3A_472 : vector<1x16xf32> to vector<16xf32>
        %mul3A_474 = arith.constant 64 : i32
        %mul3A_475 = arith.muli %add3A_469, %mul3A_474 : i32
        %add3A_476 = arith.constant 0 : i32
        %add3A_477 = arith.addi %mul3A_475, %add3A_476 : i32
        %get3A_478 = arith.index_cast %add3A_477 : i32 to index
        %get3A_479 = tpu.vector_load %arg7[%get3A_478] {strides = array<i32>} : memref<12800xf32, #tpu.memory_space<vmem>>, vector<16xf32>,
        %get3A_480 = vector.shape_cast %get3A_479 : vector<16xf32> to vector<16xf32>
        %add3A_481 = arith.addf %get3A_473, %get3A_480 : vector<16xf32>
        %swap3A_482 = arith.index_cast %add3A_469 : i32 to index
        %swap3A_483 = arith.constant 0 : index
        %swap3A_484 = tpu.vector_load %arg10[%swap3A_482, %swap3A_483] {strides = array<i32>} : memref<200x128xf32, #tpu.memory_space<vmem>>, vector<1x16xf32>,
        %swap3A_485 = vector.shape_cast %swap3A_484 : vector<1x16xf32> to vector<16xf32>
        %swap3A_486 = vector.shape_cast %add3A_481 : vector<16xf32> to vector<1x16xf32>
        tpu.vector_store %arg10[%swap3A_482, %swap3A_483], %swap3A_486 {strides = array<i32>} : memref<200x128xf32, #tpu.memory_space<vmem>>, vector<1x16xf32>,
        %get3A_487 = arith.index_cast %add3A_469 : i32 to index
        %get3A_488 = arith.constant 16 : index
        %get3A_489 = tpu.vector_load %arg10[%get3A_487, %get3A_488] {strides = array<i32>} : memref<200x128xf32, #tpu.memory_space<vmem>>, vector<1x16xf32>,
        %get3A_490 = vector.shape_cast %get3A_489 : vector<1x16xf32> to vector<16xf32>
        %mul3A_491 = arith.constant 64 : i32
        %mul3A_492 = arith.muli %add3A_469, %mul3A_491 : i32
        %add3A_493 = arith.constant 16 : i32
        %add3A_494 = arith.addi %mul3A_492, %add3A_493 : i32
        %get3A_495 = arith.index_cast %add3A_494 : i32 to index
        %get3A_496 = tpu.vector_load %arg7[%get3A_495] {strides = array<i32>} : memref<12800xf32, #tpu.memory_space<vmem>>, vector<16xf32>,
        %get3A_497 = vector.shape_cast %get3A_496 : vector<16xf32> to vector<16xf32>
        %add3A_498 = arith.addf %get3A_490, %get3A_497 : vector<16xf32>
        %swap3A_499 = arith.index_cast %add3A_469 : i32 to index
        %swap3A_500 = arith.constant 16 : index
        %swap3A_501 = tpu.vector_load %arg10[%swap3A_499, %swap3A_500] {strides = array<i32>} : memref<200x128xf32, #tpu.memory_space<vmem>>, vector<1x16xf32>,
        %swap3A_502 = vector.shape_cast %swap3A_501 : vector<1x16xf32> to vector<16xf32>
        %swap3A_503 = vector.shape_cast %add3A_498 : vector<16xf32> to vector<1x16xf32>
        tpu.vector_store %arg10[%swap3A_499, %swap3A_500], %swap3A_503 {strides = array<i32>} : memref<200x128xf32, #tpu.memory_space<vmem>>, vector<1x16xf32>,
        %get3A_504 = arith.index_cast %add3A_469 : i32 to index
        %get3A_505 = arith.constant 32 : index
        %get3A_506 = tpu.vector_load %arg10[%get3A_504, %get3A_505] {strides = array<i32>} : memref<200x128xf32, #tpu.memory_space<vmem>>, vector<1x16xf32>,
        %get3A_507 = vector.shape_cast %get3A_506 : vector<1x16xf32> to vector<16xf32>
        %mul3A_508 = arith.constant 64 : i32
        %mul3A_509 = arith.muli %add3A_469, %mul3A_508 : i32
        %add3A_510 = arith.constant 32 : i32
        %add3A_511 = arith.addi %mul3A_509, %add3A_510 : i32
        %get3A_512 = arith.index_cast %add3A_511 : i32 to index
        %get3A_513 = tpu.vector_load %arg7[%get3A_512] {strides = array<i32>} : memref<12800xf32, #tpu.memory_space<vmem>>, vector<16xf32>,
        %get3A_514 = vector.shape_cast %get3A_513 : vector<16xf32> to vector<16xf32>
        %add3A_515 = arith.addf %get3A_507, %get3A_514 : vector<16xf32>
        %swap3A_516 = arith.index_cast %add3A_469 : i32 to index
        %swap3A_517 = arith.constant 32 : index
        %swap3A_518 = tpu.vector_load %arg10[%swap3A_516, %swap3A_517] {strides = array<i32>} : memref<200x128xf32, #tpu.memory_space<vmem>>, vector<1x16xf32>,
        %swap3A_519 = vector.shape_cast %swap3A_518 : vector<1x16xf32> to vector<16xf32>
        %swap3A_520 = vector.shape_cast %add3A_515 : vector<16xf32> to vector<1x16xf32>
        tpu.vector_store %arg10[%swap3A_516, %swap3A_517], %swap3A_520 {strides = array<i32>} : memref<200x128xf32, #tpu.memory_space<vmem>>, vector<1x16xf32>,
        %get3A_521 = arith.index_cast %add3A_469 : i32 to index
        %get3A_522 = arith.constant 48 : index
        %get3A_523 = tpu.vector_load %arg10[%get3A_521, %get3A_522] {strides = array<i32>} : memref<200x128xf32, #tpu.memory_space<vmem>>, vector<1x16xf32>,
        %get3A_524 = vector.shape_cast %get3A_523 : vector<1x16xf32> to vector<16xf32>
        %mul3A_525 = arith.constant 64 : i32
        %mul3A_526 = arith.muli %add3A_469, %mul3A_525 : i32
        %add3A_527 = arith.constant 48 : i32
        %add3A_528 = arith.addi %mul3A_526, %add3A_527 : i32
        %get3A_529 = arith.index_cast %add3A_528 : i32 to index
        %get3A_530 = tpu.vector_load %arg7[%get3A_529] {strides = array<i32>} : memref<12800xf32, #tpu.memory_space<vmem>>, vector<16xf32>,
        %get3A_531 = vector.shape_cast %get3A_530 : vector<16xf32> to vector<16xf32>
        %add3A_532 = arith.addf %get3A_524, %get3A_531 : vector<16xf32>
        %swap3A_533 = arith.index_cast %add3A_469 : i32 to index
        %swap3A_534 = arith.constant 48 : index
        %swap3A_535 = tpu.vector_load %arg10[%swap3A_533, %swap3A_534] {strides = array<i32>} : memref<200x128xf32, #tpu.memory_space<vmem>>, vector<1x16xf32>,
        %swap3A_536 = vector.shape_cast %swap3A_535 : vector<1x16xf32> to vector<16xf32>
        %swap3A_537 = vector.shape_cast %add3A_532 : vector<16xf32> to vector<1x16xf32>
        tpu.vector_store %arg10[%swap3A_533, %swap3A_534], %swap3A_537 {strides = array<i32>} : memref<200x128xf32, #tpu.memory_space<vmem>>, vector<1x16xf32>,
        %scan3A_538 = arith.constant 4 : i32
        %scan3A_539 = arith.addi %scan3A_245, %scan3A_538 : i32
        %mul3A_540 = arith.constant 1 : i32
        %mul3A_541 = arith.muli %scan3A_539, %mul3A_540 : i32
        %add3A_542 = arith.constant 0 : i32
        %add3A_543 = arith.addi %add3A_542, %mul3A_541 : i32
        %get3A_544 = arith.index_cast %add3A_543 : i32 to index
        %get3A_545 = arith.constant 0 : index
        %get3A_546 = tpu.vector_load %arg10[%get3A_544, %get3A_545] {strides = array<i32>} : memref<200x128xf32, #tpu.memory_space<vmem>>, vector<1x16xf32>,
        %get3A_547 = vector.shape_cast %get3A_546 : vector<1x16xf32> to vector<16xf32>
        %mul3A_548 = arith.constant 64 : i32
        %mul3A_549 = arith.muli %add3A_543, %mul3A_548 : i32
        %add3A_550 = arith.constant 0 : i32
        %add3A_551 = arith.addi %mul3A_549, %add3A_550 : i32
        %get3A_552 = arith.index_cast %add3A_551 : i32 to index
        %get3A_553 = tpu.vector_load %arg7[%get3A_552] {strides = array<i32>} : memref<12800xf32, #tpu.memory_space<vmem>>, vector<16xf32>,
        %get3A_554 = vector.shape_cast %get3A_553 : vector<16xf32> to vector<16xf32>
        %add3A_555 = arith.addf %get3A_547, %get3A_554 : vector<16xf32>
        %swap3A_556 = arith.index_cast %add3A_543 : i32 to index
        %swap3A_557 = arith.constant 0 : index
        %swap3A_558 = tpu.vector_load %arg10[%swap3A_556, %swap3A_557] {strides = array<i32>} : memref<200x128xf32, #tpu.memory_space<vmem>>, vector<1x16xf32>,
        %swap3A_559 = vector.shape_cast %swap3A_558 : vector<1x16xf32> to vector<16xf32>
        %swap3A_560 = vector.shape_cast %add3A_555 : vector<16xf32> to vector<1x16xf32>
        tpu.vector_store %arg10[%swap3A_556, %swap3A_557], %swap3A_560 {strides = array<i32>} : memref<200x128xf32, #tpu.memory_space<vmem>>, vector<1x16xf32>,
        %get3A_561 = arith.index_cast %add3A_543 : i32 to index
        %get3A_562 = arith.constant 16 : index
        %get3A_563 = tpu.vector_load %arg10[%get3A_561, %get3A_562] {strides = array<i32>} : memref<200x128xf32, #tpu.memory_space<vmem>>, vector<1x16xf32>,
        %get3A_564 = vector.shape_cast %get3A_563 : vector<1x16xf32> to vector<16xf32>
        %mul3A_565 = arith.constant 64 : i32
        %mul3A_566 = arith.muli %add3A_543, %mul3A_565 : i32
        %add3A_567 = arith.constant 16 : i32
        %add3A_568 = arith.addi %mul3A_566, %add3A_567 : i32
        %get3A_569 = arith.index_cast %add3A_568 : i32 to index
        %get3A_570 = tpu.vector_load %arg7[%get3A_569] {strides = array<i32>} : memref<12800xf32, #tpu.memory_space<vmem>>, vector<16xf32>,
        %get3A_571 = vector.shape_cast %get3A_570 : vector<16xf32> to vector<16xf32>
        %add3A_572 = arith.addf %get3A_564, %get3A_571 : vector<16xf32>
        %swap3A_573 = arith.index_cast %add3A_543 : i32 to index
        %swap3A_574 = arith.constant 16 : index
        %swap3A_575 = tpu.vector_load %arg10[%swap3A_573, %swap3A_574] {strides = array<i32>} : memref<200x128xf32, #tpu.memory_space<vmem>>, vector<1x16xf32>,
        %swap3A_576 = vector.shape_cast %swap3A_575 : vector<1x16xf32> to vector<16xf32>
        %swap3A_577 = vector.shape_cast %add3A_572 : vector<16xf32> to vector<1x16xf32>
        tpu.vector_store %arg10[%swap3A_573, %swap3A_574], %swap3A_577 {strides = array<i32>} : memref<200x128xf32, #tpu.memory_space<vmem>>, vector<1x16xf32>,
        %get3A_578 = arith.index_cast %add3A_543 : i32 to index
        %get3A_579 = arith.constant 32 : index
        %get3A_580 = tpu.vector_load %arg10[%get3A_578, %get3A_579] {strides = array<i32>} : memref<200x128xf32, #tpu.memory_space<vmem>>, vector<1x16xf32>,
        %get3A_581 = vector.shape_cast %get3A_580 : vector<1x16xf32> to vector<16xf32>
        %mul3A_582 = arith.constant 64 : i32
        %mul3A_583 = arith.muli %add3A_543, %mul3A_582 : i32
        %add3A_584 = arith.constant 32 : i32
        %add3A_585 = arith.addi %mul3A_583, %add3A_584 : i32
        %get3A_586 = arith.index_cast %add3A_585 : i32 to index
        %get3A_587 = tpu.vector_load %arg7[%get3A_586] {strides = array<i32>} : memref<12800xf32, #tpu.memory_space<vmem>>, vector<16xf32>,
        %get3A_588 = vector.shape_cast %get3A_587 : vector<16xf32> to vector<16xf32>
        %add3A_589 = arith.addf %get3A_581, %get3A_588 : vector<16xf32>
        %swap3A_590 = arith.index_cast %add3A_543 : i32 to index
        %swap3A_591 = arith.constant 32 : index
        %swap3A_592 = tpu.vector_load %arg10[%swap3A_590, %swap3A_591] {strides = array<i32>} : memref<200x128xf32, #tpu.memory_space<vmem>>, vector<1x16xf32>,
        %swap3A_593 = vector.shape_cast %swap3A_592 : vector<1x16xf32> to vector<16xf32>
        %swap3A_594 = vector.shape_cast %add3A_589 : vector<16xf32> to vector<1x16xf32>
        tpu.vector_store %arg10[%swap3A_590, %swap3A_591], %swap3A_594 {strides = array<i32>} : memref<200x128xf32, #tpu.memory_space<vmem>>, vector<1x16xf32>,
        %get3A_595 = arith.index_cast %add3A_543 : i32 to index
        %get3A_596 = arith.constant 48 : index
        %get3A_597 = tpu.vector_load %arg10[%get3A_595, %get3A_596] {strides = array<i32>} : memref<200x128xf32, #tpu.memory_space<vmem>>, vector<1x16xf32>,
        %get3A_598 = vector.shape_cast %get3A_597 : vector<1x16xf32> to vector<16xf32>
        %mul3A_599 = arith.constant 64 : i32
        %mul3A_600 = arith.muli %add3A_543, %mul3A_599 : i32
        %add3A_601 = arith.constant 48 : i32
        %add3A_602 = arith.addi %mul3A_600, %add3A_601 : i32
        %get3A_603 = arith.index_cast %add3A_602 : i32 to index
        %get3A_604 = tpu.vector_load %arg7[%get3A_603] {strides = array<i32>} : memref<12800xf32, #tpu.memory_space<vmem>>, vector<16xf32>,
        %get3A_605 = vector.shape_cast %get3A_604 : vector<16xf32> to vector<16xf32>
        %add3A_606 = arith.addf %get3A_598, %get3A_605 : vector<16xf32>
        %swap3A_607 = arith.index_cast %add3A_543 : i32 to index
        %swap3A_608 = arith.constant 48 : index
        %swap3A_609 = tpu.vector_load %arg10[%swap3A_607, %swap3A_608] {strides = array<i32>} : memref<200x128xf32, #tpu.memory_space<vmem>>, vector<1x16xf32>,
        %swap3A_610 = vector.shape_cast %swap3A_609 : vector<1x16xf32> to vector<16xf32>
        %swap3A_611 = vector.shape_cast %add3A_606 : vector<16xf32> to vector<1x16xf32>
        tpu.vector_store %arg10[%swap3A_607, %swap3A_608], %swap3A_611 {strides = array<i32>} : memref<200x128xf32, #tpu.memory_space<vmem>>, vector<1x16xf32>,
        %scan3A_612 = arith.constant 5 : i32
        %scan3A_613 = arith.addi %scan3A_245, %scan3A_612 : i32
        %mul3A_614 = arith.constant 1 : i32
        %mul3A_615 = arith.muli %scan3A_613, %mul3A_614 : i32
        %add3A_616 = arith.constant 0 : i32
        %add3A_617 = arith.addi %add3A_616, %mul3A_615 : i32
        %get3A_618 = arith.index_cast %add3A_617 : i32 to index
        %get3A_619 = arith.constant 0 : index
        %get3A_620 = tpu.vector_load %arg10[%get3A_618, %get3A_619] {strides = array<i32>} : memref<200x128xf32, #tpu.memory_space<vmem>>, vector<1x16xf32>,
        %get3A_621 = vector.shape_cast %get3A_620 : vector<1x16xf32> to vector<16xf32>
        %mul3A_622 = arith.constant 64 : i32
        %mul3A_623 = arith.muli %add3A_617, %mul3A_622 : i32
        %add3A_624 = arith.constant 0 : i32
        %add3A_625 = arith.addi %mul3A_623, %add3A_624 : i32
        %get3A_626 = arith.index_cast %add3A_625 : i32 to index
        %get3A_627 = tpu.vector_load %arg7[%get3A_626] {strides = array<i32>} : memref<12800xf32, #tpu.memory_space<vmem>>, vector<16xf32>,
        %get3A_628 = vector.shape_cast %get3A_627 : vector<16xf32> to vector<16xf32>
        %add3A_629 = arith.addf %get3A_621, %get3A_628 : vector<16xf32>
        %swap3A_630 = arith.index_cast %add3A_617 : i32 to index
        %swap3A_631 = arith.constant 0 : index
        %swap3A_632 = tpu.vector_load %arg10[%swap3A_630, %swap3A_631] {strides = array<i32>} : memref<200x128xf32, #tpu.memory_space<vmem>>, vector<1x16xf32>,
        %swap3A_633 = vector.shape_cast %swap3A_632 : vector<1x16xf32> to vector<16xf32>
        %swap3A_634 = vector.shape_cast %add3A_629 : vector<16xf32> to vector<1x16xf32>
        tpu.vector_store %arg10[%swap3A_630, %swap3A_631], %swap3A_634 {strides = array<i32>} : memref<200x128xf32, #tpu.memory_space<vmem>>, vector<1x16xf32>,
        %get3A_635 = arith.index_cast %add3A_617 : i32 to index
        %get3A_636 = arith.constant 16 : index
        %get3A_637 = tpu.vector_load %arg10[%get3A_635, %get3A_636] {strides = array<i32>} : memref<200x128xf32, #tpu.memory_space<vmem>>, vector<1x16xf32>,
        %get3A_638 = vector.shape_cast %get3A_637 : vector<1x16xf32> to vector<16xf32>
        %mul3A_639 = arith.constant 64 : i32
        %mul3A_640 = arith.muli %add3A_617, %mul3A_639 : i32
        %add3A_641 = arith.constant 16 : i32
        %add3A_642 = arith.addi %mul3A_640, %add3A_641 : i32
        %get3A_643 = arith.index_cast %add3A_642 : i32 to index
        %get3A_644 = tpu.vector_load %arg7[%get3A_643] {strides = array<i32>} : memref<12800xf32, #tpu.memory_space<vmem>>, vector<16xf32>,
        %get3A_645 = vector.shape_cast %get3A_644 : vector<16xf32> to vector<16xf32>
        %add3A_646 = arith.addf %get3A_638, %get3A_645 : vector<16xf32>
        %swap3A_647 = arith.index_cast %add3A_617 : i32 to index
        %swap3A_648 = arith.constant 16 : index
        %swap3A_649 = tpu.vector_load %arg10[%swap3A_647, %swap3A_648] {strides = array<i32>} : memref<200x128xf32, #tpu.memory_space<vmem>>, vector<1x16xf32>,
        %swap3A_650 = vector.shape_cast %swap3A_649 : vector<1x16xf32> to vector<16xf32>
        %swap3A_651 = vector.shape_cast %add3A_646 : vector<16xf32> to vector<1x16xf32>
        tpu.vector_store %arg10[%swap3A_647, %swap3A_648], %swap3A_651 {strides = array<i32>} : memref<200x128xf32, #tpu.memory_space<vmem>>, vector<1x16xf32>,
        %get3A_652 = arith.index_cast %add3A_617 : i32 to index
        %get3A_653 = arith.constant 32 : index
        %get3A_654 = tpu.vector_load %arg10[%get3A_652, %get3A_653] {strides = array<i32>} : memref<200x128xf32, #tpu.memory_space<vmem>>, vector<1x16xf32>,
        %get3A_655 = vector.shape_cast %get3A_654 : vector<1x16xf32> to vector<16xf32>
        %mul3A_656 = arith.constant 64 : i32
        %mul3A_657 = arith.muli %add3A_617, %mul3A_656 : i32
        %add3A_658 = arith.constant 32 : i32
        %add3A_659 = arith.addi %mul3A_657, %add3A_658 : i32
        %get3A_660 = arith.index_cast %add3A_659 : i32 to index
        %get3A_661 = tpu.vector_load %arg7[%get3A_660] {strides = array<i32>} : memref<12800xf32, #tpu.memory_space<vmem>>, vector<16xf32>,
        %get3A_662 = vector.shape_cast %get3A_661 : vector<16xf32> to vector<16xf32>
        %add3A_663 = arith.addf %get3A_655, %get3A_662 : vector<16xf32>
        %swap3A_664 = arith.index_cast %add3A_617 : i32 to index
        %swap3A_665 = arith.constant 32 : index
        %swap3A_666 = tpu.vector_load %arg10[%swap3A_664, %swap3A_665] {strides = array<i32>} : memref<200x128xf32, #tpu.memory_space<vmem>>, vector<1x16xf32>,
        %swap3A_667 = vector.shape_cast %swap3A_666 : vector<1x16xf32> to vector<16xf32>
        %swap3A_668 = vector.shape_cast %add3A_663 : vector<16xf32> to vector<1x16xf32>
        tpu.vector_store %arg10[%swap3A_664, %swap3A_665], %swap3A_668 {strides = array<i32>} : memref<200x128xf32, #tpu.memory_space<vmem>>, vector<1x16xf32>,
        %get3A_669 = arith.index_cast %add3A_617 : i32 to index
        %get3A_670 = arith.constant 48 : index
        %get3A_671 = tpu.vector_load %arg10[%get3A_669, %get3A_670] {strides = array<i32>} : memref<200x128xf32, #tpu.memory_space<vmem>>, vector<1x16xf32>,
        %get3A_672 = vector.shape_cast %get3A_671 : vector<1x16xf32> to vector<16xf32>
        %mul3A_673 = arith.constant 64 : i32
        %mul3A_674 = arith.muli %add3A_617, %mul3A_673 : i32
        %add3A_675 = arith.constant 48 : i32
        %add3A_676 = arith.addi %mul3A_674, %add3A_675 : i32
        %get3A_677 = arith.index_cast %add3A_676 : i32 to index
        %get3A_678 = tpu.vector_load %arg7[%get3A_677] {strides = array<i32>} : memref<12800xf32, #tpu.memory_space<vmem>>, vector<16xf32>,
        %get3A_679 = vector.shape_cast %get3A_678 : vector<16xf32> to vector<16xf32>
        %add3A_680 = arith.addf %get3A_672, %get3A_679 : vector<16xf32>
        %swap3A_681 = arith.index_cast %add3A_617 : i32 to index
        %swap3A_682 = arith.constant 48 : index
        %swap3A_683 = tpu.vector_load %arg10[%swap3A_681, %swap3A_682] {strides = array<i32>} : memref<200x128xf32, #tpu.memory_space<vmem>>, vector<1x16xf32>,
        %swap3A_684 = vector.shape_cast %swap3A_683 : vector<1x16xf32> to vector<16xf32>
        %swap3A_685 = vector.shape_cast %add3A_680 : vector<16xf32> to vector<1x16xf32>
        tpu.vector_store %arg10[%swap3A_681, %swap3A_682], %swap3A_685 {strides = array<i32>} : memref<200x128xf32, #tpu.memory_space<vmem>>, vector<1x16xf32>,
        %scan3A_686 = arith.constant 6 : i32
        %scan3A_687 = arith.addi %scan3A_245, %scan3A_686 : i32
        %mul3A_688 = arith.constant 1 : i32
        %mul3A_689 = arith.muli %scan3A_687, %mul3A_688 : i32
        %add3A_690 = arith.constant 0 : i32
        %add3A_691 = arith.addi %add3A_690, %mul3A_689 : i32
        %get3A_692 = arith.index_cast %add3A_691 : i32 to index
        %get3A_693 = arith.constant 0 : index
        %get3A_694 = tpu.vector_load %arg10[%get3A_692, %get3A_693] {strides = array<i32>} : memref<200x128xf32, #tpu.memory_space<vmem>>, vector<1x16xf32>,
        %get3A_695 = vector.shape_cast %get3A_694 : vector<1x16xf32> to vector<16xf32>
        %mul3A_696 = arith.constant 64 : i32
        %mul3A_697 = arith.muli %add3A_691, %mul3A_696 : i32
        %add3A_698 = arith.constant 0 : i32
        %add3A_699 = arith.addi %mul3A_697, %add3A_698 : i32
        %get3A_700 = arith.index_cast %add3A_699 : i32 to index
        %get3A_701 = tpu.vector_load %arg7[%get3A_700] {strides = array<i32>} : memref<12800xf32, #tpu.memory_space<vmem>>, vector<16xf32>,
        %get3A_702 = vector.shape_cast %get3A_701 : vector<16xf32> to vector<16xf32>
        %add3A_703 = arith.addf %get3A_695, %get3A_702 : vector<16xf32>
        %swap3A_704 = arith.index_cast %add3A_691 : i32 to index
        %swap3A_705 = arith.constant 0 : index
        %swap3A_706 = tpu.vector_load %arg10[%swap3A_704, %swap3A_705] {strides = array<i32>} : memref<200x128xf32, #tpu.memory_space<vmem>>, vector<1x16xf32>,
        %swap3A_707 = vector.shape_cast %swap3A_706 : vector<1x16xf32> to vector<16xf32>
        %swap3A_708 = vector.shape_cast %add3A_703 : vector<16xf32> to vector<1x16xf32>
        tpu.vector_store %arg10[%swap3A_704, %swap3A_705], %swap3A_708 {strides = array<i32>} : memref<200x128xf32, #tpu.memory_space<vmem>>, vector<1x16xf32>,
        %get3A_709 = arith.index_cast %add3A_691 : i32 to index
        %get3A_710 = arith.constant 16 : index
        %get3A_711 = tpu.vector_load %arg10[%get3A_709, %get3A_710] {strides = array<i32>} : memref<200x128xf32, #tpu.memory_space<vmem>>, vector<1x16xf32>,
        %get3A_712 = vector.shape_cast %get3A_711 : vector<1x16xf32> to vector<16xf32>
        %mul3A_713 = arith.constant 64 : i32
        %mul3A_714 = arith.muli %add3A_691, %mul3A_713 : i32
        %add3A_715 = arith.constant 16 : i32
        %add3A_716 = arith.addi %mul3A_714, %add3A_715 : i32
        %get3A_717 = arith.index_cast %add3A_716 : i32 to index
        %get3A_718 = tpu.vector_load %arg7[%get3A_717] {strides = array<i32>} : memref<12800xf32, #tpu.memory_space<vmem>>, vector<16xf32>,
        %get3A_719 = vector.shape_cast %get3A_718 : vector<16xf32> to vector<16xf32>
        %add3A_720 = arith.addf %get3A_712, %get3A_719 : vector<16xf32>
        %swap3A_721 = arith.index_cast %add3A_691 : i32 to index
        %swap3A_722 = arith.constant 16 : index
        %swap3A_723 = tpu.vector_load %arg10[%swap3A_721, %swap3A_722] {strides = array<i32>} : memref<200x128xf32, #tpu.memory_space<vmem>>, vector<1x16xf32>,
        %swap3A_724 = vector.shape_cast %swap3A_723 : vector<1x16xf32> to vector<16xf32>
        %swap3A_725 = vector.shape_cast %add3A_720 : vector<16xf32> to vector<1x16xf32>
        tpu.vector_store %arg10[%swap3A_721, %swap3A_722], %swap3A_725 {strides = array<i32>} : memref<200x128xf32, #tpu.memory_space<vmem>>, vector<1x16xf32>,
        %get3A_726 = arith.index_cast %add3A_691 : i32 to index
        %get3A_727 = arith.constant 32 : index
        %get3A_728 = tpu.vector_load %arg10[%get3A_726, %get3A_727] {strides = array<i32>} : memref<200x128xf32, #tpu.memory_space<vmem>>, vector<1x16xf32>,
        %get3A_729 = vector.shape_cast %get3A_728 : vector<1x16xf32> to vector<16xf32>
        %mul3A_730 = arith.constant 64 : i32
        %mul3A_731 = arith.muli %add3A_691, %mul3A_730 : i32
        %add3A_732 = arith.constant 32 : i32
        %add3A_733 = arith.addi %mul3A_731, %add3A_732 : i32
        %get3A_734 = arith.index_cast %add3A_733 : i32 to index
        %get3A_735 = tpu.vector_load %arg7[%get3A_734] {strides = array<i32>} : memref<12800xf32, #tpu.memory_space<vmem>>, vector<16xf32>,
        %get3A_736 = vector.shape_cast %get3A_735 : vector<16xf32> to vector<16xf32>
        %add3A_737 = arith.addf %get3A_729, %get3A_736 : vector<16xf32>
        %swap3A_738 = arith.index_cast %add3A_691 : i32 to index
        %swap3A_739 = arith.constant 32 : index
        %swap3A_740 = tpu.vector_load %arg10[%swap3A_738, %swap3A_739] {strides = array<i32>} : memref<200x128xf32, #tpu.memory_space<vmem>>, vector<1x16xf32>,
        %swap3A_741 = vector.shape_cast %swap3A_740 : vector<1x16xf32> to vector<16xf32>
        %swap3A_742 = vector.shape_cast %add3A_737 : vector<16xf32> to vector<1x16xf32>
        tpu.vector_store %arg10[%swap3A_738, %swap3A_739], %swap3A_742 {strides = array<i32>} : memref<200x128xf32, #tpu.memory_space<vmem>>, vector<1x16xf32>,
        %get3A_743 = arith.index_cast %add3A_691 : i32 to index
        %get3A_744 = arith.constant 48 : index
        %get3A_745 = tpu.vector_load %arg10[%get3A_743, %get3A_744] {strides = array<i32>} : memref<200x128xf32, #tpu.memory_space<vmem>>, vector<1x16xf32>,
        %get3A_746 = vector.shape_cast %get3A_745 : vector<1x16xf32> to vector<16xf32>
        %mul3A_747 = arith.constant 64 : i32
        %mul3A_748 = arith.muli %add3A_691, %mul3A_747 : i32
        %add3A_749 = arith.constant 48 : i32
        %add3A_750 = arith.addi %mul3A_748, %add3A_749 : i32
        %get3A_751 = arith.index_cast %add3A_750 : i32 to index
        %get3A_752 = tpu.vector_load %arg7[%get3A_751] {strides = array<i32>} : memref<12800xf32, #tpu.memory_space<vmem>>, vector<16xf32>,
        %get3A_753 = vector.shape_cast %get3A_752 : vector<16xf32> to vector<16xf32>
        %add3A_754 = arith.addf %get3A_746, %get3A_753 : vector<16xf32>
        %swap3A_755 = arith.index_cast %add3A_691 : i32 to index
        %swap3A_756 = arith.constant 48 : index
        %swap3A_757 = tpu.vector_load %arg10[%swap3A_755, %swap3A_756] {strides = array<i32>} : memref<200x128xf32, #tpu.memory_space<vmem>>, vector<1x16xf32>,
        %swap3A_758 = vector.shape_cast %swap3A_757 : vector<1x16xf32> to vector<16xf32>
        %swap3A_759 = vector.shape_cast %add3A_754 : vector<16xf32> to vector<1x16xf32>
        tpu.vector_store %arg10[%swap3A_755, %swap3A_756], %swap3A_759 {strides = array<i32>} : memref<200x128xf32, #tpu.memory_space<vmem>>, vector<1x16xf32>,
        %scan3A_760 = arith.constant 7 : i32
        %scan3A_761 = arith.addi %scan3A_245, %scan3A_760 : i32
        %mul3A_762 = arith.constant 1 : i32
        %mul3A_763 = arith.muli %scan3A_761, %mul3A_762 : i32
        %add3A_764 = arith.constant 0 : i32
        %add3A_765 = arith.addi %add3A_764, %mul3A_763 : i32
        %get3A_766 = arith.index_cast %add3A_765 : i32 to index
        %get3A_767 = arith.constant 0 : index
        %get3A_768 = tpu.vector_load %arg10[%get3A_766, %get3A_767] {strides = array<i32>} : memref<200x128xf32, #tpu.memory_space<vmem>>, vector<1x16xf32>,
        %get3A_769 = vector.shape_cast %get3A_768 : vector<1x16xf32> to vector<16xf32>
        %mul3A_770 = arith.constant 64 : i32
        %mul3A_771 = arith.muli %add3A_765, %mul3A_770 : i32
        %add3A_772 = arith.constant 0 : i32
        %add3A_773 = arith.addi %mul3A_771, %add3A_772 : i32
        %get3A_774 = arith.index_cast %add3A_773 : i32 to index
        %get3A_775 = tpu.vector_load %arg7[%get3A_774] {strides = array<i32>} : memref<12800xf32, #tpu.memory_space<vmem>>, vector<16xf32>,
        %get3A_776 = vector.shape_cast %get3A_775 : vector<16xf32> to vector<16xf32>
        %add3A_777 = arith.addf %get3A_769, %get3A_776 : vector<16xf32>
        %swap3A_778 = arith.index_cast %add3A_765 : i32 to index
        %swap3A_779 = arith.constant 0 : index
        %swap3A_780 = tpu.vector_load %arg10[%swap3A_778, %swap3A_779] {strides = array<i32>} : memref<200x128xf32, #tpu.memory_space<vmem>>, vector<1x16xf32>,
        %swap3A_781 = vector.shape_cast %swap3A_780 : vector<1x16xf32> to vector<16xf32>
        %swap3A_782 = vector.shape_cast %add3A_777 : vector<16xf32> to vector<1x16xf32>
        tpu.vector_store %arg10[%swap3A_778, %swap3A_779], %swap3A_782 {strides = array<i32>} : memref<200x128xf32, #tpu.memory_space<vmem>>, vector<1x16xf32>,
        %get3A_783 = arith.index_cast %add3A_765 : i32 to index
        %get3A_784 = arith.constant 16 : index
        %get3A_785 = tpu.vector_load %arg10[%get3A_783, %get3A_784] {strides = array<i32>} : memref<200x128xf32, #tpu.memory_space<vmem>>, vector<1x16xf32>,
        %get3A_786 = vector.shape_cast %get3A_785 : vector<1x16xf32> to vector<16xf32>
        %mul3A_787 = arith.constant 64 : i32
        %mul3A_788 = arith.muli %add3A_765, %mul3A_787 : i32
        %add3A_789 = arith.constant 16 : i32
        %add3A_790 = arith.addi %mul3A_788, %add3A_789 : i32
        %get3A_791 = arith.index_cast %add3A_790 : i32 to index
        %get3A_792 = tpu.vector_load %arg7[%get3A_791] {strides = array<i32>} : memref<12800xf32, #tpu.memory_space<vmem>>, vector<16xf32>,
        %get3A_793 = vector.shape_cast %get3A_792 : vector<16xf32> to vector<16xf32>
        %add3A_794 = arith.addf %get3A_786, %get3A_793 : vector<16xf32>
        %swap3A_795 = arith.index_cast %add3A_765 : i32 to index
        %swap3A_796 = arith.constant 16 : index
        %swap3A_797 = tpu.vector_load %arg10[%swap3A_795, %swap3A_796] {strides = array<i32>} : memref<200x128xf32, #tpu.memory_space<vmem>>, vector<1x16xf32>,
        %swap3A_798 = vector.shape_cast %swap3A_797 : vector<1x16xf32> to vector<16xf32>
        %swap3A_799 = vector.shape_cast %add3A_794 : vector<16xf32> to vector<1x16xf32>
        tpu.vector_store %arg10[%swap3A_795, %swap3A_796], %swap3A_799 {strides = array<i32>} : memref<200x128xf32, #tpu.memory_space<vmem>>, vector<1x16xf32>,
        %get3A_800 = arith.index_cast %add3A_765 : i32 to index
        %get3A_801 = arith.constant 32 : index
        %get3A_802 = tpu.vector_load %arg10[%get3A_800, %get3A_801] {strides = array<i32>} : memref<200x128xf32, #tpu.memory_space<vmem>>, vector<1x16xf32>,
        %get3A_803 = vector.shape_cast %get3A_802 : vector<1x16xf32> to vector<16xf32>
        %mul3A_804 = arith.constant 64 : i32
        %mul3A_805 = arith.muli %add3A_765, %mul3A_804 : i32
        %add3A_806 = arith.constant 32 : i32
        %add3A_807 = arith.addi %mul3A_805, %add3A_806 : i32
        %get3A_808 = arith.index_cast %add3A_807 : i32 to index
        %get3A_809 = tpu.vector_load %arg7[%get3A_808] {strides = array<i32>} : memref<12800xf32, #tpu.memory_space<vmem>>, vector<16xf32>,
        %get3A_810 = vector.shape_cast %get3A_809 : vector<16xf32> to vector<16xf32>
        %add3A_811 = arith.addf %get3A_803, %get3A_810 : vector<16xf32>
        %swap3A_812 = arith.index_cast %add3A_765 : i32 to index
        %swap3A_813 = arith.constant 32 : index
        %swap3A_814 = tpu.vector_load %arg10[%swap3A_812, %swap3A_813] {strides = array<i32>} : memref<200x128xf32, #tpu.memory_space<vmem>>, vector<1x16xf32>,
        %swap3A_815 = vector.shape_cast %swap3A_814 : vector<1x16xf32> to vector<16xf32>
        %swap3A_816 = vector.shape_cast %add3A_811 : vector<16xf32> to vector<1x16xf32>
        tpu.vector_store %arg10[%swap3A_812, %swap3A_813], %swap3A_816 {strides = array<i32>} : memref<200x128xf32, #tpu.memory_space<vmem>>, vector<1x16xf32>,
        %get3A_817 = arith.index_cast %add3A_765 : i32 to index
        %get3A_818 = arith.constant 48 : index
        %get3A_819 = tpu.vector_load %arg10[%get3A_817, %get3A_818] {strides = array<i32>} : memref<200x128xf32, #tpu.memory_space<vmem>>, vector<1x16xf32>,
        %get3A_820 = vector.shape_cast %get3A_819 : vector<1x16xf32> to vector<16xf32>
        %mul3A_821 = arith.constant 64 : i32
        %mul3A_822 = arith.muli %add3A_765, %mul3A_821 : i32
        %add3A_823 = arith.constant 48 : i32
        %add3A_824 = arith.addi %mul3A_822, %add3A_823 : i32
        %get3A_825 = arith.index_cast %add3A_824 : i32 to index
        %get3A_826 = tpu.vector_load %arg7[%get3A_825] {strides = array<i32>} : memref<12800xf32, #tpu.memory_space<vmem>>, vector<16xf32>,
        %get3A_827 = vector.shape_cast %get3A_826 : vector<16xf32> to vector<16xf32>
        %add3A_828 = arith.addf %get3A_820, %get3A_827 : vector<16xf32>
        %swap3A_829 = arith.index_cast %add3A_765 : i32 to index
        %swap3A_830 = arith.constant 48 : index
        %swap3A_831 = tpu.vector_load %arg10[%swap3A_829, %swap3A_830] {strides = array<i32>} : memref<200x128xf32, #tpu.memory_space<vmem>>, vector<1x16xf32>,
        %swap3A_832 = vector.shape_cast %swap3A_831 : vector<1x16xf32> to vector<16xf32>
        %swap3A_833 = vector.shape_cast %add3A_828 : vector<16xf32> to vector<1x16xf32>
        tpu.vector_store %arg10[%swap3A_829, %swap3A_830], %swap3A_833 {strides = array<i32>} : memref<200x128xf32, #tpu.memory_space<vmem>>, vector<1x16xf32>,
      }
      %scan3A_206 = arith.constant 200 : i32
      %add3A_207 = arith.addi %mul3A_2, %add3A_188 : i32
      %dma_start3A_208 = arith.constant 0 : i32
      %dma_start3A_209 = arith.constant 0 : i32
      %dma_start3A_210 = tpu.memref_slice %arg5[%add3A_207, %dma_start3A_208, %dma_start3A_209] : memref<1024x200x128xf32, #tpu.memory_space<hbm>> -> memref<1x200x128xf32, #tpu.memory_space<hbm>>
      %dma_start3A_211 = tpu.memref_squeeze %dma_start3A_210 : memref<1x200x128xf32, #tpu.memory_space<hbm>> -> memref<200x128xf32, #tpu.memory_space<hbm>>
      %dma_start3A_212 = arith.constant 0 : i32
      %dma_start3A_213 = arith.constant 0 : i32
      %dma_start3A_214 = tpu.memref_slice %arg5[%add3A_207, %dma_start3A_212, %dma_start3A_213] : memref<1024x200x128xf32, #tpu.memory_space<hbm>> -> memref<1x200x128xf32, #tpu.memory_space<hbm>>
      %dma_start3A_215 = tpu.memref_squeeze %dma_start3A_214 : memref<1x200x128xf32, #tpu.memory_space<hbm>> -> memref<200x128xf32, #tpu.memory_space<hbm>>
      tpu.enqueue_dma source(%arg10 : memref<200x128xf32, #tpu.memory_space<vmem>>) target(%dma_start3A_215 : memref<200x128xf32, #tpu.memory_space<hbm>>) target_semaphore(%arg18 : memref<!tpu.dma_semaphore, #tpu.memory_space<semaphore_mem>>)
      %add3A_216 = arith.constant 3 : i32
      %add3A_217 = arith.addi %add3A_131, %add3A_216 : i32
      %add3A_218 = arith.constant 2 : i32
      %add3A_219 = arith.addi %add3A_217, %add3A_218 : i32
      %lt3A_220 = arith.constant 32 : i32
      %lt3A_221 = arith.cmpi slt, %add3A_219, %lt3A_220 : i32
      %convert_element_type3A_222 = arith.extui %lt3A_221 : i1 to i32
      %cond3A_223 = arith.constant 0 : i32
      %cond3A_224 = arith.cmpi ne, %convert_element_type3A_222, %cond3A_223 : i32
      scf.if %cond3A_224 {
        %add3A_245 = arith.constant 2 : i32
        %add3A_246 = arith.addi %add3A_217, %add3A_245 : i32
        %ge3A = arith.constant 4 : i32
        %ge3A_247 = arith.cmpi sge, %add3A_246, %ge3A : i32
        %convert_element_type3A_248 = arith.extui %ge3A_247 : i1 to i32
        %cond3A_249 = arith.constant 0 : i32
        %cond3A_250 = arith.cmpi ne, %convert_element_type3A_248, %cond3A_249 : i32
        scf.if %cond3A_250 {
          %add3A_308 = arith.constant 2 : i32
          %add3A_309 = arith.addi %add3A_217, %add3A_308 : i32
          %sub3A = arith.constant 4 : i32
          %sub3A_310 = arith.subi %add3A_309, %sub3A : i32
          %add3A_311 = arith.addi %mul3A_2, %sub3A_310 : i32
          %dma_wait3A_312 = arith.constant 0 : i32
          %dma_wait3A_313 = arith.constant 0 : i32
          %dma_wait3A_314 = tpu.memref_slice %arg5[%add3A_311, %dma_wait3A_312, %dma_wait3A_313] : memref<1024x200x128xf32, #tpu.memory_space<hbm>> -> memref<1x200x128xf32, #tpu.memory_space<hbm>>
          %dma_wait3A_315 = tpu.memref_squeeze %dma_wait3A_314 : memref<1x200x128xf32, #tpu.memory_space<hbm>> -> memref<200x128xf32, #tpu.memory_space<hbm>>
          %dma_wait3A_316 = arith.constant 0 : i32
          %dma_wait3A_317 = arith.constant 0 : i32
          %dma_wait3A_318 = tpu.memref_slice %arg5[%add3A_311, %dma_wait3A_316, %dma_wait3A_317] : memref<1024x200x128xf32, #tpu.memory_space<hbm>> -> memref<1x200x128xf32, #tpu.memory_space<hbm>>
          %dma_wait3A_319 = tpu.memref_squeeze %dma_wait3A_318 : memref<1x200x128xf32, #tpu.memory_space<hbm>> -> memref<200x128xf32, #tpu.memory_space<hbm>>
          tpu.wait_dma2 semaphore(%arg17 : memref<!tpu.dma_semaphore, #tpu.memory_space<semaphore_mem>>) src(%arg9 : memref<200x128xf32, #tpu.memory_space<vmem>>) dst(%dma_wait3A_319 : memref<200x128xf32, #tpu.memory_space<hbm>>)
        } else {
        }
        %add3A_251 = arith.constant 2 : i32
        %add3A_252 = arith.addi %add3A_217, %add3A_251 : i32
        %mul3A_253 = arith.constant 200 : i32
        %mul3A_254 = arith.muli %add3A_252, %mul3A_253 : i32
        %add3A_255 = arith.constant 0 : i32
        %add3A_256 = arith.addi %mul3A_254, %add3A_255 : i32
        %dma_start3A_257 = arith.constant 0 : i32
        %dma_start3A_258 = arith.constant 0 : i32
        %dma_start3A_259 = tpu.memref_slice %arg9[%dma_start3A_257, %dma_start3A_258] : memref<200x128xf32, #tpu.memory_space<vmem>> -> memref<40x128xf32, #tpu.memory_space<vmem>>
        %dma_start3A_260 = tpu.memref_slice %arg6[%add3A_256] : memref<6400xi32, #tpu.memory_space<vmem>> -> memref<40xi32, #tpu.memory_space<vmem>>
        %dma_start3A_261 = arith.constant 0 : i32
        %dma_start3A_262 = arith.constant 0 : i32
        %dma_start3A_263 = tpu.memref_slice %arg4[%dma_start3A_261, %dma_start3A_262] : memref<1000000x128xf32, #tpu.memory_space<hbm>> -> memref<1000000x128xf32, #tpu.memory_space<hbm>>
        tpu.enqueue_indirect_dma source(%dma_start3A_263 : memref<1000000x128xf32, #tpu.memory_space<hbm>>) target(%dma_start3A_259 : memref<40x128xf32, #tpu.memory_space<vmem>>) offsets(%dma_start3A_260 : memref<40xi32, #tpu.memory_space<vmem>>) semaphore(%arg13 : memref<!tpu.dma_semaphore, #tpu.memory_space<semaphore_mem>>)
        %mul3A_264 = arith.constant 200 : i32
        %mul3A_265 = arith.muli %add3A_252, %mul3A_264 : i32
        %add3A_266 = arith.constant 40 : i32
        %add3A_267 = arith.addi %mul3A_265, %add3A_266 : i32
        %dma_start3A_268 = arith.constant 40 : i32
        %dma_start3A_269 = arith.constant 0 : i32
        %dma_start3A_270 = tpu.memref_slice %arg9[%dma_start3A_268, %dma_start3A_269] : memref<200x128xf32, #tpu.memory_space<vmem>> -> memref<40x128xf32, #tpu.memory_space<vmem>>
        %dma_start3A_271 = tpu.memref_slice %arg6[%add3A_267] : memref<6400xi32, #tpu.memory_space<vmem>> -> memref<40xi32, #tpu.memory_space<vmem>>
        %dma_start3A_272 = arith.constant 0 : i32
        %dma_start3A_273 = arith.constant 0 : i32
        %dma_start3A_274 = tpu.memref_slice %arg4[%dma_start3A_272, %dma_start3A_273] : memref<1000000x128xf32, #tpu.memory_space<hbm>> -> memref<1000000x128xf32, #tpu.memory_space<hbm>>
        tpu.enqueue_indirect_dma source(%dma_start3A_274 : memref<1000000x128xf32, #tpu.memory_space<hbm>>) target(%dma_start3A_270 : memref<40x128xf32, #tpu.memory_space<vmem>>) offsets(%dma_start3A_271 : memref<40xi32, #tpu.memory_space<vmem>>) semaphore(%arg13 : memref<!tpu.dma_semaphore, #tpu.memory_space<semaphore_mem>>)
        %mul3A_275 = arith.constant 200 : i32
        %mul3A_276 = arith.muli %add3A_252, %mul3A_275 : i32
        %add3A_277 = arith.constant 80 : i32
        %add3A_278 = arith.addi %mul3A_276, %add3A_277 : i32
        %dma_start3A_279 = arith.constant 80 : i32
        %dma_start3A_280 = arith.constant 0 : i32
        %dma_start3A_281 = tpu.memref_slice %arg9[%dma_start3A_279, %dma_start3A_280] : memref<200x128xf32, #tpu.memory_space<vmem>> -> memref<40x128xf32, #tpu.memory_space<vmem>>
        %dma_start3A_282 = tpu.memref_slice %arg6[%add3A_278] : memref<6400xi32, #tpu.memory_space<vmem>> -> memref<40xi32, #tpu.memory_space<vmem>>
        %dma_start3A_283 = arith.constant 0 : i32
        %dma_start3A_284 = arith.constant 0 : i32
        %dma_start3A_285 = tpu.memref_slice %arg4[%dma_start3A_283, %dma_start3A_284] : memref<1000000x128xf32, #tpu.memory_space<hbm>> -> memref<1000000x128xf32, #tpu.memory_space<hbm>>
        tpu.enqueue_indirect_dma source(%dma_start3A_285 : memref<1000000x128xf32, #tpu.memory_space<hbm>>) target(%dma_start3A_281 : memref<40x128xf32, #tpu.memory_space<vmem>>) offsets(%dma_start3A_282 : memref<40xi32, #tpu.memory_space<vmem>>) semaphore(%arg13 : memref<!tpu.dma_semaphore, #tpu.memory_space<semaphore_mem>>)
        %mul3A_286 = arith.constant 200 : i32
        %mul3A_287 = arith.muli %add3A_252, %mul3A_286 : i32
        %add3A_288 = arith.constant 120 : i32
        %add3A_289 = arith.addi %mul3A_287, %add3A_288 : i32
        %dma_start3A_290 = arith.constant 120 : i32
        %dma_start3A_291 = arith.constant 0 : i32
        %dma_start3A_292 = tpu.memref_slice %arg9[%dma_start3A_290, %dma_start3A_291] : memref<200x128xf32, #tpu.memory_space<vmem>> -> memref<40x128xf32, #tpu.memory_space<vmem>>
        %dma_start3A_293 = tpu.memref_slice %arg6[%add3A_289] : memref<6400xi32, #tpu.memory_space<vmem>> -> memref<40xi32, #tpu.memory_space<vmem>>
        %dma_start3A_294 = arith.constant 0 : i32
        %dma_start3A_295 = arith.constant 0 : i32
        %dma_start3A_296 = tpu.memref_slice %arg4[%dma_start3A_294, %dma_start3A_295] : memref<1000000x128xf32, #tpu.memory_space<hbm>> -> memref<1000000x128xf32, #tpu.memory_space<hbm>>
        tpu.enqueue_indirect_dma source(%dma_start3A_296 : memref<1000000x128xf32, #tpu.memory_space<hbm>>) target(%dma_start3A_292 : memref<40x128xf32, #tpu.memory_space<vmem>>) offsets(%dma_start3A_293 : memref<40xi32, #tpu.memory_space<vmem>>) semaphore(%arg13 : memref<!tpu.dma_semaphore, #tpu.memory_space<semaphore_mem>>)
        %mul3A_297 = arith.constant 200 : i32
        %mul3A_298 = arith.muli %add3A_252, %mul3A_297 : i32
        %add3A_299 = arith.constant 160 : i32
        %add3A_300 = arith.addi %mul3A_298, %add3A_299 : i32
        %dma_start3A_301 = arith.constant 160 : i32
        %dma_start3A_302 = arith.constant 0 : i32
        %dma_start3A_303 = tpu.memref_slice %arg9[%dma_start3A_301, %dma_start3A_302] : memref<200x128xf32, #tpu.memory_space<vmem>> -> memref<40x128xf32, #tpu.memory_space<vmem>>
        %dma_start3A_304 = tpu.memref_slice %arg6[%add3A_300] : memref<6400xi32, #tpu.memory_space<vmem>> -> memref<40xi32, #tpu.memory_space<vmem>>
        %dma_start3A_305 = arith.constant 0 : i32
        %dma_start3A_306 = arith.constant 0 : i32
        %dma_start3A_307 = tpu.memref_slice %arg4[%dma_start3A_305, %dma_start3A_306] : memref<1000000x128xf32, #tpu.memory_space<hbm>> -> memref<1000000x128xf32, #tpu.memory_space<hbm>>
        tpu.enqueue_indirect_dma source(%dma_start3A_307 : memref<1000000x128xf32, #tpu.memory_space<hbm>>) target(%dma_start3A_303 : memref<40x128xf32, #tpu.memory_space<vmem>>) offsets(%dma_start3A_304 : memref<40xi32, #tpu.memory_space<vmem>>) semaphore(%arg13 : memref<!tpu.dma_semaphore, #tpu.memory_space<semaphore_mem>>)
      } else {
      }
      %dma_wait3A_225 = arith.constant 0 : i32
      %dma_wait3A_226 = arith.constant 0 : i32
      %dma_wait3A_227 = tpu.memref_slice %arg4[%dma_wait3A_225, %dma_wait3A_226] : memref<1000000x128xf32, #tpu.memory_space<hbm>> -> memref<200x128xf32, #tpu.memory_space<hbm>>
      %dma_wait3A_228 = arith.constant 0 : i32
      %dma_wait3A_229 = arith.constant 0 : i32
      %dma_wait3A_230 = tpu.memref_slice %arg4[%dma_wait3A_228, %dma_wait3A_229] : memref<1000000x128xf32, #tpu.memory_space<hbm>> -> memref<200x128xf32, #tpu.memory_space<hbm>>
      tpu.wait_dma2 semaphore(%arg15 : memref<!tpu.dma_semaphore, #tpu.memory_space<semaphore_mem>>) src(%dma_wait3A_230 : memref<200x128xf32, #tpu.memory_space<hbm>>) dst(%arg11 : memref<200x128xf32, #tpu.memory_space<vmem>>)
      %scan3A_231 = arith.constant 0 : i32
      %scan3A_232 = arith.constant 200 : i32
      %scan3A_233 = arith.addi %scan3A_231, %scan3A_232 : i32
      %scan3A_234 = arith.constant 8 : i32
      scf.for %scan3A_245 = %scan3A_231 to %scan3A_233 step %scan3A_234  : i32 {
        %mul3A_246 = arith.constant 1 : i32
        %mul3A_247 = arith.muli %scan3A_245, %mul3A_246 : i32
        %add3A_248 = arith.constant 0 : i32
        %add3A_249 = arith.addi %add3A_248, %mul3A_247 : i32
        %get3A = arith.index_cast %add3A_249 : i32 to index
        %get3A_250 = arith.constant 0 : index
        %get3A_251 = tpu.vector_load %arg11[%get3A, %get3A_250] {strides = array<i32>} : memref<200x128xf32, #tpu.memory_space<vmem>>, vector<1x16xf32>,
        %get3A_252 = vector.shape_cast %get3A_251 : vector<1x16xf32> to vector<16xf32>
        %mul3A_253 = arith.constant 64 : i32
        %mul3A_254 = arith.muli %add3A_249, %mul3A_253 : i32
        %add3A_255 = arith.constant 0 : i32
        %add3A_256 = arith.addi %mul3A_254, %add3A_255 : i32
        %get3A_257 = arith.index_cast %add3A_256 : i32 to index
        %get3A_258 = tpu.vector_load %arg7[%get3A_257] {strides = array<i32>} : memref<12800xf32, #tpu.memory_space<vmem>>, vector<16xf32>,
        %get3A_259 = vector.shape_cast %get3A_258 : vector<16xf32> to vector<16xf32>
        %add3A_260 = arith.addf %get3A_252, %get3A_259 : vector<16xf32>
        %swap3A = arith.index_cast %add3A_249 : i32 to index
        %swap3A_261 = arith.constant 0 : index
        %swap3A_262 = tpu.vector_load %arg11[%swap3A, %swap3A_261] {strides = array<i32>} : memref<200x128xf32, #tpu.memory_space<vmem>>, vector<1x16xf32>,
        %swap3A_263 = vector.shape_cast %swap3A_262 : vector<1x16xf32> to vector<16xf32>
        %swap3A_264 = vector.shape_cast %add3A_260 : vector<16xf32> to vector<1x16xf32>
        tpu.vector_store %arg11[%swap3A, %swap3A_261], %swap3A_264 {strides = array<i32>} : memref<200x128xf32, #tpu.memory_space<vmem>>, vector<1x16xf32>,
        %get3A_265 = arith.index_cast %add3A_249 : i32 to index
        %get3A_266 = arith.constant 16 : index
        %get3A_267 = tpu.vector_load %arg11[%get3A_265, %get3A_266] {strides = array<i32>} : memref<200x128xf32, #tpu.memory_space<vmem>>, vector<1x16xf32>,
        %get3A_268 = vector.shape_cast %get3A_267 : vector<1x16xf32> to vector<16xf32>
        %mul3A_269 = arith.constant 64 : i32
        %mul3A_270 = arith.muli %add3A_249, %mul3A_269 : i32
        %add3A_271 = arith.constant 16 : i32
        %add3A_272 = arith.addi %mul3A_270, %add3A_271 : i32
        %get3A_273 = arith.index_cast %add3A_272 : i32 to index
        %get3A_274 = tpu.vector_load %arg7[%get3A_273] {strides = array<i32>} : memref<12800xf32, #tpu.memory_space<vmem>>, vector<16xf32>,
        %get3A_275 = vector.shape_cast %get3A_274 : vector<16xf32> to vector<16xf32>
        %add3A_276 = arith.addf %get3A_268, %get3A_275 : vector<16xf32>
        %swap3A_277 = arith.index_cast %add3A_249 : i32 to index
        %swap3A_278 = arith.constant 16 : index
        %swap3A_279 = tpu.vector_load %arg11[%swap3A_277, %swap3A_278] {strides = array<i32>} : memref<200x128xf32, #tpu.memory_space<vmem>>, vector<1x16xf32>,
        %swap3A_280 = vector.shape_cast %swap3A_279 : vector<1x16xf32> to vector<16xf32>
        %swap3A_281 = vector.shape_cast %add3A_276 : vector<16xf32> to vector<1x16xf32>
        tpu.vector_store %arg11[%swap3A_277, %swap3A_278], %swap3A_281 {strides = array<i32>} : memref<200x128xf32, #tpu.memory_space<vmem>>, vector<1x16xf32>,
        %get3A_282 = arith.index_cast %add3A_249 : i32 to index
        %get3A_283 = arith.constant 32 : index
        %get3A_284 = tpu.vector_load %arg11[%get3A_282, %get3A_283] {strides = array<i32>} : memref<200x128xf32, #tpu.memory_space<vmem>>, vector<1x16xf32>,
        %get3A_285 = vector.shape_cast %get3A_284 : vector<1x16xf32> to vector<16xf32>
        %mul3A_286 = arith.constant 64 : i32
        %mul3A_287 = arith.muli %add3A_249, %mul3A_286 : i32
        %add3A_288 = arith.constant 32 : i32
        %add3A_289 = arith.addi %mul3A_287, %add3A_288 : i32
        %get3A_290 = arith.index_cast %add3A_289 : i32 to index
        %get3A_291 = tpu.vector_load %arg7[%get3A_290] {strides = array<i32>} : memref<12800xf32, #tpu.memory_space<vmem>>, vector<16xf32>,
        %get3A_292 = vector.shape_cast %get3A_291 : vector<16xf32> to vector<16xf32>
        %add3A_293 = arith.addf %get3A_285, %get3A_292 : vector<16xf32>
        %swap3A_294 = arith.index_cast %add3A_249 : i32 to index
        %swap3A_295 = arith.constant 32 : index
        %swap3A_296 = tpu.vector_load %arg11[%swap3A_294, %swap3A_295] {strides = array<i32>} : memref<200x128xf32, #tpu.memory_space<vmem>>, vector<1x16xf32>,
        %swap3A_297 = vector.shape_cast %swap3A_296 : vector<1x16xf32> to vector<16xf32>
        %swap3A_298 = vector.shape_cast %add3A_293 : vector<16xf32> to vector<1x16xf32>
        tpu.vector_store %arg11[%swap3A_294, %swap3A_295], %swap3A_298 {strides = array<i32>} : memref<200x128xf32, #tpu.memory_space<vmem>>, vector<1x16xf32>,
        %get3A_299 = arith.index_cast %add3A_249 : i32 to index
        %get3A_300 = arith.constant 48 : index
        %get3A_301 = tpu.vector_load %arg11[%get3A_299, %get3A_300] {strides = array<i32>} : memref<200x128xf32, #tpu.memory_space<vmem>>, vector<1x16xf32>,
        %get3A_302 = vector.shape_cast %get3A_301 : vector<1x16xf32> to vector<16xf32>
        %mul3A_303 = arith.constant 64 : i32
        %mul3A_304 = arith.muli %add3A_249, %mul3A_303 : i32
        %add3A_305 = arith.constant 48 : i32
        %add3A_306 = arith.addi %mul3A_304, %add3A_305 : i32
        %get3A_307 = arith.index_cast %add3A_306 : i32 to index
        %get3A_308 = tpu.vector_load %arg7[%get3A_307] {strides = array<i32>} : memref<12800xf32, #tpu.memory_space<vmem>>, vector<16xf32>,
        %get3A_309 = vector.shape_cast %get3A_308 : vector<16xf32> to vector<16xf32>
        %add3A_310 = arith.addf %get3A_302, %get3A_309 : vector<16xf32>
        %swap3A_311 = arith.index_cast %add3A_249 : i32 to index
        %swap3A_312 = arith.constant 48 : index
        %swap3A_313 = tpu.vector_load %arg11[%swap3A_311, %swap3A_312] {strides = array<i32>} : memref<200x128xf32, #tpu.memory_space<vmem>>, vector<1x16xf32>,
        %swap3A_314 = vector.shape_cast %swap3A_313 : vector<1x16xf32> to vector<16xf32>
        %swap3A_315 = vector.shape_cast %add3A_310 : vector<16xf32> to vector<1x16xf32>
        tpu.vector_store %arg11[%swap3A_311, %swap3A_312], %swap3A_315 {strides = array<i32>} : memref<200x128xf32, #tpu.memory_space<vmem>>, vector<1x16xf32>,
        %scan3A_316 = arith.constant 1 : i32
        %scan3A_317 = arith.addi %scan3A_245, %scan3A_316 : i32
        %mul3A_318 = arith.constant 1 : i32
        %mul3A_319 = arith.muli %scan3A_317, %mul3A_318 : i32
        %add3A_320 = arith.constant 0 : i32
        %add3A_321 = arith.addi %add3A_320, %mul3A_319 : i32
        %get3A_322 = arith.index_cast %add3A_321 : i32 to index
        %get3A_323 = arith.constant 0 : index
        %get3A_324 = tpu.vector_load %arg11[%get3A_322, %get3A_323] {strides = array<i32>} : memref<200x128xf32, #tpu.memory_space<vmem>>, vector<1x16xf32>,
        %get3A_325 = vector.shape_cast %get3A_324 : vector<1x16xf32> to vector<16xf32>
        %mul3A_326 = arith.constant 64 : i32
        %mul3A_327 = arith.muli %add3A_321, %mul3A_326 : i32
        %add3A_328 = arith.constant 0 : i32
        %add3A_329 = arith.addi %mul3A_327, %add3A_328 : i32
        %get3A_330 = arith.index_cast %add3A_329 : i32 to index
        %get3A_331 = tpu.vector_load %arg7[%get3A_330] {strides = array<i32>} : memref<12800xf32, #tpu.memory_space<vmem>>, vector<16xf32>,
        %get3A_332 = vector.shape_cast %get3A_331 : vector<16xf32> to vector<16xf32>
        %add3A_333 = arith.addf %get3A_325, %get3A_332 : vector<16xf32>
        %swap3A_334 = arith.index_cast %add3A_321 : i32 to index
        %swap3A_335 = arith.constant 0 : index
        %swap3A_336 = tpu.vector_load %arg11[%swap3A_334, %swap3A_335] {strides = array<i32>} : memref<200x128xf32, #tpu.memory_space<vmem>>, vector<1x16xf32>,
        %swap3A_337 = vector.shape_cast %swap3A_336 : vector<1x16xf32> to vector<16xf32>
        %swap3A_338 = vector.shape_cast %add3A_333 : vector<16xf32> to vector<1x16xf32>
        tpu.vector_store %arg11[%swap3A_334, %swap3A_335], %swap3A_338 {strides = array<i32>} : memref<200x128xf32, #tpu.memory_space<vmem>>, vector<1x16xf32>,
        %get3A_339 = arith.index_cast %add3A_321 : i32 to index
        %get3A_340 = arith.constant 16 : index
        %get3A_341 = tpu.vector_load %arg11[%get3A_339, %get3A_340] {strides = array<i32>} : memref<200x128xf32, #tpu.memory_space<vmem>>, vector<1x16xf32>,
        %get3A_342 = vector.shape_cast %get3A_341 : vector<1x16xf32> to vector<16xf32>
        %mul3A_343 = arith.constant 64 : i32
        %mul3A_344 = arith.muli %add3A_321, %mul3A_343 : i32
        %add3A_345 = arith.constant 16 : i32
        %add3A_346 = arith.addi %mul3A_344, %add3A_345 : i32
        %get3A_347 = arith.index_cast %add3A_346 : i32 to index
        %get3A_348 = tpu.vector_load %arg7[%get3A_347] {strides = array<i32>} : memref<12800xf32, #tpu.memory_space<vmem>>, vector<16xf32>,
        %get3A_349 = vector.shape_cast %get3A_348 : vector<16xf32> to vector<16xf32>
        %add3A_350 = arith.addf %get3A_342, %get3A_349 : vector<16xf32>
        %swap3A_351 = arith.index_cast %add3A_321 : i32 to index
        %swap3A_352 = arith.constant 16 : index
        %swap3A_353 = tpu.vector_load %arg11[%swap3A_351, %swap3A_352] {strides = array<i32>} : memref<200x128xf32, #tpu.memory_space<vmem>>, vector<1x16xf32>,
        %swap3A_354 = vector.shape_cast %swap3A_353 : vector<1x16xf32> to vector<16xf32>
        %swap3A_355 = vector.shape_cast %add3A_350 : vector<16xf32> to vector<1x16xf32>
        tpu.vector_store %arg11[%swap3A_351, %swap3A_352], %swap3A_355 {strides = array<i32>} : memref<200x128xf32, #tpu.memory_space<vmem>>, vector<1x16xf32>,
        %get3A_356 = arith.index_cast %add3A_321 : i32 to index
        %get3A_357 = arith.constant 32 : index
        %get3A_358 = tpu.vector_load %arg11[%get3A_356, %get3A_357] {strides = array<i32>} : memref<200x128xf32, #tpu.memory_space<vmem>>, vector<1x16xf32>,
        %get3A_359 = vector.shape_cast %get3A_358 : vector<1x16xf32> to vector<16xf32>
        %mul3A_360 = arith.constant 64 : i32
        %mul3A_361 = arith.muli %add3A_321, %mul3A_360 : i32
        %add3A_362 = arith.constant 32 : i32
        %add3A_363 = arith.addi %mul3A_361, %add3A_362 : i32
        %get3A_364 = arith.index_cast %add3A_363 : i32 to index
        %get3A_365 = tpu.vector_load %arg7[%get3A_364] {strides = array<i32>} : memref<12800xf32, #tpu.memory_space<vmem>>, vector<16xf32>,
        %get3A_366 = vector.shape_cast %get3A_365 : vector<16xf32> to vector<16xf32>
        %add3A_367 = arith.addf %get3A_359, %get3A_366 : vector<16xf32>
        %swap3A_368 = arith.index_cast %add3A_321 : i32 to index
        %swap3A_369 = arith.constant 32 : index
        %swap3A_370 = tpu.vector_load %arg11[%swap3A_368, %swap3A_369] {strides = array<i32>} : memref<200x128xf32, #tpu.memory_space<vmem>>, vector<1x16xf32>,
        %swap3A_371 = vector.shape_cast %swap3A_370 : vector<1x16xf32> to vector<16xf32>
        %swap3A_372 = vector.shape_cast %add3A_367 : vector<16xf32> to vector<1x16xf32>
        tpu.vector_store %arg11[%swap3A_368, %swap3A_369], %swap3A_372 {strides = array<i32>} : memref<200x128xf32, #tpu.memory_space<vmem>>, vector<1x16xf32>,
        %get3A_373 = arith.index_cast %add3A_321 : i32 to index
        %get3A_374 = arith.constant 48 : index
        %get3A_375 = tpu.vector_load %arg11[%get3A_373, %get3A_374] {strides = array<i32>} : memref<200x128xf32, #tpu.memory_space<vmem>>, vector<1x16xf32>,
        %get3A_376 = vector.shape_cast %get3A_375 : vector<1x16xf32> to vector<16xf32>
        %mul3A_377 = arith.constant 64 : i32
        %mul3A_378 = arith.muli %add3A_321, %mul3A_377 : i32
        %add3A_379 = arith.constant 48 : i32
        %add3A_380 = arith.addi %mul3A_378, %add3A_379 : i32
        %get3A_381 = arith.index_cast %add3A_380 : i32 to index
        %get3A_382 = tpu.vector_load %arg7[%get3A_381] {strides = array<i32>} : memref<12800xf32, #tpu.memory_space<vmem>>, vector<16xf32>,
        %get3A_383 = vector.shape_cast %get3A_382 : vector<16xf32> to vector<16xf32>
        %add3A_384 = arith.addf %get3A_376, %get3A_383 : vector<16xf32>
        %swap3A_385 = arith.index_cast %add3A_321 : i32 to index
        %swap3A_386 = arith.constant 48 : index
        %swap3A_387 = tpu.vector_load %arg11[%swap3A_385, %swap3A_386] {strides = array<i32>} : memref<200x128xf32, #tpu.memory_space<vmem>>, vector<1x16xf32>,
        %swap3A_388 = vector.shape_cast %swap3A_387 : vector<1x16xf32> to vector<16xf32>
        %swap3A_389 = vector.shape_cast %add3A_384 : vector<16xf32> to vector<1x16xf32>
        tpu.vector_store %arg11[%swap3A_385, %swap3A_386], %swap3A_389 {strides = array<i32>} : memref<200x128xf32, #tpu.memory_space<vmem>>, vector<1x16xf32>,
        %scan3A_390 = arith.constant 2 : i32
        %scan3A_391 = arith.addi %scan3A_245, %scan3A_390 : i32
        %mul3A_392 = arith.constant 1 : i32
        %mul3A_393 = arith.muli %scan3A_391, %mul3A_392 : i32
        %add3A_394 = arith.constant 0 : i32
        %add3A_395 = arith.addi %add3A_394, %mul3A_393 : i32
        %get3A_396 = arith.index_cast %add3A_395 : i32 to index
        %get3A_397 = arith.constant 0 : index
        %get3A_398 = tpu.vector_load %arg11[%get3A_396, %get3A_397] {strides = array<i32>} : memref<200x128xf32, #tpu.memory_space<vmem>>, vector<1x16xf32>,
        %get3A_399 = vector.shape_cast %get3A_398 : vector<1x16xf32> to vector<16xf32>
        %mul3A_400 = arith.constant 64 : i32
        %mul3A_401 = arith.muli %add3A_395, %mul3A_400 : i32
        %add3A_402 = arith.constant 0 : i32
        %add3A_403 = arith.addi %mul3A_401, %add3A_402 : i32
        %get3A_404 = arith.index_cast %add3A_403 : i32 to index
        %get3A_405 = tpu.vector_load %arg7[%get3A_404] {strides = array<i32>} : memref<12800xf32, #tpu.memory_space<vmem>>, vector<16xf32>,
        %get3A_406 = vector.shape_cast %get3A_405 : vector<16xf32> to vector<16xf32>
        %add3A_407 = arith.addf %get3A_399, %get3A_406 : vector<16xf32>
        %swap3A_408 = arith.index_cast %add3A_395 : i32 to index
        %swap3A_409 = arith.constant 0 : index
        %swap3A_410 = tpu.vector_load %arg11[%swap3A_408, %swap3A_409] {strides = array<i32>} : memref<200x128xf32, #tpu.memory_space<vmem>>, vector<1x16xf32>,
        %swap3A_411 = vector.shape_cast %swap3A_410 : vector<1x16xf32> to vector<16xf32>
        %swap3A_412 = vector.shape_cast %add3A_407 : vector<16xf32> to vector<1x16xf32>
        tpu.vector_store %arg11[%swap3A_408, %swap3A_409], %swap3A_412 {strides = array<i32>} : memref<200x128xf32, #tpu.memory_space<vmem>>, vector<1x16xf32>,
        %get3A_413 = arith.index_cast %add3A_395 : i32 to index
        %get3A_414 = arith.constant 16 : index
        %get3A_415 = tpu.vector_load %arg11[%get3A_413, %get3A_414] {strides = array<i32>} : memref<200x128xf32, #tpu.memory_space<vmem>>, vector<1x16xf32>,
        %get3A_416 = vector.shape_cast %get3A_415 : vector<1x16xf32> to vector<16xf32>
        %mul3A_417 = arith.constant 64 : i32
        %mul3A_418 = arith.muli %add3A_395, %mul3A_417 : i32
        %add3A_419 = arith.constant 16 : i32
        %add3A_420 = arith.addi %mul3A_418, %add3A_419 : i32
        %get3A_421 = arith.index_cast %add3A_420 : i32 to index
        %get3A_422 = tpu.vector_load %arg7[%get3A_421] {strides = array<i32>} : memref<12800xf32, #tpu.memory_space<vmem>>, vector<16xf32>,
        %get3A_423 = vector.shape_cast %get3A_422 : vector<16xf32> to vector<16xf32>
        %add3A_424 = arith.addf %get3A_416, %get3A_423 : vector<16xf32>
        %swap3A_425 = arith.index_cast %add3A_395 : i32 to index
        %swap3A_426 = arith.constant 16 : index
        %swap3A_427 = tpu.vector_load %arg11[%swap3A_425, %swap3A_426] {strides = array<i32>} : memref<200x128xf32, #tpu.memory_space<vmem>>, vector<1x16xf32>,
        %swap3A_428 = vector.shape_cast %swap3A_427 : vector<1x16xf32> to vector<16xf32>
        %swap3A_429 = vector.shape_cast %add3A_424 : vector<16xf32> to vector<1x16xf32>
        tpu.vector_store %arg11[%swap3A_425, %swap3A_426], %swap3A_429 {strides = array<i32>} : memref<200x128xf32, #tpu.memory_space<vmem>>, vector<1x16xf32>,
        %get3A_430 = arith.index_cast %add3A_395 : i32 to index
        %get3A_431 = arith.constant 32 : index
        %get3A_432 = tpu.vector_load %arg11[%get3A_430, %get3A_431] {strides = array<i32>} : memref<200x128xf32, #tpu.memory_space<vmem>>, vector<1x16xf32>,
        %get3A_433 = vector.shape_cast %get3A_432 : vector<1x16xf32> to vector<16xf32>
        %mul3A_434 = arith.constant 64 : i32
        %mul3A_435 = arith.muli %add3A_395, %mul3A_434 : i32
        %add3A_436 = arith.constant 32 : i32
        %add3A_437 = arith.addi %mul3A_435, %add3A_436 : i32
        %get3A_438 = arith.index_cast %add3A_437 : i32 to index
        %get3A_439 = tpu.vector_load %arg7[%get3A_438] {strides = array<i32>} : memref<12800xf32, #tpu.memory_space<vmem>>, vector<16xf32>,
        %get3A_440 = vector.shape_cast %get3A_439 : vector<16xf32> to vector<16xf32>
        %add3A_441 = arith.addf %get3A_433, %get3A_440 : vector<16xf32>
        %swap3A_442 = arith.index_cast %add3A_395 : i32 to index
        %swap3A_443 = arith.constant 32 : index
        %swap3A_444 = tpu.vector_load %arg11[%swap3A_442, %swap3A_443] {strides = array<i32>} : memref<200x128xf32, #tpu.memory_space<vmem>>, vector<1x16xf32>,
        %swap3A_445 = vector.shape_cast %swap3A_444 : vector<1x16xf32> to vector<16xf32>
        %swap3A_446 = vector.shape_cast %add3A_441 : vector<16xf32> to vector<1x16xf32>
        tpu.vector_store %arg11[%swap3A_442, %swap3A_443], %swap3A_446 {strides = array<i32>} : memref<200x128xf32, #tpu.memory_space<vmem>>, vector<1x16xf32>,
        %get3A_447 = arith.index_cast %add3A_395 : i32 to index
        %get3A_448 = arith.constant 48 : index
        %get3A_449 = tpu.vector_load %arg11[%get3A_447, %get3A_448] {strides = array<i32>} : memref<200x128xf32, #tpu.memory_space<vmem>>, vector<1x16xf32>,
        %get3A_450 = vector.shape_cast %get3A_449 : vector<1x16xf32> to vector<16xf32>
        %mul3A_451 = arith.constant 64 : i32
        %mul3A_452 = arith.muli %add3A_395, %mul3A_451 : i32
        %add3A_453 = arith.constant 48 : i32
        %add3A_454 = arith.addi %mul3A_452, %add3A_453 : i32
        %get3A_455 = arith.index_cast %add3A_454 : i32 to index
        %get3A_456 = tpu.vector_load %arg7[%get3A_455] {strides = array<i32>} : memref<12800xf32, #tpu.memory_space<vmem>>, vector<16xf32>,
        %get3A_457 = vector.shape_cast %get3A_456 : vector<16xf32> to vector<16xf32>
        %add3A_458 = arith.addf %get3A_450, %get3A_457 : vector<16xf32>
        %swap3A_459 = arith.index_cast %add3A_395 : i32 to index
        %swap3A_460 = arith.constant 48 : index
        %swap3A_461 = tpu.vector_load %arg11[%swap3A_459, %swap3A_460] {strides = array<i32>} : memref<200x128xf32, #tpu.memory_space<vmem>>, vector<1x16xf32>,
        %swap3A_462 = vector.shape_cast %swap3A_461 : vector<1x16xf32> to vector<16xf32>
        %swap3A_463 = vector.shape_cast %add3A_458 : vector<16xf32> to vector<1x16xf32>
        tpu.vector_store %arg11[%swap3A_459, %swap3A_460], %swap3A_463 {strides = array<i32>} : memref<200x128xf32, #tpu.memory_space<vmem>>, vector<1x16xf32>,
        %scan3A_464 = arith.constant 3 : i32
        %scan3A_465 = arith.addi %scan3A_245, %scan3A_464 : i32
        %mul3A_466 = arith.constant 1 : i32
        %mul3A_467 = arith.muli %scan3A_465, %mul3A_466 : i32
        %add3A_468 = arith.constant 0 : i32
        %add3A_469 = arith.addi %add3A_468, %mul3A_467 : i32
        %get3A_470 = arith.index_cast %add3A_469 : i32 to index
        %get3A_471 = arith.constant 0 : index
        %get3A_472 = tpu.vector_load %arg11[%get3A_470, %get3A_471] {strides = array<i32>} : memref<200x128xf32, #tpu.memory_space<vmem>>, vector<1x16xf32>,
        %get3A_473 = vector.shape_cast %get3A_472 : vector<1x16xf32> to vector<16xf32>
        %mul3A_474 = arith.constant 64 : i32
        %mul3A_475 = arith.muli %add3A_469, %mul3A_474 : i32
        %add3A_476 = arith.constant 0 : i32
        %add3A_477 = arith.addi %mul3A_475, %add3A_476 : i32
        %get3A_478 = arith.index_cast %add3A_477 : i32 to index
        %get3A_479 = tpu.vector_load %arg7[%get3A_478] {strides = array<i32>} : memref<12800xf32, #tpu.memory_space<vmem>>, vector<16xf32>,
        %get3A_480 = vector.shape_cast %get3A_479 : vector<16xf32> to vector<16xf32>
        %add3A_481 = arith.addf %get3A_473, %get3A_480 : vector<16xf32>
        %swap3A_482 = arith.index_cast %add3A_469 : i32 to index
        %swap3A_483 = arith.constant 0 : index
        %swap3A_484 = tpu.vector_load %arg11[%swap3A_482, %swap3A_483] {strides = array<i32>} : memref<200x128xf32, #tpu.memory_space<vmem>>, vector<1x16xf32>,
        %swap3A_485 = vector.shape_cast %swap3A_484 : vector<1x16xf32> to vector<16xf32>
        %swap3A_486 = vector.shape_cast %add3A_481 : vector<16xf32> to vector<1x16xf32>
        tpu.vector_store %arg11[%swap3A_482, %swap3A_483], %swap3A_486 {strides = array<i32>} : memref<200x128xf32, #tpu.memory_space<vmem>>, vector<1x16xf32>,
        %get3A_487 = arith.index_cast %add3A_469 : i32 to index
        %get3A_488 = arith.constant 16 : index
        %get3A_489 = tpu.vector_load %arg11[%get3A_487, %get3A_488] {strides = array<i32>} : memref<200x128xf32, #tpu.memory_space<vmem>>, vector<1x16xf32>,
        %get3A_490 = vector.shape_cast %get3A_489 : vector<1x16xf32> to vector<16xf32>
        %mul3A_491 = arith.constant 64 : i32
        %mul3A_492 = arith.muli %add3A_469, %mul3A_491 : i32
        %add3A_493 = arith.constant 16 : i32
        %add3A_494 = arith.addi %mul3A_492, %add3A_493 : i32
        %get3A_495 = arith.index_cast %add3A_494 : i32 to index
        %get3A_496 = tpu.vector_load %arg7[%get3A_495] {strides = array<i32>} : memref<12800xf32, #tpu.memory_space<vmem>>, vector<16xf32>,
        %get3A_497 = vector.shape_cast %get3A_496 : vector<16xf32> to vector<16xf32>
        %add3A_498 = arith.addf %get3A_490, %get3A_497 : vector<16xf32>
        %swap3A_499 = arith.index_cast %add3A_469 : i32 to index
        %swap3A_500 = arith.constant 16 : index
        %swap3A_501 = tpu.vector_load %arg11[%swap3A_499, %swap3A_500] {strides = array<i32>} : memref<200x128xf32, #tpu.memory_space<vmem>>, vector<1x16xf32>,
        %swap3A_502 = vector.shape_cast %swap3A_501 : vector<1x16xf32> to vector<16xf32>
        %swap3A_503 = vector.shape_cast %add3A_498 : vector<16xf32> to vector<1x16xf32>
        tpu.vector_store %arg11[%swap3A_499, %swap3A_500], %swap3A_503 {strides = array<i32>} : memref<200x128xf32, #tpu.memory_space<vmem>>, vector<1x16xf32>,
        %get3A_504 = arith.index_cast %add3A_469 : i32 to index
        %get3A_505 = arith.constant 32 : index
        %get3A_506 = tpu.vector_load %arg11[%get3A_504, %get3A_505] {strides = array<i32>} : memref<200x128xf32, #tpu.memory_space<vmem>>, vector<1x16xf32>,
        %get3A_507 = vector.shape_cast %get3A_506 : vector<1x16xf32> to vector<16xf32>
        %mul3A_508 = arith.constant 64 : i32
        %mul3A_509 = arith.muli %add3A_469, %mul3A_508 : i32
        %add3A_510 = arith.constant 32 : i32
        %add3A_511 = arith.addi %mul3A_509, %add3A_510 : i32
        %get3A_512 = arith.index_cast %add3A_511 : i32 to index
        %get3A_513 = tpu.vector_load %arg7[%get3A_512] {strides = array<i32>} : memref<12800xf32, #tpu.memory_space<vmem>>, vector<16xf32>,
        %get3A_514 = vector.shape_cast %get3A_513 : vector<16xf32> to vector<16xf32>
        %add3A_515 = arith.addf %get3A_507, %get3A_514 : vector<16xf32>
        %swap3A_516 = arith.index_cast %add3A_469 : i32 to index
        %swap3A_517 = arith.constant 32 : index
        %swap3A_518 = tpu.vector_load %arg11[%swap3A_516, %swap3A_517] {strides = array<i32>} : memref<200x128xf32, #tpu.memory_space<vmem>>, vector<1x16xf32>,
        %swap3A_519 = vector.shape_cast %swap3A_518 : vector<1x16xf32> to vector<16xf32>
        %swap3A_520 = vector.shape_cast %add3A_515 : vector<16xf32> to vector<1x16xf32>
        tpu.vector_store %arg11[%swap3A_516, %swap3A_517], %swap3A_520 {strides = array<i32>} : memref<200x128xf32, #tpu.memory_space<vmem>>, vector<1x16xf32>,
        %get3A_521 = arith.index_cast %add3A_469 : i32 to index
        %get3A_522 = arith.constant 48 : index
        %get3A_523 = tpu.vector_load %arg11[%get3A_521, %get3A_522] {strides = array<i32>} : memref<200x128xf32, #tpu.memory_space<vmem>>, vector<1x16xf32>,
        %get3A_524 = vector.shape_cast %get3A_523 : vector<1x16xf32> to vector<16xf32>
        %mul3A_525 = arith.constant 64 : i32
        %mul3A_526 = arith.muli %add3A_469, %mul3A_525 : i32
        %add3A_527 = arith.constant 48 : i32
        %add3A_528 = arith.addi %mul3A_526, %add3A_527 : i32
        %get3A_529 = arith.index_cast %add3A_528 : i32 to index
        %get3A_530 = tpu.vector_load %arg7[%get3A_529] {strides = array<i32>} : memref<12800xf32, #tpu.memory_space<vmem>>, vector<16xf32>,
        %get3A_531 = vector.shape_cast %get3A_530 : vector<16xf32> to vector<16xf32>
        %add3A_532 = arith.addf %get3A_524, %get3A_531 : vector<16xf32>
        %swap3A_533 = arith.index_cast %add3A_469 : i32 to index
        %swap3A_534 = arith.constant 48 : index
        %swap3A_535 = tpu.vector_load %arg11[%swap3A_533, %swap3A_534] {strides = array<i32>} : memref<200x128xf32, #tpu.memory_space<vmem>>, vector<1x16xf32>,
        %swap3A_536 = vector.shape_cast %swap3A_535 : vector<1x16xf32> to vector<16xf32>
        %swap3A_537 = vector.shape_cast %add3A_532 : vector<16xf32> to vector<1x16xf32>
        tpu.vector_store %arg11[%swap3A_533, %swap3A_534], %swap3A_537 {strides = array<i32>} : memref<200x128xf32, #tpu.memory_space<vmem>>, vector<1x16xf32>,
        %scan3A_538 = arith.constant 4 : i32
        %scan3A_539 = arith.addi %scan3A_245, %scan3A_538 : i32
        %mul3A_540 = arith.constant 1 : i32
        %mul3A_541 = arith.muli %scan3A_539, %mul3A_540 : i32
        %add3A_542 = arith.constant 0 : i32
        %add3A_543 = arith.addi %add3A_542, %mul3A_541 : i32
        %get3A_544 = arith.index_cast %add3A_543 : i32 to index
        %get3A_545 = arith.constant 0 : index
        %get3A_546 = tpu.vector_load %arg11[%get3A_544, %get3A_545] {strides = array<i32>} : memref<200x128xf32, #tpu.memory_space<vmem>>, vector<1x16xf32>,
        %get3A_547 = vector.shape_cast %get3A_546 : vector<1x16xf32> to vector<16xf32>
        %mul3A_548 = arith.constant 64 : i32
        %mul3A_549 = arith.muli %add3A_543, %mul3A_548 : i32
        %add3A_550 = arith.constant 0 : i32
        %add3A_551 = arith.addi %mul3A_549, %add3A_550 : i32
        %get3A_552 = arith.index_cast %add3A_551 : i32 to index
        %get3A_553 = tpu.vector_load %arg7[%get3A_552] {strides = array<i32>} : memref<12800xf32, #tpu.memory_space<vmem>>, vector<16xf32>,
        %get3A_554 = vector.shape_cast %get3A_553 : vector<16xf32> to vector<16xf32>
        %add3A_555 = arith.addf %get3A_547, %get3A_554 : vector<16xf32>
        %swap3A_556 = arith.index_cast %add3A_543 : i32 to index
        %swap3A_557 = arith.constant 0 : index
        %swap3A_558 = tpu.vector_load %arg11[%swap3A_556, %swap3A_557] {strides = array<i32>} : memref<200x128xf32, #tpu.memory_space<vmem>>, vector<1x16xf32>,
        %swap3A_559 = vector.shape_cast %swap3A_558 : vector<1x16xf32> to vector<16xf32>
        %swap3A_560 = vector.shape_cast %add3A_555 : vector<16xf32> to vector<1x16xf32>
        tpu.vector_store %arg11[%swap3A_556, %swap3A_557], %swap3A_560 {strides = array<i32>} : memref<200x128xf32, #tpu.memory_space<vmem>>, vector<1x16xf32>,
        %get3A_561 = arith.index_cast %add3A_543 : i32 to index
        %get3A_562 = arith.constant 16 : index
        %get3A_563 = tpu.vector_load %arg11[%get3A_561, %get3A_562] {strides = array<i32>} : memref<200x128xf32, #tpu.memory_space<vmem>>, vector<1x16xf32>,
        %get3A_564 = vector.shape_cast %get3A_563 : vector<1x16xf32> to vector<16xf32>
        %mul3A_565 = arith.constant 64 : i32
        %mul3A_566 = arith.muli %add3A_543, %mul3A_565 : i32
        %add3A_567 = arith.constant 16 : i32
        %add3A_568 = arith.addi %mul3A_566, %add3A_567 : i32
        %get3A_569 = arith.index_cast %add3A_568 : i32 to index
        %get3A_570 = tpu.vector_load %arg7[%get3A_569] {strides = array<i32>} : memref<12800xf32, #tpu.memory_space<vmem>>, vector<16xf32>,
        %get3A_571 = vector.shape_cast %get3A_570 : vector<16xf32> to vector<16xf32>
        %add3A_572 = arith.addf %get3A_564, %get3A_571 : vector<16xf32>
        %swap3A_573 = arith.index_cast %add3A_543 : i32 to index
        %swap3A_574 = arith.constant 16 : index
        %swap3A_575 = tpu.vector_load %arg11[%swap3A_573, %swap3A_574] {strides = array<i32>} : memref<200x128xf32, #tpu.memory_space<vmem>>, vector<1x16xf32>,
        %swap3A_576 = vector.shape_cast %swap3A_575 : vector<1x16xf32> to vector<16xf32>
        %swap3A_577 = vector.shape_cast %add3A_572 : vector<16xf32> to vector<1x16xf32>
        tpu.vector_store %arg11[%swap3A_573, %swap3A_574], %swap3A_577 {strides = array<i32>} : memref<200x128xf32, #tpu.memory_space<vmem>>, vector<1x16xf32>,
        %get3A_578 = arith.index_cast %add3A_543 : i32 to index
        %get3A_579 = arith.constant 32 : index
        %get3A_580 = tpu.vector_load %arg11[%get3A_578, %get3A_579] {strides = array<i32>} : memref<200x128xf32, #tpu.memory_space<vmem>>, vector<1x16xf32>,
        %get3A_581 = vector.shape_cast %get3A_580 : vector<1x16xf32> to vector<16xf32>
        %mul3A_582 = arith.constant 64 : i32
        %mul3A_583 = arith.muli %add3A_543, %mul3A_582 : i32
        %add3A_584 = arith.constant 32 : i32
        %add3A_585 = arith.addi %mul3A_583, %add3A_584 : i32
        %get3A_586 = arith.index_cast %add3A_585 : i32 to index
        %get3A_587 = tpu.vector_load %arg7[%get3A_586] {strides = array<i32>} : memref<12800xf32, #tpu.memory_space<vmem>>, vector<16xf32>,
        %get3A_588 = vector.shape_cast %get3A_587 : vector<16xf32> to vector<16xf32>
        %add3A_589 = arith.addf %get3A_581, %get3A_588 : vector<16xf32>
        %swap3A_590 = arith.index_cast %add3A_543 : i32 to index
        %swap3A_591 = arith.constant 32 : index
        %swap3A_592 = tpu.vector_load %arg11[%swap3A_590, %swap3A_591] {strides = array<i32>} : memref<200x128xf32, #tpu.memory_space<vmem>>, vector<1x16xf32>,
        %swap3A_593 = vector.shape_cast %swap3A_592 : vector<1x16xf32> to vector<16xf32>
        %swap3A_594 = vector.shape_cast %add3A_589 : vector<16xf32> to vector<1x16xf32>
        tpu.vector_store %arg11[%swap3A_590, %swap3A_591], %swap3A_594 {strides = array<i32>} : memref<200x128xf32, #tpu.memory_space<vmem>>, vector<1x16xf32>,
        %get3A_595 = arith.index_cast %add3A_543 : i32 to index
        %get3A_596 = arith.constant 48 : index
        %get3A_597 = tpu.vector_load %arg11[%get3A_595, %get3A_596] {strides = array<i32>} : memref<200x128xf32, #tpu.memory_space<vmem>>, vector<1x16xf32>,
        %get3A_598 = vector.shape_cast %get3A_597 : vector<1x16xf32> to vector<16xf32>
        %mul3A_599 = arith.constant 64 : i32
        %mul3A_600 = arith.muli %add3A_543, %mul3A_599 : i32
        %add3A_601 = arith.constant 48 : i32
        %add3A_602 = arith.addi %mul3A_600, %add3A_601 : i32
        %get3A_603 = arith.index_cast %add3A_602 : i32 to index
        %get3A_604 = tpu.vector_load %arg7[%get3A_603] {strides = array<i32>} : memref<12800xf32, #tpu.memory_space<vmem>>, vector<16xf32>,
        %get3A_605 = vector.shape_cast %get3A_604 : vector<16xf32> to vector<16xf32>
        %add3A_606 = arith.addf %get3A_598, %get3A_605 : vector<16xf32>
        %swap3A_607 = arith.index_cast %add3A_543 : i32 to index
        %swap3A_608 = arith.constant 48 : index
        %swap3A_609 = tpu.vector_load %arg11[%swap3A_607, %swap3A_608] {strides = array<i32>} : memref<200x128xf32, #tpu.memory_space<vmem>>, vector<1x16xf32>,
        %swap3A_610 = vector.shape_cast %swap3A_609 : vector<1x16xf32> to vector<16xf32>
        %swap3A_611 = vector.shape_cast %add3A_606 : vector<16xf32> to vector<1x16xf32>
        tpu.vector_store %arg11[%swap3A_607, %swap3A_608], %swap3A_611 {strides = array<i32>} : memref<200x128xf32, #tpu.memory_space<vmem>>, vector<1x16xf32>,
        %scan3A_612 = arith.constant 5 : i32
        %scan3A_613 = arith.addi %scan3A_245, %scan3A_612 : i32
        %mul3A_614 = arith.constant 1 : i32
        %mul3A_615 = arith.muli %scan3A_613, %mul3A_614 : i32
        %add3A_616 = arith.constant 0 : i32
        %add3A_617 = arith.addi %add3A_616, %mul3A_615 : i32
        %get3A_618 = arith.index_cast %add3A_617 : i32 to index
        %get3A_619 = arith.constant 0 : index
        %get3A_620 = tpu.vector_load %arg11[%get3A_618, %get3A_619] {strides = array<i32>} : memref<200x128xf32, #tpu.memory_space<vmem>>, vector<1x16xf32>,
        %get3A_621 = vector.shape_cast %get3A_620 : vector<1x16xf32> to vector<16xf32>
        %mul3A_622 = arith.constant 64 : i32
        %mul3A_623 = arith.muli %add3A_617, %mul3A_622 : i32
        %add3A_624 = arith.constant 0 : i32
        %add3A_625 = arith.addi %mul3A_623, %add3A_624 : i32
        %get3A_626 = arith.index_cast %add3A_625 : i32 to index
        %get3A_627 = tpu.vector_load %arg7[%get3A_626] {strides = array<i32>} : memref<12800xf32, #tpu.memory_space<vmem>>, vector<16xf32>,
        %get3A_628 = vector.shape_cast %get3A_627 : vector<16xf32> to vector<16xf32>
        %add3A_629 = arith.addf %get3A_621, %get3A_628 : vector<16xf32>
        %swap3A_630 = arith.index_cast %add3A_617 : i32 to index
        %swap3A_631 = arith.constant 0 : index
        %swap3A_632 = tpu.vector_load %arg11[%swap3A_630, %swap3A_631] {strides = array<i32>} : memref<200x128xf32, #tpu.memory_space<vmem>>, vector<1x16xf32>,
        %swap3A_633 = vector.shape_cast %swap3A_632 : vector<1x16xf32> to vector<16xf32>
        %swap3A_634 = vector.shape_cast %add3A_629 : vector<16xf32> to vector<1x16xf32>
        tpu.vector_store %arg11[%swap3A_630, %swap3A_631], %swap3A_634 {strides = array<i32>} : memref<200x128xf32, #tpu.memory_space<vmem>>, vector<1x16xf32>,
        %get3A_635 = arith.index_cast %add3A_617 : i32 to index
        %get3A_636 = arith.constant 16 : index
        %get3A_637 = tpu.vector_load %arg11[%get3A_635, %get3A_636] {strides = array<i32>} : memref<200x128xf32, #tpu.memory_space<vmem>>, vector<1x16xf32>,
        %get3A_638 = vector.shape_cast %get3A_637 : vector<1x16xf32> to vector<16xf32>
        %mul3A_639 = arith.constant 64 : i32
        %mul3A_640 = arith.muli %add3A_617, %mul3A_639 : i32
        %add3A_641 = arith.constant 16 : i32
        %add3A_642 = arith.addi %mul3A_640, %add3A_641 : i32
        %get3A_643 = arith.index_cast %add3A_642 : i32 to index
        %get3A_644 = tpu.vector_load %arg7[%get3A_643] {strides = array<i32>} : memref<12800xf32, #tpu.memory_space<vmem>>, vector<16xf32>,
        %get3A_645 = vector.shape_cast %get3A_644 : vector<16xf32> to vector<16xf32>
        %add3A_646 = arith.addf %get3A_638, %get3A_645 : vector<16xf32>
        %swap3A_647 = arith.index_cast %add3A_617 : i32 to index
        %swap3A_648 = arith.constant 16 : index
        %swap3A_649 = tpu.vector_load %arg11[%swap3A_647, %swap3A_648] {strides = array<i32>} : memref<200x128xf32, #tpu.memory_space<vmem>>, vector<1x16xf32>,
        %swap3A_650 = vector.shape_cast %swap3A_649 : vector<1x16xf32> to vector<16xf32>
        %swap3A_651 = vector.shape_cast %add3A_646 : vector<16xf32> to vector<1x16xf32>
        tpu.vector_store %arg11[%swap3A_647, %swap3A_648], %swap3A_651 {strides = array<i32>} : memref<200x128xf32, #tpu.memory_space<vmem>>, vector<1x16xf32>,
        %get3A_652 = arith.index_cast %add3A_617 : i32 to index
        %get3A_653 = arith.constant 32 : index
        %get3A_654 = tpu.vector_load %arg11[%get3A_652, %get3A_653] {strides = array<i32>} : memref<200x128xf32, #tpu.memory_space<vmem>>, vector<1x16xf32>,
        %get3A_655 = vector.shape_cast %get3A_654 : vector<1x16xf32> to vector<16xf32>
        %mul3A_656 = arith.constant 64 : i32
        %mul3A_657 = arith.muli %add3A_617, %mul3A_656 : i32
        %add3A_658 = arith.constant 32 : i32
        %add3A_659 = arith.addi %mul3A_657, %add3A_658 : i32
        %get3A_660 = arith.index_cast %add3A_659 : i32 to index
        %get3A_661 = tpu.vector_load %arg7[%get3A_660] {strides = array<i32>} : memref<12800xf32, #tpu.memory_space<vmem>>, vector<16xf32>,
        %get3A_662 = vector.shape_cast %get3A_661 : vector<16xf32> to vector<16xf32>
        %add3A_663 = arith.addf %get3A_655, %get3A_662 : vector<16xf32>
        %swap3A_664 = arith.index_cast %add3A_617 : i32 to index
        %swap3A_665 = arith.constant 32 : index
        %swap3A_666 = tpu.vector_load %arg11[%swap3A_664, %swap3A_665] {strides = array<i32>} : memref<200x128xf32, #tpu.memory_space<vmem>>, vector<1x16xf32>,
        %swap3A_667 = vector.shape_cast %swap3A_666 : vector<1x16xf32> to vector<16xf32>
        %swap3A_668 = vector.shape_cast %add3A_663 : vector<16xf32> to vector<1x16xf32>
        tpu.vector_store %arg11[%swap3A_664, %swap3A_665], %swap3A_668 {strides = array<i32>} : memref<200x128xf32, #tpu.memory_space<vmem>>, vector<1x16xf32>,
        %get3A_669 = arith.index_cast %add3A_617 : i32 to index
        %get3A_670 = arith.constant 48 : index
        %get3A_671 = tpu.vector_load %arg11[%get3A_669, %get3A_670] {strides = array<i32>} : memref<200x128xf32, #tpu.memory_space<vmem>>, vector<1x16xf32>,
        %get3A_672 = vector.shape_cast %get3A_671 : vector<1x16xf32> to vector<16xf32>
        %mul3A_673 = arith.constant 64 : i32
        %mul3A_674 = arith.muli %add3A_617, %mul3A_673 : i32
        %add3A_675 = arith.constant 48 : i32
        %add3A_676 = arith.addi %mul3A_674, %add3A_675 : i32
        %get3A_677 = arith.index_cast %add3A_676 : i32 to index
        %get3A_678 = tpu.vector_load %arg7[%get3A_677] {strides = array<i32>} : memref<12800xf32, #tpu.memory_space<vmem>>, vector<16xf32>,
        %get3A_679 = vector.shape_cast %get3A_678 : vector<16xf32> to vector<16xf32>
        %add3A_680 = arith.addf %get3A_672, %get3A_679 : vector<16xf32>
        %swap3A_681 = arith.index_cast %add3A_617 : i32 to index
        %swap3A_682 = arith.constant 48 : index
        %swap3A_683 = tpu.vector_load %arg11[%swap3A_681, %swap3A_682] {strides = array<i32>} : memref<200x128xf32, #tpu.memory_space<vmem>>, vector<1x16xf32>,
        %swap3A_684 = vector.shape_cast %swap3A_683 : vector<1x16xf32> to vector<16xf32>
        %swap3A_685 = vector.shape_cast %add3A_680 : vector<16xf32> to vector<1x16xf32>
        tpu.vector_store %arg11[%swap3A_681, %swap3A_682], %swap3A_685 {strides = array<i32>} : memref<200x128xf32, #tpu.memory_space<vmem>>, vector<1x16xf32>,
        %scan3A_686 = arith.constant 6 : i32
        %scan3A_687 = arith.addi %scan3A_245, %scan3A_686 : i32
        %mul3A_688 = arith.constant 1 : i32
        %mul3A_689 = arith.muli %scan3A_687, %mul3A_688 : i32
        %add3A_690 = arith.constant 0 : i32
        %add3A_691 = arith.addi %add3A_690, %mul3A_689 : i32
        %get3A_692 = arith.index_cast %add3A_691 : i32 to index
        %get3A_693 = arith.constant 0 : index
        %get3A_694 = tpu.vector_load %arg11[%get3A_692, %get3A_693] {strides = array<i32>} : memref<200x128xf32, #tpu.memory_space<vmem>>, vector<1x16xf32>,
        %get3A_695 = vector.shape_cast %get3A_694 : vector<1x16xf32> to vector<16xf32>
        %mul3A_696 = arith.constant 64 : i32
        %mul3A_697 = arith.muli %add3A_691, %mul3A_696 : i32
        %add3A_698 = arith.constant 0 : i32
        %add3A_699 = arith.addi %mul3A_697, %add3A_698 : i32
        %get3A_700 = arith.index_cast %add3A_699 : i32 to index
        %get3A_701 = tpu.vector_load %arg7[%get3A_700] {strides = array<i32>} : memref<12800xf32, #tpu.memory_space<vmem>>, vector<16xf32>,
        %get3A_702 = vector.shape_cast %get3A_701 : vector<16xf32> to vector<16xf32>
        %add3A_703 = arith.addf %get3A_695, %get3A_702 : vector<16xf32>
        %swap3A_704 = arith.index_cast %add3A_691 : i32 to index
        %swap3A_705 = arith.constant 0 : index
        %swap3A_706 = tpu.vector_load %arg11[%swap3A_704, %swap3A_705] {strides = array<i32>} : memref<200x128xf32, #tpu.memory_space<vmem>>, vector<1x16xf32>,
        %swap3A_707 = vector.shape_cast %swap3A_706 : vector<1x16xf32> to vector<16xf32>
        %swap3A_708 = vector.shape_cast %add3A_703 : vector<16xf32> to vector<1x16xf32>
        tpu.vector_store %arg11[%swap3A_704, %swap3A_705], %swap3A_708 {strides = array<i32>} : memref<200x128xf32, #tpu.memory_space<vmem>>, vector<1x16xf32>,
        %get3A_709 = arith.index_cast %add3A_691 : i32 to index
        %get3A_710 = arith.constant 16 : index
        %get3A_711 = tpu.vector_load %arg11[%get3A_709, %get3A_710] {strides = array<i32>} : memref<200x128xf32, #tpu.memory_space<vmem>>, vector<1x16xf32>,
        %get3A_712 = vector.shape_cast %get3A_711 : vector<1x16xf32> to vector<16xf32>
        %mul3A_713 = arith.constant 64 : i32
        %mul3A_714 = arith.muli %add3A_691, %mul3A_713 : i32
        %add3A_715 = arith.constant 16 : i32
        %add3A_716 = arith.addi %mul3A_714, %add3A_715 : i32
        %get3A_717 = arith.index_cast %add3A_716 : i32 to index
        %get3A_718 = tpu.vector_load %arg7[%get3A_717] {strides = array<i32>} : memref<12800xf32, #tpu.memory_space<vmem>>, vector<16xf32>,
        %get3A_719 = vector.shape_cast %get3A_718 : vector<16xf32> to vector<16xf32>
        %add3A_720 = arith.addf %get3A_712, %get3A_719 : vector<16xf32>
        %swap3A_721 = arith.index_cast %add3A_691 : i32 to index
        %swap3A_722 = arith.constant 16 : index
        %swap3A_723 = tpu.vector_load %arg11[%swap3A_721, %swap3A_722] {strides = array<i32>} : memref<200x128xf32, #tpu.memory_space<vmem>>, vector<1x16xf32>,
        %swap3A_724 = vector.shape_cast %swap3A_723 : vector<1x16xf32> to vector<16xf32>
        %swap3A_725 = vector.shape_cast %add3A_720 : vector<16xf32> to vector<1x16xf32>
        tpu.vector_store %arg11[%swap3A_721, %swap3A_722], %swap3A_725 {strides = array<i32>} : memref<200x128xf32, #tpu.memory_space<vmem>>, vector<1x16xf32>,
        %get3A_726 = arith.index_cast %add3A_691 : i32 to index
        %get3A_727 = arith.constant 32 : index
        %get3A_728 = tpu.vector_load %arg11[%get3A_726, %get3A_727] {strides = array<i32>} : memref<200x128xf32, #tpu.memory_space<vmem>>, vector<1x16xf32>,
        %get3A_729 = vector.shape_cast %get3A_728 : vector<1x16xf32> to vector<16xf32>
        %mul3A_730 = arith.constant 64 : i32
        %mul3A_731 = arith.muli %add3A_691, %mul3A_730 : i32
        %add3A_732 = arith.constant 32 : i32
        %add3A_733 = arith.addi %mul3A_731, %add3A_732 : i32
        %get3A_734 = arith.index_cast %add3A_733 : i32 to index
        %get3A_735 = tpu.vector_load %arg7[%get3A_734] {strides = array<i32>} : memref<12800xf32, #tpu.memory_space<vmem>>, vector<16xf32>,
        %get3A_736 = vector.shape_cast %get3A_735 : vector<16xf32> to vector<16xf32>
        %add3A_737 = arith.addf %get3A_729, %get3A_736 : vector<16xf32>
        %swap3A_738 = arith.index_cast %add3A_691 : i32 to index
        %swap3A_739 = arith.constant 32 : index
        %swap3A_740 = tpu.vector_load %arg11[%swap3A_738, %swap3A_739] {strides = array<i32>} : memref<200x128xf32, #tpu.memory_space<vmem>>, vector<1x16xf32>,
        %swap3A_741 = vector.shape_cast %swap3A_740 : vector<1x16xf32> to vector<16xf32>
        %swap3A_742 = vector.shape_cast %add3A_737 : vector<16xf32> to vector<1x16xf32>
        tpu.vector_store %arg11[%swap3A_738, %swap3A_739], %swap3A_742 {strides = array<i32>} : memref<200x128xf32, #tpu.memory_space<vmem>>, vector<1x16xf32>,
        %get3A_743 = arith.index_cast %add3A_691 : i32 to index
        %get3A_744 = arith.constant 48 : index
        %get3A_745 = tpu.vector_load %arg11[%get3A_743, %get3A_744] {strides = array<i32>} : memref<200x128xf32, #tpu.memory_space<vmem>>, vector<1x16xf32>,
        %get3A_746 = vector.shape_cast %get3A_745 : vector<1x16xf32> to vector<16xf32>
        %mul3A_747 = arith.constant 64 : i32
        %mul3A_748 = arith.muli %add3A_691, %mul3A_747 : i32
        %add3A_749 = arith.constant 48 : i32
        %add3A_750 = arith.addi %mul3A_748, %add3A_749 : i32
        %get3A_751 = arith.index_cast %add3A_750 : i32 to index
        %get3A_752 = tpu.vector_load %arg7[%get3A_751] {strides = array<i32>} : memref<12800xf32, #tpu.memory_space<vmem>>, vector<16xf32>,
        %get3A_753 = vector.shape_cast %get3A_752 : vector<16xf32> to vector<16xf32>
        %add3A_754 = arith.addf %get3A_746, %get3A_753 : vector<16xf32>
        %swap3A_755 = arith.index_cast %add3A_691 : i32 to index
        %swap3A_756 = arith.constant 48 : index
        %swap3A_757 = tpu.vector_load %arg11[%swap3A_755, %swap3A_756] {strides = array<i32>} : memref<200x128xf32, #tpu.memory_space<vmem>>, vector<1x16xf32>,
        %swap3A_758 = vector.shape_cast %swap3A_757 : vector<1x16xf32> to vector<16xf32>
        %swap3A_759 = vector.shape_cast %add3A_754 : vector<16xf32> to vector<1x16xf32>
        tpu.vector_store %arg11[%swap3A_755, %swap3A_756], %swap3A_759 {strides = array<i32>} : memref<200x128xf32, #tpu.memory_space<vmem>>, vector<1x16xf32>,
        %scan3A_760 = arith.constant 7 : i32
        %scan3A_761 = arith.addi %scan3A_245, %scan3A_760 : i32
        %mul3A_762 = arith.constant 1 : i32
        %mul3A_763 = arith.muli %scan3A_761, %mul3A_762 : i32
        %add3A_764 = arith.constant 0 : i32
        %add3A_765 = arith.addi %add3A_764, %mul3A_763 : i32
        %get3A_766 = arith.index_cast %add3A_765 : i32 to index
        %get3A_767 = arith.constant 0 : index
        %get3A_768 = tpu.vector_load %arg11[%get3A_766, %get3A_767] {strides = array<i32>} : memref<200x128xf32, #tpu.memory_space<vmem>>, vector<1x16xf32>,
        %get3A_769 = vector.shape_cast %get3A_768 : vector<1x16xf32> to vector<16xf32>
        %mul3A_770 = arith.constant 64 : i32
        %mul3A_771 = arith.muli %add3A_765, %mul3A_770 : i32
        %add3A_772 = arith.constant 0 : i32
        %add3A_773 = arith.addi %mul3A_771, %add3A_772 : i32
        %get3A_774 = arith.index_cast %add3A_773 : i32 to index
        %get3A_775 = tpu.vector_load %arg7[%get3A_774] {strides = array<i32>} : memref<12800xf32, #tpu.memory_space<vmem>>, vector<16xf32>,
        %get3A_776 = vector.shape_cast %get3A_775 : vector<16xf32> to vector<16xf32>
        %add3A_777 = arith.addf %get3A_769, %get3A_776 : vector<16xf32>
        %swap3A_778 = arith.index_cast %add3A_765 : i32 to index
        %swap3A_779 = arith.constant 0 : index
        %swap3A_780 = tpu.vector_load %arg11[%swap3A_778, %swap3A_779] {strides = array<i32>} : memref<200x128xf32, #tpu.memory_space<vmem>>, vector<1x16xf32>,
        %swap3A_781 = vector.shape_cast %swap3A_780 : vector<1x16xf32> to vector<16xf32>
        %swap3A_782 = vector.shape_cast %add3A_777 : vector<16xf32> to vector<1x16xf32>
        tpu.vector_store %arg11[%swap3A_778, %swap3A_779], %swap3A_782 {strides = array<i32>} : memref<200x128xf32, #tpu.memory_space<vmem>>, vector<1x16xf32>,
        %get3A_783 = arith.index_cast %add3A_765 : i32 to index
        %get3A_784 = arith.constant 16 : index
        %get3A_785 = tpu.vector_load %arg11[%get3A_783, %get3A_784] {strides = array<i32>} : memref<200x128xf32, #tpu.memory_space<vmem>>, vector<1x16xf32>,
        %get3A_786 = vector.shape_cast %get3A_785 : vector<1x16xf32> to vector<16xf32>
        %mul3A_787 = arith.constant 64 : i32
        %mul3A_788 = arith.muli %add3A_765, %mul3A_787 : i32
        %add3A_789 = arith.constant 16 : i32
        %add3A_790 = arith.addi %mul3A_788, %add3A_789 : i32
        %get3A_791 = arith.index_cast %add3A_790 : i32 to index
        %get3A_792 = tpu.vector_load %arg7[%get3A_791] {strides = array<i32>} : memref<12800xf32, #tpu.memory_space<vmem>>, vector<16xf32>,
        %get3A_793 = vector.shape_cast %get3A_792 : vector<16xf32> to vector<16xf32>
        %add3A_794 = arith.addf %get3A_786, %get3A_793 : vector<16xf32>
        %swap3A_795 = arith.index_cast %add3A_765 : i32 to index
        %swap3A_796 = arith.constant 16 : index
        %swap3A_797 = tpu.vector_load %arg11[%swap3A_795, %swap3A_796] {strides = array<i32>} : memref<200x128xf32, #tpu.memory_space<vmem>>, vector<1x16xf32>,
        %swap3A_798 = vector.shape_cast %swap3A_797 : vector<1x16xf32> to vector<16xf32>
        %swap3A_799 = vector.shape_cast %add3A_794 : vector<16xf32> to vector<1x16xf32>
        tpu.vector_store %arg11[%swap3A_795, %swap3A_796], %swap3A_799 {strides = array<i32>} : memref<200x128xf32, #tpu.memory_space<vmem>>, vector<1x16xf32>,
        %get3A_800 = arith.index_cast %add3A_765 : i32 to index
        %get3A_801 = arith.constant 32 : index
        %get3A_802 = tpu.vector_load %arg11[%get3A_800, %get3A_801] {strides = array<i32>} : memref<200x128xf32, #tpu.memory_space<vmem>>, vector<1x16xf32>,
        %get3A_803 = vector.shape_cast %get3A_802 : vector<1x16xf32> to vector<16xf32>
        %mul3A_804 = arith.constant 64 : i32
        %mul3A_805 = arith.muli %add3A_765, %mul3A_804 : i32
        %add3A_806 = arith.constant 32 : i32
        %add3A_807 = arith.addi %mul3A_805, %add3A_806 : i32
        %get3A_808 = arith.index_cast %add3A_807 : i32 to index
        %get3A_809 = tpu.vector_load %arg7[%get3A_808] {strides = array<i32>} : memref<12800xf32, #tpu.memory_space<vmem>>, vector<16xf32>,
        %get3A_810 = vector.shape_cast %get3A_809 : vector<16xf32> to vector<16xf32>
        %add3A_811 = arith.addf %get3A_803, %get3A_810 : vector<16xf32>
        %swap3A_812 = arith.index_cast %add3A_765 : i32 to index
        %swap3A_813 = arith.constant 32 : index
        %swap3A_814 = tpu.vector_load %arg11[%swap3A_812, %swap3A_813] {strides = array<i32>} : memref<200x128xf32, #tpu.memory_space<vmem>>, vector<1x16xf32>,
        %swap3A_815 = vector.shape_cast %swap3A_814 : vector<1x16xf32> to vector<16xf32>
        %swap3A_816 = vector.shape_cast %add3A_811 : vector<16xf32> to vector<1x16xf32>
        tpu.vector_store %arg11[%swap3A_812, %swap3A_813], %swap3A_816 {strides = array<i32>} : memref<200x128xf32, #tpu.memory_space<vmem>>, vector<1x16xf32>,
        %get3A_817 = arith.index_cast %add3A_765 : i32 to index
        %get3A_818 = arith.constant 48 : index
        %get3A_819 = tpu.vector_load %arg11[%get3A_817, %get3A_818] {strides = array<i32>} : memref<200x128xf32, #tpu.memory_space<vmem>>, vector<1x16xf32>,
        %get3A_820 = vector.shape_cast %get3A_819 : vector<1x16xf32> to vector<16xf32>
        %mul3A_821 = arith.constant 64 : i32
        %mul3A_822 = arith.muli %add3A_765, %mul3A_821 : i32
        %add3A_823 = arith.constant 48 : i32
        %add3A_824 = arith.addi %mul3A_822, %add3A_823 : i32
        %get3A_825 = arith.index_cast %add3A_824 : i32 to index
        %get3A_826 = tpu.vector_load %arg7[%get3A_825] {strides = array<i32>} : memref<12800xf32, #tpu.memory_space<vmem>>, vector<16xf32>,
        %get3A_827 = vector.shape_cast %get3A_826 : vector<16xf32> to vector<16xf32>
        %add3A_828 = arith.addf %get3A_820, %get3A_827 : vector<16xf32>
        %swap3A_829 = arith.index_cast %add3A_765 : i32 to index
        %swap3A_830 = arith.constant 48 : index
        %swap3A_831 = tpu.vector_load %arg11[%swap3A_829, %swap3A_830] {strides = array<i32>} : memref<200x128xf32, #tpu.memory_space<vmem>>, vector<1x16xf32>,
        %swap3A_832 = vector.shape_cast %swap3A_831 : vector<1x16xf32> to vector<16xf32>
        %swap3A_833 = vector.shape_cast %add3A_828 : vector<16xf32> to vector<1x16xf32>
        tpu.vector_store %arg11[%swap3A_829, %swap3A_830], %swap3A_833 {strides = array<i32>} : memref<200x128xf32, #tpu.memory_space<vmem>>, vector<1x16xf32>,
      }
      %scan3A_235 = arith.constant 200 : i32
      %add3A_236 = arith.addi %mul3A_2, %add3A_217 : i32
      %dma_start3A_237 = arith.constant 0 : i32
      %dma_start3A_238 = arith.constant 0 : i32
      %dma_start3A_239 = tpu.memref_slice %arg5[%add3A_236, %dma_start3A_237, %dma_start3A_238] : memref<1024x200x128xf32, #tpu.memory_space<hbm>> -> memref<1x200x128xf32, #tpu.memory_space<hbm>>
      %dma_start3A_240 = tpu.memref_squeeze %dma_start3A_239 : memref<1x200x128xf32, #tpu.memory_space<hbm>> -> memref<200x128xf32, #tpu.memory_space<hbm>>
      %dma_start3A_241 = arith.constant 0 : i32
      %dma_start3A_242 = arith.constant 0 : i32
      %dma_start3A_243 = tpu.memref_slice %arg5[%add3A_236, %dma_start3A_241, %dma_start3A_242] : memref<1024x200x128xf32, #tpu.memory_space<hbm>> -> memref<1x200x128xf32, #tpu.memory_space<hbm>>
      %dma_start3A_244 = tpu.memref_squeeze %dma_start3A_243 : memref<1x200x128xf32, #tpu.memory_space<hbm>> -> memref<200x128xf32, #tpu.memory_space<hbm>>
      tpu.enqueue_dma source(%arg11 : memref<200x128xf32, #tpu.memory_space<vmem>>) target(%dma_start3A_244 : memref<200x128xf32, #tpu.memory_space<hbm>>) target_semaphore(%arg19 : memref<!tpu.dma_semaphore, #tpu.memory_space<semaphore_mem>>)
    }
    %scan3A_87 = arith.constant 8 : i32
    %add3A_88 = arith.constant 28 : i32
    %add3A_89 = arith.addi %mul3A_2, %add3A_88 : i32
    %dma_wait3A = arith.constant 0 : i32
    %dma_wait3A_90 = arith.constant 0 : i32
    %dma_wait3A_91 = tpu.memref_slice %arg5[%add3A_89, %dma_wait3A, %dma_wait3A_90] : memref<1024x200x128xf32, #tpu.memory_space<hbm>> -> memref<1x200x128xf32, #tpu.memory_space<hbm>>
    %dma_wait3A_92 = tpu.memref_squeeze %dma_wait3A_91 : memref<1x200x128xf32, #tpu.memory_space<hbm>> -> memref<200x128xf32, #tpu.memory_space<hbm>>
    %dma_wait3A_93 = arith.constant 0 : i32
    %dma_wait3A_94 = arith.constant 0 : i32
    %dma_wait3A_95 = tpu.memref_slice %arg5[%add3A_89, %dma_wait3A_93, %dma_wait3A_94] : memref<1024x200x128xf32, #tpu.memory_space<hbm>> -> memref<1x200x128xf32, #tpu.memory_space<hbm>>
    %dma_wait3A_96 = tpu.memref_squeeze %dma_wait3A_95 : memref<1x200x128xf32, #tpu.memory_space<hbm>> -> memref<200x128xf32, #tpu.memory_space<hbm>>
    tpu.wait_dma2 semaphore(%arg16 : memref<!tpu.dma_semaphore, #tpu.memory_space<semaphore_mem>>) src(%arg8 : memref<200x128xf32, #tpu.memory_space<vmem>>) dst(%dma_wait3A_96 : memref<200x128xf32, #tpu.memory_space<hbm>>)
    %add3A_97 = arith.constant 29 : i32
    %add3A_98 = arith.addi %mul3A_2, %add3A_97 : i32
    %dma_wait3A_99 = arith.constant 0 : i32
    %dma_wait3A_100 = arith.constant 0 : i32
    %dma_wait3A_101 = tpu.memref_slice %arg5[%add3A_98, %dma_wait3A_99, %dma_wait3A_100] : memref<1024x200x128xf32, #tpu.memory_space<hbm>> -> memref<1x200x128xf32, #tpu.memory_space<hbm>>
    %dma_wait3A_102 = tpu.memref_squeeze %dma_wait3A_101 : memref<1x200x128xf32, #tpu.memory_space<hbm>> -> memref<200x128xf32, #tpu.memory_space<hbm>>
    %dma_wait3A_103 = arith.constant 0 : i32
    %dma_wait3A_104 = arith.constant 0 : i32
    %dma_wait3A_105 = tpu.memref_slice %arg5[%add3A_98, %dma_wait3A_103, %dma_wait3A_104] : memref<1024x200x128xf32, #tpu.memory_space<hbm>> -> memref<1x200x128xf32, #tpu.memory_space<hbm>>
    %dma_wait3A_106 = tpu.memref_squeeze %dma_wait3A_105 : memref<1x200x128xf32, #tpu.memory_space<hbm>> -> memref<200x128xf32, #tpu.memory_space<hbm>>
    tpu.wait_dma2 semaphore(%arg17 : memref<!tpu.dma_semaphore, #tpu.memory_space<semaphore_mem>>) src(%arg9 : memref<200x128xf32, #tpu.memory_space<vmem>>) dst(%dma_wait3A_106 : memref<200x128xf32, #tpu.memory_space<hbm>>)
    %add3A_107 = arith.constant 30 : i32
    %add3A_108 = arith.addi %mul3A_2, %add3A_107 : i32
    %dma_wait3A_109 = arith.constant 0 : i32
    %dma_wait3A_110 = arith.constant 0 : i32
    %dma_wait3A_111 = tpu.memref_slice %arg5[%add3A_108, %dma_wait3A_109, %dma_wait3A_110] : memref<1024x200x128xf32, #tpu.memory_space<hbm>> -> memref<1x200x128xf32, #tpu.memory_space<hbm>>
    %dma_wait3A_112 = tpu.memref_squeeze %dma_wait3A_111 : memref<1x200x128xf32, #tpu.memory_space<hbm>> -> memref<200x128xf32, #tpu.memory_space<hbm>>
    %dma_wait3A_113 = arith.constant 0 : i32
    %dma_wait3A_114 = arith.constant 0 : i32
    %dma_wait3A_115 = tpu.memref_slice %arg5[%add3A_108, %dma_wait3A_113, %dma_wait3A_114] : memref<1024x200x128xf32, #tpu.memory_space<hbm>> -> memref<1x200x128xf32, #tpu.memory_space<hbm>>
    %dma_wait3A_116 = tpu.memref_squeeze %dma_wait3A_115 : memref<1x200x128xf32, #tpu.memory_space<hbm>> -> memref<200x128xf32, #tpu.memory_space<hbm>>
    tpu.wait_dma2 semaphore(%arg18 : memref<!tpu.dma_semaphore, #tpu.memory_space<semaphore_mem>>) src(%arg10 : memref<200x128xf32, #tpu.memory_space<vmem>>) dst(%dma_wait3A_116 : memref<200x128xf32, #tpu.memory_space<hbm>>)
    %add3A_117 = arith.constant 31 : i32
    %add3A_118 = arith.addi %mul3A_2, %add3A_117 : i32
    %dma_wait3A_119 = arith.constant 0 : i32
    %dma_wait3A_120 = arith.constant 0 : i32
    %dma_wait3A_121 = tpu.memref_slice %arg5[%add3A_118, %dma_wait3A_119, %dma_wait3A_120] : memref<1024x200x128xf32, #tpu.memory_space<hbm>> -> memref<1x200x128xf32, #tpu.memory_space<hbm>>
    %dma_wait3A_122 = tpu.memref_squeeze %dma_wait3A_121 : memref<1x200x128xf32, #tpu.memory_space<hbm>> -> memref<200x128xf32, #tpu.memory_space<hbm>>
    %dma_wait3A_123 = arith.constant 0 : i32
    %dma_wait3A_124 = arith.constant 0 : i32
    %dma_wait3A_125 = tpu.memref_slice %arg5[%add3A_118, %dma_wait3A_123, %dma_wait3A_124] : memref<1024x200x128xf32, #tpu.memory_space<hbm>> -> memref<1x200x128xf32, #tpu.memory_space<hbm>>
    %dma_wait3A_126 = tpu.memref_squeeze %dma_wait3A_125 : memref<1x200x128xf32, #tpu.memory_space<hbm>> -> memref<200x128xf32, #tpu.memory_space<hbm>>
    tpu.wait_dma2 semaphore(%arg19 : memref<!tpu.dma_semaphore, #tpu.memory_space<semaphore_mem>>) src(%arg11 : memref<200x128xf32, #tpu.memory_space<vmem>>) dst(%dma_wait3A_126 : memref<200x128xf32, #tpu.memory_space<hbm>>)
    return
  }
}

</mosaic_0001>

<sc_bundles>
// kernel: kernel.3.cloned.1.call-start
scs
__scs_entry_jumppad:
0x0: {  	(pc) =	sbr.rel $0x88, $3  }
0x1: {  	(tag) =	ssettag $0x0;
	lr =	simm.s32 $0x1  }
0x2: {  	[smem:$0x3F9F] =	sst lr;
	_ =	strace $0xD0000000  }
0x3: {  	_ = 	snop  }
0x4: {  	_ = 	snop  }
0x5: {  	_ = 	snop  }
0x6: {  	_ = 	snop  }
0x7: {  	_ = 	snop  }
__scs_overlays_trampoline_lowered:
0x8: {  	[smem:$0x3FAE] =	sst s0  }
0x9: {  	[smem:$0x3FAF] =	sst s1  }
0xa: {  	[smem:$0x3FB0] =	sst s2  }
0xb: {  	[smem:$0x3FB1] =	sst s3  }
0xc: {  	[smem:$0x3FB2] =	sst s4  }
0xd: {  	[smem:$0x3FB3] =	sst s5  }
0xe: {  	[smem:$0x3FB4] =	sst s6  }
0xf: {  	[smem:$0x3FB5] =	sst s7  }
0x10: {  	[smem:$0x3FB6] =	sst s8  }
0x11: {  	[smem:$0x3FB7] =	sst s9;
	s0 =	simm.s32 @!p0 $0x0  }
0x12: {  	s1 =	sld [smem:$0x3F9D];
	s0 =	simm.s32 @p0 $0x1  }
0x13: {  	[smem:$0x3FB8] =	sst s0;
	s0 =	simm.s32 @!p1 $0x0  }
0x14: {  	s2 =	sld [smem:$0x3F9C];
	s0 =	simm.s32 @p1 $0x1  }
0x15: {  	[smem:$0x3FB9] =	sst s0;
	s0 =	simm.s32 @!p2 $0x0  }
0x16: {  	s3 =	sld [smem:$0x3FDB];
	s0 =	simm.s32 @p2 $0x1  }
0x17: {  	s4 =	simm.s32 $0x1BF5;
	[smem:$0x3FBB] =	sst s0  }
0x18: {  	s0 =	sld [smem:$0x3F9E];
	_ =	swait.ge [sflag:s4], $0x0  }
0x19: {  	s7 =	sld [smem:$0x3F9F]  }
0x1a: {  	s8 =	sadd.s32 $0xFFFFE003, lr  }
0x1b: {  	s9 =	sadd.s32 $0xFFFFFEF7, lr;
	s5 =	simm.s32 $0xFFFFFFFF;
	p2 =	slt.u32 s8, $0xFFFFF086  }
0x1c: {  	p1 =	slt.u32 s9, $0xF7A;
	s5 =	simm.s32 @!p2 $0x0  }
0x1d: {  	s5 =	simm.s32 @p1 $0x1;
	p0 =	seq.s32 s7, s2  }
0x1e: {  	s7 =	smul.u32 @!p0 $0xF7A, s2;
	p2 =	seq.s32 @!p0 s5, $0x0  }
0x1f: {  	s9 =	smul.u32 $0xF7A, s1;
	s8 =	simm.s32 @!p0 $0x1BF5;
	p2 =	por !p2, p0  }
0x20: {  	[sflag:s8] =	ssyncset.s32 @!p0 $0xFFFFF086;
	s6 =	sadd.s32 @!p0 s3, s7;
	s7 =	simm.s32 @!p0 $0x108  }
0x21: {  	s3 =	sadd.s32 s3, s9;
	s6 =	sadd.s32 @!p0 $0x88, s6;
	s7 =	simm.s32 @p2 $0x1082  }
0x22: {  	[simem:s7], [sflag:s8] =	dma.local @!p0 [hbm:s6], $0xF7A  }
0x23: {  	s9 =	sor.u32 $0xD0000000, s2;
	s6 =	simm.s32 $0x108;
	_ =	swait.ge @!p0 [sflag:s8], $0x0  }
0x24: {  	s3 =	sadd.s32 $0x88, s3;
	s6 =	simm.s32 @!p1 $0x1082;
	[sflag:s4] =	ssyncset.s32 $0xFFFFF086  }
0x25: {  	[simem:s6], [sflag:s4] =	dma.local [hbm:s3], $0xF7A  }
0x26: {  	[smem:$0x3F9F] =	sst s1;
	(tag) =	ssettag s2;
	_ =	strace s9  }
0x27: {  	s1 =	sld [smem:$0x3FAF]  }
0x28: {  	s2 =	sld [smem:$0x3FB0]  }
0x29: {  	s4 =	sld [smem:$0x3FB2]  }
0x2a: {  	p0 =	seq.s32 s5, $0x0;
	s5 =	sld [smem:$0x3FB3]  }
0x2b: {  	s6 =	sld [smem:$0x3FB4]  }
0x2c: {  	s7 =	sld [smem:$0x3FB5]  }
0x2d: {  	s3 =	simm.s32 $0x108;
	s8 =	sld [smem:$0x3FB6]  }
0x2e: {  	s3 =	simm.s32 @!p0 $0x1082;
	s9 =	sld [smem:$0x3FB7]  }
0x2f: {  	lr =	sadd.s32 s0, s3;
	s0 =	sld [smem:$0x3FAE]  }
0x30: {  	s3 =	sld [smem:$0x3FB1]  }
0x31: {  	[smem:$0x3FBA] =	sst s10  }
0x32: {  	s10 =	sld [smem:$0x3FB8];
	_ =	sdelay $0x3  }
0x33: {  	p0 =	seq.s32 s10, $0x1;
	s10 =	sld [smem:$0x3FBA];
	_ =	sdelay $0x3  }
0x34: {  	[smem:$0x3FBA] =	sst s10  }
0x35: {  	s10 =	sld [smem:$0x3FB9];
	_ =	sdelay $0x3  }
0x36: {  	p1 =	seq.s32 s10, $0x1;
	s10 =	sld [smem:$0x3FBA];
	_ =	sdelay $0x3  }
0x37: {  	[smem:$0x3FBA] =	sst s10  }
0x38: {  	s10 =	sld [smem:$0x3FBB]  }
0x39: {  	_ = 	snop;
	(pc) =	sbr.ind lr, $3  }
0x3a: {  	_ = 	snop  }
0x3b: {  	_ = 	snop  }
0x3c: {  	p2 =	seq.s32 s10, $0x1;
	s10 =	sld [smem:$0x3FBA]  }
0x3d: {  	_ =	shalt  }
0x3e: {  	_ =	shalt  }
0x3f: {  	_ =	shalt  }
0x40: {  	_ =	shalt  }
0x41: {  	_ =	shalt  }
0x42: {  	_ =	shalt  }
0x43: {  	_ =	shalt  }
0x44: {  	_ =	shalt  }
0x45: {  	_ =	shalt  }
0x46: {  	_ =	shalt  }
0x47: {  	_ =	shalt  }
0x48: {  	_ =	shalt  }
0x49: {  	_ =	shalt  }
0x4a: {  	_ =	shalt  }
0x4b: {  	_ =	shalt  }
0x4c: {  	_ =	shalt  }
0x4d: {  	_ =	shalt  }
0x4e: {  	_ =	shalt  }
0x4f: {  	_ =	shalt  }
0x50: {  	_ =	shalt  }
0x51: {  	_ =	shalt  }
0x52: {  	_ =	shalt  }
0x53: {  	_ =	shalt  }
0x54: {  	_ =	shalt  }
0x55: {  	_ =	shalt  }
0x56: {  	_ =	shalt  }
0x57: {  	_ =	shalt  }
0x58: {  	_ =	shalt  }
0x59: {  	_ =	shalt  }
0x5a: {  	_ =	shalt  }
0x5b: {  	_ =	shalt  }
0x5c: {  	_ =	shalt  }
0x5d: {  	_ =	shalt  }
0x5e: {  	_ =	shalt  }
0x5f: {  	_ =	shalt  }
0x60: {  	_ =	shalt  }
0x61: {  	_ =	shalt  }
0x62: {  	_ =	shalt  }
0x63: {  	_ =	shalt  }
0x64: {  	_ =	shalt  }
0x65: {  	_ =	shalt  }
0x66: {  	_ =	shalt  }
0x67: {  	_ =	shalt  }
0x68: {  	_ =	shalt  }
0x69: {  	_ =	shalt  }
0x6a: {  	_ =	shalt  }
0x6b: {  	_ =	shalt  }
0x6c: {  	_ =	shalt  }
0x6d: {  	_ =	shalt  }
0x6e: {  	_ =	shalt  }
0x6f: {  	_ =	shalt  }
0x70: {  	_ =	shalt  }
0x71: {  	_ =	shalt  }
0x72: {  	_ =	shalt  }
0x73: {  	_ =	shalt  }
0x74: {  	_ =	shalt  }
0x75: {  	_ =	shalt  }
0x76: {  	_ =	shalt  }
0x77: {  	_ =	shalt  }
0x78: {  	_ =	shalt  }
0x79: {  	_ =	shalt  }
0x7a: {  	_ =	shalt  }
0x7b: {  	_ =	shalt  }
0x7c: {  	_ =	shalt  }
0x7d: {  	_ =	shalt  }
0x7e: {  	_ =	shalt  }
0x7f: {  	_ =	shalt  }
0x80: {  	_ =	shalt  }
0x81: {  	_ =	shalt  }
0x82: {  	_ =	shalt  }
0x83: {  	_ =	shalt  }
0x84: {  	_ =	shalt  }
0x85: {  	_ =	shalt  }
0x86: {  	_ =	shalt  }
0x87: {  	_ =	shalt  }
.Lfunc_end0:
.L_simem_size_0:
called_computation.1_lowered:
.L_overlay_start_0:
0x88: {  	s2 =	sld [smem:$0x3FD9]  }
0x89: {  	s3 =	sld [smem:$0x3FFE];
	_ =	sdelay $0x1  }
0x8a: {  	s1 =	srdreg.scid  }
0x8b: {  	s0 =	sand.u32 $0x1, s1  }
0x8c: {  	s17 =	sshll.u32 s0, $0xA;
	s2 =	sadd.s32 s3, s2  }
0x8d: {  	s2 =	sadd.s32 s2, s17  }
0x8e: {  	[smem:$0x3FC6] =	sst s2  }
0x8f: {  	_ = 	snop  }
0x90: {  	s2 =	sld [smem:$0x3FD0];
	(tm) =	ssettm $0x1  }
0x91: {  	s18 =	sld [smem:$0x3FFB];
	_ =	sdelay $0x3  }
0x92: {  	_ =	strace s18  }
0x93: {  	s3 =	sld [smem:$0x3FFC];
	_ =	sdelay $0x3  }
0x94: {  	_ =	strace s3  }
0x95: {  	s3 =	sld [smem:$0x3FFD];
	_ =	sdelay $0x3  }
0x96: {  	_ =	strace s3  }
0x97: {  	_ =	strace $0x8FFFFFFF  }
0x98: {  	s19 =	sld [smem:$0x3FDB];
	_ =	sdelay $0x1  }
0x99: {  	s4 =	simm.s32 $_scs_section_size  }
0x9a: {  	s5 =	simm.s32 $_size__tile_overlayer_lowered;
	s6 =	simm.s32 $_tile_overlayer_lowered  }
0x9b: {  	s22 =	simm.s32 $0x1BFF;
	s21 =	sshll.u32 s6, $0x1;
	s3 =	sadd.s32 s4, s19  }
0x9c: {  	s7 =	simm.s32 $0x0;
	s20 =	sshll.u32 s5, $0x1;
	s5 =	sadd.s32 s21, s3  }
0x9d: {  	[timem:s7], [sflag:s22] =	dma.local [hbm:s5], s20  }
0x9e: {  	_ =	swait.ge [sflag:s22], s20  }
0x9f: {  	s4 =	ssub.s32 $0x0, s20;
	[sflag:s22] =	ssyncset.done $0x0  }
0xa0: {  	[sflag:s22] =	ssyncadd.s32 s4;
	_ =	sdelay $0x1  }
0xa1: {  	s23 =	simm.s32 $0x1B8B  }
0xa2: {  	_ =	swait.ge [sflag:s23], $0x1  }
0xa3: {  	[sflag:s23] =	ssyncset.done $0x0  }
0xa4: {  	s25 =	simm.s32 $0x1B8E;
	s24 =	sld [smem:$0x3FFE];
	[sflag:s23] =	ssyncadd.s32 $0xFFFFFFFF  }
0xa5: {  	s26 =	simm.s32 $execute0_lowered;
	[smem:$0x3FD2] =	sst s25  }
0xa6: {  	s5 =	sshll.u32 s26, $0x1;
	_ =	strace $0x80000046;
	[dreg:$0x1] =	wrdreg $0xFFFFFFFF  }
0xa7: {  	s28 =	simm.s32 $_size_execute0_lowered;
	s3 =	sadd.s32 s3, s5;
	[dreg:$0x0] =	wrdreg $0x0  }
0xa8: {  	s5 =	sshll.u32 s28, $0x1;
	[dreg:$0x2] =	wrdreg s3  }
0xa9: {  	[dreg:$0x3] =	wrdreg s5  }
0xaa: {  	[dreg:$0x4] =	wrdreg $0xC0  }
0xab: {  	_ =	task [dreg:s7], $0x5FFFF  }
0xac: {  	[dreg:$0x1] =	wrdreg $0xFFFFFFFF  }
0xad: {  	[dreg:$0x0] =	wrdreg $0x60  }
0xae: {  	[dreg:$0x2] =	wrdreg s2  }
0xaf: {  	[dreg:$0x3] =	wrdreg s24  }
0xb0: {  	[dreg:$0x4] =	wrdreg $0x9  }
0xb1: {  	_ =	task.clear_ibuf [dreg:s7], $0x5FFFF;
	_ =	strace $0x90000046  }
0xb2: {  	s29 =	simm.s32 $0x9;
	_ =	strace $0x80000048  }
0xb3: {  	_ =	swait.ge [sflag:s29], $0x1  }
0xb4: {  	[sflag:s29] =	ssyncadd.s32 $0xFFFFFFFF  }
0xb5: {  	_ =	strace $0x90000048  }
0xb6: {  	_ =	sfence  }
0xb7: {  	s30 =	sld [smem:$0x0];
	_ =	sdelay $0x2  }
0xb8: {  	s31 =	sshll.u32 s1, $0xD;
	s1 =	sshrl.u32 s1, $0x2  }
0xb9: {  	s3 =	sand.u32 $0x4000, s31;
	s1 =	sadd.s32 s1, s30  }
0xba: {  	s0 =	sor.u32 s3, s0;
	s1 =	sshll.u32 s1, $0x11  }
0xbb: {  	s0 =	sor.u32 s1, s0  }
0xbc: {  	s0 =	sadd.s32 $0x8F2B, s0  }
0xbd: {  	[sflag:s0] =	ssyncadd.remote.s32 $0x1  }
0xbe: {  	_ =	sfence.sel $0xFFFF  }
0xbf: {  	[dreg:$0x0] =	wrdreg $0xFFFFFFFF;
	(pc) =	sbr.abs _section_cstart, $3  }
0xc0: {  	[dreg:$0x1] =	wrdreg $0xFFFFFFFF  }
0xc1: {  	_ =	task.clear_ibuf [dreg:s7], $0x2FFFF;
	_ =	strace $0x9FFFFFFF  }
0xc2: {  	(tm) =	ssettm $0x7FFFFFFF  }
0xc3: {  	_ =	shalt  }
tec
execute0_lowered:
.L_overlay_start_1:
0x0: {  	(tag) =	ssettag $0x1  }
0x1: {  	s0 =	rddreg [dreg:$0x0]  }
0x2: {  	s1 =	rddreg [dreg:$0x1];
	s2 =	simm.s32 $0x0;
	s3 =	srdreg.scid  }
0x3: {  	s4 =	stileid.u32;
	s11 =	simm.s32 $0x28;
	s12 =	simm.s32 $0x4B00  }
0x4: {  	s21 =	simm.s32 $0xAF00;
	s31 =	simm.s32 $0x11300;
	s10 =	simm.s32 $0x14F00  }
0x5: {  	s13 =	simm.s32 $0x16300;
	s14 =	simm.s32 $0x1;
	s15 =	simm.s32 $0x17700  }
0x6: {  	s16 =	simm.s32 $0x18B00;
	s17 =	simm.s32 $0x19F00;
	s18 =	simm.s32 $0x1B300  }
0x7: {  	s19 =	simm.s32 $0x1C700;
	s20 =	simm.s32 $0x2;
	s22 =	simm.s32 $0x3  }
0x8: {  	s23 =	simm.s32 $0x4;
	s3 =	sand.u32 $0x1, s3;
	s4 =	sshll.u32 s4, $0x1  }
0x9: {  	[smem:$0x7FF] =	sst s2;
	s6 =	ssub.s32 $0x2, s3;
	s3 =	sor.u32 s3, s4  }
0xa: {  	s5 =	sadd.s32 $0xC00, s1;
	_ =	strace $0x80000047;
	s8 =	smul.u32 $0x320, s3  }
0xb: {  	[dreg:$0x3] =	wrdreg s5;
	s4 =	sadd.s32 $0xF43000, s1;
	s7 =	sshrl.u32 s6, $0x1  }
0xc: {  	s5 =	sadd.s32 $0x1400, s1;
	s29 =	ssub.s32 s6, s7;
	s0 =	sadd.s32 s0, s8  }
0xd: {  	s1 =	simm.s32 $0x13B00;
	s30 =	smax.u32 s29, $0x1;
	[dreg:$0x4] =	wrdreg s0  }
0xe: {  	s6 =	sshll.u32 s3, $0x5;
	s7 =	simm.s32 $0x0;
	[dreg:$0x5] =	wrdreg s30  }
.LBB2_1:
0xf: {  	[dreg:$0x6] =	wrdreg s7  }
0x10: {  	s0 =	rddreg [dreg:$0x4];
	s3 =	simm.s32 $0x9  }
0x11: {  	[tilespmem:s2], [sflag:$0x9] =	stream.linear.gather [hbm4b:s0+s2], $0x1900, $0x38;
	[tilespmem:$0x1DB00] =	vst v63  }
0x12: {  	_ =	swait.ge [sflag:s3], $0x1900  }
0x13: {  	[sflag:s3] =	ssyncset.done $0x0  }
0x14: {  	s29 =	simm.s32 $0x1900;
	s28 =	rddreg [dreg:$0x3];
	[sflag:s3] =	ssyncadd.s32 $0xFFFFE700  }
0x15: {  	[tilespmem:s29], [sflag:$0x9] =	stream.linear.gather [hbm4b:s28+s2], $0x3200, $0x38;
	[tilespmem:$0x1DB00] =	vst v63  }
0x16: {  	_ =	swait.ge [sflag:s3], $0x3200  }
0x17: {  	[sflag:s3] =	ssyncset.done $0x0  }
0x18: {  	[sflag:s3] =	ssyncadd.s32 $0xFFFFCE00  }
0x19: {  	[tilespmem:s12], [sflag:$0x1] =	stream.indirect.gather [hbm4b:s4+s11], $0x80, s2, s11, $0xb8;
	[tilespmem:$0x1DB00] =	vst v63  }
0x1a: {  	s8 =	simm.s32 $0x5F00  }
0x1b: {  	[tilespmem:s8], [sflag:$0x1] =	stream.indirect.gather [hbm4b:s4+s11], $0x80, s11, s11, $0xb8;
	[tilespmem:$0x1DB00] =	vst v63  }
0x1c: {  	s9 =	simm.s32 $0x50;
	s24 =	simm.s32 $0x7300  }
0x1d: {  	[tilespmem:s24], [sflag:$0x1] =	stream.indirect.gather [hbm4b:s4+s11], $0x80, s9, s11, $0xb8;
	[tilespmem:$0x1DB00] =	vst v63  }
0x1e: {  	s25 =	simm.s32 $0x78;
	s26 =	simm.s32 $0x8700  }
0x1f: {  	[tilespmem:s26], [sflag:$0x1] =	stream.indirect.gather [hbm4b:s4+s11], $0x80, s25, s11, $0xb8;
	[tilespmem:$0x1DB00] =	vst v63  }
0x20: {  	s28 =	simm.s32 $0xA0;
	s29 =	simm.s32 $0x9B00  }
0x21: {  	[tilespmem:s29], [sflag:$0x1] =	stream.indirect.gather [hbm4b:s4+s11], $0x80, s28, s11, $0xb8;
	[tilespmem:$0x1DB00] =	vst v63  }
0x22: {  	s3 =	simm.s32 $0xC8  }
0x23: {  	[tilespmem:s21], [sflag:$0x2] =	stream.indirect.gather [hbm4b:s4+s11], $0x80, s3, s11, $0xb8;
	[tilespmem:$0x1DB00] =	vst v63  }
0x24: {  	s7 =	simm.s32 $0xF0;
	s8 =	simm.s32 $0xC300  }
0x25: {  	[tilespmem:s8], [sflag:$0x2] =	stream.indirect.gather [hbm4b:s4+s11], $0x80, s7, s11, $0xb8;
	[tilespmem:$0x1DB00] =	vst v63  }
0x26: {  	s9 =	simm.s32 $0x118;
	s24 =	simm.s32 $0xD700  }
0x27: {  	[tilespmem:s24], [sflag:$0x2] =	stream.indirect.gather [hbm4b:s4+s11], $0x80, s9, s11, $0xb8;
	[tilespmem:$0x1DB00] =	vst v63  }
0x28: {  	s25 =	simm.s32 $0x140;
	s26 =	simm.s32 $0xEB00  }
0x29: {  	[tilespmem:s26], [sflag:$0x2] =	stream.indirect.gather [hbm4b:s4+s11], $0x80, s25, s11, $0xb8;
	[tilespmem:$0x1DB00] =	vst v63  }
0x2a: {  	s30 =	simm.s32 $0x0;
	s28 =	simm.s32 $0x168;
	s29 =	simm.s32 $0xFF00  }
0x2b: {  	[tilespmem:s29], [sflag:$0x2] =	stream.indirect.gather [hbm4b:s4+s11], $0x80, s28, s11, $0xb8;
	[tilespmem:$0x1DB00] =	vst v63  }
.LBB2_2:
0x2c: {  	s8 =	sshll.u32 s30, $0x2;
	p0 =	seq.s32 s30, $0x0  }
0x2d: {  	s7 =	sor.u32 $0x2, s8;
	s3 =	simm.s32 @!p0 $0x7  }
0x2e: {  	_ =	swait.ge @!p0 [sflag:s3], $0x6400;
	s9 =	smul.u32 $0x320, s7  }
0x2f: {  	[sflag:s3] =	ssyncset.done @!p0 $0x0  }
0x30: {  	[sflag:s3] =	ssyncadd.s32 @!p0 $0xFFFF9C00;
	s29 =	sshra.s32 s9, $0x2  }
0x31: {  	[tilespmem:s31], [sflag:$0x3] =	stream.indirect.gather [hbm4b:s4+s11], $0x80, s29, s11, $0xb8;
	[tilespmem:$0x1DB00] =	vst v63  }
0x32: {  	s0 =	simm.s32 $0x12700;
	s9 =	sadd.s32 $0x28, s29  }
0x33: {  	[tilespmem:s0], [sflag:$0x3] =	stream.indirect.gather [hbm4b:s4+s11], $0x80, s9, s11, $0xb8;
	[tilespmem:$0x1DB00] =	vst v63  }
0x34: {  	s24 =	sadd.s32 $0x50, s29  }
0x35: {  	[tilespmem:s1], [sflag:$0x3] =	stream.indirect.gather [hbm4b:s4+s11], $0x80, s24, s11, $0xb8;
	[tilespmem:$0x1DB00] =	vst v63  }
0x36: {  	s25 =	sadd.s32 $0x78, s29  }
0x37: {  	[tilespmem:s10], [sflag:$0x3] =	stream.indirect.gather [hbm4b:s4+s11], $0x80, s25, s11, $0xb8;
	[tilespmem:$0x1DB00] =	vst v63  }
0x38: {  	s3 =	sadd.s32 $0xA0, s29  }
0x39: {  	[tilespmem:s13], [sflag:$0x3] =	stream.indirect.gather [hbm4b:s4+s11], $0x80, s3, s11, $0xb8;
	[tilespmem:$0x1DB00] =	vst v63  }
0x3a: {  	_ =	swait.ge [sflag:s14], $0x6400  }
0x3b: {  	[sflag:s14] =	ssyncset.done $0x0  }
0x3c: {  	s3 =	simm.s32 $0x4D00;
	[sflag:s14] =	ssyncadd.s32 $0xFFFF9C00  }
0x3d: {  	s24 =	simm.s32 $0x1A00;
	v0 =	vld [tilespmem:s3+$0xFFFFFE00]  }
0x3e: {  	v1 =	vld [tilespmem:s24+$0xFFFFFF00];
	_ =	sdelay $0x4  }
0x3f: {  	v0 =	vadd.f32 v1, v0;
	_ =	sdelay $0x1  }
0x40: {  	[tilespmem:s3+$0xFFFFFE00] =	vst v0;
	v0 =	vld [tilespmem:s3+$0xFFFFFE10]  }
0x41: {  	v1 =	vld [tilespmem:s24+$0xFFFFFF10];
	_ =	sdelay $0x4  }
0x42: {  	v0 =	vadd.f32 v1, v0;
	_ =	sdelay $0x1  }
0x43: {  	[tilespmem:s3+$0xFFFFFE10] =	vst v0;
	v0 =	vld [tilespmem:s3+$0xFFFFFE20]  }
0x44: {  	v1 =	vld [tilespmem:s24+$0xFFFFFF20];
	_ =	sdelay $0x4  }
0x45: {  	v0 =	vadd.f32 v1, v0;
	_ =	sdelay $0x1  }
0x46: {  	[tilespmem:s3+$0xFFFFFE20] =	vst v0;
	v0 =	vld [tilespmem:s3+$0xFFFFFE30]  }
0x47: {  	v1 =	vld [tilespmem:s24+$0xFFFFFF30];
	_ =	sdelay $0x4  }
0x48: {  	v0 =	vadd.f32 v1, v0;
	_ =	sdelay $0x1  }
0x49: {  	[tilespmem:s3+$0xFFFFFE30] =	vst v0;
	v0 =	vld [tilespmem:s3+$0xFFFFFE80]  }
0x4a: {  	v1 =	vld [tilespmem:s24+$0xFFFFFF40];
	_ =	sdelay $0x4  }
0x4b: {  	v0 =	vadd.f32 v1, v0  }
0x4c: {  	s26 =	simm.s32 $0x40  }
0x4d: {  	s25 =	sor.u32 $0x50, s26;
	[tilespmem:s3+$0xFFFFFE80] =	vst v0;
	v0 =	vld [tilespmem:s3+$0xFFFFFE90]  }
0x4e: {  	v1 =	vld [tilespmem:s25+$0x1900];
	_ =	sdelay $0x4  }
0x4f: {  	v0 =	vadd.f32 v1, v0;
	_ =	sdelay $0x1  }
0x50: {  	s29 =	sor.u32 $0x60, s26;
	[tilespmem:s3+$0xFFFFFE90] =	vst v0;
	v0 =	vld [tilespmem:s3+$0xFFFFFEA0]  }
0x51: {  	v1 =	vld [tilespmem:s29+$0x1900];
	_ =	sdelay $0x4  }
0x52: {  	v0 =	vadd.f32 v1, v0;
	_ =	sdelay $0x1  }
0x53: {  	s9 =	sor.u32 $0x70, s26;
	[tilespmem:s3+$0xFFFFFEA0] =	vst v0;
	v0 =	vld [tilespmem:s3+$0xFFFFFEB0]  }
0x54: {  	v1 =	vld [tilespmem:s9+$0x1900];
	_ =	sdelay $0x4  }
0x55: {  	v0 =	vadd.f32 v1, v0;
	_ =	sdelay $0x1  }
0x56: {  	[tilespmem:s3+$0xFFFFFEB0] =	vst v0;
	v0 =	vld [tilespmem:s3+$0xFFFFFF00]  }
0x57: {  	v1 =	vld [tilespmem:s24+$0xFFFFFF80];
	_ =	sdelay $0x4  }
0x58: {  	v0 =	vadd.f32 v1, v0;
	_ =	sdelay $0x1  }
0x59: {  	[tilespmem:s3+$0xFFFFFF00] =	vst v0;
	v0 =	vld [tilespmem:s3+$0xFFFFFF10]  }
0x5a: {  	v1 =	vld [tilespmem:s24+$0xFFFFFF90];
	_ =	sdelay $0x4  }
0x5b: {  	v0 =	vadd.f32 v1, v0;
	_ =	sdelay $0x1  }
0x5c: {  	[tilespmem:s3+$0xFFFFFF10] =	vst v0;
	v0 =	vld [tilespmem:s3+$0xFFFFFF20]  }
0x5d: {  	v1 =	vld [tilespmem:s24+$0xFFFFFFA0];
	_ =	sdelay $0x4  }
0x5e: {  	v0 =	vadd.f32 v1, v0;
	_ =	sdelay $0x1  }
0x5f: {  	[tilespmem:s3+$0xFFFFFF20] =	vst v0;
	v0 =	vld [tilespmem:s3+$0xFFFFFF30]  }
0x60: {  	v1 =	vld [tilespmem:s24+$0xFFFFFFB0];
	_ =	sdelay $0x4  }
0x61: {  	v0 =	vadd.f32 v1, v0;
	_ =	sdelay $0x1  }
0x62: {  	[tilespmem:s3+$0xFFFFFF30] =	vst v0;
	v0 =	vld [tilespmem:s3+$0xFFFFFF80]  }
0x63: {  	v1 =	vld [tilespmem:s24+$0xFFFFFFC0];
	_ =	sdelay $0x4  }
0x64: {  	v0 =	vadd.f32 v1, v0  }
0x65: {  	s0 =	simm.s32 $0xC0  }
0x66: {  	s26 =	sor.u32 $0x50, s0;
	[tilespmem:s3+$0xFFFFFF80] =	vst v0;
	v0 =	vld [tilespmem:s3+$0xFFFFFF90]  }
0x67: {  	v1 =	vld [tilespmem:s26+$0x1900];
	_ =	sdelay $0x4  }
0x68: {  	v0 =	vadd.f32 v1, v0;
	_ =	sdelay $0x1  }
0x69: {  	s29 =	sor.u32 $0x60, s0;
	[tilespmem:s3+$0xFFFFFF90] =	vst v0;
	v0 =	vld [tilespmem:s3+$0xFFFFFFA0]  }
0x6a: {  	v1 =	vld [tilespmem:s29+$0x1900];
	_ =	sdelay $0x4  }
0x6b: {  	v0 =	vadd.f32 v1, v0;
	_ =	sdelay $0x1  }
0x6c: {  	s9 =	sor.u32 $0x70, s0;
	[tilespmem:s3+$0xFFFFFFA0] =	vst v0;
	v0 =	vld [tilespmem:s3+$0xFFFFFFB0]  }
0x6d: {  	v1 =	vld [tilespmem:s9+$0x1900];
	_ =	sdelay $0x4  }
0x6e: {  	v0 =	vadd.f32 v1, v0;
	_ =	sdelay $0x1  }
0x6f: {  	[tilespmem:s3+$0xFFFFFFB0] =	vst v0;
	v0 =	vld [tilespmem:s3+$0x0]  }
0x70: {  	v1 =	vld [tilespmem:s24+$0x0];
	_ =	sdelay $0x4  }
0x71: {  	v0 =	vadd.f32 v1, v0;
	_ =	sdelay $0x1  }
0x72: {  	[tilespmem:s3+$0x0] =	vst v0;
	v0 =	vld [tilespmem:s3+$0x10]  }
0x73: {  	v1 =	vld [tilespmem:s24+$0x10];
	_ =	sdelay $0x4  }
0x74: {  	v0 =	vadd.f32 v1, v0;
	_ =	sdelay $0x1  }
0x75: {  	[tilespmem:s3+$0x10] =	vst v0;
	v0 =	vld [tilespmem:s3+$0x20]  }
0x76: {  	v1 =	vld [tilespmem:s24+$0x20];
	_ =	sdelay $0x4  }
0x77: {  	v0 =	vadd.f32 v1, v0;
	_ =	sdelay $0x1  }
0x78: {  	[tilespmem:s3+$0x20] =	vst v0;
	v0 =	vld [tilespmem:s3+$0x30]  }
0x79: {  	v1 =	vld [tilespmem:s24+$0x30];
	_ =	sdelay $0x4  }
0x7a: {  	v0 =	vadd.f32 v1, v0;
	_ =	sdelay $0x1  }
0x7b: {  	[tilespmem:s3+$0x30] =	vst v0;
	v0 =	vld [tilespmem:s3+$0x80]  }
0x7c: {  	v1 =	vld [tilespmem:s24+$0x40];
	_ =	sdelay $0x4  }
0x7d: {  	v0 =	vadd.f32 v1, v0  }
0x7e: {  	s0 =	simm.s32 $0x140  }
0x7f: {  	s26 =	sor.u32 $0x50, s0;
	[tilespmem:s3+$0x80] =	vst v0;
	v0 =	vld [tilespmem:s3+$0x90]  }
0x80: {  	v1 =	vld [tilespmem:s26+$0x1900];
	_ =	sdelay $0x4  }
0x81: {  	v0 =	vadd.f32 v1, v0;
	_ =	sdelay $0x1  }
0x82: {  	s29 =	sor.u32 $0x60, s0;
	[tilespmem:s3+$0x90] =	vst v0;
	v0 =	vld [tilespmem:s3+$0xA0]  }
0x83: {  	v1 =	vld [tilespmem:s29+$0x1900];
	_ =	sdelay $0x4  }
0x84: {  	v0 =	vadd.f32 v1, v0;
	_ =	sdelay $0x1  }
0x85: {  	s9 =	sor.u32 $0x70, s0;
	[tilespmem:s3+$0xA0] =	vst v0;
	v0 =	vld [tilespmem:s3+$0xB0]  }
0x86: {  	v1 =	vld [tilespmem:s9+$0x1900];
	_ =	sdelay $0x4  }
0x87: {  	v0 =	vadd.f32 v1, v0;
	_ =	sdelay $0x1  }
0x88: {  	[tilespmem:s3+$0xB0] =	vst v0;
	v0 =	vld [tilespmem:s3+$0x100]  }
0x89: {  	v1 =	vld [tilespmem:s24+$0x80];
	_ =	sdelay $0x4  }
0x8a: {  	v0 =	vadd.f32 v1, v0;
	_ =	sdelay $0x1  }
0x8b: {  	[tilespmem:s3+$0x100] =	vst v0;
	v0 =	vld [tilespmem:s3+$0x110]  }
0x8c: {  	v1 =	vld [tilespmem:s24+$0x90];
	_ =	sdelay $0x4  }
0x8d: {  	v0 =	vadd.f32 v1, v0;
	_ =	sdelay $0x1  }
0x8e: {  	[tilespmem:s3+$0x110] =	vst v0;
	v0 =	vld [tilespmem:s3+$0x120]  }
0x8f: {  	v1 =	vld [tilespmem:s24+$0xA0];
	_ =	sdelay $0x4  }
0x90: {  	v0 =	vadd.f32 v1, v0;
	_ =	sdelay $0x1  }
0x91: {  	[tilespmem:s3+$0x120] =	vst v0;
	v0 =	vld [tilespmem:s3+$0x130]  }
0x92: {  	v1 =	vld [tilespmem:s24+$0xB0];
	_ =	sdelay $0x4  }
0x93: {  	v0 =	vadd.f32 v1, v0;
	_ =	sdelay $0x1  }
0x94: {  	[tilespmem:s3+$0x130] =	vst v0;
	v0 =	vld [tilespmem:s3+$0x180]  }
0x95: {  	v1 =	vld [tilespmem:s24+$0xC0];
	_ =	sdelay $0x4  }
0x96: {  	v0 =	vadd.f32 v1, v0  }
0x97: {  	s25 =	simm.s32 $0x1C0  }
0x98: {  	s0 =	sor.u32 $0x50, s25;
	[tilespmem:s3+$0x180] =	vst v0;
	v0 =	vld [tilespmem:s3+$0x190]  }
0x99: {  	v1 =	vld [tilespmem:s0+$0x1900];
	_ =	sdelay $0x4  }
0x9a: {  	v0 =	vadd.f32 v1, v0;
	_ =	sdelay $0x1  }
0x9b: {  	s26 =	sor.u32 $0x60, s25;
	[tilespmem:s3+$0x190] =	vst v0;
	v0 =	vld [tilespmem:s3+$0x1A0]  }
0x9c: {  	v1 =	vld [tilespmem:s26+$0x1900];
	_ =	sdelay $0x4  }
0x9d: {  	v0 =	vadd.f32 v1, v0;
	_ =	sdelay $0x1  }
0x9e: {  	s29 =	sor.u32 $0x70, s25;
	[tilespmem:s3+$0x1A0] =	vst v0;
	v0 =	vld [tilespmem:s3+$0x1B0]  }
0x9f: {  	v1 =	vld [tilespmem:s29+$0x1900];
	_ =	sdelay $0x4  }
0xa0: {  	v0 =	vadd.f32 v1, v0  }
0xa1: {  	s28 =	simm.s32 $0x5100;
	s26 =	simm.s32 $0x0  }
.LBB2_3:
0xa2: {  	v1 =	vld [tilespmem:s28+$0xFFFFFE00];
	[tilespmem:s3+$0x1B0] =	vst v0;
	s24 =	sadd.s32 $0x200, s24;
	s3 =	smov.u32 s28  }
0xa3: {  	s26 =	sadd.s32 $0x8, s26;
	v0 =	vld [tilespmem:s24+$0xFFFFFF00]  }
0xa4: {  	p1 =	slt.u32 s26, $0xC0;
	_ =	sdelay $0x3  }
0xa5: {  	v0 =	vadd.f32 v0, v1;
	_ =	sdelay $0x1  }
0xa6: {  	[tilespmem:s28+$0xFFFFFE00] =	vst v0;
	v0 =	vld [tilespmem:s28+$0xFFFFFE10]  }
0xa7: {  	v1 =	vld [tilespmem:s24+$0xFFFFFF10];
	_ =	sdelay $0x4  }
0xa8: {  	v0 =	vadd.f32 v1, v0;
	_ =	sdelay $0x1  }
0xa9: {  	[tilespmem:s28+$0xFFFFFE10] =	vst v0;
	v0 =	vld [tilespmem:s28+$0xFFFFFE20]  }
0xaa: {  	v1 =	vld [tilespmem:s24+$0xFFFFFF20];
	_ =	sdelay $0x4  }
0xab: {  	v0 =	vadd.f32 v1, v0;
	_ =	sdelay $0x1  }
0xac: {  	[tilespmem:s28+$0xFFFFFE20] =	vst v0;
	v0 =	vld [tilespmem:s28+$0xFFFFFE30]  }
0xad: {  	v1 =	vld [tilespmem:s24+$0xFFFFFF30];
	_ =	sdelay $0x4  }
0xae: {  	v0 =	vadd.f32 v1, v0;
	_ =	sdelay $0x1  }
0xaf: {  	[tilespmem:s28+$0xFFFFFE30] =	vst v0;
	v0 =	vld [tilespmem:s28+$0xFFFFFE80]  }
0xb0: {  	v1 =	vld [tilespmem:s24+$0xFFFFFF40];
	_ =	sdelay $0x4  }
0xb1: {  	s25 =	sadd.s32 $0x200, s25;
	v0 =	vadd.f32 v1, v0  }
0xb2: {  	s9 =	sadd.s32 $0xFFFFFE80, s25  }
0xb3: {  	s29 =	sor.u32 $0x50, s9;
	[tilespmem:s28+$0xFFFFFE80] =	vst v0;
	v0 =	vld [tilespmem:s28+$0xFFFFFE90]  }
0xb4: {  	v1 =	vld [tilespmem:s29+$0x1900];
	_ =	sdelay $0x4  }
0xb5: {  	v0 =	vadd.f32 v1, v0;
	_ =	sdelay $0x1  }
0xb6: {  	s29 =	sor.u32 $0x60, s9;
	[tilespmem:s28+$0xFFFFFE90] =	vst v0;
	v0 =	vld [tilespmem:s28+$0xFFFFFEA0]  }
0xb7: {  	v1 =	vld [tilespmem:s29+$0x1900];
	_ =	sdelay $0x4  }
0xb8: {  	v0 =	vadd.f32 v1, v0;
	_ =	sdelay $0x1  }
0xb9: {  	s9 =	sor.u32 $0x70, s9;
	[tilespmem:s28+$0xFFFFFEA0] =	vst v0;
	v0 =	vld [tilespmem:s28+$0xFFFFFEB0]  }
0xba: {  	v1 =	vld [tilespmem:s9+$0x1900];
	_ =	sdelay $0x4  }
0xbb: {  	v0 =	vadd.f32 v1, v0;
	_ =	sdelay $0x1  }
0xbc: {  	[tilespmem:s28+$0xFFFFFEB0] =	vst v0;
	v0 =	vld [tilespmem:s28+$0xFFFFFF00]  }
0xbd: {  	v1 =	vld [tilespmem:s24+$0xFFFFFF80];
	_ =	sdelay $0x4  }
0xbe: {  	v0 =	vadd.f32 v1, v0;
	_ =	sdelay $0x1  }
0xbf: {  	[tilespmem:s28+$0xFFFFFF00] =	vst v0;
	v0 =	vld [tilespmem:s28+$0xFFFFFF10]  }
0xc0: {  	v1 =	vld [tilespmem:s24+$0xFFFFFF90];
	_ =	sdelay $0x4  }
0xc1: {  	v0 =	vadd.f32 v1, v0;
	_ =	sdelay $0x1  }
0xc2: {  	[tilespmem:s28+$0xFFFFFF10] =	vst v0;
	v0 =	vld [tilespmem:s28+$0xFFFFFF20]  }
0xc3: {  	v1 =	vld [tilespmem:s24+$0xFFFFFFA0];
	_ =	sdelay $0x4  }
0xc4: {  	v0 =	vadd.f32 v1, v0;
	_ =	sdelay $0x1  }
0xc5: {  	[tilespmem:s28+$0xFFFFFF20] =	vst v0;
	v0 =	vld [tilespmem:s28+$0xFFFFFF30]  }
0xc6: {  	v1 =	vld [tilespmem:s24+$0xFFFFFFB0];
	_ =	sdelay $0x4  }
0xc7: {  	v0 =	vadd.f32 v1, v0;
	_ =	sdelay $0x1  }
0xc8: {  	[tilespmem:s28+$0xFFFFFF30] =	vst v0;
	v0 =	vld [tilespmem:s28+$0xFFFFFF80]  }
0xc9: {  	v1 =	vld [tilespmem:s24+$0xFFFFFFC0];
	_ =	sdelay $0x4  }
0xca: {  	v0 =	vadd.f32 v1, v0  }
0xcb: {  	s9 =	sadd.s32 $0xFFFFFF00, s25  }
0xcc: {  	s29 =	sor.u32 $0x50, s9;
	[tilespmem:s28+$0xFFFFFF80] =	vst v0;
	v0 =	vld [tilespmem:s28+$0xFFFFFF90]  }
0xcd: {  	v1 =	vld [tilespmem:s29+$0x1900];
	_ =	sdelay $0x4  }
0xce: {  	v0 =	vadd.f32 v1, v0;
	_ =	sdelay $0x1  }
0xcf: {  	s29 =	sor.u32 $0x60, s9;
	[tilespmem:s28+$0xFFFFFF90] =	vst v0;
	v0 =	vld [tilespmem:s28+$0xFFFFFFA0]  }
0xd0: {  	v1 =	vld [tilespmem:s29+$0x1900];
	_ =	sdelay $0x4  }
0xd1: {  	v0 =	vadd.f32 v1, v0;
	_ =	sdelay $0x1  }
0xd2: {  	s9 =	sor.u32 $0x70, s9;
	[tilespmem:s28+$0xFFFFFFA0] =	vst v0;
	v0 =	vld [tilespmem:s28+$0xFFFFFFB0]  }
0xd3: {  	v1 =	vld [tilespmem:s9+$0x1900];
	_ =	sdelay $0x4  }
0xd4: {  	v0 =	vadd.f32 v1, v0;
	_ =	sdelay $0x1  }
0xd5: {  	[tilespmem:s28+$0xFFFFFFB0] =	vst v0;
	v0 =	vld [tilespmem:s28+$0x0]  }
0xd6: {  	v1 =	vld [tilespmem:s24+$0x0];
	_ =	sdelay $0x4  }
0xd7: {  	v0 =	vadd.f32 v1, v0;
	_ =	sdelay $0x1  }
0xd8: {  	[tilespmem:s28+$0x0] =	vst v0;
	v0 =	vld [tilespmem:s28+$0x10]  }
0xd9: {  	v1 =	vld [tilespmem:s24+$0x10];
	_ =	sdelay $0x4  }
0xda: {  	v0 =	vadd.f32 v1, v0;
	_ =	sdelay $0x1  }
0xdb: {  	[tilespmem:s28+$0x10] =	vst v0;
	v0 =	vld [tilespmem:s28+$0x20]  }
0xdc: {  	v1 =	vld [tilespmem:s24+$0x20];
	_ =	sdelay $0x4  }
0xdd: {  	v0 =	vadd.f32 v1, v0;
	_ =	sdelay $0x1  }
0xde: {  	[tilespmem:s28+$0x20] =	vst v0;
	v0 =	vld [tilespmem:s28+$0x30]  }
0xdf: {  	v1 =	vld [tilespmem:s24+$0x30];
	_ =	sdelay $0x4  }
0xe0: {  	v0 =	vadd.f32 v1, v0;
	_ =	sdelay $0x1  }
0xe1: {  	[tilespmem:s28+$0x30] =	vst v0;
	v0 =	vld [tilespmem:s28+$0x80]  }
0xe2: {  	v1 =	vld [tilespmem:s24+$0x40];
	_ =	sdelay $0x4  }
0xe3: {  	v0 =	vadd.f32 v1, v0  }
0xe4: {  	s9 =	sadd.s32 $0xFFFFFF80, s25  }
0xe5: {  	s29 =	sor.u32 $0x50, s9;
	[tilespmem:s28+$0x80] =	vst v0;
	v0 =	vld [tilespmem:s28+$0x90]  }
0xe6: {  	v1 =	vld [tilespmem:s29+$0x1900];
	_ =	sdelay $0x4  }
0xe7: {  	v0 =	vadd.f32 v1, v0;
	_ =	sdelay $0x1  }
0xe8: {  	s29 =	sor.u32 $0x60, s9;
	[tilespmem:s28+$0x90] =	vst v0;
	v0 =	vld [tilespmem:s28+$0xA0]  }
0xe9: {  	v1 =	vld [tilespmem:s29+$0x1900];
	_ =	sdelay $0x4  }
0xea: {  	v0 =	vadd.f32 v1, v0;
	_ =	sdelay $0x1  }
0xeb: {  	s9 =	sor.u32 $0x70, s9;
	[tilespmem:s28+$0xA0] =	vst v0;
	v0 =	vld [tilespmem:s28+$0xB0]  }
0xec: {  	v1 =	vld [tilespmem:s9+$0x1900];
	_ =	sdelay $0x4  }
0xed: {  	v0 =	vadd.f32 v1, v0;
	_ =	sdelay $0x1  }
0xee: {  	[tilespmem:s28+$0xB0] =	vst v0;
	v0 =	vld [tilespmem:s28+$0x100]  }
0xef: {  	v1 =	vld [tilespmem:s24+$0x80];
	_ =	sdelay $0x4  }
0xf0: {  	v0 =	vadd.f32 v1, v0;
	_ =	sdelay $0x1  }
0xf1: {  	[tilespmem:s28+$0x100] =	vst v0;
	v0 =	vld [tilespmem:s28+$0x110]  }
0xf2: {  	v1 =	vld [tilespmem:s24+$0x90];
	_ =	sdelay $0x4  }
0xf3: {  	v0 =	vadd.f32 v1, v0;
	_ =	sdelay $0x1  }
0xf4: {  	[tilespmem:s28+$0x110] =	vst v0;
	v0 =	vld [tilespmem:s28+$0x120]  }
0xf5: {  	v1 =	vld [tilespmem:s24+$0xA0];
	_ =	sdelay $0x4  }
0xf6: {  	v0 =	vadd.f32 v1, v0;
	_ =	sdelay $0x1  }
0xf7: {  	[tilespmem:s28+$0x120] =	vst v0;
	v0 =	vld [tilespmem:s28+$0x130]  }
0xf8: {  	v1 =	vld [tilespmem:s24+$0xB0];
	_ =	sdelay $0x4  }
0xf9: {  	v0 =	vadd.f32 v1, v0;
	_ =	sdelay $0x1  }
0xfa: {  	[tilespmem:s28+$0x130] =	vst v0;
	v0 =	vld [tilespmem:s28+$0x180]  }
0xfb: {  	v1 =	vld [tilespmem:s24+$0xC0];
	_ =	sdelay $0x4  }
0xfc: {  	v0 =	vadd.f32 v1, v0;
	_ =	sdelay $0x1  }
0xfd: {  	s9 =	sor.u32 $0x50, s25;
	[tilespmem:s28+$0x180] =	vst v0;
	v0 =	vld [tilespmem:s28+$0x190]  }
0xfe: {  	v1 =	vld [tilespmem:s9+$0x1900];
	_ =	sdelay $0x4  }
0xff: {  	v0 =	vadd.f32 v1, v0;
	_ =	sdelay $0x1  }
0x100: {  	s9 =	sor.u32 $0x60, s25;
	[tilespmem:s28+$0x190] =	vst v0;
	v0 =	vld [tilespmem:s28+$0x1A0]  }
0x101: {  	v1 =	vld [tilespmem:s9+$0x1900];
	_ =	sdelay $0x4  }
0x102: {  	v0 =	vadd.f32 v1, v0;
	_ =	sdelay $0x1  }
0x103: {  	s9 =	sor.u32 $0x70, s25;
	[tilespmem:s28+$0x1A0] =	vst v0;
	v0 =	vld [tilespmem:s28+$0x1B0]  }
0x104: {  	v1 =	vld [tilespmem:s9+$0x1900];
	_ =	sdelay $0x1  }
.Ltmp0:
0x105: {  	(pc) =	sbr.rel @p1 .LBB2_3-.Ltmp0, $3  }
0x106: {  	_ =	sdelay $0x1  }
0x107: {  	v0 =	vadd.f32 v1, v0  }
0x108: {  	s28 =	sadd.s32 $0x400, s28  }
0x109: {  	s9 =	sadd.s32 s6, s8  }
0x10a: {  	s9 =	smul.u32 $0xC80, s9;
	_ =	sdelay $0x1  }
0x10b: {  	[tilespmem:s3+$0x1B0] =	vst v0;
	s3 =	sor.u32 $0x3, s8;
	s29 =	sadd.s32 s5, s9;
	s9 =	simm.s32 @!p0 $0x8  }
0x10c: {  	[hbm4b:s29+s2] =	stream.linear.scatter [tilespmem:s12], [sflag:$0x5], $0x6400, $0x38;
	[tilespmem:$0x1DB00] =	vst v63  }
0x10d: {  	s24 =	smul.u32 $0x320, s3;
	_ =	swait.ge @!p0 [sflag:s9], $0x6400  }
0x10e: {  	[sflag:s9] =	ssyncset.done @!p0 $0x0  }
0x10f: {  	s0 =	sshra.s32 s24, $0x2;
	[sflag:s9] =	ssyncadd.s32 @!p0 $0xFFFF9C00  }
0x110: {  	[tilespmem:s15], [sflag:$0x4] =	stream.indirect.gather [hbm4b:s4+s11], $0x80, s0, s11, $0xb8;
	[tilespmem:$0x1DB00] =	vst v63  }
0x111: {  	s24 =	sadd.s32 $0x28, s0  }
0x112: {  	[tilespmem:s16], [sflag:$0x4] =	stream.indirect.gather [hbm4b:s4+s11], $0x80, s24, s11, $0xb8;
	[tilespmem:$0x1DB00] =	vst v63  }
0x113: {  	s25 =	sadd.s32 $0x50, s0  }
0x114: {  	[tilespmem:s17], [sflag:$0x4] =	stream.indirect.gather [hbm4b:s4+s11], $0x80, s25, s11, $0xb8;
	[tilespmem:$0x1DB00] =	vst v63  }
0x115: {  	s26 =	sadd.s32 $0x78, s0  }
0x116: {  	[tilespmem:s18], [sflag:$0x4] =	stream.indirect.gather [hbm4b:s4+s11], $0x80, s26, s11, $0xb8;
	[tilespmem:$0x1DB00] =	vst v63  }
0x117: {  	s9 =	sadd.s32 $0xA0, s0  }
0x118: {  	[tilespmem:s19], [sflag:$0x4] =	stream.indirect.gather [hbm4b:s4+s11], $0x80, s9, s11, $0xb8;
	[tilespmem:$0x1DB00] =	vst v63  }
0x119: {  	_ =	swait.ge [sflag:s20], $0x6400  }
0x11a: {  	[sflag:s20] =	ssyncset.done $0x0  }
0x11b: {  	s24 =	simm.s32 $0xB100;
	[sflag:s20] =	ssyncadd.s32 $0xFFFF9C00  }
0x11c: {  	s25 =	simm.s32 $0x1A00;
	v0 =	vld [tilespmem:s24+$0xFFFFFE00]  }
0x11d: {  	v1 =	vld [tilespmem:s25+$0xFFFFFF00];
	_ =	sdelay $0x4  }
0x11e: {  	v0 =	vadd.f32 v1, v0;
	_ =	sdelay $0x1  }
0x11f: {  	[tilespmem:s24+$0xFFFFFE00] =	vst v0;
	v0 =	vld [tilespmem:s24+$0xFFFFFE10]  }
0x120: {  	v1 =	vld [tilespmem:s25+$0xFFFFFF10];
	_ =	sdelay $0x4  }
0x121: {  	v0 =	vadd.f32 v1, v0;
	_ =	sdelay $0x1  }
0x122: {  	[tilespmem:s24+$0xFFFFFE10] =	vst v0;
	v0 =	vld [tilespmem:s24+$0xFFFFFE20]  }
0x123: {  	v1 =	vld [tilespmem:s25+$0xFFFFFF20];
	_ =	sdelay $0x4  }
0x124: {  	v0 =	vadd.f32 v1, v0;
	_ =	sdelay $0x1  }
0x125: {  	[tilespmem:s24+$0xFFFFFE20] =	vst v0;
	v0 =	vld [tilespmem:s24+$0xFFFFFE30]  }
0x126: {  	v1 =	vld [tilespmem:s25+$0xFFFFFF30];
	_ =	sdelay $0x4  }
0x127: {  	v0 =	vadd.f32 v1, v0;
	_ =	sdelay $0x1  }
0x128: {  	[tilespmem:s24+$0xFFFFFE30] =	vst v0;
	v0 =	vld [tilespmem:s24+$0xFFFFFE80]  }
0x129: {  	v1 =	vld [tilespmem:s25+$0xFFFFFF40];
	_ =	sdelay $0x4  }
0x12a: {  	v0 =	vadd.f32 v1, v0  }
0x12b: {  	s29 =	simm.s32 $0x40  }
0x12c: {  	s26 =	sor.u32 $0x50, s29;
	[tilespmem:s24+$0xFFFFFE80] =	vst v0;
	v0 =	vld [tilespmem:s24+$0xFFFFFE90]  }
0x12d: {  	v1 =	vld [tilespmem:s26+$0x1900];
	_ =	sdelay $0x4  }
0x12e: {  	v0 =	vadd.f32 v1, v0;
	_ =	sdelay $0x1  }
0x12f: {  	s0 =	sor.u32 $0x60, s29;
	[tilespmem:s24+$0xFFFFFE90] =	vst v0;
	v0 =	vld [tilespmem:s24+$0xFFFFFEA0]  }
0x130: {  	v1 =	vld [tilespmem:s0+$0x1900];
	_ =	sdelay $0x4  }
0x131: {  	v0 =	vadd.f32 v1, v0;
	_ =	sdelay $0x1  }
0x132: {  	s9 =	sor.u32 $0x70, s29;
	[tilespmem:s24+$0xFFFFFEA0] =	vst v0;
	v0 =	vld [tilespmem:s24+$0xFFFFFEB0]  }
0x133: {  	v1 =	vld [tilespmem:s9+$0x1900];
	_ =	sdelay $0x4  }
0x134: {  	v0 =	vadd.f32 v1, v0;
	_ =	sdelay $0x1  }
0x135: {  	[tilespmem:s24+$0xFFFFFEB0] =	vst v0;
	v0 =	vld [tilespmem:s24+$0xFFFFFF00]  }
0x136: {  	v1 =	vld [tilespmem:s25+$0xFFFFFF80];
	_ =	sdelay $0x4  }
0x137: {  	v0 =	vadd.f32 v1, v0;
	_ =	sdelay $0x1  }
0x138: {  	[tilespmem:s24+$0xFFFFFF00] =	vst v0;
	v0 =	vld [tilespmem:s24+$0xFFFFFF10]  }
0x139: {  	v1 =	vld [tilespmem:s25+$0xFFFFFF90];
	_ =	sdelay $0x4  }
0x13a: {  	v0 =	vadd.f32 v1, v0;
	_ =	sdelay $0x1  }
0x13b: {  	[tilespmem:s24+$0xFFFFFF10] =	vst v0;
	v0 =	vld [tilespmem:s24+$0xFFFFFF20]  }
0x13c: {  	v1 =	vld [tilespmem:s25+$0xFFFFFFA0];
	_ =	sdelay $0x4  }
0x13d: {  	v0 =	vadd.f32 v1, v0;
	_ =	sdelay $0x1  }
0x13e: {  	[tilespmem:s24+$0xFFFFFF20] =	vst v0;
	v0 =	vld [tilespmem:s24+$0xFFFFFF30]  }
0x13f: {  	v1 =	vld [tilespmem:s25+$0xFFFFFFB0];
	_ =	sdelay $0x4  }
0x140: {  	v0 =	vadd.f32 v1, v0;
	_ =	sdelay $0x1  }
0x141: {  	[tilespmem:s24+$0xFFFFFF30] =	vst v0;
	v0 =	vld [tilespmem:s24+$0xFFFFFF80]  }
0x142: {  	v1 =	vld [tilespmem:s25+$0xFFFFFFC0];
	_ =	sdelay $0x4  }
0x143: {  	v0 =	vadd.f32 v1, v0  }
0x144: {  	s9 =	simm.s32 $0xC0  }
0x145: {  	s29 =	sor.u32 $0x50, s9;
	[tilespmem:s24+$0xFFFFFF80] =	vst v0;
	v0 =	vld [tilespmem:s24+$0xFFFFFF90]  }
0x146: {  	v1 =	vld [tilespmem:s29+$0x1900];
	_ =	sdelay $0x4  }
0x147: {  	v0 =	vadd.f32 v1, v0;
	_ =	sdelay $0x1  }
0x148: {  	s0 =	sor.u32 $0x60, s9;
	[tilespmem:s24+$0xFFFFFF90] =	vst v0;
	v0 =	vld [tilespmem:s24+$0xFFFFFFA0]  }
0x149: {  	v1 =	vld [tilespmem:s0+$0x1900];
	_ =	sdelay $0x4  }
0x14a: {  	v0 =	vadd.f32 v1, v0;
	_ =	sdelay $0x1  }
0x14b: {  	s9 =	sor.u32 $0x70, s9;
	[tilespmem:s24+$0xFFFFFFA0] =	vst v0;
	v0 =	vld [tilespmem:s24+$0xFFFFFFB0]  }
0x14c: {  	v1 =	vld [tilespmem:s9+$0x1900];
	_ =	sdelay $0x4  }
0x14d: {  	v0 =	vadd.f32 v1, v0;
	_ =	sdelay $0x1  }
0x14e: {  	[tilespmem:s24+$0xFFFFFFB0] =	vst v0;
	v0 =	vld [tilespmem:s24+$0x0]  }
0x14f: {  	v1 =	vld [tilespmem:s25+$0x0];
	_ =	sdelay $0x4  }
0x150: {  	v0 =	vadd.f32 v1, v0;
	_ =	sdelay $0x1  }
0x151: {  	[tilespmem:s24+$0x0] =	vst v0;
	v0 =	vld [tilespmem:s24+$0x10]  }
0x152: {  	v1 =	vld [tilespmem:s25+$0x10];
	_ =	sdelay $0x4  }
0x153: {  	v0 =	vadd.f32 v1, v0;
	_ =	sdelay $0x1  }
0x154: {  	[tilespmem:s24+$0x10] =	vst v0;
	v0 =	vld [tilespmem:s24+$0x20]  }
0x155: {  	v1 =	vld [tilespmem:s25+$0x20];
	_ =	sdelay $0x4  }
0x156: {  	v0 =	vadd.f32 v1, v0;
	_ =	sdelay $0x1  }
0x157: {  	[tilespmem:s24+$0x20] =	vst v0;
	v0 =	vld [tilespmem:s24+$0x30]  }
0x158: {  	v1 =	vld [tilespmem:s25+$0x30];
	_ =	sdelay $0x4  }
0x159: {  	v0 =	vadd.f32 v1, v0;
	_ =	sdelay $0x1  }
0x15a: {  	[tilespmem:s24+$0x30] =	vst v0;
	v0 =	vld [tilespmem:s24+$0x80]  }
0x15b: {  	v1 =	vld [tilespmem:s25+$0x40];
	_ =	sdelay $0x4  }
0x15c: {  	v0 =	vadd.f32 v1, v0  }
0x15d: {  	s9 =	simm.s32 $0x140  }
0x15e: {  	s29 =	sor.u32 $0x50, s9;
	[tilespmem:s24+$0x80] =	vst v0;
	v0 =	vld [tilespmem:s24+$0x90]  }
0x15f: {  	v1 =	vld [tilespmem:s29+$0x1900];
	_ =	sdelay $0x4  }
0x160: {  	v0 =	vadd.f32 v1, v0;
	_ =	sdelay $0x1  }
0x161: {  	s0 =	sor.u32 $0x60, s9;
	[tilespmem:s24+$0x90] =	vst v0;
	v0 =	vld [tilespmem:s24+$0xA0]  }
0x162: {  	v1 =	vld [tilespmem:s0+$0x1900];
	_ =	sdelay $0x4  }
0x163: {  	v0 =	vadd.f32 v1, v0;
	_ =	sdelay $0x1  }
0x164: {  	s9 =	sor.u32 $0x70, s9;
	[tilespmem:s24+$0xA0] =	vst v0;
	v0 =	vld [tilespmem:s24+$0xB0]  }
0x165: {  	v1 =	vld [tilespmem:s9+$0x1900];
	_ =	sdelay $0x4  }
0x166: {  	v0 =	vadd.f32 v1, v0;
	_ =	sdelay $0x1  }
0x167: {  	[tilespmem:s24+$0xB0] =	vst v0;
	v0 =	vld [tilespmem:s24+$0x100]  }
0x168: {  	v1 =	vld [tilespmem:s25+$0x80];
	_ =	sdelay $0x4  }
0x169: {  	v0 =	vadd.f32 v1, v0;
	_ =	sdelay $0x1  }
0x16a: {  	[tilespmem:s24+$0x100] =	vst v0;
	v0 =	vld [tilespmem:s24+$0x110]  }
0x16b: {  	v1 =	vld [tilespmem:s25+$0x90];
	_ =	sdelay $0x4  }
0x16c: {  	v0 =	vadd.f32 v1, v0;
	_ =	sdelay $0x1  }
0x16d: {  	[tilespmem:s24+$0x110] =	vst v0;
	v0 =	vld [tilespmem:s24+$0x120]  }
0x16e: {  	v1 =	vld [tilespmem:s25+$0xA0];
	_ =	sdelay $0x4  }
0x16f: {  	v0 =	vadd.f32 v1, v0;
	_ =	sdelay $0x1  }
0x170: {  	[tilespmem:s24+$0x120] =	vst v0;
	v0 =	vld [tilespmem:s24+$0x130]  }
0x171: {  	v1 =	vld [tilespmem:s25+$0xB0];
	_ =	sdelay $0x4  }
0x172: {  	v0 =	vadd.f32 v1, v0;
	_ =	sdelay $0x1  }
0x173: {  	[tilespmem:s24+$0x130] =	vst v0;
	v0 =	vld [tilespmem:s24+$0x180]  }
0x174: {  	v1 =	vld [tilespmem:s25+$0xC0];
	_ =	sdelay $0x4  }
0x175: {  	v0 =	vadd.f32 v1, v0  }
0x176: {  	s26 =	simm.s32 $0x1C0  }
0x177: {  	s29 =	sor.u32 $0x50, s26;
	[tilespmem:s24+$0x180] =	vst v0;
	v0 =	vld [tilespmem:s24+$0x190]  }
0x178: {  	v1 =	vld [tilespmem:s29+$0x1900];
	_ =	sdelay $0x4  }
0x179: {  	v0 =	vadd.f32 v1, v0;
	_ =	sdelay $0x1  }
0x17a: {  	s0 =	sor.u32 $0x60, s26;
	[tilespmem:s24+$0x190] =	vst v0;
	v0 =	vld [tilespmem:s24+$0x1A0]  }
0x17b: {  	v1 =	vld [tilespmem:s0+$0x1900];
	_ =	sdelay $0x4  }
0x17c: {  	v0 =	vadd.f32 v1, v0;
	_ =	sdelay $0x1  }
0x17d: {  	s29 =	sor.u32 $0x70, s26;
	[tilespmem:s24+$0x1A0] =	vst v0;
	v0 =	vld [tilespmem:s24+$0x1B0]  }
0x17e: {  	v1 =	vld [tilespmem:s29+$0x1900];
	_ =	sdelay $0x4  }
0x17f: {  	v0 =	vadd.f32 v1, v0  }
0x180: {  	s8 =	sor.u32 $0x1, s8;
	s28 =	simm.s32 $0x0;
	s9 =	simm.s32 $0xB500  }
.LBB2_5:
0x181: {  	v1 =	vld [tilespmem:s9+$0xFFFFFE00];
	[tilespmem:s24+$0x1B0] =	vst v0;
	s25 =	sadd.s32 $0x200, s25;
	s24 =	smov.u32 s9  }
0x182: {  	s28 =	sadd.s32 $0x8, s28;
	v0 =	vld [tilespmem:s25+$0xFFFFFF00]  }
0x183: {  	p0 =	slt.u32 s28, $0xC0;
	_ =	sdelay $0x3  }
0x184: {  	v0 =	vadd.f32 v0, v1;
	_ =	sdelay $0x1  }
0x185: {  	[tilespmem:s9+$0xFFFFFE00] =	vst v0;
	v0 =	vld [tilespmem:s9+$0xFFFFFE10]  }
0x186: {  	v1 =	vld [tilespmem:s25+$0xFFFFFF10];
	_ =	sdelay $0x4  }
0x187: {  	v0 =	vadd.f32 v1, v0;
	_ =	sdelay $0x1  }
0x188: {  	[tilespmem:s9+$0xFFFFFE10] =	vst v0;
	v0 =	vld [tilespmem:s9+$0xFFFFFE20]  }
0x189: {  	v1 =	vld [tilespmem:s25+$0xFFFFFF20];
	_ =	sdelay $0x4  }
0x18a: {  	v0 =	vadd.f32 v1, v0;
	_ =	sdelay $0x1  }
0x18b: {  	[tilespmem:s9+$0xFFFFFE20] =	vst v0;
	v0 =	vld [tilespmem:s9+$0xFFFFFE30]  }
0x18c: {  	v1 =	vld [tilespmem:s25+$0xFFFFFF30];
	_ =	sdelay $0x4  }
0x18d: {  	v0 =	vadd.f32 v1, v0;
	_ =	sdelay $0x1  }
0x18e: {  	[tilespmem:s9+$0xFFFFFE30] =	vst v0;
	v0 =	vld [tilespmem:s9+$0xFFFFFE80]  }
0x18f: {  	v1 =	vld [tilespmem:s25+$0xFFFFFF40];
	_ =	sdelay $0x4  }
0x190: {  	s26 =	sadd.s32 $0x200, s26;
	v0 =	vadd.f32 v1, v0  }
0x191: {  	s29 =	sadd.s32 $0xFFFFFE80, s26  }
0x192: {  	s0 =	sor.u32 $0x50, s29;
	[tilespmem:s9+$0xFFFFFE80] =	vst v0;
	v0 =	vld [tilespmem:s9+$0xFFFFFE90]  }
0x193: {  	v1 =	vld [tilespmem:s0+$0x1900];
	_ =	sdelay $0x4  }
0x194: {  	v0 =	vadd.f32 v1, v0;
	_ =	sdelay $0x1  }
0x195: {  	s0 =	sor.u32 $0x60, s29;
	[tilespmem:s9+$0xFFFFFE90] =	vst v0;
	v0 =	vld [tilespmem:s9+$0xFFFFFEA0]  }
0x196: {  	v1 =	vld [tilespmem:s0+$0x1900];
	_ =	sdelay $0x4  }
0x197: {  	v0 =	vadd.f32 v1, v0;
	_ =	sdelay $0x1  }
0x198: {  	s0 =	sor.u32 $0x70, s29;
	[tilespmem:s9+$0xFFFFFEA0] =	vst v0;
	v0 =	vld [tilespmem:s9+$0xFFFFFEB0]  }
0x199: {  	v1 =	vld [tilespmem:s0+$0x1900];
	_ =	sdelay $0x4  }
0x19a: {  	v0 =	vadd.f32 v1, v0;
	_ =	sdelay $0x1  }
0x19b: {  	[tilespmem:s9+$0xFFFFFEB0] =	vst v0;
	v0 =	vld [tilespmem:s9+$0xFFFFFF00]  }
0x19c: {  	v1 =	vld [tilespmem:s25+$0xFFFFFF80];
	_ =	sdelay $0x4  }
0x19d: {  	v0 =	vadd.f32 v1, v0;
	_ =	sdelay $0x1  }
0x19e: {  	[tilespmem:s9+$0xFFFFFF00] =	vst v0;
	v0 =	vld [tilespmem:s9+$0xFFFFFF10]  }
0x19f: {  	v1 =	vld [tilespmem:s25+$0xFFFFFF90];
	_ =	sdelay $0x4  }
0x1a0: {  	v0 =	vadd.f32 v1, v0;
	_ =	sdelay $0x1  }
0x1a1: {  	[tilespmem:s9+$0xFFFFFF10] =	vst v0;
	v0 =	vld [tilespmem:s9+$0xFFFFFF20]  }
0x1a2: {  	v1 =	vld [tilespmem:s25+$0xFFFFFFA0];
	_ =	sdelay $0x4  }
0x1a3: {  	v0 =	vadd.f32 v1, v0;
	_ =	sdelay $0x1  }
0x1a4: {  	[tilespmem:s9+$0xFFFFFF20] =	vst v0;
	v0 =	vld [tilespmem:s9+$0xFFFFFF30]  }
0x1a5: {  	v1 =	vld [tilespmem:s25+$0xFFFFFFB0];
	_ =	sdelay $0x4  }
0x1a6: {  	v0 =	vadd.f32 v1, v0;
	_ =	sdelay $0x1  }
0x1a7: {  	[tilespmem:s9+$0xFFFFFF30] =	vst v0;
	v0 =	vld [tilespmem:s9+$0xFFFFFF80]  }
0x1a8: {  	v1 =	vld [tilespmem:s25+$0xFFFFFFC0];
	_ =	sdelay $0x4  }
0x1a9: {  	v0 =	vadd.f32 v1, v0  }
0x1aa: {  	s0 =	sadd.s32 $0xFFFFFF00, s26  }
0x1ab: {  	s29 =	sor.u32 $0x50, s0;
	[tilespmem:s9+$0xFFFFFF80] =	vst v0;
	v0 =	vld [tilespmem:s9+$0xFFFFFF90]  }
0x1ac: {  	v1 =	vld [tilespmem:s29+$0x1900];
	_ =	sdelay $0x4  }
0x1ad: {  	v0 =	vadd.f32 v1, v0;
	_ =	sdelay $0x1  }
0x1ae: {  	s29 =	sor.u32 $0x60, s0;
	[tilespmem:s9+$0xFFFFFF90] =	vst v0;
	v0 =	vld [tilespmem:s9+$0xFFFFFFA0]  }
0x1af: {  	v1 =	vld [tilespmem:s29+$0x1900];
	_ =	sdelay $0x4  }
0x1b0: {  	v0 =	vadd.f32 v1, v0;
	_ =	sdelay $0x1  }
0x1b1: {  	s0 =	sor.u32 $0x70, s0;
	[tilespmem:s9+$0xFFFFFFA0] =	vst v0;
	v0 =	vld [tilespmem:s9+$0xFFFFFFB0]  }
0x1b2: {  	v1 =	vld [tilespmem:s0+$0x1900];
	_ =	sdelay $0x4  }
0x1b3: {  	v0 =	vadd.f32 v1, v0;
	_ =	sdelay $0x1  }
0x1b4: {  	[tilespmem:s9+$0xFFFFFFB0] =	vst v0;
	v0 =	vld [tilespmem:s9+$0x0]  }
0x1b5: {  	v1 =	vld [tilespmem:s25+$0x0];
	_ =	sdelay $0x4  }
0x1b6: {  	v0 =	vadd.f32 v1, v0;
	_ =	sdelay $0x1  }
0x1b7: {  	[tilespmem:s9+$0x0] =	vst v0;
	v0 =	vld [tilespmem:s9+$0x10]  }
0x1b8: {  	v1 =	vld [tilespmem:s25+$0x10];
	_ =	sdelay $0x4  }
0x1b9: {  	v0 =	vadd.f32 v1, v0;
	_ =	sdelay $0x1  }
0x1ba: {  	[tilespmem:s9+$0x10] =	vst v0;
	v0 =	vld [tilespmem:s9+$0x20]  }
0x1bb: {  	v1 =	vld [tilespmem:s25+$0x20];
	_ =	sdelay $0x4  }
0x1bc: {  	v0 =	vadd.f32 v1, v0;
	_ =	sdelay $0x1  }
0x1bd: {  	[tilespmem:s9+$0x20] =	vst v0;
	v0 =	vld [tilespmem:s9+$0x30]  }
0x1be: {  	v1 =	vld [tilespmem:s25+$0x30];
	_ =	sdelay $0x4  }
0x1bf: {  	v0 =	vadd.f32 v1, v0;
	_ =	sdelay $0x1  }
0x1c0: {  	[tilespmem:s9+$0x30] =	vst v0;
	v0 =	vld [tilespmem:s9+$0x80]  }
0x1c1: {  	v1 =	vld [tilespmem:s25+$0x40];
	_ =	sdelay $0x4  }
0x1c2: {  	v0 =	vadd.f32 v1, v0  }
0x1c3: {  	s0 =	sadd.s32 $0xFFFFFF80, s26  }
0x1c4: {  	s29 =	sor.u32 $0x50, s0;
	[tilespmem:s9+$0x80] =	vst v0;
	v0 =	vld [tilespmem:s9+$0x90]  }
0x1c5: {  	v1 =	vld [tilespmem:s29+$0x1900];
	_ =	sdelay $0x4  }
0x1c6: {  	v0 =	vadd.f32 v1, v0;
	_ =	sdelay $0x1  }
0x1c7: {  	s29 =	sor.u32 $0x60, s0;
	[tilespmem:s9+$0x90] =	vst v0;
	v0 =	vld [tilespmem:s9+$0xA0]  }
0x1c8: {  	v1 =	vld [tilespmem:s29+$0x1900];
	_ =	sdelay $0x4  }
0x1c9: {  	v0 =	vadd.f32 v1, v0;
	_ =	sdelay $0x1  }
0x1ca: {  	s0 =	sor.u32 $0x70, s0;
	[tilespmem:s9+$0xA0] =	vst v0;
	v0 =	vld [tilespmem:s9+$0xB0]  }
0x1cb: {  	v1 =	vld [tilespmem:s0+$0x1900];
	_ =	sdelay $0x4  }
0x1cc: {  	v0 =	vadd.f32 v1, v0;
	_ =	sdelay $0x1  }
0x1cd: {  	[tilespmem:s9+$0xB0] =	vst v0;
	v0 =	vld [tilespmem:s9+$0x100]  }
0x1ce: {  	v1 =	vld [tilespmem:s25+$0x80];
	_ =	sdelay $0x4  }
0x1cf: {  	v0 =	vadd.f32 v1, v0;
	_ =	sdelay $0x1  }
0x1d0: {  	[tilespmem:s9+$0x100] =	vst v0;
	v0 =	vld [tilespmem:s9+$0x110]  }
0x1d1: {  	v1 =	vld [tilespmem:s25+$0x90];
	_ =	sdelay $0x4  }
0x1d2: {  	v0 =	vadd.f32 v1, v0;
	_ =	sdelay $0x1  }
0x1d3: {  	[tilespmem:s9+$0x110] =	vst v0;
	v0 =	vld [tilespmem:s9+$0x120]  }
0x1d4: {  	v1 =	vld [tilespmem:s25+$0xA0];
	_ =	sdelay $0x4  }
0x1d5: {  	v0 =	vadd.f32 v1, v0;
	_ =	sdelay $0x1  }
0x1d6: {  	[tilespmem:s9+$0x120] =	vst v0;
	v0 =	vld [tilespmem:s9+$0x130]  }
0x1d7: {  	v1 =	vld [tilespmem:s25+$0xB0];
	_ =	sdelay $0x4  }
0x1d8: {  	v0 =	vadd.f32 v1, v0;
	_ =	sdelay $0x1  }
0x1d9: {  	[tilespmem:s9+$0x130] =	vst v0;
	v0 =	vld [tilespmem:s9+$0x180]  }
0x1da: {  	v1 =	vld [tilespmem:s25+$0xC0];
	_ =	sdelay $0x4  }
0x1db: {  	v0 =	vadd.f32 v1, v0;
	_ =	sdelay $0x1  }
0x1dc: {  	s0 =	sor.u32 $0x50, s26;
	[tilespmem:s9+$0x180] =	vst v0;
	v0 =	vld [tilespmem:s9+$0x190]  }
0x1dd: {  	v1 =	vld [tilespmem:s0+$0x1900];
	_ =	sdelay $0x4  }
0x1de: {  	v0 =	vadd.f32 v1, v0;
	_ =	sdelay $0x1  }
0x1df: {  	s0 =	sor.u32 $0x60, s26;
	[tilespmem:s9+$0x190] =	vst v0;
	v0 =	vld [tilespmem:s9+$0x1A0]  }
0x1e0: {  	v1 =	vld [tilespmem:s0+$0x1900];
	_ =	sdelay $0x4  }
0x1e1: {  	v0 =	vadd.f32 v1, v0;
	_ =	sdelay $0x1  }
0x1e2: {  	s0 =	sor.u32 $0x70, s26;
	[tilespmem:s9+$0x1A0] =	vst v0;
	v0 =	vld [tilespmem:s9+$0x1B0]  }
0x1e3: {  	v1 =	vld [tilespmem:s0+$0x1900];
	_ =	sdelay $0x1  }
.Ltmp1:
0x1e4: {  	(pc) =	sbr.rel @p0 .LBB2_5-.Ltmp1, $3  }
0x1e5: {  	_ =	sdelay $0x1  }
0x1e6: {  	v0 =	vadd.f32 v1, v0  }
0x1e7: {  	s9 =	sadd.s32 $0x400, s9  }
0x1e8: {  	s0 =	sadd.s32 s6, s8  }
0x1e9: {  	s0 =	smul.u32 $0xC80, s0;
	_ =	sdelay $0x1  }
0x1ea: {  	[tilespmem:s24+$0x1B0] =	vst v0;
	p0 =	seq.s32 s30, $0x7;
	s0 =	sadd.s32 s5, s0  }
0x1eb: {  	[hbm4b:s0+s2] =	stream.linear.scatter [tilespmem:s21], [sflag:$0x6], $0x6400, $0x38;
	[tilespmem:$0x1DB00] =	vst v63  }
0x1ec: {  	s8 =	smul.u32 @!p0 $0xC80, s30;
	s0 =	simm.s32 @!p0 $0x5  }
0x1ed: {  	_ =	swait.ge @!p0 [sflag:s0], $0x6400  }
0x1ee: {  	s9 =	simm.s32 @!p0 $0x28;
	s8 =	sshra.s32 @!p0 s8, $0x2;
	[sflag:s0] =	ssyncset.done @!p0 $0x0  }
0x1ef: {  	s24 =	simm.s32 @!p0 $0x4B00;
	[sflag:s0] =	ssyncadd.s32 @!p0 $0xFFFF9C00;
	s0 =	sadd.s32 @!p0 $0x320, s8  }
0x1f0: {  	[tilespmem:s24], [sflag:$0x1] =	stream.indirect.gather @!p0 [hbm4b:s4+s9], $0x80, s0, s9, $0xb8;
	[tilespmem:$0x1DB00] =	vst v63  }
0x1f1: {  	s0 =	sadd.s32 @!p0 $0x348, s8;
	s24 =	simm.s32 @!p0 $0x5F00  }
0x1f2: {  	[tilespmem:s24], [sflag:$0x1] =	stream.indirect.gather @!p0 [hbm4b:s4+s9], $0x80, s0, s9, $0xb8;
	[tilespmem:$0x1DB00] =	vst v63  }
0x1f3: {  	s0 =	sadd.s32 @!p0 $0x370, s8;
	s24 =	simm.s32 @!p0 $0x7300  }
0x1f4: {  	[tilespmem:s24], [sflag:$0x1] =	stream.indirect.gather @!p0 [hbm4b:s4+s9], $0x80, s0, s9, $0xb8;
	[tilespmem:$0x1DB00] =	vst v63  }
0x1f5: {  	s0 =	sadd.s32 @!p0 $0x398, s8;
	s24 =	simm.s32 @!p0 $0x8700  }
0x1f6: {  	[tilespmem:s24], [sflag:$0x1] =	stream.indirect.gather @!p0 [hbm4b:s4+s9], $0x80, s0, s9, $0xb8;
	[tilespmem:$0x1DB00] =	vst v63  }
0x1f7: {  	s0 =	sadd.s32 @!p0 $0x3C0, s8;
	s24 =	simm.s32 @!p0 $0x9B00  }
0x1f8: {  	[tilespmem:s24], [sflag:$0x1] =	stream.indirect.gather @!p0 [hbm4b:s4+s9], $0x80, s0, s9, $0xb8;
	[tilespmem:$0x1DB00] =	vst v63  }
0x1f9: {  	_ =	swait.ge [sflag:s22], $0x6400  }
0x1fa: {  	[sflag:s22] =	ssyncset.done $0x0  }
0x1fb: {  	s24 =	simm.s32 $0x11500;
	[sflag:s22] =	ssyncadd.s32 $0xFFFF9C00  }
0x1fc: {  	s25 =	simm.s32 $0x1A00;
	v0 =	vld [tilespmem:s24+$0xFFFFFE00]  }
0x1fd: {  	v1 =	vld [tilespmem:s25+$0xFFFFFF00];
	_ =	sdelay $0x4  }
0x1fe: {  	v0 =	vadd.f32 v1, v0;
	_ =	sdelay $0x1  }
0x1ff: {  	[tilespmem:s24+$0xFFFFFE00] =	vst v0;
	v0 =	vld [tilespmem:s24+$0xFFFFFE10]  }
0x200: {  	v1 =	vld [tilespmem:s25+$0xFFFFFF10];
	_ =	sdelay $0x4  }
0x201: {  	v0 =	vadd.f32 v1, v0;
	_ =	sdelay $0x1  }
0x202: {  	[tilespmem:s24+$0xFFFFFE10] =	vst v0;
	v0 =	vld [tilespmem:s24+$0xFFFFFE20]  }
0x203: {  	v1 =	vld [tilespmem:s25+$0xFFFFFF20];
	_ =	sdelay $0x4  }
0x204: {  	v0 =	vadd.f32 v1, v0;
	_ =	sdelay $0x1  }
0x205: {  	[tilespmem:s24+$0xFFFFFE20] =	vst v0;
	v0 =	vld [tilespmem:s24+$0xFFFFFE30]  }
0x206: {  	v1 =	vld [tilespmem:s25+$0xFFFFFF30];
	_ =	sdelay $0x4  }
0x207: {  	v0 =	vadd.f32 v1, v0;
	_ =	sdelay $0x1  }
0x208: {  	[tilespmem:s24+$0xFFFFFE30] =	vst v0;
	v0 =	vld [tilespmem:s24+$0xFFFFFE80]  }
0x209: {  	v1 =	vld [tilespmem:s25+$0xFFFFFF40];
	_ =	sdelay $0x4  }
0x20a: {  	v0 =	vadd.f32 v1, v0  }
0x20b: {  	s0 =	simm.s32 $0x40  }
0x20c: {  	s29 =	sor.u32 $0x50, s0;
	[tilespmem:s24+$0xFFFFFE80] =	vst v0;
	v0 =	vld [tilespmem:s24+$0xFFFFFE90]  }
0x20d: {  	v1 =	vld [tilespmem:s29+$0x1900];
	_ =	sdelay $0x4  }
0x20e: {  	v0 =	vadd.f32 v1, v0;
	_ =	sdelay $0x1  }
0x20f: {  	s26 =	sor.u32 $0x60, s0;
	[tilespmem:s24+$0xFFFFFE90] =	vst v0;
	v0 =	vld [tilespmem:s24+$0xFFFFFEA0]  }
0x210: {  	v1 =	vld [tilespmem:s26+$0x1900];
	_ =	sdelay $0x4  }
0x211: {  	v0 =	vadd.f32 v1, v0;
	_ =	sdelay $0x1  }
0x212: {  	s0 =	sor.u32 $0x70, s0;
	[tilespmem:s24+$0xFFFFFEA0] =	vst v0;
	v0 =	vld [tilespmem:s24+$0xFFFFFEB0]  }
0x213: {  	v1 =	vld [tilespmem:s0+$0x1900];
	_ =	sdelay $0x4  }
0x214: {  	v0 =	vadd.f32 v1, v0;
	_ =	sdelay $0x1  }
0x215: {  	[tilespmem:s24+$0xFFFFFEB0] =	vst v0;
	v0 =	vld [tilespmem:s24+$0xFFFFFF00]  }
0x216: {  	v1 =	vld [tilespmem:s25+$0xFFFFFF80];
	_ =	sdelay $0x4  }
0x217: {  	v0 =	vadd.f32 v1, v0;
	_ =	sdelay $0x1  }
0x218: {  	[tilespmem:s24+$0xFFFFFF00] =	vst v0;
	v0 =	vld [tilespmem:s24+$0xFFFFFF10]  }
0x219: {  	v1 =	vld [tilespmem:s25+$0xFFFFFF90];
	_ =	sdelay $0x4  }
0x21a: {  	v0 =	vadd.f32 v1, v0;
	_ =	sdelay $0x1  }
0x21b: {  	[tilespmem:s24+$0xFFFFFF10] =	vst v0;
	v0 =	vld [tilespmem:s24+$0xFFFFFF20]  }
0x21c: {  	v1 =	vld [tilespmem:s25+$0xFFFFFFA0];
	_ =	sdelay $0x4  }
0x21d: {  	v0 =	vadd.f32 v1, v0;
	_ =	sdelay $0x1  }
0x21e: {  	[tilespmem:s24+$0xFFFFFF20] =	vst v0;
	v0 =	vld [tilespmem:s24+$0xFFFFFF30]  }
0x21f: {  	v1 =	vld [tilespmem:s25+$0xFFFFFFB0];
	_ =	sdelay $0x4  }
0x220: {  	v0 =	vadd.f32 v1, v0;
	_ =	sdelay $0x1  }
0x221: {  	[tilespmem:s24+$0xFFFFFF30] =	vst v0;
	v0 =	vld [tilespmem:s24+$0xFFFFFF80]  }
0x222: {  	v1 =	vld [tilespmem:s25+$0xFFFFFFC0];
	_ =	sdelay $0x4  }
0x223: {  	v0 =	vadd.f32 v1, v0  }
0x224: {  	s0 =	simm.s32 $0xC0  }
0x225: {  	s29 =	sor.u32 $0x50, s0;
	[tilespmem:s24+$0xFFFFFF80] =	vst v0;
	v0 =	vld [tilespmem:s24+$0xFFFFFF90]  }
0x226: {  	v1 =	vld [tilespmem:s29+$0x1900];
	_ =	sdelay $0x4  }
0x227: {  	v0 =	vadd.f32 v1, v0;
	_ =	sdelay $0x1  }
0x228: {  	s26 =	sor.u32 $0x60, s0;
	[tilespmem:s24+$0xFFFFFF90] =	vst v0;
	v0 =	vld [tilespmem:s24+$0xFFFFFFA0]  }
0x229: {  	v1 =	vld [tilespmem:s26+$0x1900];
	_ =	sdelay $0x4  }
0x22a: {  	v0 =	vadd.f32 v1, v0;
	_ =	sdelay $0x1  }
0x22b: {  	s0 =	sor.u32 $0x70, s0;
	[tilespmem:s24+$0xFFFFFFA0] =	vst v0;
	v0 =	vld [tilespmem:s24+$0xFFFFFFB0]  }
0x22c: {  	v1 =	vld [tilespmem:s0+$0x1900];
	_ =	sdelay $0x4  }
0x22d: {  	v0 =	vadd.f32 v1, v0;
	_ =	sdelay $0x1  }
0x22e: {  	[tilespmem:s24+$0xFFFFFFB0] =	vst v0;
	v0 =	vld [tilespmem:s24+$0x0]  }
0x22f: {  	v1 =	vld [tilespmem:s25+$0x0];
	_ =	sdelay $0x4  }
0x230: {  	v0 =	vadd.f32 v1, v0;
	_ =	sdelay $0x1  }
0x231: {  	[tilespmem:s24+$0x0] =	vst v0;
	v0 =	vld [tilespmem:s24+$0x10]  }
0x232: {  	v1 =	vld [tilespmem:s25+$0x10];
	_ =	sdelay $0x4  }
0x233: {  	v0 =	vadd.f32 v1, v0;
	_ =	sdelay $0x1  }
0x234: {  	[tilespmem:s24+$0x10] =	vst v0;
	v0 =	vld [tilespmem:s24+$0x20]  }
0x235: {  	v1 =	vld [tilespmem:s25+$0x20];
	_ =	sdelay $0x4  }
0x236: {  	v0 =	vadd.f32 v1, v0;
	_ =	sdelay $0x1  }
0x237: {  	[tilespmem:s24+$0x20] =	vst v0;
	v0 =	vld [tilespmem:s24+$0x30]  }
0x238: {  	v1 =	vld [tilespmem:s25+$0x30];
	_ =	sdelay $0x4  }
0x239: {  	v0 =	vadd.f32 v1, v0;
	_ =	sdelay $0x1  }
0x23a: {  	[tilespmem:s24+$0x30] =	vst v0;
	v0 =	vld [tilespmem:s24+$0x80]  }
0x23b: {  	v1 =	vld [tilespmem:s25+$0x40];
	_ =	sdelay $0x4  }
0x23c: {  	v0 =	vadd.f32 v1, v0  }
0x23d: {  	s0 =	simm.s32 $0x140  }
0x23e: {  	s29 =	sor.u32 $0x50, s0;
	[tilespmem:s24+$0x80] =	vst v0;
	v0 =	vld [tilespmem:s24+$0x90]  }
0x23f: {  	v1 =	vld [tilespmem:s29+$0x1900];
	_ =	sdelay $0x4  }
0x240: {  	v0 =	vadd.f32 v1, v0;
	_ =	sdelay $0x1  }
0x241: {  	s26 =	sor.u32 $0x60, s0;
	[tilespmem:s24+$0x90] =	vst v0;
	v0 =	vld [tilespmem:s24+$0xA0]  }
0x242: {  	v1 =	vld [tilespmem:s26+$0x1900];
	_ =	sdelay $0x4  }
0x243: {  	v0 =	vadd.f32 v1, v0;
	_ =	sdelay $0x1  }
0x244: {  	s0 =	sor.u32 $0x70, s0;
	[tilespmem:s24+$0xA0] =	vst v0;
	v0 =	vld [tilespmem:s24+$0xB0]  }
0x245: {  	v1 =	vld [tilespmem:s0+$0x1900];
	_ =	sdelay $0x4  }
0x246: {  	v0 =	vadd.f32 v1, v0;
	_ =	sdelay $0x1  }
0x247: {  	[tilespmem:s24+$0xB0] =	vst v0;
	v0 =	vld [tilespmem:s24+$0x100]  }
0x248: {  	v1 =	vld [tilespmem:s25+$0x80];
	_ =	sdelay $0x4  }
0x249: {  	v0 =	vadd.f32 v1, v0;
	_ =	sdelay $0x1  }
0x24a: {  	[tilespmem:s24+$0x100] =	vst v0;
	v0 =	vld [tilespmem:s24+$0x110]  }
0x24b: {  	v1 =	vld [tilespmem:s25+$0x90];
	_ =	sdelay $0x4  }
0x24c: {  	v0 =	vadd.f32 v1, v0;
	_ =	sdelay $0x1  }
0x24d: {  	[tilespmem:s24+$0x110] =	vst v0;
	v0 =	vld [tilespmem:s24+$0x120]  }
0x24e: {  	v1 =	vld [tilespmem:s25+$0xA0];
	_ =	sdelay $0x4  }
0x24f: {  	v0 =	vadd.f32 v1, v0;
	_ =	sdelay $0x1  }
0x250: {  	[tilespmem:s24+$0x120] =	vst v0;
	v0 =	vld [tilespmem:s24+$0x130]  }
0x251: {  	v1 =	vld [tilespmem:s25+$0xB0];
	_ =	sdelay $0x4  }
0x252: {  	v0 =	vadd.f32 v1, v0;
	_ =	sdelay $0x1  }
0x253: {  	[tilespmem:s24+$0x130] =	vst v0;
	v0 =	vld [tilespmem:s24+$0x180]  }
0x254: {  	v1 =	vld [tilespmem:s25+$0xC0];
	_ =	sdelay $0x4  }
0x255: {  	v0 =	vadd.f32 v1, v0  }
0x256: {  	s26 =	simm.s32 $0x1C0  }
0x257: {  	s29 =	sor.u32 $0x50, s26;
	[tilespmem:s24+$0x180] =	vst v0;
	v0 =	vld [tilespmem:s24+$0x190]  }
0x258: {  	v1 =	vld [tilespmem:s29+$0x1900];
	_ =	sdelay $0x4  }
0x259: {  	v0 =	vadd.f32 v1, v0;
	_ =	sdelay $0x1  }
0x25a: {  	s9 =	sor.u32 $0x60, s26;
	[tilespmem:s24+$0x190] =	vst v0;
	v0 =	vld [tilespmem:s24+$0x1A0]  }
0x25b: {  	v1 =	vld [tilespmem:s9+$0x1900];
	_ =	sdelay $0x4  }
0x25c: {  	v0 =	vadd.f32 v1, v0;
	_ =	sdelay $0x1  }
0x25d: {  	s29 =	sor.u32 $0x70, s26;
	[tilespmem:s24+$0x1A0] =	vst v0;
	v0 =	vld [tilespmem:s24+$0x1B0]  }
0x25e: {  	v1 =	vld [tilespmem:s29+$0x1900];
	_ =	sdelay $0x4  }
0x25f: {  	v0 =	vadd.f32 v1, v0  }
0x260: {  	s28 =	simm.s32 $0x0;
	s9 =	simm.s32 $0x11900  }
.LBB2_7:
0x261: {  	v1 =	vld [tilespmem:s9+$0xFFFFFE00];
	[tilespmem:s24+$0x1B0] =	vst v0;
	s25 =	sadd.s32 $0x200, s25;
	s24 =	smov.u32 s9  }
0x262: {  	s28 =	sadd.s32 $0x8, s28;
	v0 =	vld [tilespmem:s25+$0xFFFFFF00]  }
0x263: {  	p1 =	slt.u32 s28, $0xC0;
	_ =	sdelay $0x3  }
0x264: {  	v0 =	vadd.f32 v0, v1;
	_ =	sdelay $0x1  }
0x265: {  	[tilespmem:s9+$0xFFFFFE00] =	vst v0;
	v0 =	vld [tilespmem:s9+$0xFFFFFE10]  }
0x266: {  	v1 =	vld [tilespmem:s25+$0xFFFFFF10];
	_ =	sdelay $0x4  }
0x267: {  	v0 =	vadd.f32 v1, v0;
	_ =	sdelay $0x1  }
0x268: {  	[tilespmem:s9+$0xFFFFFE10] =	vst v0;
	v0 =	vld [tilespmem:s9+$0xFFFFFE20]  }
0x269: {  	v1 =	vld [tilespmem:s25+$0xFFFFFF20];
	_ =	sdelay $0x4  }
0x26a: {  	v0 =	vadd.f32 v1, v0;
	_ =	sdelay $0x1  }
0x26b: {  	[tilespmem:s9+$0xFFFFFE20] =	vst v0;
	v0 =	vld [tilespmem:s9+$0xFFFFFE30]  }
0x26c: {  	v1 =	vld [tilespmem:s25+$0xFFFFFF30];
	_ =	sdelay $0x4  }
0x26d: {  	v0 =	vadd.f32 v1, v0;
	_ =	sdelay $0x1  }
0x26e: {  	[tilespmem:s9+$0xFFFFFE30] =	vst v0;
	v0 =	vld [tilespmem:s9+$0xFFFFFE80]  }
0x26f: {  	v1 =	vld [tilespmem:s25+$0xFFFFFF40];
	_ =	sdelay $0x4  }
0x270: {  	s26 =	sadd.s32 $0x200, s26;
	v0 =	vadd.f32 v1, v0  }
0x271: {  	s0 =	sadd.s32 $0xFFFFFE80, s26  }
0x272: {  	s29 =	sor.u32 $0x50, s0;
	[tilespmem:s9+$0xFFFFFE80] =	vst v0;
	v0 =	vld [tilespmem:s9+$0xFFFFFE90]  }
0x273: {  	v1 =	vld [tilespmem:s29+$0x1900];
	_ =	sdelay $0x4  }
0x274: {  	v0 =	vadd.f32 v1, v0;
	_ =	sdelay $0x1  }
0x275: {  	s29 =	sor.u32 $0x60, s0;
	[tilespmem:s9+$0xFFFFFE90] =	vst v0;
	v0 =	vld [tilespmem:s9+$0xFFFFFEA0]  }
0x276: {  	v1 =	vld [tilespmem:s29+$0x1900];
	_ =	sdelay $0x4  }
0x277: {  	v0 =	vadd.f32 v1, v0;
	_ =	sdelay $0x1  }
0x278: {  	s0 =	sor.u32 $0x70, s0;
	[tilespmem:s9+$0xFFFFFEA0] =	vst v0;
	v0 =	vld [tilespmem:s9+$0xFFFFFEB0]  }
0x279: {  	v1 =	vld [tilespmem:s0+$0x1900];
	_ =	sdelay $0x4  }
0x27a: {  	v0 =	vadd.f32 v1, v0;
	_ =	sdelay $0x1  }
0x27b: {  	[tilespmem:s9+$0xFFFFFEB0] =	vst v0;
	v0 =	vld [tilespmem:s9+$0xFFFFFF00]  }
0x27c: {  	v1 =	vld [tilespmem:s25+$0xFFFFFF80];
	_ =	sdelay $0x4  }
0x27d: {  	v0 =	vadd.f32 v1, v0;
	_ =	sdelay $0x1  }
0x27e: {  	[tilespmem:s9+$0xFFFFFF00] =	vst v0;
	v0 =	vld [tilespmem:s9+$0xFFFFFF10]  }
0x27f: {  	v1 =	vld [tilespmem:s25+$0xFFFFFF90];
	_ =	sdelay $0x4  }
0x280: {  	v0 =	vadd.f32 v1, v0;
	_ =	sdelay $0x1  }
0x281: {  	[tilespmem:s9+$0xFFFFFF10] =	vst v0;
	v0 =	vld [tilespmem:s9+$0xFFFFFF20]  }
0x282: {  	v1 =	vld [tilespmem:s25+$0xFFFFFFA0];
	_ =	sdelay $0x4  }
0x283: {  	v0 =	vadd.f32 v1, v0;
	_ =	sdelay $0x1  }
0x284: {  	[tilespmem:s9+$0xFFFFFF20] =	vst v0;
	v0 =	vld [tilespmem:s9+$0xFFFFFF30]  }
0x285: {  	v1 =	vld [tilespmem:s25+$0xFFFFFFB0];
	_ =	sdelay $0x4  }
0x286: {  	v0 =	vadd.f32 v1, v0;
	_ =	sdelay $0x1  }
0x287: {  	[tilespmem:s9+$0xFFFFFF30] =	vst v0;
	v0 =	vld [tilespmem:s9+$0xFFFFFF80]  }
0x288: {  	v1 =	vld [tilespmem:s25+$0xFFFFFFC0];
	_ =	sdelay $0x4  }
0x289: {  	v0 =	vadd.f32 v1, v0  }
0x28a: {  	s0 =	sadd.s32 $0xFFFFFF00, s26  }
0x28b: {  	s29 =	sor.u32 $0x50, s0;
	[tilespmem:s9+$0xFFFFFF80] =	vst v0;
	v0 =	vld [tilespmem:s9+$0xFFFFFF90]  }
0x28c: {  	v1 =	vld [tilespmem:s29+$0x1900];
	_ =	sdelay $0x4  }
0x28d: {  	v0 =	vadd.f32 v1, v0;
	_ =	sdelay $0x1  }
0x28e: {  	s29 =	sor.u32 $0x60, s0;
	[tilespmem:s9+$0xFFFFFF90] =	vst v0;
	v0 =	vld [tilespmem:s9+$0xFFFFFFA0]  }
0x28f: {  	v1 =	vld [tilespmem:s29+$0x1900];
	_ =	sdelay $0x4  }
0x290: {  	v0 =	vadd.f32 v1, v0;
	_ =	sdelay $0x1  }
0x291: {  	s0 =	sor.u32 $0x70, s0;
	[tilespmem:s9+$0xFFFFFFA0] =	vst v0;
	v0 =	vld [tilespmem:s9+$0xFFFFFFB0]  }
0x292: {  	v1 =	vld [tilespmem:s0+$0x1900];
	_ =	sdelay $0x4  }
0x293: {  	v0 =	vadd.f32 v1, v0;
	_ =	sdelay $0x1  }
0x294: {  	[tilespmem:s9+$0xFFFFFFB0] =	vst v0;
	v0 =	vld [tilespmem:s9+$0x0]  }
0x295: {  	v1 =	vld [tilespmem:s25+$0x0];
	_ =	sdelay $0x4  }
0x296: {  	v0 =	vadd.f32 v1, v0;
	_ =	sdelay $0x1  }
0x297: {  	[tilespmem:s9+$0x0] =	vst v0;
	v0 =	vld [tilespmem:s9+$0x10]  }
0x298: {  	v1 =	vld [tilespmem:s25+$0x10];
	_ =	sdelay $0x4  }
0x299: {  	v0 =	vadd.f32 v1, v0;
	_ =	sdelay $0x1  }
0x29a: {  	[tilespmem:s9+$0x10] =	vst v0;
	v0 =	vld [tilespmem:s9+$0x20]  }
0x29b: {  	v1 =	vld [tilespmem:s25+$0x20];
	_ =	sdelay $0x4  }
0x29c: {  	v0 =	vadd.f32 v1, v0;
	_ =	sdelay $0x1  }
0x29d: {  	[tilespmem:s9+$0x20] =	vst v0;
	v0 =	vld [tilespmem:s9+$0x30]  }
0x29e: {  	v1 =	vld [tilespmem:s25+$0x30];
	_ =	sdelay $0x4  }
0x29f: {  	v0 =	vadd.f32 v1, v0;
	_ =	sdelay $0x1  }
0x2a0: {  	[tilespmem:s9+$0x30] =	vst v0;
	v0 =	vld [tilespmem:s9+$0x80]  }
0x2a1: {  	v1 =	vld [tilespmem:s25+$0x40];
	_ =	sdelay $0x4  }
0x2a2: {  	v0 =	vadd.f32 v1, v0  }
0x2a3: {  	s0 =	sadd.s32 $0xFFFFFF80, s26  }
0x2a4: {  	s29 =	sor.u32 $0x50, s0;
	[tilespmem:s9+$0x80] =	vst v0;
	v0 =	vld [tilespmem:s9+$0x90]  }
0x2a5: {  	v1 =	vld [tilespmem:s29+$0x1900];
	_ =	sdelay $0x4  }
0x2a6: {  	v0 =	vadd.f32 v1, v0;
	_ =	sdelay $0x1  }
0x2a7: {  	s29 =	sor.u32 $0x60, s0;
	[tilespmem:s9+$0x90] =	vst v0;
	v0 =	vld [tilespmem:s9+$0xA0]  }
0x2a8: {  	v1 =	vld [tilespmem:s29+$0x1900];
	_ =	sdelay $0x4  }
0x2a9: {  	v0 =	vadd.f32 v1, v0;
	_ =	sdelay $0x1  }
0x2aa: {  	s0 =	sor.u32 $0x70, s0;
	[tilespmem:s9+$0xA0] =	vst v0;
	v0 =	vld [tilespmem:s9+$0xB0]  }
0x2ab: {  	v1 =	vld [tilespmem:s0+$0x1900];
	_ =	sdelay $0x4  }
0x2ac: {  	v0 =	vadd.f32 v1, v0;
	_ =	sdelay $0x1  }
0x2ad: {  	[tilespmem:s9+$0xB0] =	vst v0;
	v0 =	vld [tilespmem:s9+$0x100]  }
0x2ae: {  	v1 =	vld [tilespmem:s25+$0x80];
	_ =	sdelay $0x4  }
0x2af: {  	v0 =	vadd.f32 v1, v0;
	_ =	sdelay $0x1  }
0x2b0: {  	[tilespmem:s9+$0x100] =	vst v0;
	v0 =	vld [tilespmem:s9+$0x110]  }
0x2b1: {  	v1 =	vld [tilespmem:s25+$0x90];
	_ =	sdelay $0x4  }
0x2b2: {  	v0 =	vadd.f32 v1, v0;
	_ =	sdelay $0x1  }
0x2b3: {  	[tilespmem:s9+$0x110] =	vst v0;
	v0 =	vld [tilespmem:s9+$0x120]  }
0x2b4: {  	v1 =	vld [tilespmem:s25+$0xA0];
	_ =	sdelay $0x4  }
0x2b5: {  	v0 =	vadd.f32 v1, v0;
	_ =	sdelay $0x1  }
0x2b6: {  	[tilespmem:s9+$0x120] =	vst v0;
	v0 =	vld [tilespmem:s9+$0x130]  }
0x2b7: {  	v1 =	vld [tilespmem:s25+$0xB0];
	_ =	sdelay $0x4  }
0x2b8: {  	v0 =	vadd.f32 v1, v0;
	_ =	sdelay $0x1  }
0x2b9: {  	[tilespmem:s9+$0x130] =	vst v0;
	v0 =	vld [tilespmem:s9+$0x180]  }
0x2ba: {  	v1 =	vld [tilespmem:s25+$0xC0];
	_ =	sdelay $0x4  }
0x2bb: {  	v0 =	vadd.f32 v1, v0;
	_ =	sdelay $0x1  }
0x2bc: {  	s0 =	sor.u32 $0x50, s26;
	[tilespmem:s9+$0x180] =	vst v0;
	v0 =	vld [tilespmem:s9+$0x190]  }
0x2bd: {  	v1 =	vld [tilespmem:s0+$0x1900];
	_ =	sdelay $0x4  }
0x2be: {  	v0 =	vadd.f32 v1, v0;
	_ =	sdelay $0x1  }
0x2bf: {  	s0 =	sor.u32 $0x60, s26;
	[tilespmem:s9+$0x190] =	vst v0;
	v0 =	vld [tilespmem:s9+$0x1A0]  }
0x2c0: {  	v1 =	vld [tilespmem:s0+$0x1900];
	_ =	sdelay $0x4  }
0x2c1: {  	v0 =	vadd.f32 v1, v0;
	_ =	sdelay $0x1  }
0x2c2: {  	s0 =	sor.u32 $0x70, s26;
	[tilespmem:s9+$0x1A0] =	vst v0;
	v0 =	vld [tilespmem:s9+$0x1B0]  }
0x2c3: {  	v1 =	vld [tilespmem:s0+$0x1900];
	_ =	sdelay $0x1  }
.Ltmp2:
0x2c4: {  	(pc) =	sbr.rel @p1 .LBB2_7-.Ltmp2, $3  }
0x2c5: {  	_ =	sdelay $0x1  }
0x2c6: {  	v0 =	vadd.f32 v1, v0  }
0x2c7: {  	s9 =	sadd.s32 $0x400, s9  }
0x2c8: {  	s0 =	sadd.s32 s6, s7  }
0x2c9: {  	s0 =	smul.u32 $0xC80, s0;
	_ =	sdelay $0x1  }
0x2ca: {  	[tilespmem:s24+$0x1B0] =	vst v0;
	s0 =	sadd.s32 s5, s0  }
0x2cb: {  	[hbm4b:s0+s2] =	stream.linear.scatter [tilespmem:s31], [sflag:$0x7], $0x6400, $0x38;
	[tilespmem:$0x1DB00] =	vst v63  }
0x2cc: {  	s0 =	simm.s32 @!p0 $0x6  }
0x2cd: {  	_ =	swait.ge @!p0 [sflag:s0], $0x6400  }
0x2ce: {  	s7 =	simm.s32 @!p0 $0x28;
	[sflag:s0] =	ssyncset.done @!p0 $0x0  }
0x2cf: {  	s9 =	simm.s32 @!p0 $0xAF00;
	[sflag:s0] =	ssyncadd.s32 @!p0 $0xFFFF9C00;
	s0 =	sadd.s32 @!p0 $0x3E8, s8  }
0x2d0: {  	[tilespmem:s9], [sflag:$0x2] =	stream.indirect.gather @!p0 [hbm4b:s4+s7], $0x80, s0, s7, $0xb8;
	[tilespmem:$0x1DB00] =	vst v63  }
0x2d1: {  	s0 =	sadd.s32 @!p0 $0x410, s8;
	s9 =	simm.s32 @!p0 $0xC300  }
0x2d2: {  	[tilespmem:s9], [sflag:$0x2] =	stream.indirect.gather @!p0 [hbm4b:s4+s7], $0x80, s0, s7, $0xb8;
	[tilespmem:$0x1DB00] =	vst v63  }
0x2d3: {  	s0 =	sadd.s32 @!p0 $0x438, s8;
	s9 =	simm.s32 @!p0 $0xD700  }
0x2d4: {  	[tilespmem:s9], [sflag:$0x2] =	stream.indirect.gather @!p0 [hbm4b:s4+s7], $0x80, s0, s7, $0xb8;
	[tilespmem:$0x1DB00] =	vst v63  }
0x2d5: {  	s0 =	sadd.s32 @!p0 $0x460, s8;
	s9 =	simm.s32 @!p0 $0xEB00  }
0x2d6: {  	[tilespmem:s9], [sflag:$0x2] =	stream.indirect.gather @!p0 [hbm4b:s4+s7], $0x80, s0, s7, $0xb8;
	[tilespmem:$0x1DB00] =	vst v63  }
0x2d7: {  	s0 =	sadd.s32 @!p0 $0x488, s8;
	s8 =	simm.s32 @!p0 $0xFF00  }
0x2d8: {  	[tilespmem:s8], [sflag:$0x2] =	stream.indirect.gather @!p0 [hbm4b:s4+s7], $0x80, s0, s7, $0xb8;
	[tilespmem:$0x1DB00] =	vst v63  }
0x2d9: {  	_ =	swait.ge [sflag:s23], $0x6400  }
0x2da: {  	[sflag:s23] =	ssyncset.done $0x0  }
0x2db: {  	s7 =	simm.s32 $0x17900;
	[sflag:s23] =	ssyncadd.s32 $0xFFFF9C00  }
0x2dc: {  	s8 =	simm.s32 $0x1A00;
	v0 =	vld [tilespmem:s7+$0xFFFFFE00]  }
0x2dd: {  	v1 =	vld [tilespmem:s8+$0xFFFFFF00];
	_ =	sdelay $0x4  }
0x2de: {  	v0 =	vadd.f32 v1, v0;
	_ =	sdelay $0x1  }
0x2df: {  	[tilespmem:s7+$0xFFFFFE00] =	vst v0;
	v0 =	vld [tilespmem:s7+$0xFFFFFE10]  }
0x2e0: {  	v1 =	vld [tilespmem:s8+$0xFFFFFF10];
	_ =	sdelay $0x4  }
0x2e1: {  	v0 =	vadd.f32 v1, v0;
	_ =	sdelay $0x1  }
0x2e2: {  	[tilespmem:s7+$0xFFFFFE10] =	vst v0;
	v0 =	vld [tilespmem:s7+$0xFFFFFE20]  }
0x2e3: {  	v1 =	vld [tilespmem:s8+$0xFFFFFF20];
	_ =	sdelay $0x4  }
0x2e4: {  	v0 =	vadd.f32 v1, v0;
	_ =	sdelay $0x1  }
0x2e5: {  	[tilespmem:s7+$0xFFFFFE20] =	vst v0;
	v0 =	vld [tilespmem:s7+$0xFFFFFE30]  }
0x2e6: {  	v1 =	vld [tilespmem:s8+$0xFFFFFF30];
	_ =	sdelay $0x4  }
0x2e7: {  	v0 =	vadd.f32 v1, v0;
	_ =	sdelay $0x1  }
0x2e8: {  	[tilespmem:s7+$0xFFFFFE30] =	vst v0;
	v0 =	vld [tilespmem:s7+$0xFFFFFE80]  }
0x2e9: {  	v1 =	vld [tilespmem:s8+$0xFFFFFF40];
	_ =	sdelay $0x4  }
0x2ea: {  	v0 =	vadd.f32 v1, v0  }
0x2eb: {  	s28 =	simm.s32 $0x40  }
0x2ec: {  	s29 =	sor.u32 $0x50, s28;
	[tilespmem:s7+$0xFFFFFE80] =	vst v0;
	v0 =	vld [tilespmem:s7+$0xFFFFFE90]  }
0x2ed: {  	v1 =	vld [tilespmem:s29+$0x1900];
	_ =	sdelay $0x4  }
0x2ee: {  	v0 =	vadd.f32 v1, v0;
	_ =	sdelay $0x1  }
0x2ef: {  	s24 =	sor.u32 $0x60, s28;
	[tilespmem:s7+$0xFFFFFE90] =	vst v0;
	v0 =	vld [tilespmem:s7+$0xFFFFFEA0]  }
0x2f0: {  	v1 =	vld [tilespmem:s24+$0x1900];
	_ =	sdelay $0x4  }
0x2f1: {  	v0 =	vadd.f32 v1, v0;
	_ =	sdelay $0x1  }
0x2f2: {  	s0 =	sor.u32 $0x70, s28;
	[tilespmem:s7+$0xFFFFFEA0] =	vst v0;
	v0 =	vld [tilespmem:s7+$0xFFFFFEB0]  }
0x2f3: {  	v1 =	vld [tilespmem:s0+$0x1900];
	_ =	sdelay $0x4  }
0x2f4: {  	v0 =	vadd.f32 v1, v0;
	_ =	sdelay $0x1  }
0x2f5: {  	[tilespmem:s7+$0xFFFFFEB0] =	vst v0;
	v0 =	vld [tilespmem:s7+$0xFFFFFF00]  }
0x2f6: {  	v1 =	vld [tilespmem:s8+$0xFFFFFF80];
	_ =	sdelay $0x4  }
0x2f7: {  	v0 =	vadd.f32 v1, v0;
	_ =	sdelay $0x1  }
0x2f8: {  	[tilespmem:s7+$0xFFFFFF00] =	vst v0;
	v0 =	vld [tilespmem:s7+$0xFFFFFF10]  }
0x2f9: {  	v1 =	vld [tilespmem:s8+$0xFFFFFF90];
	_ =	sdelay $0x4  }
0x2fa: {  	v0 =	vadd.f32 v1, v0;
	_ =	sdelay $0x1  }
0x2fb: {  	[tilespmem:s7+$0xFFFFFF10] =	vst v0;
	v0 =	vld [tilespmem:s7+$0xFFFFFF20]  }
0x2fc: {  	v1 =	vld [tilespmem:s8+$0xFFFFFFA0];
	_ =	sdelay $0x4  }
0x2fd: {  	v0 =	vadd.f32 v1, v0;
	_ =	sdelay $0x1  }
0x2fe: {  	[tilespmem:s7+$0xFFFFFF20] =	vst v0;
	v0 =	vld [tilespmem:s7+$0xFFFFFF30]  }
0x2ff: {  	v1 =	vld [tilespmem:s8+$0xFFFFFFB0];
	_ =	sdelay $0x4  }
0x300: {  	v0 =	vadd.f32 v1, v0;
	_ =	sdelay $0x1  }
0x301: {  	[tilespmem:s7+$0xFFFFFF30] =	vst v0;
	v0 =	vld [tilespmem:s7+$0xFFFFFF80]  }
0x302: {  	v1 =	vld [tilespmem:s8+$0xFFFFFFC0];
	_ =	sdelay $0x4  }
0x303: {  	v0 =	vadd.f32 v1, v0  }
0x304: {  	s25 =	simm.s32 $0xC0  }
0x305: {  	s26 =	sor.u32 $0x50, s25;
	[tilespmem:s7+$0xFFFFFF80] =	vst v0;
	v0 =	vld [tilespmem:s7+$0xFFFFFF90]  }
0x306: {  	v1 =	vld [tilespmem:s26+$0x1900];
	_ =	sdelay $0x4  }
0x307: {  	v0 =	vadd.f32 v1, v0;
	_ =	sdelay $0x1  }
0x308: {  	s28 =	sor.u32 $0x60, s25;
	[tilespmem:s7+$0xFFFFFF90] =	vst v0;
	v0 =	vld [tilespmem:s7+$0xFFFFFFA0]  }
0x309: {  	v1 =	vld [tilespmem:s28+$0x1900];
	_ =	sdelay $0x4  }
0x30a: {  	v0 =	vadd.f32 v1, v0;
	_ =	sdelay $0x1  }
0x30b: {  	s0 =	sor.u32 $0x70, s25;
	[tilespmem:s7+$0xFFFFFFA0] =	vst v0;
	v0 =	vld [tilespmem:s7+$0xFFFFFFB0]  }
0x30c: {  	v1 =	vld [tilespmem:s0+$0x1900];
	_ =	sdelay $0x4  }
0x30d: {  	v0 =	vadd.f32 v1, v0;
	_ =	sdelay $0x1  }
0x30e: {  	[tilespmem:s7+$0xFFFFFFB0] =	vst v0;
	v0 =	vld [tilespmem:s7+$0x0]  }
0x30f: {  	v1 =	vld [tilespmem:s8+$0x0];
	_ =	sdelay $0x4  }
0x310: {  	v0 =	vadd.f32 v1, v0;
	_ =	sdelay $0x1  }
0x311: {  	[tilespmem:s7+$0x0] =	vst v0;
	v0 =	vld [tilespmem:s7+$0x10]  }
0x312: {  	v1 =	vld [tilespmem:s8+$0x10];
	_ =	sdelay $0x4  }
0x313: {  	v0 =	vadd.f32 v1, v0;
	_ =	sdelay $0x1  }
0x314: {  	[tilespmem:s7+$0x10] =	vst v0;
	v0 =	vld [tilespmem:s7+$0x20]  }
0x315: {  	v1 =	vld [tilespmem:s8+$0x20];
	_ =	sdelay $0x4  }
0x316: {  	v0 =	vadd.f32 v1, v0;
	_ =	sdelay $0x1  }
0x317: {  	[tilespmem:s7+$0x20] =	vst v0;
	v0 =	vld [tilespmem:s7+$0x30]  }
0x318: {  	v1 =	vld [tilespmem:s8+$0x30];
	_ =	sdelay $0x4  }
0x319: {  	v0 =	vadd.f32 v1, v0;
	_ =	sdelay $0x1  }
0x31a: {  	[tilespmem:s7+$0x30] =	vst v0;
	v0 =	vld [tilespmem:s7+$0x80]  }
0x31b: {  	v1 =	vld [tilespmem:s8+$0x40];
	_ =	sdelay $0x4  }
0x31c: {  	v0 =	vadd.f32 v1, v0  }
0x31d: {  	s29 =	simm.s32 $0x140  }
0x31e: {  	s24 =	sor.u32 $0x50, s29;
	[tilespmem:s7+$0x80] =	vst v0;
	v0 =	vld [tilespmem:s7+$0x90]  }
0x31f: {  	v1 =	vld [tilespmem:s24+$0x1900];
	_ =	sdelay $0x4  }
0x320: {  	v0 =	vadd.f32 v1, v0;
	_ =	sdelay $0x1  }
0x321: {  	s25 =	sor.u32 $0x60, s29;
	[tilespmem:s7+$0x90] =	vst v0;
	v0 =	vld [tilespmem:s7+$0xA0]  }
0x322: {  	v1 =	vld [tilespmem:s25+$0x1900];
	_ =	sdelay $0x4  }
0x323: {  	v0 =	vadd.f32 v1, v0;
	_ =	sdelay $0x1  }
0x324: {  	s0 =	sor.u32 $0x70, s29;
	[tilespmem:s7+$0xA0] =	vst v0;
	v0 =	vld [tilespmem:s7+$0xB0]  }
0x325: {  	v1 =	vld [tilespmem:s0+$0x1900];
	_ =	sdelay $0x4  }
0x326: {  	v0 =	vadd.f32 v1, v0;
	_ =	sdelay $0x1  }
0x327: {  	[tilespmem:s7+$0xB0] =	vst v0;
	v0 =	vld [tilespmem:s7+$0x100]  }
0x328: {  	v1 =	vld [tilespmem:s8+$0x80];
	_ =	sdelay $0x4  }
0x329: {  	v0 =	vadd.f32 v1, v0;
	_ =	sdelay $0x1  }
0x32a: {  	[tilespmem:s7+$0x100] =	vst v0;
	v0 =	vld [tilespmem:s7+$0x110]  }
0x32b: {  	v1 =	vld [tilespmem:s8+$0x90];
	_ =	sdelay $0x4  }
0x32c: {  	v0 =	vadd.f32 v1, v0;
	_ =	sdelay $0x1  }
0x32d: {  	[tilespmem:s7+$0x110] =	vst v0;
	v0 =	vld [tilespmem:s7+$0x120]  }
0x32e: {  	v1 =	vld [tilespmem:s8+$0xA0];
	_ =	sdelay $0x4  }
0x32f: {  	v0 =	vadd.f32 v1, v0;
	_ =	sdelay $0x1  }
0x330: {  	[tilespmem:s7+$0x120] =	vst v0;
	v0 =	vld [tilespmem:s7+$0x130]  }
0x331: {  	v1 =	vld [tilespmem:s8+$0xB0];
	_ =	sdelay $0x4  }
0x332: {  	v0 =	vadd.f32 v1, v0;
	_ =	sdelay $0x1  }
0x333: {  	[tilespmem:s7+$0x130] =	vst v0;
	v0 =	vld [tilespmem:s7+$0x180]  }
0x334: {  	v1 =	vld [tilespmem:s8+$0xC0];
	_ =	sdelay $0x4  }
0x335: {  	v0 =	vadd.f32 v1, v0  }
0x336: {  	s24 =	simm.s32 $0x1C0  }
0x337: {  	s26 =	sor.u32 $0x50, s24;
	[tilespmem:s7+$0x180] =	vst v0;
	v0 =	vld [tilespmem:s7+$0x190]  }
0x338: {  	v1 =	vld [tilespmem:s26+$0x1900];
	_ =	sdelay $0x4  }
0x339: {  	v0 =	vadd.f32 v1, v0;
	_ =	sdelay $0x1  }
0x33a: {  	s28 =	sor.u32 $0x60, s24;
	[tilespmem:s7+$0x190] =	vst v0;
	v0 =	vld [tilespmem:s7+$0x1A0]  }
0x33b: {  	v1 =	vld [tilespmem:s28+$0x1900];
	_ =	sdelay $0x4  }
0x33c: {  	v0 =	vadd.f32 v1, v0;
	_ =	sdelay $0x1  }
0x33d: {  	s29 =	sor.u32 $0x70, s24;
	[tilespmem:s7+$0x1A0] =	vst v0;
	v0 =	vld [tilespmem:s7+$0x1B0]  }
0x33e: {  	v1 =	vld [tilespmem:s29+$0x1900];
	_ =	sdelay $0x4  }
0x33f: {  	v0 =	vadd.f32 v1, v0  }
0x340: {  	s9 =	simm.s32 $0x17D00;
	s25 =	simm.s32 $0x0  }
.LBB2_9:
0x341: {  	v1 =	vld [tilespmem:s9+$0xFFFFFE00];
	[tilespmem:s7+$0x1B0] =	vst v0;
	s8 =	sadd.s32 $0x200, s8;
	s7 =	smov.u32 s9  }
0x342: {  	s25 =	sadd.s32 $0x8, s25;
	v0 =	vld [tilespmem:s8+$0xFFFFFF00]  }
0x343: {  	p0 =	slt.u32 s25, $0xC0;
	_ =	sdelay $0x3  }
0x344: {  	v0 =	vadd.f32 v0, v1;
	_ =	sdelay $0x1  }
0x345: {  	[tilespmem:s9+$0xFFFFFE00] =	vst v0;
	v0 =	vld [tilespmem:s9+$0xFFFFFE10]  }
0x346: {  	v1 =	vld [tilespmem:s8+$0xFFFFFF10];
	_ =	sdelay $0x4  }
0x347: {  	v0 =	vadd.f32 v1, v0;
	_ =	sdelay $0x1  }
0x348: {  	[tilespmem:s9+$0xFFFFFE10] =	vst v0;
	v0 =	vld [tilespmem:s9+$0xFFFFFE20]  }
0x349: {  	v1 =	vld [tilespmem:s8+$0xFFFFFF20];
	_ =	sdelay $0x4  }
0x34a: {  	v0 =	vadd.f32 v1, v0;
	_ =	sdelay $0x1  }
0x34b: {  	[tilespmem:s9+$0xFFFFFE20] =	vst v0;
	v0 =	vld [tilespmem:s9+$0xFFFFFE30]  }
0x34c: {  	v1 =	vld [tilespmem:s8+$0xFFFFFF30];
	_ =	sdelay $0x4  }
0x34d: {  	v0 =	vadd.f32 v1, v0;
	_ =	sdelay $0x1  }
0x34e: {  	[tilespmem:s9+$0xFFFFFE30] =	vst v0;
	v0 =	vld [tilespmem:s9+$0xFFFFFE80]  }
0x34f: {  	v1 =	vld [tilespmem:s8+$0xFFFFFF40];
	_ =	sdelay $0x4  }
0x350: {  	s24 =	sadd.s32 $0x200, s24;
	v0 =	vadd.f32 v1, v0  }
0x351: {  	s0 =	sadd.s32 $0xFFFFFE80, s24  }
0x352: {  	s26 =	sor.u32 $0x50, s0;
	[tilespmem:s9+$0xFFFFFE80] =	vst v0;
	v0 =	vld [tilespmem:s9+$0xFFFFFE90]  }
0x353: {  	v1 =	vld [tilespmem:s26+$0x1900];
	_ =	sdelay $0x4  }
0x354: {  	v0 =	vadd.f32 v1, v0;
	_ =	sdelay $0x1  }
0x355: {  	s26 =	sor.u32 $0x60, s0;
	[tilespmem:s9+$0xFFFFFE90] =	vst v0;
	v0 =	vld [tilespmem:s9+$0xFFFFFEA0]  }
0x356: {  	v1 =	vld [tilespmem:s26+$0x1900];
	_ =	sdelay $0x4  }
0x357: {  	v0 =	vadd.f32 v1, v0;
	_ =	sdelay $0x1  }
0x358: {  	s0 =	sor.u32 $0x70, s0;
	[tilespmem:s9+$0xFFFFFEA0] =	vst v0;
	v0 =	vld [tilespmem:s9+$0xFFFFFEB0]  }
0x359: {  	v1 =	vld [tilespmem:s0+$0x1900];
	_ =	sdelay $0x4  }
0x35a: {  	v0 =	vadd.f32 v1, v0;
	_ =	sdelay $0x1  }
0x35b: {  	[tilespmem:s9+$0xFFFFFEB0] =	vst v0;
	v0 =	vld [tilespmem:s9+$0xFFFFFF00]  }
0x35c: {  	v1 =	vld [tilespmem:s8+$0xFFFFFF80];
	_ =	sdelay $0x4  }
0x35d: {  	v0 =	vadd.f32 v1, v0;
	_ =	sdelay $0x1  }
0x35e: {  	[tilespmem:s9+$0xFFFFFF00] =	vst v0;
	v0 =	vld [tilespmem:s9+$0xFFFFFF10]  }
0x35f: {  	v1 =	vld [tilespmem:s8+$0xFFFFFF90];
	_ =	sdelay $0x4  }
0x360: {  	v0 =	vadd.f32 v1, v0;
	_ =	sdelay $0x1  }
0x361: {  	[tilespmem:s9+$0xFFFFFF10] =	vst v0;
	v0 =	vld [tilespmem:s9+$0xFFFFFF20]  }
0x362: {  	v1 =	vld [tilespmem:s8+$0xFFFFFFA0];
	_ =	sdelay $0x4  }
0x363: {  	v0 =	vadd.f32 v1, v0;
	_ =	sdelay $0x1  }
0x364: {  	[tilespmem:s9+$0xFFFFFF20] =	vst v0;
	v0 =	vld [tilespmem:s9+$0xFFFFFF30]  }
0x365: {  	v1 =	vld [tilespmem:s8+$0xFFFFFFB0];
	_ =	sdelay $0x4  }
0x366: {  	v0 =	vadd.f32 v1, v0;
	_ =	sdelay $0x1  }
0x367: {  	[tilespmem:s9+$0xFFFFFF30] =	vst v0;
	v0 =	vld [tilespmem:s9+$0xFFFFFF80]  }
0x368: {  	v1 =	vld [tilespmem:s8+$0xFFFFFFC0];
	_ =	sdelay $0x4  }
0x369: {  	v0 =	vadd.f32 v1, v0  }
0x36a: {  	s0 =	sadd.s32 $0xFFFFFF00, s24  }
0x36b: {  	s26 =	sor.u32 $0x50, s0;
	[tilespmem:s9+$0xFFFFFF80] =	vst v0;
	v0 =	vld [tilespmem:s9+$0xFFFFFF90]  }
0x36c: {  	v1 =	vld [tilespmem:s26+$0x1900];
	_ =	sdelay $0x4  }
0x36d: {  	v0 =	vadd.f32 v1, v0;
	_ =	sdelay $0x1  }
0x36e: {  	s26 =	sor.u32 $0x60, s0;
	[tilespmem:s9+$0xFFFFFF90] =	vst v0;
	v0 =	vld [tilespmem:s9+$0xFFFFFFA0]  }
0x36f: {  	v1 =	vld [tilespmem:s26+$0x1900];
	_ =	sdelay $0x4  }
0x370: {  	v0 =	vadd.f32 v1, v0;
	_ =	sdelay $0x1  }
0x371: {  	s0 =	sor.u32 $0x70, s0;
	[tilespmem:s9+$0xFFFFFFA0] =	vst v0;
	v0 =	vld [tilespmem:s9+$0xFFFFFFB0]  }
0x372: {  	v1 =	vld [tilespmem:s0+$0x1900];
	_ =	sdelay $0x4  }
0x373: {  	v0 =	vadd.f32 v1, v0;
	_ =	sdelay $0x1  }
0x374: {  	[tilespmem:s9+$0xFFFFFFB0] =	vst v0;
	v0 =	vld [tilespmem:s9+$0x0]  }
0x375: {  	v1 =	vld [tilespmem:s8+$0x0];
	_ =	sdelay $0x4  }
0x376: {  	v0 =	vadd.f32 v1, v0;
	_ =	sdelay $0x1  }
0x377: {  	[tilespmem:s9+$0x0] =	vst v0;
	v0 =	vld [tilespmem:s9+$0x10]  }
0x378: {  	v1 =	vld [tilespmem:s8+$0x10];
	_ =	sdelay $0x4  }
0x379: {  	v0 =	vadd.f32 v1, v0;
	_ =	sdelay $0x1  }
0x37a: {  	[tilespmem:s9+$0x10] =	vst v0;
	v0 =	vld [tilespmem:s9+$0x20]  }
0x37b: {  	v1 =	vld [tilespmem:s8+$0x20];
	_ =	sdelay $0x4  }
0x37c: {  	v0 =	vadd.f32 v1, v0;
	_ =	sdelay $0x1  }
0x37d: {  	[tilespmem:s9+$0x20] =	vst v0;
	v0 =	vld [tilespmem:s9+$0x30]  }
0x37e: {  	v1 =	vld [tilespmem:s8+$0x30];
	_ =	sdelay $0x4  }
0x37f: {  	v0 =	vadd.f32 v1, v0;
	_ =	sdelay $0x1  }
0x380: {  	[tilespmem:s9+$0x30] =	vst v0;
	v0 =	vld [tilespmem:s9+$0x80]  }
0x381: {  	v1 =	vld [tilespmem:s8+$0x40];
	_ =	sdelay $0x4  }
0x382: {  	v0 =	vadd.f32 v1, v0  }
0x383: {  	s0 =	sadd.s32 $0xFFFFFF80, s24  }
0x384: {  	s26 =	sor.u32 $0x50, s0;
	[tilespmem:s9+$0x80] =	vst v0;
	v0 =	vld [tilespmem:s9+$0x90]  }
0x385: {  	v1 =	vld [tilespmem:s26+$0x1900];
	_ =	sdelay $0x4  }
0x386: {  	v0 =	vadd.f32 v1, v0;
	_ =	sdelay $0x1  }
0x387: {  	s26 =	sor.u32 $0x60, s0;
	[tilespmem:s9+$0x90] =	vst v0;
	v0 =	vld [tilespmem:s9+$0xA0]  }
0x388: {  	v1 =	vld [tilespmem:s26+$0x1900];
	_ =	sdelay $0x4  }
0x389: {  	v0 =	vadd.f32 v1, v0;
	_ =	sdelay $0x1  }
0x38a: {  	s0 =	sor.u32 $0x70, s0;
	[tilespmem:s9+$0xA0] =	vst v0;
	v0 =	vld [tilespmem:s9+$0xB0]  }
0x38b: {  	v1 =	vld [tilespmem:s0+$0x1900];
	_ =	sdelay $0x4  }
0x38c: {  	v0 =	vadd.f32 v1, v0;
	_ =	sdelay $0x1  }
0x38d: {  	[tilespmem:s9+$0xB0] =	vst v0;
	v0 =	vld [tilespmem:s9+$0x100]  }
0x38e: {  	v1 =	vld [tilespmem:s8+$0x80];
	_ =	sdelay $0x4  }
0x38f: {  	v0 =	vadd.f32 v1, v0;
	_ =	sdelay $0x1  }
0x390: {  	[tilespmem:s9+$0x100] =	vst v0;
	v0 =	vld [tilespmem:s9+$0x110]  }
0x391: {  	v1 =	vld [tilespmem:s8+$0x90];
	_ =	sdelay $0x4  }
0x392: {  	v0 =	vadd.f32 v1, v0;
	_ =	sdelay $0x1  }
0x393: {  	[tilespmem:s9+$0x110] =	vst v0;
	v0 =	vld [tilespmem:s9+$0x120]  }
0x394: {  	v1 =	vld [tilespmem:s8+$0xA0];
	_ =	sdelay $0x4  }
0x395: {  	v0 =	vadd.f32 v1, v0;
	_ =	sdelay $0x1  }
0x396: {  	[tilespmem:s9+$0x120] =	vst v0;
	v0 =	vld [tilespmem:s9+$0x130]  }
0x397: {  	v1 =	vld [tilespmem:s8+$0xB0];
	_ =	sdelay $0x4  }
0x398: {  	v0 =	vadd.f32 v1, v0;
	_ =	sdelay $0x1  }
0x399: {  	[tilespmem:s9+$0x130] =	vst v0;
	v0 =	vld [tilespmem:s9+$0x180]  }
0x39a: {  	v1 =	vld [tilespmem:s8+$0xC0];
	_ =	sdelay $0x4  }
0x39b: {  	v0 =	vadd.f32 v1, v0;
	_ =	sdelay $0x1  }
0x39c: {  	s0 =	sor.u32 $0x50, s24;
	[tilespmem:s9+$0x180] =	vst v0;
	v0 =	vld [tilespmem:s9+$0x190]  }
0x39d: {  	v1 =	vld [tilespmem:s0+$0x1900];
	_ =	sdelay $0x4  }
0x39e: {  	v0 =	vadd.f32 v1, v0;
	_ =	sdelay $0x1  }
0x39f: {  	s0 =	sor.u32 $0x60, s24;
	[tilespmem:s9+$0x190] =	vst v0;
	v0 =	vld [tilespmem:s9+$0x1A0]  }
0x3a0: {  	v1 =	vld [tilespmem:s0+$0x1900];
	_ =	sdelay $0x4  }
0x3a1: {  	v0 =	vadd.f32 v1, v0;
	_ =	sdelay $0x1  }
0x3a2: {  	s0 =	sor.u32 $0x70, s24;
	[tilespmem:s9+$0x1A0] =	vst v0;
	v0 =	vld [tilespmem:s9+$0x1B0]  }
0x3a3: {  	v1 =	vld [tilespmem:s0+$0x1900];
	_ =	sdelay $0x1  }
.Ltmp3:
0x3a4: {  	(pc) =	sbr.rel @p0 .LBB2_9-.Ltmp3, $3  }
0x3a5: {  	_ =	sdelay $0x1  }
0x3a6: {  	v0 =	vadd.f32 v1, v0  }
0x3a7: {  	s9 =	sadd.s32 $0x400, s9  }
0x3a8: {  	s30 =	sadd.s32 $0x1, s30  }
0x3a9: {  	p0 =	sne.s32 s30, $0x8  }
.Ltmp4:
0x3aa: {  	s0 =	sadd.s32 s6, s3;
	(pc) =	sbr.rel @p0 .LBB2_2-.Ltmp4, $3  }
0x3ab: {  	s0 =	smul.u32 $0xC80, s0;
	_ =	sdelay $0x1  }
0x3ac: {  	[tilespmem:s7+$0x1B0] =	vst v0;
	s0 =	sadd.s32 s5, s0  }
0x3ad: {  	[hbm4b:s0+s2] =	stream.linear.scatter [tilespmem:s15], [sflag:$0x8], $0x6400, $0x38;
	[tilespmem:$0x1DB00] =	vst v63  }
0x3ae: {  	s0 =	simm.s32 $0x5  }
0x3af: {  	_ =	swait.ge [sflag:s0], $0x6400  }
0x3b0: {  	[sflag:s0] =	ssyncset.done $0x0  }
0x3b1: {  	s28 =	simm.s32 $0x6;
	[sflag:s0] =	ssyncadd.s32 $0xFFFF9C00  }
0x3b2: {  	_ =	swait.ge [sflag:s28], $0x6400  }
0x3b3: {  	[sflag:s28] =	ssyncset.done $0x0  }
0x3b4: {  	s29 =	simm.s32 $0x7;
	[sflag:s28] =	ssyncadd.s32 $0xFFFF9C00  }
0x3b5: {  	_ =	swait.ge [sflag:s29], $0x6400  }
0x3b6: {  	[sflag:s29] =	ssyncset.done $0x0  }
0x3b7: {  	s3 =	simm.s32 $0x8;
	[sflag:s29] =	ssyncadd.s32 $0xFFFF9C00  }
0x3b8: {  	_ =	swait.ge [sflag:s3], $0x6400  }
0x3b9: {  	s7 =	rddreg [dreg:$0x6]  }
0x3ba: {  	s30 =	rddreg [dreg:$0x5];
	s7 =	sadd.s32 $0x1, s7  }
0x3bb: {  	p0 =	sne.s32 s7, s30  }
.Ltmp5:
0x3bc: {  	_ = 	snop;
	(pc) =	sbr.rel @p0 .LBB2_1-.Ltmp5, $3  }
0x3bd: {  	_ =	sdelay $0x1  }
0x3be: {  	[sflag:s3] =	ssyncset.done $0x0  }
0x3bf: {  	[sflag:s3] =	ssyncadd.s32 $0xFFFF9C00  }
0x3c0: {  	_ =	sfence.sel $0x180000  }
0x3c1: {  	[bflag:$0x0] =	sbarrier.arrive $0xFFFF  }
0x3c2: {  	_ =	strace $0x90000047  }
0x3c3: {  	s0 =	stileid.u32;
	[bflag:$0x2] =	sbarrier.arrive $0xFFFF  }
0x3c4: {  	p0 =	sne.s32 s0, $0x0;
	s0 =	rddreg [dreg:$0x2]  }
0x3c5: {  	s0 =	sadd.s32 @!p0 $0x100000, s0  }
0x3c6: {  	[sflag:s0] =	ssyncadd.tile.s32 @!p0 $0x1;
	_ =	shalt  }
.Lfunc_end2:
_tile_overlayer_lowered:
.L_overlay_start_2:
0x3c7: {  	(tag) =	ssettag $0x2  }
0x3c8: {  	s0 =	rddreg [dreg:$0x0];
	s2 =	stileid.u32  }
0x3c9: {  	s1 =	rddreg [dreg:$0x1];
	p0 =	sne.s32 s2, $0x0  }
0x3ca: {  	s3 =	rddreg [dreg:$0x2];
	[bflag:$0x3] =	sbarrier.arrive $0xFFFF;
	s2 =	simm.s32 @!p0 $0x1C09  }
0x3cb: {  	[timem:s3], [sflag:s2] =	dma.local @!p0 [hbm:s0], s1  }
0x3cc: {  	s0 =	simm.s32 @!p0 $0x9  }
0x3cd: {  	_ =	swait.ge @!p0 [sflag:s0], s1  }
0x3ce: {  	s1 =	ssub.s32 @!p0 $0x0, s1;
	[sflag:s0] =	ssyncset.done @!p0 $0x0  }
0x3cf: {  	[sflag:s0] =	ssyncadd.s32 @!p0 s1  }
0x3d0: {  	[bflag:$0x3] =	sbarrier.arrive $0xFFFF  }
0x3d1: {  	_ =	shalt  }

// kernel: sparse-core-data-format-call.cloned.1.call-start
scs
called_computation_lowered:
.L_overlay_start_0:
0x0: {  	s2 =	sld [smem:$0x3FD9]  }
0x1: {  	s3 =	sld [smem:$0x3FFE];
	_ =	sdelay $0x1  }
0x2: {  	s1 =	srdreg.scid  }
0x3: {  	s0 =	sand.u32 $0x1, s1  }
0x4: {  	s18 =	sshll.u32 s0, $0xA;
	s2 =	sadd.s32 s3, s2  }
0x5: {  	s2 =	sadd.s32 s2, s18  }
0x6: {  	[smem:$0x3FC6] =	sst s2  }
0x7: {  	_ = 	snop  }
0x8: {  	s2 =	sld [smem:$0x3FD0];
	(tm) =	ssettm $0x1  }
0x9: {  	s19 =	sld [smem:$0x3FFB];
	_ =	sdelay $0x3  }
0xa: {  	_ =	strace s19  }
0xb: {  	s3 =	sld [smem:$0x3FFC];
	_ =	sdelay $0x3  }
0xc: {  	_ =	strace s3  }
0xd: {  	s3 =	sld [smem:$0x3FFD];
	_ =	sdelay $0x3  }
0xe: {  	_ =	strace s3  }
0xf: {  	_ =	strace $0x8FFFFFFF  }
0x10: {  	s20 =	sld [smem:$0x3FDB];
	_ =	sdelay $0x1  }
0x11: {  	s4 =	simm.s32 $_scs_section_size  }
0x12: {  	s5 =	simm.s32 $_size__tile_overlayer_lowered;
	s6 =	simm.s32 $_tile_overlayer_lowered  }
0x13: {  	s23 =	simm.s32 $0x1BFF;
	s22 =	sshll.u32 s6, $0x1;
	s3 =	sadd.s32 s4, s20  }
0x14: {  	s7 =	simm.s32 $0x0;
	s21 =	sshll.u32 s5, $0x1;
	s5 =	sadd.s32 s22, s3  }
0x15: {  	[timem:s7], [sflag:s23] =	dma.local [hbm:s5], s21  }
0x16: {  	_ =	swait.ge [sflag:s23], s21  }
0x17: {  	s4 =	ssub.s32 $0x0, s21;
	[sflag:s23] =	ssyncset.done $0x0  }
0x18: {  	[sflag:s23] =	ssyncadd.s32 s4;
	_ =	sdelay $0x1  }
0x19: {  	s24 =	simm.s32 $0x1B8B  }
0x1a: {  	_ =	swait.ge [sflag:s24], $0x1  }
0x1b: {  	[sflag:s24] =	ssyncset.done $0x0  }
0x1c: {  	s26 =	simm.s32 $0x1B8E;
	s25 =	sld [smem:$0x3FFE];
	[sflag:s24] =	ssyncadd.s32 $0xFFFFFFFF  }
0x1d: {  	s27 =	simm.s32 $execute0_lowered;
	[smem:$0x3FD2] =	sst s26  }
0x1e: {  	s5 =	sshll.u32 s27, $0x1;
	_ =	strace $0x80000049;
	[dreg:$0x1] =	wrdreg $0xFFFFFFFF  }
0x1f: {  	s28 =	simm.s32 $_size_execute0_lowered;
	s3 =	sadd.s32 s3, s5;
	[dreg:$0x0] =	wrdreg $0x0  }
0x20: {  	s5 =	sshll.u32 s28, $0x1;
	[dreg:$0x2] =	wrdreg s3  }
0x21: {  	[dreg:$0x3] =	wrdreg s5  }
0x22: {  	[dreg:$0x4] =	wrdreg $0xC0  }
0x23: {  	_ =	task [dreg:s7], $0x5FFFF  }
0x24: {  	[dreg:$0x1] =	wrdreg $0xFFFFFFFF  }
0x25: {  	[dreg:$0x0] =	wrdreg $0x60  }
0x26: {  	[dreg:$0x2] =	wrdreg s25  }
0x27: {  	[dreg:$0x3] =	wrdreg s2  }
0x28: {  	[dreg:$0x4] =	wrdreg $0x9  }
0x29: {  	_ =	task.clear_ibuf [dreg:s7], $0x5FFFF;
	_ =	strace $0x90000049  }
0x2a: {  	s29 =	simm.s32 $0x9;
	_ =	strace $0x8000004B  }
0x2b: {  	_ =	swait.ge [sflag:s29], $0x1  }
0x2c: {  	[sflag:s29] =	ssyncadd.s32 $0xFFFFFFFF  }
0x2d: {  	_ =	strace $0x9000004B  }
0x2e: {  	_ =	sfence  }
0x2f: {  	s30 =	sld [smem:$0x0];
	_ =	sdelay $0x2  }
0x30: {  	s31 =	sshll.u32 s1, $0xD;
	s1 =	sshrl.u32 s1, $0x2  }
0x31: {  	s3 =	sand.u32 $0x4000, s31;
	s1 =	sadd.s32 s1, s30  }
0x32: {  	s0 =	sor.u32 s3, s0;
	s1 =	sshll.u32 s1, $0x11  }
0x33: {  	s0 =	sor.u32 s1, s0  }
0x34: {  	s0 =	sadd.s32 $0x8F2B, s0  }
0x35: {  	[sflag:s0] =	ssyncadd.remote.s32 $0x1  }
0x36: {  	_ =	sfence.sel $0xFFFF  }
0x37: {  	[dreg:$0x0] =	wrdreg $0xFFFFFFFF;
	(pc) =	sbr.abs _section_cstart, $3  }
0x38: {  	[dreg:$0x1] =	wrdreg $0xFFFFFFFF  }
0x39: {  	_ =	task.clear_ibuf [dreg:s7], $0x2FFFF;
	_ =	strace $0x9FFFFFFF  }
0x3a: {  	(tm) =	ssettm $0x7FFFFFFF  }
0x3b: {  	_ =	shalt  }
tec
execute0_lowered:
.L_overlay_start_1:
0x0: {  	(tag) =	ssettag $0x1  }
0x1: {  	s0 =	stileid.u32;
	s6 =	rddreg [dreg:$0x0]  }
0x2: {  	s2 =	rddreg [dreg:$0x1];
	s5 =	srdreg.scid  }
0x3: {  	s31 =	simm.s32 $0x2;
	s13 =	simm.s32 $0x0;
	s1 =	sshll.u32 s0, $0x7  }
0x4: {  	s14 =	simm.s32 $0x0;
	s12 =	simm.s32 $0x0;
	s3 =	sand.u32 $0x380, s1  }
0x5: {  	s5 =	sshll.u32 s5, $0x4;
	s6 =	sadd.s32 $0x1400, s6;
	s4 =	ssub.s32 $0x400, s3  }
0x6: {  	s1 =	rddreg [dreg:$0x2];
	_ =	strace $0x8000004A;
	s7 =	sand.u32 $0x380, s4  }
0x7: {  	s5 =	sand.u32 $0x10, s5;
	p0 =	sne.s32 s7, $0x0;
	s7 =	simm.s32 $0x1  }
.Ltmp0:
0x8: {  	s8 =	sshrl.u32 s4, $0xA;
	s7 =	simm.s32 @!p0 $0x0;
	(pc) =	sbr.rel .LBB1_1-.Ltmp0, $4  }
0x9: {  	s9 =	sor.u32 s0, s5;
	s4 =	simm.s32 $0x1;
	s30 =	sadd.s32 s7, s8  }
0xa: {  	s11 =	smov.u32 s3;
	[sflag:s4] =	ssyncpa.u1 $0x0;
	s5 =	smul.u32 $0x32, s30  }
0xb: {  	[sflag:s31] =	ssyncpa.u1 $0x0;
	p0 =	por $0x0, $0x0;
	s7 =	sshrl.u32 s9, $0x3  }
0xc: {  	s9 =	simm.s32 $0x2000;
	s10 =	smov.u32 s7;
	s8 =	sor.u32 $0x1, s5  }
.LBB1_4:
0xd: {  	s17 =	sand.u32 $0x1F80, s14;
	s13 =	sshll.u32 s13, $0xD  }
0xe: {  	[tilespmem:s16+$0x810 ss:$0x81] =	vst.msk $0xffff, v2;
	s18 =	sshrl.u32 s14, $0x3;
	s31 =	sand.u32 $0x7, s14;
	s17 =	sadd.s32 s2, s17  }
0xf: {  	[tilespmem:s16+$0x1020 ss:$0x81] =	vst.msk $0xffff, v0;
	s18 =	sand.u32 $0xF, s18;
	s14 =	sshll.u32 s31, $0x12;
	s13 =	sadd.s32 s13, s17  }
0x10: {  	[tilespmem:s16+$0x0 ss:$0x81] =	vst.msk $0xffff, v1;
	s14 =	sor.u32 $0x400, s14;
	s13 =	sadd.s32 s18, s13  }
0x11: {  	[hbm4b:s13+s14] =	stream.strided.scatter [tilespmem:s15], [sflag:$0x2], $0x2000, s9, s14, $0x20;
	[tilespmem:$0x8080] =	vst v63  }
.LBB1_5:
0x12: {  	s15 =	sadd.s32 $0x4, s10  }
0x13: {  	s13 =	sadd.s32 $0x400, s11;
	s17 =	smov.u32 s11;
	p2 =	sgt.s32 s15, $0xC7  }
0x14: {  	s17 =	smov.u32 @p2 s13  }
0x15: {  	s15 =	smov.u32 @p2 s7;
	p2 =	sgt.s32 s17, $0x3FF  }
0x16: {  	s17 =	smov.u32 @p2 s3;
	p2 =	sne.s32 s12, s8  }
.Ltmp1:
0x17: {  	p1 =	slt.u32 s12, $0x2;
	(pc) =	sbr.rel @!p2 .LBB1_6-.Ltmp1, $4  }
0x18: {  	s16 =	simm.s32 @!p1 $0x2  }
0x19: {  	s14 =	smov.u32 s11;
	p0 =	por !p0, !p0;
	_ =	swait.ge @!p1 [sflag:s16], $0x2000  }
0x1a: {  	s13 =	smov.u32 s10;
	[sflag:s16] =	ssyncset.done @!p1 $0x0;
	s10 =	smov.u32 s15  }
0x1b: {  	s12 =	sadd.s32 $0x1, s12;
	[sflag:s16] =	ssyncadd.s32 @!p1 $0xFFFFE000;
	s11 =	smov.u32 s17  }
.LBB1_1:
0x1c: {  	p1 =	sge.u32 s12, s5  }
0x1d: {  	s15 =	sand.u32 @!p1 $0x1FFFFFF, s10  }
0x1e: {  	s16 =	smulhi.u32 @!p1 $0x147AE15, s15;
	_ =	sdelay $0x1  }
0x1f: {  	s16 =	smul.u32 @!p1 $0xC8, s16  }
0x20: {  	s17 =	sxor.u32 @!p1 $0xFFFFFFFF, s12;
	s18 =	smul.u32 @!p1 $0xC80, s11  }
0x21: {  	s31 =	sadd.s32 $0xFFFFFFFF, s12;
	s17 =	sshll.u32 @!p1 s17, $0xD;
	s15 =	ssub.s32 @!p1 s15, s16  }
0x22: {  	s16 =	sand.u32 @!p1 $0x2000, s17;
	s17 =	sadd.s32 @!p1 s6, s18;
	s15 =	sshll.u32 @!p1 s15, $0x4  }
0x23: {  	s18 =	simm.s32 @!p1 $0x6400;
	s15 =	sadd.s32 @!p1 s15, s17;
	s17 =	simm.s32 @!p1 $0x40  }
0x24: {  	[tilespmem:s16], [sflag:$0x1] =	stream.strided.gather @!p1 [hbm4b:s15+s17], $0x2000, s18, s17, $0x38;
	[tilespmem:$0x8080] =	vst v63  }
0x25: {  	p1 =	sge.u32 s31, s5  }
.Ltmp2:
0x26: {  	_ = 	snop;
	(pc) =	sbr.rel @p1 .LBB1_5-.Ltmp2, $1  }
0x27: {  	_ =	sdelay $0x3  }
0x28: {  	s15 =	simm.s32 $0x1  }
0x29: {  	_ =	swait.ge [sflag:s4], $0x2000;
	s15 =	simm.s32 @!p0 $0x0  }
0x2a: {  	[sflag:s4] =	ssyncset.done $0x0;
	s16 =	sshll.u32 s15, $0xD  }
0x2b: {  	[sflag:s4] =	ssyncadd.s32 $0xFFFFE000;
	s19 =	sor.u32 $0x20, s16  }
0x2c: {  	s15 =	smul.u32 $0x8100, s15;
	v3 =	vld [tilespmem:s19+$0x10]  }
0x2d: {  	s30 =	sand.u32 $0x1, s12;
	v2 =	vld [tilespmem:s19+$0xFFFFFFF0]  }
0x2e: {  	s16 =	smul.u32 $0x8100, s30;
	s15 =	sshrl.u32 s15, $0x2;
	v0 =	vld [tilespmem:s19+$0x0]  }
0x2f: {  	v1 =	vld [tilespmem:s19+$0xFFFFFFE0];
	s17 =	sor.u32 $0x4000, s15  }
0x30: {  	s31 =	sshrl.u32 s16, $0x2;
	s16 =	sadd.s32 $0x0, s17  }
0x31: {  	s18 =	simm.s32 $0x4;
	s19 =	sadd.s32 $0x40, s19;
	s15 =	sor.u32 $0x4000, s31;
	[tilespmem:s16+$0x1830 ss:$0x81] =	vst.msk $0xffff, v3  }
.LBB1_3:
0x32: {  	v3 =	vld [tilespmem:s19+$0x10];
	p1 =	sne.s32 s18, $0x1FC;
	[tilespmem:s16+$0x810 ss:$0x81] =	vst.msk $0xffff, v2;
	s20 =	smov.u32 s18;
	s18 =	sadd.s32 $0x4, s18  }
.Ltmp3:
0x33: {  	v2 =	vld [tilespmem:s19+$0xFFFFFFF0];
	[tilespmem:s16+$0x1020 ss:$0x81] =	vst.msk $0xffff, v0;
	(pc) =	sbr.rel @p1 .LBB1_3-.Ltmp3, $4  }
0x34: {  	v0 =	vld [tilespmem:s19+$0x0];
	[tilespmem:s16+$0x0 ss:$0x81] =	vst.msk $0xffff, v1  }
0x35: {  	s16 =	sshra.s32 s20, $0x2;
	v1 =	vld [tilespmem:s19+$0xFFFFFFE0]  }
0x36: {  	s16 =	sadd.s32 s16, s17  }
0x37: {  	s19 =	sadd.s32 $0x40, s19;
	[tilespmem:s16+$0x1830 ss:$0x81] =	vst.msk $0xffff, v3  }
.Ltmp4:
0x38: {  	_ = 	snop;
	(pc) =	sbr.rel .LBB1_4-.Ltmp4, $1  }
0x39: {  	_ =	sdelay $0x3  }
.LBB1_6:
0x3a: {  	_ =	sfence.sel $0x180000  }
0x3b: {  	s2 =	simm.s32 $0x1;
	[bflag:$0x0] =	sbarrier.arrive $0xFFFF  }
0x3c: {  	s31 =	simm.s32 $0x2;
	[sflag:s2] =	ssyncpa.u1 $0x1  }
0x3d: {  	[sflag:s31] =	ssyncpa.u1 $0x1  }
0x3e: {  	p0 =	sne.s32 s0, $0x0;
	_ =	strace $0x9000004A  }
0x3f: {  	s0 =	sadd.s32 @!p0 $0x100000, s1;
	[bflag:$0x2] =	sbarrier.arrive $0xFFFF  }
0x40: {  	[sflag:s0] =	ssyncadd.tile.s32 @!p0 $0x1;
	_ =	shalt  }
.Lfunc_end1:
_tile_overlayer_lowered:
.L_overlay_start_2:
0x41: {  	(tag) =	ssettag $0x2  }
0x42: {  	s0 =	rddreg [dreg:$0x0];
	s2 =	stileid.u32  }
0x43: {  	s1 =	rddreg [dreg:$0x1];
	p0 =	sne.s32 s2, $0x0  }
0x44: {  	s3 =	rddreg [dreg:$0x2];
	[bflag:$0x3] =	sbarrier.arrive $0xFFFF;
	s2 =	simm.s32 @!p0 $0x1C01  }
0x45: {  	[timem:s3], [sflag:s2] =	dma.local @!p0 [hbm:s0], s1  }
0x46: {  	s0 =	simm.s32 @!p0 $0x1  }
0x47: {  	_ =	swait.ge @!p0 [sflag:s0], s1  }
0x48: {  	s1 =	ssub.s32 @!p0 $0x0, s1;
	[sflag:s0] =	ssyncset.done @!p0 $0x0  }
0x49: {  	[sflag:s0] =	ssyncadd.s32 @!p0 s1  }
0x4a: {  	[bflag:$0x3] =	sbarrier.arrive $0xFFFF  }
0x4b: {  	_ =	shalt  }

</sc_bundles>
